<compile_context>
chip_gen: v7x
topology: tpu7x:2x2x1
jax: 0.10.2.dev20260603
libtpu: 0.0.44.dev20260713+nightly
codegen_flags: <defaults>
</compile_context>

<pallas_src>
import functools

import jax
import jax.numpy as jnp
from jax import lax
from jax.experimental import pallas as pl
from jax.experimental.pallas import tpu as pltpu
from jax.experimental.pallas import tpu_sc as plsc

BH = 16
BW = 16
HH = BH // 2


def _make_sc_gather(nB, C, rows_total, plane_rows):
    info = plsc.get_sparse_core_info()
    NC, NS = info.num_cores, info.num_subcores
    NW = NC * NS
    nblk = nB // NW
    half_rows = HH * C

    mesh = plsc.VectorSubcoreMesh(core_axis_name="c", subcore_axis_name="s")

    @functools.partial(
        pl.kernel,
        mesh=mesh,
        compiler_params=pltpu.CompilerParams(
            needs_layout_passes=False, use_tc_tiling_on_sc=False
        ),
        out_type=jax.ShapeDtypeStruct((nB, 2, HH * BW, C), jnp.float32),
        scratch_types=[
            pltpu.VMEM((nblk, BH), jnp.int32),
            pltpu.VMEM((4, half_rows), jnp.int32),
            pltpu.VMEM((half_rows, BW), jnp.float32),
            pltpu.VMEM((half_rows, BW), jnp.float32),
            pltpu.VMEM((half_rows, BW), jnp.float32),
            pltpu.VMEM((half_rows, BW), jnp.float32),
            pltpu.VMEM((HH * BW, 129), jnp.float32),
            pltpu.VMEM((HH * BW, 129), jnp.float32),
            pltpu.SemaphoreType.DMA,
            pltpu.SemaphoreType.DMA,
            pltpu.SemaphoreType.DMA,
            pltpu.SemaphoreType.DMA,
            pltpu.SemaphoreType.DMA,
            pltpu.SemaphoreType.DMA,
        ],
    )
    def k(table_hbm, pb_hbm, out_hbm, pb_v, idx_v, buf0, buf1, buf2, buf3,
          outA, outB, sem0, sem1, sem2, sem3, wsemA, wsemB):
        wid = lax.axis_index("s") * NC + lax.axis_index("c")
        i0 = wid * nblk
        iota16 = lax.iota(jnp.int32, 16)
        zero16 = jnp.zeros((16,), jnp.int32)
        one16 = jnp.ones((16,), jnp.int32)
        coffs = [(iota16 + cg * 16) * plane_rows for cg in range(C // 16)]

        def build(slot, blk, h):
            rv = pb_v[blk, :]
            for a in range(HH):
                s = rv[h * HH + a]
                for cg in range(C // 16):
                    idx_v[slot, pl.ds(a * C + cg * 16, 16)] = coffs[cg] + s

        def fire(slot, buf_ref, sem):
            pltpu.async_copy(table_hbm.at[idx_v.at[slot]], buf_ref, sem)

        def drain_gather(buf_ref, sem):
            pltpu.make_async_copy(
                table_hbm.at[idx_v.at[0]], buf_ref, sem
            ).wait()

        def transpose(buf_ref, out_ref):
            def a_body(a, carry):
                rbase = a * C
                rowv = iota16 + a * BW

                @plsc.parallel_loop(0, C, unroll=16, carry=zero16)
                def tr(c, colv):
                    v = buf_ref[rbase + c, :]
                    plsc.store_scatter(out_ref, [rowv, colv], v)
                    return colv + one16

                return carry

            lax.fori_loop(0, HH, a_body, 0)

        def issue_write(out_ref, i, h, wsem):
            pltpu.async_copy(
                out_ref.at[:, pl.ds(0, C)], out_hbm.at[i, h], wsem
            )

        def drain_write(out_ref, wsem):
            pltpu.make_async_copy(
                out_ref.at[:, pl.ds(0, C)], out_hbm.at[0, 0], wsem
            ).wait()

        def halfstep(buf_ref, sem, out_ref, wsem, i, h, t):
            drain_gather(buf_ref, sem)

            @pl.when(t > 0)
            def _():
                drain_write(out_ref, wsem)

            transpose(buf_ref, out_ref)
            issue_write(out_ref, i, h, wsem)

        pltpu.sync_copy(pb_hbm.at[wid], pb_v)
        build(0, 0, 0)
        fire(0, buf0, sem0)
        build(1, 0, 1)
        fire(1, buf1, sem1)

        def body(t, carry):
            l0 = 2 * t
            l1 = l0 + 1
            l2 = jnp.minimum(l1 + 1, nblk - 1)
            q0 = i0 + l0
            q1 = q0 + 1

            build(2, l1, 0)
            fire(2, buf2, sem2)
            halfstep(buf0, sem0, outA, wsemA, q0, 0, t)
            build(3, l1, 1)
            fire(3, buf3, sem3)
            halfstep(buf1, sem1, outB, wsemB, q0, 1, t)
            build(0, l2, 0)
            fire(0, buf0, sem0)
            halfstep(buf2, sem2, outA, wsemA, q1, 0, t + 1)
            build(1, l2, 1)
            fire(1, buf1, sem1)
            halfstep(buf3, sem3, outB, wsemB, q1, 1, t + 1)
            return carry

        lax.fori_loop(0, nblk // 2, body, 0)

        drain_gather(buf0, sem0)
        drain_gather(buf1, sem1)
        drain_write(outA, wsemA)
        drain_write(outB, wsemB)

    return k


def kernel(x, indices, block_size, block_stride, block_offset):
    N, C, H, W = x.shape
    nB = indices.shape[0]
    wc = W // BW
    rows_total = N * C * H * wc

    n = indices[:, 0]
    ys = indices[:, 1] * block_stride[0] + block_offset[0]
    xs = indices[:, 2] * block_stride[1] + block_offset[1]

    h = ys[:, None] + jnp.arange(BH, dtype=jnp.int32)[None, :]
    tr = h >> 3
    hi = h & 7
    tc = (xs >> 7)[:, None]
    ck = ((xs & 127) >> 4)[:, None]
    prow16 = tr * ((W // 128) * 64) + hi * 8 + tc * 64 + ck
    pb = (prow16 + (n * C)[:, None] * (H * wc)).astype(jnp.int32)

    table = (x.reshape(N * C, H // 8, 8, W // 128, 128)
             .transpose(0, 1, 3, 2, 4)
             .reshape(rows_total, BW))
    info = plsc.get_sparse_core_info()
    NW = info.num_cores * info.num_subcores
    pb = pb.reshape(NW, nB // NW, BH)
    out = _make_sc_gather(nB, C, rows_total, H * wc)(table, pb)
    return out.reshape(nB, BH, BW, C)

# --- scband reference (transcript-rebuilt; emitter-appended) ---
"""Pipeline reference for scband-sparse-gather-63488206569806 (READ-ONLY COPY).

The authoritative reference and input builder live on the scoring server;
editing this copy changes nothing except your own understanding.
"""

import jax, jax.numpy as jnp
import numpy as np


def setup_inputs(seed: int = 0) -> dict:
    key = jax.random.key(seed)
    N, C, H, W = 4, 128, 384, 384
    bh, bw = 16, 16
    sh, sw = 16, 16
    oh, ow = 0, 0
    nB = 1024
    grid_h = (H - oh) // sh
    grid_w = (W - ow) // sw
    x = jax.random.normal(jax.random.fold_in(key, 0), (N, C, H, W), dtype=jnp.float32)
    n_idx = jax.random.randint(jax.random.fold_in(key, 1), (nB,), 0, N)
    by = jax.random.randint(jax.random.fold_in(key, 2), (nB,), 0, grid_h)
    bx = jax.random.randint(jax.random.fold_in(key, 3), (nB,), 0, grid_w)
    indices = jnp.stack([n_idx, by, bx], axis=1).astype(jnp.int32)
    block_size = jnp.array([bh, bw], dtype=jnp.int32)
    block_stride = jnp.array([sh, sw], dtype=jnp.int32)
    block_offset = jnp.array([oh, ow], dtype=jnp.int32)
    return {"x": x, "indices": indices, "block_size": block_size,
            "block_stride": block_stride, "block_offset": block_offset}


def reference(x, indices, block_size, block_stride, block_offset):
    # Faithful translation of SparseGatherFunc.forward:
    #   x: [N, C, H, W] -> permute to NHWC, then gather [nB, bh, bw, C] blocks
    #   block i starts at (indices[i,1]*strideH + offH, indices[i,2]*strideW + offW)
    bh, bw = 16, 16
    xh = jnp.transpose(x, (0, 2, 3, 1))  # NHWC, matches x.permute(0,2,3,1)
    n = indices[:, 0]
    ys = indices[:, 1] * block_stride[0] + block_offset[0]
    xs = indices[:, 2] * block_stride[1] + block_offset[1]
    row_off = jnp.arange(bh, dtype=indices.dtype) % block_size[0]
    col_off = jnp.arange(bw, dtype=indices.dtype) % block_size[1]
    rows = ys[:, None] + row_off   # [nB, bh]
    cols = xs[:, None] + col_off   # [nB, bw]
    # y[i, a, b, c] = xh[n_i, rows[i,a], cols[i,b], c]  (SparseCore-style gather)
    y = xh[n[:, None, None], rows[:, :, None], cols[:, None, :], :]
    return y

if __name__ == "__main__":
    import jax
    _d = setup_inputs()
    print(jax.jit(kernel)(*tuple(_d.values())))

</pallas_src>

<mosaic_0001>
#map = affine_map<(d0, d1) -> (0, 0)>
#map1 = affine_map<(d0, d1) -> (0, 0, 0)>
#map2 = affine_map<(d0, d1) -> (0, 0, 0, 0)>
module attributes {stable_mosaic.version = 14 : i64} {
  func.func @k(%arg0: i32, %arg1: i32, %arg2: memref<4718592x16xf32, #tpu.memory_space<hbm>>, %arg3: memref<32x32x16xi32, #tpu.memory_space<hbm>>, %arg4: memref<1024x2x128x128xf32, #tpu.memory_space<hbm>>, %arg5: memref<32x16xi32, #tpu.memory_space<vmem>>, %arg6: memref<4x1024xi32, #tpu.memory_space<vmem>>, %arg7: memref<1024x16xf32, #tpu.memory_space<vmem>>, %arg8: memref<1024x16xf32, #tpu.memory_space<vmem>>, %arg9: memref<1024x16xf32, #tpu.memory_space<vmem>>, %arg10: memref<1024x16xf32, #tpu.memory_space<vmem>>, %arg11: memref<128x129xf32, #tpu.memory_space<vmem>>, %arg12: memref<128x129xf32, #tpu.memory_space<vmem>>, %arg13: memref<!tpu.dma_semaphore, #tpu.memory_space<semaphore_mem>>, %arg14: memref<!tpu.dma_semaphore, #tpu.memory_space<semaphore_mem>>, %arg15: memref<!tpu.dma_semaphore, #tpu.memory_space<semaphore_mem>>, %arg16: memref<!tpu.dma_semaphore, #tpu.memory_space<semaphore_mem>>, %arg17: memref<!tpu.dma_semaphore, #tpu.memory_space<semaphore_mem>>, %arg18: memref<!tpu.dma_semaphore, #tpu.memory_space<semaphore_mem>>) attributes {dimension_semantics = [#tpu.dimension_semantics<core_parallel>, #tpu.dimension_semantics<subcore_parallel>], iteration_bounds = array<i64: 2, 16>, scalar_prefetch = 0 : i64, scratch_operands = 14 : i64, tpu.core_type = #tpu.core_type<sc_vector_subcore>, window_params = [{transform_indices = #map}, {transform_indices = #map1}, {transform_indices = #map2}]} {
    %mul3A = arith.constant 2 : i32
    %mul3A_0 = arith.muli %arg1, %mul3A : i32
    %add3A = arith.addi %mul3A_0, %arg0 : i32
    %mul3A_1 = arith.constant 32 : i32
    %mul3A_2 = arith.muli %add3A, %mul3A_1 : i32
    %iota3A = tpu.iota {dimensions = array<i32: 0>} : vector<16xi32>
    %broadcast_in_dim3A = arith.constant 0 : i32
    %broadcast_in_dim3A_3 = vector.broadcast %broadcast_in_dim3A : i32 to vector<16xi32>
    %broadcast_in_dim3A_4 = arith.constant 1 : i32
    %broadcast_in_dim3A_5 = vector.broadcast %broadcast_in_dim3A_4 : i32 to vector<16xi32>
    %add3A_6 = arith.constant 0 : i32
    %add3A_7 = vector.broadcast %add3A_6 : i32 to vector<16xi32>
    %add3A_8 = arith.addi %iota3A, %add3A_7 : vector<16xi32>
    %mul3A_9 = arith.constant 9216 : i32
    %mul3A_10 = vector.broadcast %mul3A_9 : i32 to vector<16xi32>
    %mul3A_11 = arith.muli %add3A_8, %mul3A_10 : vector<16xi32>
    %add3A_12 = arith.constant 16 : i32
    %add3A_13 = vector.broadcast %add3A_12 : i32 to vector<16xi32>
    %add3A_14 = arith.addi %iota3A, %add3A_13 : vector<16xi32>
    %mul3A_15 = arith.constant 9216 : i32
    %mul3A_16 = vector.broadcast %mul3A_15 : i32 to vector<16xi32>
    %mul3A_17 = arith.muli %add3A_14, %mul3A_16 : vector<16xi32>
    %add3A_18 = arith.constant 32 : i32
    %add3A_19 = vector.broadcast %add3A_18 : i32 to vector<16xi32>
    %add3A_20 = arith.addi %iota3A, %add3A_19 : vector<16xi32>
    %mul3A_21 = arith.constant 9216 : i32
    %mul3A_22 = vector.broadcast %mul3A_21 : i32 to vector<16xi32>
    %mul3A_23 = arith.muli %add3A_20, %mul3A_22 : vector<16xi32>
    %add3A_24 = arith.constant 48 : i32
    %add3A_25 = vector.broadcast %add3A_24 : i32 to vector<16xi32>
    %add3A_26 = arith.addi %iota3A, %add3A_25 : vector<16xi32>
    %mul3A_27 = arith.constant 9216 : i32
    %mul3A_28 = vector.broadcast %mul3A_27 : i32 to vector<16xi32>
    %mul3A_29 = arith.muli %add3A_26, %mul3A_28 : vector<16xi32>
    %add3A_30 = arith.constant 64 : i32
    %add3A_31 = vector.broadcast %add3A_30 : i32 to vector<16xi32>
    %add3A_32 = arith.addi %iota3A, %add3A_31 : vector<16xi32>
    %mul3A_33 = arith.constant 9216 : i32
    %mul3A_34 = vector.broadcast %mul3A_33 : i32 to vector<16xi32>
    %mul3A_35 = arith.muli %add3A_32, %mul3A_34 : vector<16xi32>
    %add3A_36 = arith.constant 80 : i32
    %add3A_37 = vector.broadcast %add3A_36 : i32 to vector<16xi32>
    %add3A_38 = arith.addi %iota3A, %add3A_37 : vector<16xi32>
    %mul3A_39 = arith.constant 9216 : i32
    %mul3A_40 = vector.broadcast %mul3A_39 : i32 to vector<16xi32>
    %mul3A_41 = arith.muli %add3A_38, %mul3A_40 : vector<16xi32>
    %add3A_42 = arith.constant 96 : i32
    %add3A_43 = vector.broadcast %add3A_42 : i32 to vector<16xi32>
    %add3A_44 = arith.addi %iota3A, %add3A_43 : vector<16xi32>
    %mul3A_45 = arith.constant 9216 : i32
    %mul3A_46 = vector.broadcast %mul3A_45 : i32 to vector<16xi32>
    %mul3A_47 = arith.muli %add3A_44, %mul3A_46 : vector<16xi32>
    %add3A_48 = arith.constant 112 : i32
    %add3A_49 = vector.broadcast %add3A_48 : i32 to vector<16xi32>
    %add3A_50 = arith.addi %iota3A, %add3A_49 : vector<16xi32>
    %mul3A_51 = arith.constant 9216 : i32
    %mul3A_52 = vector.broadcast %mul3A_51 : i32 to vector<16xi32>
    %mul3A_53 = arith.muli %add3A_50, %mul3A_52 : vector<16xi32>
    "tpu.region"() ({
      %run_scoped3A = tpu.sem_alloc : memref<!tpu.dma_semaphore, #tpu.memory_space<semaphore_mem>>
      %dma_start3A_921 = arith.constant 0 : i32
      %dma_start3A_922 = arith.constant 0 : i32
      %dma_start3A_923 = tpu.memref_slice %arg3[%add3A, %dma_start3A_921, %dma_start3A_922] : memref<32x32x16xi32, #tpu.memory_space<hbm>> -> memref<1x32x16xi32, #tpu.memory_space<hbm>>
      %dma_start3A_924 = tpu.memref_squeeze %dma_start3A_923 : memref<1x32x16xi32, #tpu.memory_space<hbm>> -> memref<32x16xi32, #tpu.memory_space<hbm>>
      %dma_start3A_925 = arith.constant 0 : i32
      %dma_start3A_926 = arith.constant 0 : i32
      %dma_start3A_927 = tpu.memref_slice %arg3[%add3A, %dma_start3A_925, %dma_start3A_926] : memref<32x32x16xi32, #tpu.memory_space<hbm>> -> memref<1x32x16xi32, #tpu.memory_space<hbm>>
      %dma_start3A_928 = tpu.memref_squeeze %dma_start3A_927 : memref<1x32x16xi32, #tpu.memory_space<hbm>> -> memref<32x16xi32, #tpu.memory_space<hbm>>
      tpu.enqueue_dma source(%dma_start3A_928 : memref<32x16xi32, #tpu.memory_space<hbm>>) target(%arg5 : memref<32x16xi32, #tpu.memory_space<vmem>>) target_semaphore(%run_scoped3A : memref<!tpu.dma_semaphore, #tpu.memory_space<semaphore_mem>>)
      %dma_wait3A_929 = arith.constant 0 : i32
      %dma_wait3A_930 = arith.constant 0 : i32
      %dma_wait3A_931 = tpu.memref_slice %arg3[%add3A, %dma_wait3A_929, %dma_wait3A_930] : memref<32x32x16xi32, #tpu.memory_space<hbm>> -> memref<1x32x16xi32, #tpu.memory_space<hbm>>
      %dma_wait3A_932 = tpu.memref_squeeze %dma_wait3A_931 : memref<1x32x16xi32, #tpu.memory_space<hbm>> -> memref<32x16xi32, #tpu.memory_space<hbm>>
      %dma_wait3A_933 = arith.constant 0 : i32
      %dma_wait3A_934 = arith.constant 0 : i32
      %dma_wait3A_935 = tpu.memref_slice %arg3[%add3A, %dma_wait3A_933, %dma_wait3A_934] : memref<32x32x16xi32, #tpu.memory_space<hbm>> -> memref<1x32x16xi32, #tpu.memory_space<hbm>>
      %dma_wait3A_936 = tpu.memref_squeeze %dma_wait3A_935 : memref<1x32x16xi32, #tpu.memory_space<hbm>> -> memref<32x16xi32, #tpu.memory_space<hbm>>
      tpu.wait_dma2 semaphore(%run_scoped3A : memref<!tpu.dma_semaphore, #tpu.memory_space<semaphore_mem>>) src(%dma_wait3A_936 : memref<32x16xi32, #tpu.memory_space<hbm>>) dst(%arg5 : memref<32x16xi32, #tpu.memory_space<vmem>>)
      tpu.yield
    }) : () -> ()
    %get3A = arith.constant 0 : i32
    %get3A_54 = arith.index_cast %get3A : i32 to index
    %get3A_55 = arith.constant 0 : index
    %get3A_56 = tpu.vector_load %arg5[%get3A_54, %get3A_55] {strides = array<i32>} : memref<32x16xi32, #tpu.memory_space<vmem>>, vector<16xi32>,
    %slice3A = vector.extract_strided_slice %get3A_56 {offsets = [0], sizes = [1], strides = [1]} : vector<16xi32> to vector<1xi32>
    %squeeze3A = vector.extract %slice3A[0] : i32 from vector<1xi32>
    %add3A_57 = vector.broadcast %squeeze3A : i32 to vector<16xi32>
    %add3A_58 = arith.addi %mul3A_11, %add3A_57 : vector<16xi32>
    %swap3A = arith.constant 0 : i32
    %swap3A_59 = arith.index_cast %swap3A : i32 to index
    %swap3A_60 = arith.constant 0 : index
    %swap3A_61 = tpu.vector_load %arg6[%swap3A_59, %swap3A_60] {strides = array<i32>} : memref<4x1024xi32, #tpu.memory_space<vmem>>, vector<16xi32>,
    tpu.vector_store %arg6[%swap3A_59, %swap3A_60], %add3A_58 {strides = array<i32>} : memref<4x1024xi32, #tpu.memory_space<vmem>>, vector<16xi32>,
    %add3A_62 = vector.broadcast %squeeze3A : i32 to vector<16xi32>
    %add3A_63 = arith.addi %mul3A_17, %add3A_62 : vector<16xi32>
    %swap3A_64 = arith.constant 0 : i32
    %swap3A_65 = arith.index_cast %swap3A_64 : i32 to index
    %swap3A_66 = arith.constant 16 : index
    %swap3A_67 = tpu.vector_load %arg6[%swap3A_65, %swap3A_66] {strides = array<i32>} : memref<4x1024xi32, #tpu.memory_space<vmem>>, vector<16xi32>,
    tpu.vector_store %arg6[%swap3A_65, %swap3A_66], %add3A_63 {strides = array<i32>} : memref<4x1024xi32, #tpu.memory_space<vmem>>, vector<16xi32>,
    %add3A_68 = vector.broadcast %squeeze3A : i32 to vector<16xi32>
    %add3A_69 = arith.addi %mul3A_23, %add3A_68 : vector<16xi32>
    %swap3A_70 = arith.constant 0 : i32
    %swap3A_71 = arith.index_cast %swap3A_70 : i32 to index
    %swap3A_72 = arith.constant 32 : index
    %swap3A_73 = tpu.vector_load %arg6[%swap3A_71, %swap3A_72] {strides = array<i32>} : memref<4x1024xi32, #tpu.memory_space<vmem>>, vector<16xi32>,
    tpu.vector_store %arg6[%swap3A_71, %swap3A_72], %add3A_69 {strides = array<i32>} : memref<4x1024xi32, #tpu.memory_space<vmem>>, vector<16xi32>,
    %add3A_74 = vector.broadcast %squeeze3A : i32 to vector<16xi32>
    %add3A_75 = arith.addi %mul3A_29, %add3A_74 : vector<16xi32>
    %swap3A_76 = arith.constant 0 : i32
    %swap3A_77 = arith.index_cast %swap3A_76 : i32 to index
    %swap3A_78 = arith.constant 48 : index
    %swap3A_79 = tpu.vector_load %arg6[%swap3A_77, %swap3A_78] {strides = array<i32>} : memref<4x1024xi32, #tpu.memory_space<vmem>>, vector<16xi32>,
    tpu.vector_store %arg6[%swap3A_77, %swap3A_78], %add3A_75 {strides = array<i32>} : memref<4x1024xi32, #tpu.memory_space<vmem>>, vector<16xi32>,
    %add3A_80 = vector.broadcast %squeeze3A : i32 to vector<16xi32>
    %add3A_81 = arith.addi %mul3A_35, %add3A_80 : vector<16xi32>
    %swap3A_82 = arith.constant 0 : i32
    %swap3A_83 = arith.index_cast %swap3A_82 : i32 to index
    %swap3A_84 = arith.constant 64 : index
    %swap3A_85 = tpu.vector_load %arg6[%swap3A_83, %swap3A_84] {strides = array<i32>} : memref<4x1024xi32, #tpu.memory_space<vmem>>, vector<16xi32>,
    tpu.vector_store %arg6[%swap3A_83, %swap3A_84], %add3A_81 {strides = array<i32>} : memref<4x1024xi32, #tpu.memory_space<vmem>>, vector<16xi32>,
    %add3A_86 = vector.broadcast %squeeze3A : i32 to vector<16xi32>
    %add3A_87 = arith.addi %mul3A_41, %add3A_86 : vector<16xi32>
    %swap3A_88 = arith.constant 0 : i32
    %swap3A_89 = arith.index_cast %swap3A_88 : i32 to index
    %swap3A_90 = arith.constant 80 : index
    %swap3A_91 = tpu.vector_load %arg6[%swap3A_89, %swap3A_90] {strides = array<i32>} : memref<4x1024xi32, #tpu.memory_space<vmem>>, vector<16xi32>,
    tpu.vector_store %arg6[%swap3A_89, %swap3A_90], %add3A_87 {strides = array<i32>} : memref<4x1024xi32, #tpu.memory_space<vmem>>, vector<16xi32>,
    %add3A_92 = vector.broadcast %squeeze3A : i32 to vector<16xi32>
    %add3A_93 = arith.addi %mul3A_47, %add3A_92 : vector<16xi32>
    %swap3A_94 = arith.constant 0 : i32
    %swap3A_95 = arith.index_cast %swap3A_94 : i32 to index
    %swap3A_96 = arith.constant 96 : index
    %swap3A_97 = tpu.vector_load %arg6[%swap3A_95, %swap3A_96] {strides = array<i32>} : memref<4x1024xi32, #tpu.memory_space<vmem>>, vector<16xi32>,
    tpu.vector_store %arg6[%swap3A_95, %swap3A_96], %add3A_93 {strides = array<i32>} : memref<4x1024xi32, #tpu.memory_space<vmem>>, vector<16xi32>,
    %add3A_98 = vector.broadcast %squeeze3A : i32 to vector<16xi32>
    %add3A_99 = arith.addi %mul3A_53, %add3A_98 : vector<16xi32>
    %swap3A_100 = arith.constant 0 : i32
    %swap3A_101 = arith.index_cast %swap3A_100 : i32 to index
    %swap3A_102 = arith.constant 112 : index
    %swap3A_103 = tpu.vector_load %arg6[%swap3A_101, %swap3A_102] {strides = array<i32>} : memref<4x1024xi32, #tpu.memory_space<vmem>>, vector<16xi32>,
    tpu.vector_store %arg6[%swap3A_101, %swap3A_102], %add3A_99 {strides = array<i32>} : memref<4x1024xi32, #tpu.memory_space<vmem>>, vector<16xi32>,
    %slice3A_104 = vector.extract_strided_slice %get3A_56 {offsets = [1], sizes = [1], strides = [1]} : vector<16xi32> to vector<1xi32>
    %squeeze3A_105 = vector.extract %slice3A_104[0] : i32 from vector<1xi32>
    %add3A_106 = vector.broadcast %squeeze3A_105 : i32 to vector<16xi32>
    %add3A_107 = arith.addi %mul3A_11, %add3A_106 : vector<16xi32>
    %swap3A_108 = arith.constant 0 : i32
    %swap3A_109 = arith.index_cast %swap3A_108 : i32 to index
    %swap3A_110 = arith.constant 128 : index
    %swap3A_111 = tpu.vector_load %arg6[%swap3A_109, %swap3A_110] {strides = array<i32>} : memref<4x1024xi32, #tpu.memory_space<vmem>>, vector<16xi32>,
    tpu.vector_store %arg6[%swap3A_109, %swap3A_110], %add3A_107 {strides = array<i32>} : memref<4x1024xi32, #tpu.memory_space<vmem>>, vector<16xi32>,
    %add3A_112 = vector.broadcast %squeeze3A_105 : i32 to vector<16xi32>
    %add3A_113 = arith.addi %mul3A_17, %add3A_112 : vector<16xi32>
    %swap3A_114 = arith.constant 0 : i32
    %swap3A_115 = arith.index_cast %swap3A_114 : i32 to index
    %swap3A_116 = arith.constant 144 : index
    %swap3A_117 = tpu.vector_load %arg6[%swap3A_115, %swap3A_116] {strides = array<i32>} : memref<4x1024xi32, #tpu.memory_space<vmem>>, vector<16xi32>,
    tpu.vector_store %arg6[%swap3A_115, %swap3A_116], %add3A_113 {strides = array<i32>} : memref<4x1024xi32, #tpu.memory_space<vmem>>, vector<16xi32>,
    %add3A_118 = vector.broadcast %squeeze3A_105 : i32 to vector<16xi32>
    %add3A_119 = arith.addi %mul3A_23, %add3A_118 : vector<16xi32>
    %swap3A_120 = arith.constant 0 : i32
    %swap3A_121 = arith.index_cast %swap3A_120 : i32 to index
    %swap3A_122 = arith.constant 160 : index
    %swap3A_123 = tpu.vector_load %arg6[%swap3A_121, %swap3A_122] {strides = array<i32>} : memref<4x1024xi32, #tpu.memory_space<vmem>>, vector<16xi32>,
    tpu.vector_store %arg6[%swap3A_121, %swap3A_122], %add3A_119 {strides = array<i32>} : memref<4x1024xi32, #tpu.memory_space<vmem>>, vector<16xi32>,
    %add3A_124 = vector.broadcast %squeeze3A_105 : i32 to vector<16xi32>
    %add3A_125 = arith.addi %mul3A_29, %add3A_124 : vector<16xi32>
    %swap3A_126 = arith.constant 0 : i32
    %swap3A_127 = arith.index_cast %swap3A_126 : i32 to index
    %swap3A_128 = arith.constant 176 : index
    %swap3A_129 = tpu.vector_load %arg6[%swap3A_127, %swap3A_128] {strides = array<i32>} : memref<4x1024xi32, #tpu.memory_space<vmem>>, vector<16xi32>,
    tpu.vector_store %arg6[%swap3A_127, %swap3A_128], %add3A_125 {strides = array<i32>} : memref<4x1024xi32, #tpu.memory_space<vmem>>, vector<16xi32>,
    %add3A_130 = vector.broadcast %squeeze3A_105 : i32 to vector<16xi32>
    %add3A_131 = arith.addi %mul3A_35, %add3A_130 : vector<16xi32>
    %swap3A_132 = arith.constant 0 : i32
    %swap3A_133 = arith.index_cast %swap3A_132 : i32 to index
    %swap3A_134 = arith.constant 192 : index
    %swap3A_135 = tpu.vector_load %arg6[%swap3A_133, %swap3A_134] {strides = array<i32>} : memref<4x1024xi32, #tpu.memory_space<vmem>>, vector<16xi32>,
    tpu.vector_store %arg6[%swap3A_133, %swap3A_134], %add3A_131 {strides = array<i32>} : memref<4x1024xi32, #tpu.memory_space<vmem>>, vector<16xi32>,
    %add3A_136 = vector.broadcast %squeeze3A_105 : i32 to vector<16xi32>
    %add3A_137 = arith.addi %mul3A_41, %add3A_136 : vector<16xi32>
    %swap3A_138 = arith.constant 0 : i32
    %swap3A_139 = arith.index_cast %swap3A_138 : i32 to index
    %swap3A_140 = arith.constant 208 : index
    %swap3A_141 = tpu.vector_load %arg6[%swap3A_139, %swap3A_140] {strides = array<i32>} : memref<4x1024xi32, #tpu.memory_space<vmem>>, vector<16xi32>,
    tpu.vector_store %arg6[%swap3A_139, %swap3A_140], %add3A_137 {strides = array<i32>} : memref<4x1024xi32, #tpu.memory_space<vmem>>, vector<16xi32>,
    %add3A_142 = vector.broadcast %squeeze3A_105 : i32 to vector<16xi32>
    %add3A_143 = arith.addi %mul3A_47, %add3A_142 : vector<16xi32>
    %swap3A_144 = arith.constant 0 : i32
    %swap3A_145 = arith.index_cast %swap3A_144 : i32 to index
    %swap3A_146 = arith.constant 224 : index
    %swap3A_147 = tpu.vector_load %arg6[%swap3A_145, %swap3A_146] {strides = array<i32>} : memref<4x1024xi32, #tpu.memory_space<vmem>>, vector<16xi32>,
    tpu.vector_store %arg6[%swap3A_145, %swap3A_146], %add3A_143 {strides = array<i32>} : memref<4x1024xi32, #tpu.memory_space<vmem>>, vector<16xi32>,
    %add3A_148 = vector.broadcast %squeeze3A_105 : i32 to vector<16xi32>
    %add3A_149 = arith.addi %mul3A_53, %add3A_148 : vector<16xi32>
    %swap3A_150 = arith.constant 0 : i32
    %swap3A_151 = arith.index_cast %swap3A_150 : i32 to index
    %swap3A_152 = arith.constant 240 : index
    %swap3A_153 = tpu.vector_load %arg6[%swap3A_151, %swap3A_152] {strides = array<i32>} : memref<4x1024xi32, #tpu.memory_space<vmem>>, vector<16xi32>,
    tpu.vector_store %arg6[%swap3A_151, %swap3A_152], %add3A_149 {strides = array<i32>} : memref<4x1024xi32, #tpu.memory_space<vmem>>, vector<16xi32>,
    %slice3A_154 = vector.extract_strided_slice %get3A_56 {offsets = [2], sizes = [1], strides = [1]} : vector<16xi32> to vector<1xi32>
    %squeeze3A_155 = vector.extract %slice3A_154[0] : i32 from vector<1xi32>
    %add3A_156 = vector.broadcast %squeeze3A_155 : i32 to vector<16xi32>
    %add3A_157 = arith.addi %mul3A_11, %add3A_156 : vector<16xi32>
    %swap3A_158 = arith.constant 0 : i32
    %swap3A_159 = arith.index_cast %swap3A_158 : i32 to index
    %swap3A_160 = arith.constant 256 : index
    %swap3A_161 = tpu.vector_load %arg6[%swap3A_159, %swap3A_160] {strides = array<i32>} : memref<4x1024xi32, #tpu.memory_space<vmem>>, vector<16xi32>,
    tpu.vector_store %arg6[%swap3A_159, %swap3A_160], %add3A_157 {strides = array<i32>} : memref<4x1024xi32, #tpu.memory_space<vmem>>, vector<16xi32>,
    %add3A_162 = vector.broadcast %squeeze3A_155 : i32 to vector<16xi32>
    %add3A_163 = arith.addi %mul3A_17, %add3A_162 : vector<16xi32>
    %swap3A_164 = arith.constant 0 : i32
    %swap3A_165 = arith.index_cast %swap3A_164 : i32 to index
    %swap3A_166 = arith.constant 272 : index
    %swap3A_167 = tpu.vector_load %arg6[%swap3A_165, %swap3A_166] {strides = array<i32>} : memref<4x1024xi32, #tpu.memory_space<vmem>>, vector<16xi32>,
    tpu.vector_store %arg6[%swap3A_165, %swap3A_166], %add3A_163 {strides = array<i32>} : memref<4x1024xi32, #tpu.memory_space<vmem>>, vector<16xi32>,
    %add3A_168 = vector.broadcast %squeeze3A_155 : i32 to vector<16xi32>
    %add3A_169 = arith.addi %mul3A_23, %add3A_168 : vector<16xi32>
    %swap3A_170 = arith.constant 0 : i32
    %swap3A_171 = arith.index_cast %swap3A_170 : i32 to index
    %swap3A_172 = arith.constant 288 : index
    %swap3A_173 = tpu.vector_load %arg6[%swap3A_171, %swap3A_172] {strides = array<i32>} : memref<4x1024xi32, #tpu.memory_space<vmem>>, vector<16xi32>,
    tpu.vector_store %arg6[%swap3A_171, %swap3A_172], %add3A_169 {strides = array<i32>} : memref<4x1024xi32, #tpu.memory_space<vmem>>, vector<16xi32>,
    %add3A_174 = vector.broadcast %squeeze3A_155 : i32 to vector<16xi32>
    %add3A_175 = arith.addi %mul3A_29, %add3A_174 : vector<16xi32>
    %swap3A_176 = arith.constant 0 : i32
    %swap3A_177 = arith.index_cast %swap3A_176 : i32 to index
    %swap3A_178 = arith.constant 304 : index
    %swap3A_179 = tpu.vector_load %arg6[%swap3A_177, %swap3A_178] {strides = array<i32>} : memref<4x1024xi32, #tpu.memory_space<vmem>>, vector<16xi32>,
    tpu.vector_store %arg6[%swap3A_177, %swap3A_178], %add3A_175 {strides = array<i32>} : memref<4x1024xi32, #tpu.memory_space<vmem>>, vector<16xi32>,
    %add3A_180 = vector.broadcast %squeeze3A_155 : i32 to vector<16xi32>
    %add3A_181 = arith.addi %mul3A_35, %add3A_180 : vector<16xi32>
    %swap3A_182 = arith.constant 0 : i32
    %swap3A_183 = arith.index_cast %swap3A_182 : i32 to index
    %swap3A_184 = arith.constant 320 : index
    %swap3A_185 = tpu.vector_load %arg6[%swap3A_183, %swap3A_184] {strides = array<i32>} : memref<4x1024xi32, #tpu.memory_space<vmem>>, vector<16xi32>,
    tpu.vector_store %arg6[%swap3A_183, %swap3A_184], %add3A_181 {strides = array<i32>} : memref<4x1024xi32, #tpu.memory_space<vmem>>, vector<16xi32>,
    %add3A_186 = vector.broadcast %squeeze3A_155 : i32 to vector<16xi32>
    %add3A_187 = arith.addi %mul3A_41, %add3A_186 : vector<16xi32>
    %swap3A_188 = arith.constant 0 : i32
    %swap3A_189 = arith.index_cast %swap3A_188 : i32 to index
    %swap3A_190 = arith.constant 336 : index
    %swap3A_191 = tpu.vector_load %arg6[%swap3A_189, %swap3A_190] {strides = array<i32>} : memref<4x1024xi32, #tpu.memory_space<vmem>>, vector<16xi32>,
    tpu.vector_store %arg6[%swap3A_189, %swap3A_190], %add3A_187 {strides = array<i32>} : memref<4x1024xi32, #tpu.memory_space<vmem>>, vector<16xi32>,
    %add3A_192 = vector.broadcast %squeeze3A_155 : i32 to vector<16xi32>
    %add3A_193 = arith.addi %mul3A_47, %add3A_192 : vector<16xi32>
    %swap3A_194 = arith.constant 0 : i32
    %swap3A_195 = arith.index_cast %swap3A_194 : i32 to index
    %swap3A_196 = arith.constant 352 : index
    %swap3A_197 = tpu.vector_load %arg6[%swap3A_195, %swap3A_196] {strides = array<i32>} : memref<4x1024xi32, #tpu.memory_space<vmem>>, vector<16xi32>,
    tpu.vector_store %arg6[%swap3A_195, %swap3A_196], %add3A_193 {strides = array<i32>} : memref<4x1024xi32, #tpu.memory_space<vmem>>, vector<16xi32>,
    %add3A_198 = vector.broadcast %squeeze3A_155 : i32 to vector<16xi32>
    %add3A_199 = arith.addi %mul3A_53, %add3A_198 : vector<16xi32>
    %swap3A_200 = arith.constant 0 : i32
    %swap3A_201 = arith.index_cast %swap3A_200 : i32 to index
    %swap3A_202 = arith.constant 368 : index
    %swap3A_203 = tpu.vector_load %arg6[%swap3A_201, %swap3A_202] {strides = array<i32>} : memref<4x1024xi32, #tpu.memory_space<vmem>>, vector<16xi32>,
    tpu.vector_store %arg6[%swap3A_201, %swap3A_202], %add3A_199 {strides = array<i32>} : memref<4x1024xi32, #tpu.memory_space<vmem>>, vector<16xi32>,
    %slice3A_204 = vector.extract_strided_slice %get3A_56 {offsets = [3], sizes = [1], strides = [1]} : vector<16xi32> to vector<1xi32>
    %squeeze3A_205 = vector.extract %slice3A_204[0] : i32 from vector<1xi32>
    %add3A_206 = vector.broadcast %squeeze3A_205 : i32 to vector<16xi32>
    %add3A_207 = arith.addi %mul3A_11, %add3A_206 : vector<16xi32>
    %swap3A_208 = arith.constant 0 : i32
    %swap3A_209 = arith.index_cast %swap3A_208 : i32 to index
    %swap3A_210 = arith.constant 384 : index
    %swap3A_211 = tpu.vector_load %arg6[%swap3A_209, %swap3A_210] {strides = array<i32>} : memref<4x1024xi32, #tpu.memory_space<vmem>>, vector<16xi32>,
    tpu.vector_store %arg6[%swap3A_209, %swap3A_210], %add3A_207 {strides = array<i32>} : memref<4x1024xi32, #tpu.memory_space<vmem>>, vector<16xi32>,
    %add3A_212 = vector.broadcast %squeeze3A_205 : i32 to vector<16xi32>
    %add3A_213 = arith.addi %mul3A_17, %add3A_212 : vector<16xi32>
    %swap3A_214 = arith.constant 0 : i32
    %swap3A_215 = arith.index_cast %swap3A_214 : i32 to index
    %swap3A_216 = arith.constant 400 : index
    %swap3A_217 = tpu.vector_load %arg6[%swap3A_215, %swap3A_216] {strides = array<i32>} : memref<4x1024xi32, #tpu.memory_space<vmem>>, vector<16xi32>,
    tpu.vector_store %arg6[%swap3A_215, %swap3A_216], %add3A_213 {strides = array<i32>} : memref<4x1024xi32, #tpu.memory_space<vmem>>, vector<16xi32>,
    %add3A_218 = vector.broadcast %squeeze3A_205 : i32 to vector<16xi32>
    %add3A_219 = arith.addi %mul3A_23, %add3A_218 : vector<16xi32>
    %swap3A_220 = arith.constant 0 : i32
    %swap3A_221 = arith.index_cast %swap3A_220 : i32 to index
    %swap3A_222 = arith.constant 416 : index
    %swap3A_223 = tpu.vector_load %arg6[%swap3A_221, %swap3A_222] {strides = array<i32>} : memref<4x1024xi32, #tpu.memory_space<vmem>>, vector<16xi32>,
    tpu.vector_store %arg6[%swap3A_221, %swap3A_222], %add3A_219 {strides = array<i32>} : memref<4x1024xi32, #tpu.memory_space<vmem>>, vector<16xi32>,
    %add3A_224 = vector.broadcast %squeeze3A_205 : i32 to vector<16xi32>
    %add3A_225 = arith.addi %mul3A_29, %add3A_224 : vector<16xi32>
    %swap3A_226 = arith.constant 0 : i32
    %swap3A_227 = arith.index_cast %swap3A_226 : i32 to index
    %swap3A_228 = arith.constant 432 : index
    %swap3A_229 = tpu.vector_load %arg6[%swap3A_227, %swap3A_228] {strides = array<i32>} : memref<4x1024xi32, #tpu.memory_space<vmem>>, vector<16xi32>,
    tpu.vector_store %arg6[%swap3A_227, %swap3A_228], %add3A_225 {strides = array<i32>} : memref<4x1024xi32, #tpu.memory_space<vmem>>, vector<16xi32>,
    %add3A_230 = vector.broadcast %squeeze3A_205 : i32 to vector<16xi32>
    %add3A_231 = arith.addi %mul3A_35, %add3A_230 : vector<16xi32>
    %swap3A_232 = arith.constant 0 : i32
    %swap3A_233 = arith.index_cast %swap3A_232 : i32 to index
    %swap3A_234 = arith.constant 448 : index
    %swap3A_235 = tpu.vector_load %arg6[%swap3A_233, %swap3A_234] {strides = array<i32>} : memref<4x1024xi32, #tpu.memory_space<vmem>>, vector<16xi32>,
    tpu.vector_store %arg6[%swap3A_233, %swap3A_234], %add3A_231 {strides = array<i32>} : memref<4x1024xi32, #tpu.memory_space<vmem>>, vector<16xi32>,
    %add3A_236 = vector.broadcast %squeeze3A_205 : i32 to vector<16xi32>
    %add3A_237 = arith.addi %mul3A_41, %add3A_236 : vector<16xi32>
    %swap3A_238 = arith.constant 0 : i32
    %swap3A_239 = arith.index_cast %swap3A_238 : i32 to index
    %swap3A_240 = arith.constant 464 : index
    %swap3A_241 = tpu.vector_load %arg6[%swap3A_239, %swap3A_240] {strides = array<i32>} : memref<4x1024xi32, #tpu.memory_space<vmem>>, vector<16xi32>,
    tpu.vector_store %arg6[%swap3A_239, %swap3A_240], %add3A_237 {strides = array<i32>} : memref<4x1024xi32, #tpu.memory_space<vmem>>, vector<16xi32>,
    %add3A_242 = vector.broadcast %squeeze3A_205 : i32 to vector<16xi32>
    %add3A_243 = arith.addi %mul3A_47, %add3A_242 : vector<16xi32>
    %swap3A_244 = arith.constant 0 : i32
    %swap3A_245 = arith.index_cast %swap3A_244 : i32 to index
    %swap3A_246 = arith.constant 480 : index
    %swap3A_247 = tpu.vector_load %arg6[%swap3A_245, %swap3A_246] {strides = array<i32>} : memref<4x1024xi32, #tpu.memory_space<vmem>>, vector<16xi32>,
    tpu.vector_store %arg6[%swap3A_245, %swap3A_246], %add3A_243 {strides = array<i32>} : memref<4x1024xi32, #tpu.memory_space<vmem>>, vector<16xi32>,
    %add3A_248 = vector.broadcast %squeeze3A_205 : i32 to vector<16xi32>
    %add3A_249 = arith.addi %mul3A_53, %add3A_248 : vector<16xi32>
    %swap3A_250 = arith.constant 0 : i32
    %swap3A_251 = arith.index_cast %swap3A_250 : i32 to index
    %swap3A_252 = arith.constant 496 : index
    %swap3A_253 = tpu.vector_load %arg6[%swap3A_251, %swap3A_252] {strides = array<i32>} : memref<4x1024xi32, #tpu.memory_space<vmem>>, vector<16xi32>,
    tpu.vector_store %arg6[%swap3A_251, %swap3A_252], %add3A_249 {strides = array<i32>} : memref<4x1024xi32, #tpu.memory_space<vmem>>, vector<16xi32>,
    %slice3A_254 = vector.extract_strided_slice %get3A_56 {offsets = [4], sizes = [1], strides = [1]} : vector<16xi32> to vector<1xi32>
    %squeeze3A_255 = vector.extract %slice3A_254[0] : i32 from vector<1xi32>
    %add3A_256 = vector.broadcast %squeeze3A_255 : i32 to vector<16xi32>
    %add3A_257 = arith.addi %mul3A_11, %add3A_256 : vector<16xi32>
    %swap3A_258 = arith.constant 0 : i32
    %swap3A_259 = arith.index_cast %swap3A_258 : i32 to index
    %swap3A_260 = arith.constant 512 : index
    %swap3A_261 = tpu.vector_load %arg6[%swap3A_259, %swap3A_260] {strides = array<i32>} : memref<4x1024xi32, #tpu.memory_space<vmem>>, vector<16xi32>,
    tpu.vector_store %arg6[%swap3A_259, %swap3A_260], %add3A_257 {strides = array<i32>} : memref<4x1024xi32, #tpu.memory_space<vmem>>, vector<16xi32>,
    %add3A_262 = vector.broadcast %squeeze3A_255 : i32 to vector<16xi32>
    %add3A_263 = arith.addi %mul3A_17, %add3A_262 : vector<16xi32>
    %swap3A_264 = arith.constant 0 : i32
    %swap3A_265 = arith.index_cast %swap3A_264 : i32 to index
    %swap3A_266 = arith.constant 528 : index
    %swap3A_267 = tpu.vector_load %arg6[%swap3A_265, %swap3A_266] {strides = array<i32>} : memref<4x1024xi32, #tpu.memory_space<vmem>>, vector<16xi32>,
    tpu.vector_store %arg6[%swap3A_265, %swap3A_266], %add3A_263 {strides = array<i32>} : memref<4x1024xi32, #tpu.memory_space<vmem>>, vector<16xi32>,
    %add3A_268 = vector.broadcast %squeeze3A_255 : i32 to vector<16xi32>
    %add3A_269 = arith.addi %mul3A_23, %add3A_268 : vector<16xi32>
    %swap3A_270 = arith.constant 0 : i32
    %swap3A_271 = arith.index_cast %swap3A_270 : i32 to index
    %swap3A_272 = arith.constant 544 : index
    %swap3A_273 = tpu.vector_load %arg6[%swap3A_271, %swap3A_272] {strides = array<i32>} : memref<4x1024xi32, #tpu.memory_space<vmem>>, vector<16xi32>,
    tpu.vector_store %arg6[%swap3A_271, %swap3A_272], %add3A_269 {strides = array<i32>} : memref<4x1024xi32, #tpu.memory_space<vmem>>, vector<16xi32>,
    %add3A_274 = vector.broadcast %squeeze3A_255 : i32 to vector<16xi32>
    %add3A_275 = arith.addi %mul3A_29, %add3A_274 : vector<16xi32>
    %swap3A_276 = arith.constant 0 : i32
    %swap3A_277 = arith.index_cast %swap3A_276 : i32 to index
    %swap3A_278 = arith.constant 560 : index
    %swap3A_279 = tpu.vector_load %arg6[%swap3A_277, %swap3A_278] {strides = array<i32>} : memref<4x1024xi32, #tpu.memory_space<vmem>>, vector<16xi32>,
    tpu.vector_store %arg6[%swap3A_277, %swap3A_278], %add3A_275 {strides = array<i32>} : memref<4x1024xi32, #tpu.memory_space<vmem>>, vector<16xi32>,
    %add3A_280 = vector.broadcast %squeeze3A_255 : i32 to vector<16xi32>
    %add3A_281 = arith.addi %mul3A_35, %add3A_280 : vector<16xi32>
    %swap3A_282 = arith.constant 0 : i32
    %swap3A_283 = arith.index_cast %swap3A_282 : i32 to index
    %swap3A_284 = arith.constant 576 : index
    %swap3A_285 = tpu.vector_load %arg6[%swap3A_283, %swap3A_284] {strides = array<i32>} : memref<4x1024xi32, #tpu.memory_space<vmem>>, vector<16xi32>,
    tpu.vector_store %arg6[%swap3A_283, %swap3A_284], %add3A_281 {strides = array<i32>} : memref<4x1024xi32, #tpu.memory_space<vmem>>, vector<16xi32>,
    %add3A_286 = vector.broadcast %squeeze3A_255 : i32 to vector<16xi32>
    %add3A_287 = arith.addi %mul3A_41, %add3A_286 : vector<16xi32>
    %swap3A_288 = arith.constant 0 : i32
    %swap3A_289 = arith.index_cast %swap3A_288 : i32 to index
    %swap3A_290 = arith.constant 592 : index
    %swap3A_291 = tpu.vector_load %arg6[%swap3A_289, %swap3A_290] {strides = array<i32>} : memref<4x1024xi32, #tpu.memory_space<vmem>>, vector<16xi32>,
    tpu.vector_store %arg6[%swap3A_289, %swap3A_290], %add3A_287 {strides = array<i32>} : memref<4x1024xi32, #tpu.memory_space<vmem>>, vector<16xi32>,
    %add3A_292 = vector.broadcast %squeeze3A_255 : i32 to vector<16xi32>
    %add3A_293 = arith.addi %mul3A_47, %add3A_292 : vector<16xi32>
    %swap3A_294 = arith.constant 0 : i32
    %swap3A_295 = arith.index_cast %swap3A_294 : i32 to index
    %swap3A_296 = arith.constant 608 : index
    %swap3A_297 = tpu.vector_load %arg6[%swap3A_295, %swap3A_296] {strides = array<i32>} : memref<4x1024xi32, #tpu.memory_space<vmem>>, vector<16xi32>,
    tpu.vector_store %arg6[%swap3A_295, %swap3A_296], %add3A_293 {strides = array<i32>} : memref<4x1024xi32, #tpu.memory_space<vmem>>, vector<16xi32>,
    %add3A_298 = vector.broadcast %squeeze3A_255 : i32 to vector<16xi32>
    %add3A_299 = arith.addi %mul3A_53, %add3A_298 : vector<16xi32>
    %swap3A_300 = arith.constant 0 : i32
    %swap3A_301 = arith.index_cast %swap3A_300 : i32 to index
    %swap3A_302 = arith.constant 624 : index
    %swap3A_303 = tpu.vector_load %arg6[%swap3A_301, %swap3A_302] {strides = array<i32>} : memref<4x1024xi32, #tpu.memory_space<vmem>>, vector<16xi32>,
    tpu.vector_store %arg6[%swap3A_301, %swap3A_302], %add3A_299 {strides = array<i32>} : memref<4x1024xi32, #tpu.memory_space<vmem>>, vector<16xi32>,
    %slice3A_304 = vector.extract_strided_slice %get3A_56 {offsets = [5], sizes = [1], strides = [1]} : vector<16xi32> to vector<1xi32>
    %squeeze3A_305 = vector.extract %slice3A_304[0] : i32 from vector<1xi32>
    %add3A_306 = vector.broadcast %squeeze3A_305 : i32 to vector<16xi32>
    %add3A_307 = arith.addi %mul3A_11, %add3A_306 : vector<16xi32>
    %swap3A_308 = arith.constant 0 : i32
    %swap3A_309 = arith.index_cast %swap3A_308 : i32 to index
    %swap3A_310 = arith.constant 640 : index
    %swap3A_311 = tpu.vector_load %arg6[%swap3A_309, %swap3A_310] {strides = array<i32>} : memref<4x1024xi32, #tpu.memory_space<vmem>>, vector<16xi32>,
    tpu.vector_store %arg6[%swap3A_309, %swap3A_310], %add3A_307 {strides = array<i32>} : memref<4x1024xi32, #tpu.memory_space<vmem>>, vector<16xi32>,
    %add3A_312 = vector.broadcast %squeeze3A_305 : i32 to vector<16xi32>
    %add3A_313 = arith.addi %mul3A_17, %add3A_312 : vector<16xi32>
    %swap3A_314 = arith.constant 0 : i32
    %swap3A_315 = arith.index_cast %swap3A_314 : i32 to index
    %swap3A_316 = arith.constant 656 : index
    %swap3A_317 = tpu.vector_load %arg6[%swap3A_315, %swap3A_316] {strides = array<i32>} : memref<4x1024xi32, #tpu.memory_space<vmem>>, vector<16xi32>,
    tpu.vector_store %arg6[%swap3A_315, %swap3A_316], %add3A_313 {strides = array<i32>} : memref<4x1024xi32, #tpu.memory_space<vmem>>, vector<16xi32>,
    %add3A_318 = vector.broadcast %squeeze3A_305 : i32 to vector<16xi32>
    %add3A_319 = arith.addi %mul3A_23, %add3A_318 : vector<16xi32>
    %swap3A_320 = arith.constant 0 : i32
    %swap3A_321 = arith.index_cast %swap3A_320 : i32 to index
    %swap3A_322 = arith.constant 672 : index
    %swap3A_323 = tpu.vector_load %arg6[%swap3A_321, %swap3A_322] {strides = array<i32>} : memref<4x1024xi32, #tpu.memory_space<vmem>>, vector<16xi32>,
    tpu.vector_store %arg6[%swap3A_321, %swap3A_322], %add3A_319 {strides = array<i32>} : memref<4x1024xi32, #tpu.memory_space<vmem>>, vector<16xi32>,
    %add3A_324 = vector.broadcast %squeeze3A_305 : i32 to vector<16xi32>
    %add3A_325 = arith.addi %mul3A_29, %add3A_324 : vector<16xi32>
    %swap3A_326 = arith.constant 0 : i32
    %swap3A_327 = arith.index_cast %swap3A_326 : i32 to index
    %swap3A_328 = arith.constant 688 : index
    %swap3A_329 = tpu.vector_load %arg6[%swap3A_327, %swap3A_328] {strides = array<i32>} : memref<4x1024xi32, #tpu.memory_space<vmem>>, vector<16xi32>,
    tpu.vector_store %arg6[%swap3A_327, %swap3A_328], %add3A_325 {strides = array<i32>} : memref<4x1024xi32, #tpu.memory_space<vmem>>, vector<16xi32>,
    %add3A_330 = vector.broadcast %squeeze3A_305 : i32 to vector<16xi32>
    %add3A_331 = arith.addi %mul3A_35, %add3A_330 : vector<16xi32>
    %swap3A_332 = arith.constant 0 : i32
    %swap3A_333 = arith.index_cast %swap3A_332 : i32 to index
    %swap3A_334 = arith.constant 704 : index
    %swap3A_335 = tpu.vector_load %arg6[%swap3A_333, %swap3A_334] {strides = array<i32>} : memref<4x1024xi32, #tpu.memory_space<vmem>>, vector<16xi32>,
    tpu.vector_store %arg6[%swap3A_333, %swap3A_334], %add3A_331 {strides = array<i32>} : memref<4x1024xi32, #tpu.memory_space<vmem>>, vector<16xi32>,
    %add3A_336 = vector.broadcast %squeeze3A_305 : i32 to vector<16xi32>
    %add3A_337 = arith.addi %mul3A_41, %add3A_336 : vector<16xi32>
    %swap3A_338 = arith.constant 0 : i32
    %swap3A_339 = arith.index_cast %swap3A_338 : i32 to index
    %swap3A_340 = arith.constant 720 : index
    %swap3A_341 = tpu.vector_load %arg6[%swap3A_339, %swap3A_340] {strides = array<i32>} : memref<4x1024xi32, #tpu.memory_space<vmem>>, vector<16xi32>,
    tpu.vector_store %arg6[%swap3A_339, %swap3A_340], %add3A_337 {strides = array<i32>} : memref<4x1024xi32, #tpu.memory_space<vmem>>, vector<16xi32>,
    %add3A_342 = vector.broadcast %squeeze3A_305 : i32 to vector<16xi32>
    %add3A_343 = arith.addi %mul3A_47, %add3A_342 : vector<16xi32>
    %swap3A_344 = arith.constant 0 : i32
    %swap3A_345 = arith.index_cast %swap3A_344 : i32 to index
    %swap3A_346 = arith.constant 736 : index
    %swap3A_347 = tpu.vector_load %arg6[%swap3A_345, %swap3A_346] {strides = array<i32>} : memref<4x1024xi32, #tpu.memory_space<vmem>>, vector<16xi32>,
    tpu.vector_store %arg6[%swap3A_345, %swap3A_346], %add3A_343 {strides = array<i32>} : memref<4x1024xi32, #tpu.memory_space<vmem>>, vector<16xi32>,
    %add3A_348 = vector.broadcast %squeeze3A_305 : i32 to vector<16xi32>
    %add3A_349 = arith.addi %mul3A_53, %add3A_348 : vector<16xi32>
    %swap3A_350 = arith.constant 0 : i32
    %swap3A_351 = arith.index_cast %swap3A_350 : i32 to index
    %swap3A_352 = arith.constant 752 : index
    %swap3A_353 = tpu.vector_load %arg6[%swap3A_351, %swap3A_352] {strides = array<i32>} : memref<4x1024xi32, #tpu.memory_space<vmem>>, vector<16xi32>,
    tpu.vector_store %arg6[%swap3A_351, %swap3A_352], %add3A_349 {strides = array<i32>} : memref<4x1024xi32, #tpu.memory_space<vmem>>, vector<16xi32>,
    %slice3A_354 = vector.extract_strided_slice %get3A_56 {offsets = [6], sizes = [1], strides = [1]} : vector<16xi32> to vector<1xi32>
    %squeeze3A_355 = vector.extract %slice3A_354[0] : i32 from vector<1xi32>
    %add3A_356 = vector.broadcast %squeeze3A_355 : i32 to vector<16xi32>
    %add3A_357 = arith.addi %mul3A_11, %add3A_356 : vector<16xi32>
    %swap3A_358 = arith.constant 0 : i32
    %swap3A_359 = arith.index_cast %swap3A_358 : i32 to index
    %swap3A_360 = arith.constant 768 : index
    %swap3A_361 = tpu.vector_load %arg6[%swap3A_359, %swap3A_360] {strides = array<i32>} : memref<4x1024xi32, #tpu.memory_space<vmem>>, vector<16xi32>,
    tpu.vector_store %arg6[%swap3A_359, %swap3A_360], %add3A_357 {strides = array<i32>} : memref<4x1024xi32, #tpu.memory_space<vmem>>, vector<16xi32>,
    %add3A_362 = vector.broadcast %squeeze3A_355 : i32 to vector<16xi32>
    %add3A_363 = arith.addi %mul3A_17, %add3A_362 : vector<16xi32>
    %swap3A_364 = arith.constant 0 : i32
    %swap3A_365 = arith.index_cast %swap3A_364 : i32 to index
    %swap3A_366 = arith.constant 784 : index
    %swap3A_367 = tpu.vector_load %arg6[%swap3A_365, %swap3A_366] {strides = array<i32>} : memref<4x1024xi32, #tpu.memory_space<vmem>>, vector<16xi32>,
    tpu.vector_store %arg6[%swap3A_365, %swap3A_366], %add3A_363 {strides = array<i32>} : memref<4x1024xi32, #tpu.memory_space<vmem>>, vector<16xi32>,
    %add3A_368 = vector.broadcast %squeeze3A_355 : i32 to vector<16xi32>
    %add3A_369 = arith.addi %mul3A_23, %add3A_368 : vector<16xi32>
    %swap3A_370 = arith.constant 0 : i32
    %swap3A_371 = arith.index_cast %swap3A_370 : i32 to index
    %swap3A_372 = arith.constant 800 : index
    %swap3A_373 = tpu.vector_load %arg6[%swap3A_371, %swap3A_372] {strides = array<i32>} : memref<4x1024xi32, #tpu.memory_space<vmem>>, vector<16xi32>,
    tpu.vector_store %arg6[%swap3A_371, %swap3A_372], %add3A_369 {strides = array<i32>} : memref<4x1024xi32, #tpu.memory_space<vmem>>, vector<16xi32>,
    %add3A_374 = vector.broadcast %squeeze3A_355 : i32 to vector<16xi32>
    %add3A_375 = arith.addi %mul3A_29, %add3A_374 : vector<16xi32>
    %swap3A_376 = arith.constant 0 : i32
    %swap3A_377 = arith.index_cast %swap3A_376 : i32 to index
    %swap3A_378 = arith.constant 816 : index
    %swap3A_379 = tpu.vector_load %arg6[%swap3A_377, %swap3A_378] {strides = array<i32>} : memref<4x1024xi32, #tpu.memory_space<vmem>>, vector<16xi32>,
    tpu.vector_store %arg6[%swap3A_377, %swap3A_378], %add3A_375 {strides = array<i32>} : memref<4x1024xi32, #tpu.memory_space<vmem>>, vector<16xi32>,
    %add3A_380 = vector.broadcast %squeeze3A_355 : i32 to vector<16xi32>
    %add3A_381 = arith.addi %mul3A_35, %add3A_380 : vector<16xi32>
    %swap3A_382 = arith.constant 0 : i32
    %swap3A_383 = arith.index_cast %swap3A_382 : i32 to index
    %swap3A_384 = arith.constant 832 : index
    %swap3A_385 = tpu.vector_load %arg6[%swap3A_383, %swap3A_384] {strides = array<i32>} : memref<4x1024xi32, #tpu.memory_space<vmem>>, vector<16xi32>,
    tpu.vector_store %arg6[%swap3A_383, %swap3A_384], %add3A_381 {strides = array<i32>} : memref<4x1024xi32, #tpu.memory_space<vmem>>, vector<16xi32>,
    %add3A_386 = vector.broadcast %squeeze3A_355 : i32 to vector<16xi32>
    %add3A_387 = arith.addi %mul3A_41, %add3A_386 : vector<16xi32>
    %swap3A_388 = arith.constant 0 : i32
    %swap3A_389 = arith.index_cast %swap3A_388 : i32 to index
    %swap3A_390 = arith.constant 848 : index
    %swap3A_391 = tpu.vector_load %arg6[%swap3A_389, %swap3A_390] {strides = array<i32>} : memref<4x1024xi32, #tpu.memory_space<vmem>>, vector<16xi32>,
    tpu.vector_store %arg6[%swap3A_389, %swap3A_390], %add3A_387 {strides = array<i32>} : memref<4x1024xi32, #tpu.memory_space<vmem>>, vector<16xi32>,
    %add3A_392 = vector.broadcast %squeeze3A_355 : i32 to vector<16xi32>
    %add3A_393 = arith.addi %mul3A_47, %add3A_392 : vector<16xi32>
    %swap3A_394 = arith.constant 0 : i32
    %swap3A_395 = arith.index_cast %swap3A_394 : i32 to index
    %swap3A_396 = arith.constant 864 : index
    %swap3A_397 = tpu.vector_load %arg6[%swap3A_395, %swap3A_396] {strides = array<i32>} : memref<4x1024xi32, #tpu.memory_space<vmem>>, vector<16xi32>,
    tpu.vector_store %arg6[%swap3A_395, %swap3A_396], %add3A_393 {strides = array<i32>} : memref<4x1024xi32, #tpu.memory_space<vmem>>, vector<16xi32>,
    %add3A_398 = vector.broadcast %squeeze3A_355 : i32 to vector<16xi32>
    %add3A_399 = arith.addi %mul3A_53, %add3A_398 : vector<16xi32>
    %swap3A_400 = arith.constant 0 : i32
    %swap3A_401 = arith.index_cast %swap3A_400 : i32 to index
    %swap3A_402 = arith.constant 880 : index
    %swap3A_403 = tpu.vector_load %arg6[%swap3A_401, %swap3A_402] {strides = array<i32>} : memref<4x1024xi32, #tpu.memory_space<vmem>>, vector<16xi32>,
    tpu.vector_store %arg6[%swap3A_401, %swap3A_402], %add3A_399 {strides = array<i32>} : memref<4x1024xi32, #tpu.memory_space<vmem>>, vector<16xi32>,
    %slice3A_404 = vector.extract_strided_slice %get3A_56 {offsets = [7], sizes = [1], strides = [1]} : vector<16xi32> to vector<1xi32>
    %squeeze3A_405 = vector.extract %slice3A_404[0] : i32 from vector<1xi32>
    %add3A_406 = vector.broadcast %squeeze3A_405 : i32 to vector<16xi32>
    %add3A_407 = arith.addi %mul3A_11, %add3A_406 : vector<16xi32>
    %swap3A_408 = arith.constant 0 : i32
    %swap3A_409 = arith.index_cast %swap3A_408 : i32 to index
    %swap3A_410 = arith.constant 896 : index
    %swap3A_411 = tpu.vector_load %arg6[%swap3A_409, %swap3A_410] {strides = array<i32>} : memref<4x1024xi32, #tpu.memory_space<vmem>>, vector<16xi32>,
    tpu.vector_store %arg6[%swap3A_409, %swap3A_410], %add3A_407 {strides = array<i32>} : memref<4x1024xi32, #tpu.memory_space<vmem>>, vector<16xi32>,
    %add3A_412 = vector.broadcast %squeeze3A_405 : i32 to vector<16xi32>
    %add3A_413 = arith.addi %mul3A_17, %add3A_412 : vector<16xi32>
    %swap3A_414 = arith.constant 0 : i32
    %swap3A_415 = arith.index_cast %swap3A_414 : i32 to index
    %swap3A_416 = arith.constant 912 : index
    %swap3A_417 = tpu.vector_load %arg6[%swap3A_415, %swap3A_416] {strides = array<i32>} : memref<4x1024xi32, #tpu.memory_space<vmem>>, vector<16xi32>,
    tpu.vector_store %arg6[%swap3A_415, %swap3A_416], %add3A_413 {strides = array<i32>} : memref<4x1024xi32, #tpu.memory_space<vmem>>, vector<16xi32>,
    %add3A_418 = vector.broadcast %squeeze3A_405 : i32 to vector<16xi32>
    %add3A_419 = arith.addi %mul3A_23, %add3A_418 : vector<16xi32>
    %swap3A_420 = arith.constant 0 : i32
    %swap3A_421 = arith.index_cast %swap3A_420 : i32 to index
    %swap3A_422 = arith.constant 928 : index
    %swap3A_423 = tpu.vector_load %arg6[%swap3A_421, %swap3A_422] {strides = array<i32>} : memref<4x1024xi32, #tpu.memory_space<vmem>>, vector<16xi32>,
    tpu.vector_store %arg6[%swap3A_421, %swap3A_422], %add3A_419 {strides = array<i32>} : memref<4x1024xi32, #tpu.memory_space<vmem>>, vector<16xi32>,
    %add3A_424 = vector.broadcast %squeeze3A_405 : i32 to vector<16xi32>
    %add3A_425 = arith.addi %mul3A_29, %add3A_424 : vector<16xi32>
    %swap3A_426 = arith.constant 0 : i32
    %swap3A_427 = arith.index_cast %swap3A_426 : i32 to index
    %swap3A_428 = arith.constant 944 : index
    %swap3A_429 = tpu.vector_load %arg6[%swap3A_427, %swap3A_428] {strides = array<i32>} : memref<4x1024xi32, #tpu.memory_space<vmem>>, vector<16xi32>,
    tpu.vector_store %arg6[%swap3A_427, %swap3A_428], %add3A_425 {strides = array<i32>} : memref<4x1024xi32, #tpu.memory_space<vmem>>, vector<16xi32>,
    %add3A_430 = vector.broadcast %squeeze3A_405 : i32 to vector<16xi32>
    %add3A_431 = arith.addi %mul3A_35, %add3A_430 : vector<16xi32>
    %swap3A_432 = arith.constant 0 : i32
    %swap3A_433 = arith.index_cast %swap3A_432 : i32 to index
    %swap3A_434 = arith.constant 960 : index
    %swap3A_435 = tpu.vector_load %arg6[%swap3A_433, %swap3A_434] {strides = array<i32>} : memref<4x1024xi32, #tpu.memory_space<vmem>>, vector<16xi32>,
    tpu.vector_store %arg6[%swap3A_433, %swap3A_434], %add3A_431 {strides = array<i32>} : memref<4x1024xi32, #tpu.memory_space<vmem>>, vector<16xi32>,
    %add3A_436 = vector.broadcast %squeeze3A_405 : i32 to vector<16xi32>
    %add3A_437 = arith.addi %mul3A_41, %add3A_436 : vector<16xi32>
    %swap3A_438 = arith.constant 0 : i32
    %swap3A_439 = arith.index_cast %swap3A_438 : i32 to index
    %swap3A_440 = arith.constant 976 : index
    %swap3A_441 = tpu.vector_load %arg6[%swap3A_439, %swap3A_440] {strides = array<i32>} : memref<4x1024xi32, #tpu.memory_space<vmem>>, vector<16xi32>,
    tpu.vector_store %arg6[%swap3A_439, %swap3A_440], %add3A_437 {strides = array<i32>} : memref<4x1024xi32, #tpu.memory_space<vmem>>, vector<16xi32>,
    %add3A_442 = vector.broadcast %squeeze3A_405 : i32 to vector<16xi32>
    %add3A_443 = arith.addi %mul3A_47, %add3A_442 : vector<16xi32>
    %swap3A_444 = arith.constant 0 : i32
    %swap3A_445 = arith.index_cast %swap3A_444 : i32 to index
    %swap3A_446 = arith.constant 992 : index
    %swap3A_447 = tpu.vector_load %arg6[%swap3A_445, %swap3A_446] {strides = array<i32>} : memref<4x1024xi32, #tpu.memory_space<vmem>>, vector<16xi32>,
    tpu.vector_store %arg6[%swap3A_445, %swap3A_446], %add3A_443 {strides = array<i32>} : memref<4x1024xi32, #tpu.memory_space<vmem>>, vector<16xi32>,
    %add3A_448 = vector.broadcast %squeeze3A_405 : i32 to vector<16xi32>
    %add3A_449 = arith.addi %mul3A_53, %add3A_448 : vector<16xi32>
    %swap3A_450 = arith.constant 0 : i32
    %swap3A_451 = arith.index_cast %swap3A_450 : i32 to index
    %swap3A_452 = arith.constant 1008 : index
    %swap3A_453 = tpu.vector_load %arg6[%swap3A_451, %swap3A_452] {strides = array<i32>} : memref<4x1024xi32, #tpu.memory_space<vmem>>, vector<16xi32>,
    tpu.vector_store %arg6[%swap3A_451, %swap3A_452], %add3A_449 {strides = array<i32>} : memref<4x1024xi32, #tpu.memory_space<vmem>>, vector<16xi32>,
    %dma_start3A = arith.constant 0 : i32
    %dma_start3A_454 = arith.constant 0 : i32
    %dma_start3A_455 = tpu.memref_slice %arg6[%dma_start3A, %dma_start3A_454] : memref<4x1024xi32, #tpu.memory_space<vmem>> -> memref<1x1024xi32, #tpu.memory_space<vmem>>
    %dma_start3A_456 = tpu.memref_squeeze %dma_start3A_455 : memref<1x1024xi32, #tpu.memory_space<vmem>> -> memref<1024xi32, #tpu.memory_space<vmem>>
    %dma_start3A_457 = arith.constant 0 : i32
    %dma_start3A_458 = arith.constant 0 : i32
    %dma_start3A_459 = tpu.memref_slice %arg2[%dma_start3A_457, %dma_start3A_458] : memref<4718592x16xf32, #tpu.memory_space<hbm>> -> memref<4718592x16xf32, #tpu.memory_space<hbm>>
    tpu.enqueue_indirect_dma source(%dma_start3A_459 : memref<4718592x16xf32, #tpu.memory_space<hbm>>) target(%arg7 : memref<1024x16xf32, #tpu.memory_space<vmem>>) offsets(%dma_start3A_456 : memref<1024xi32, #tpu.memory_space<vmem>>) semaphore(%arg13 : memref<!tpu.dma_semaphore, #tpu.memory_space<semaphore_mem>>)
    %get3A_460 = arith.constant 0 : i32
    %get3A_461 = arith.index_cast %get3A_460 : i32 to index
    %get3A_462 = arith.constant 0 : index
    %get3A_463 = tpu.vector_load %arg5[%get3A_461, %get3A_462] {strides = array<i32>} : memref<32x16xi32, #tpu.memory_space<vmem>>, vector<16xi32>,
    %slice3A_464 = vector.extract_strided_slice %get3A_463 {offsets = [8], sizes = [1], strides = [1]} : vector<16xi32> to vector<1xi32>
    %squeeze3A_465 = vector.extract %slice3A_464[0] : i32 from vector<1xi32>
    %add3A_466 = vector.broadcast %squeeze3A_465 : i32 to vector<16xi32>
    %add3A_467 = arith.addi %mul3A_11, %add3A_466 : vector<16xi32>
    %swap3A_468 = arith.constant 1 : i32
    %swap3A_469 = arith.index_cast %swap3A_468 : i32 to index
    %swap3A_470 = arith.constant 0 : index
    %swap3A_471 = tpu.vector_load %arg6[%swap3A_469, %swap3A_470] {strides = array<i32>} : memref<4x1024xi32, #tpu.memory_space<vmem>>, vector<16xi32>,
    tpu.vector_store %arg6[%swap3A_469, %swap3A_470], %add3A_467 {strides = array<i32>} : memref<4x1024xi32, #tpu.memory_space<vmem>>, vector<16xi32>,
    %add3A_472 = vector.broadcast %squeeze3A_465 : i32 to vector<16xi32>
    %add3A_473 = arith.addi %mul3A_17, %add3A_472 : vector<16xi32>
    %swap3A_474 = arith.constant 1 : i32
    %swap3A_475 = arith.index_cast %swap3A_474 : i32 to index
    %swap3A_476 = arith.constant 16 : index
    %swap3A_477 = tpu.vector_load %arg6[%swap3A_475, %swap3A_476] {strides = array<i32>} : memref<4x1024xi32, #tpu.memory_space<vmem>>, vector<16xi32>,
    tpu.vector_store %arg6[%swap3A_475, %swap3A_476], %add3A_473 {strides = array<i32>} : memref<4x1024xi32, #tpu.memory_space<vmem>>, vector<16xi32>,
    %add3A_478 = vector.broadcast %squeeze3A_465 : i32 to vector<16xi32>
    %add3A_479 = arith.addi %mul3A_23, %add3A_478 : vector<16xi32>
    %swap3A_480 = arith.constant 1 : i32
    %swap3A_481 = arith.index_cast %swap3A_480 : i32 to index
    %swap3A_482 = arith.constant 32 : index
    %swap3A_483 = tpu.vector_load %arg6[%swap3A_481, %swap3A_482] {strides = array<i32>} : memref<4x1024xi32, #tpu.memory_space<vmem>>, vector<16xi32>,
    tpu.vector_store %arg6[%swap3A_481, %swap3A_482], %add3A_479 {strides = array<i32>} : memref<4x1024xi32, #tpu.memory_space<vmem>>, vector<16xi32>,
    %add3A_484 = vector.broadcast %squeeze3A_465 : i32 to vector<16xi32>
    %add3A_485 = arith.addi %mul3A_29, %add3A_484 : vector<16xi32>
    %swap3A_486 = arith.constant 1 : i32
    %swap3A_487 = arith.index_cast %swap3A_486 : i32 to index
    %swap3A_488 = arith.constant 48 : index
    %swap3A_489 = tpu.vector_load %arg6[%swap3A_487, %swap3A_488] {strides = array<i32>} : memref<4x1024xi32, #tpu.memory_space<vmem>>, vector<16xi32>,
    tpu.vector_store %arg6[%swap3A_487, %swap3A_488], %add3A_485 {strides = array<i32>} : memref<4x1024xi32, #tpu.memory_space<vmem>>, vector<16xi32>,
    %add3A_490 = vector.broadcast %squeeze3A_465 : i32 to vector<16xi32>
    %add3A_491 = arith.addi %mul3A_35, %add3A_490 : vector<16xi32>
    %swap3A_492 = arith.constant 1 : i32
    %swap3A_493 = arith.index_cast %swap3A_492 : i32 to index
    %swap3A_494 = arith.constant 64 : index
    %swap3A_495 = tpu.vector_load %arg6[%swap3A_493, %swap3A_494] {strides = array<i32>} : memref<4x1024xi32, #tpu.memory_space<vmem>>, vector<16xi32>,
    tpu.vector_store %arg6[%swap3A_493, %swap3A_494], %add3A_491 {strides = array<i32>} : memref<4x1024xi32, #tpu.memory_space<vmem>>, vector<16xi32>,
    %add3A_496 = vector.broadcast %squeeze3A_465 : i32 to vector<16xi32>
    %add3A_497 = arith.addi %mul3A_41, %add3A_496 : vector<16xi32>
    %swap3A_498 = arith.constant 1 : i32
    %swap3A_499 = arith.index_cast %swap3A_498 : i32 to index
    %swap3A_500 = arith.constant 80 : index
    %swap3A_501 = tpu.vector_load %arg6[%swap3A_499, %swap3A_500] {strides = array<i32>} : memref<4x1024xi32, #tpu.memory_space<vmem>>, vector<16xi32>,
    tpu.vector_store %arg6[%swap3A_499, %swap3A_500], %add3A_497 {strides = array<i32>} : memref<4x1024xi32, #tpu.memory_space<vmem>>, vector<16xi32>,
    %add3A_502 = vector.broadcast %squeeze3A_465 : i32 to vector<16xi32>
    %add3A_503 = arith.addi %mul3A_47, %add3A_502 : vector<16xi32>
    %swap3A_504 = arith.constant 1 : i32
    %swap3A_505 = arith.index_cast %swap3A_504 : i32 to index
    %swap3A_506 = arith.constant 96 : index
    %swap3A_507 = tpu.vector_load %arg6[%swap3A_505, %swap3A_506] {strides = array<i32>} : memref<4x1024xi32, #tpu.memory_space<vmem>>, vector<16xi32>,
    tpu.vector_store %arg6[%swap3A_505, %swap3A_506], %add3A_503 {strides = array<i32>} : memref<4x1024xi32, #tpu.memory_space<vmem>>, vector<16xi32>,
    %add3A_508 = vector.broadcast %squeeze3A_465 : i32 to vector<16xi32>
    %add3A_509 = arith.addi %mul3A_53, %add3A_508 : vector<16xi32>
    %swap3A_510 = arith.constant 1 : i32
    %swap3A_511 = arith.index_cast %swap3A_510 : i32 to index
    %swap3A_512 = arith.constant 112 : index
    %swap3A_513 = tpu.vector_load %arg6[%swap3A_511, %swap3A_512] {strides = array<i32>} : memref<4x1024xi32, #tpu.memory_space<vmem>>, vector<16xi32>,
    tpu.vector_store %arg6[%swap3A_511, %swap3A_512], %add3A_509 {strides = array<i32>} : memref<4x1024xi32, #tpu.memory_space<vmem>>, vector<16xi32>,
    %slice3A_514 = vector.extract_strided_slice %get3A_463 {offsets = [9], sizes = [1], strides = [1]} : vector<16xi32> to vector<1xi32>
    %squeeze3A_515 = vector.extract %slice3A_514[0] : i32 from vector<1xi32>
    %add3A_516 = vector.broadcast %squeeze3A_515 : i32 to vector<16xi32>
    %add3A_517 = arith.addi %mul3A_11, %add3A_516 : vector<16xi32>
    %swap3A_518 = arith.constant 1 : i32
    %swap3A_519 = arith.index_cast %swap3A_518 : i32 to index
    %swap3A_520 = arith.constant 128 : index
    %swap3A_521 = tpu.vector_load %arg6[%swap3A_519, %swap3A_520] {strides = array<i32>} : memref<4x1024xi32, #tpu.memory_space<vmem>>, vector<16xi32>,
    tpu.vector_store %arg6[%swap3A_519, %swap3A_520], %add3A_517 {strides = array<i32>} : memref<4x1024xi32, #tpu.memory_space<vmem>>, vector<16xi32>,
    %add3A_522 = vector.broadcast %squeeze3A_515 : i32 to vector<16xi32>
    %add3A_523 = arith.addi %mul3A_17, %add3A_522 : vector<16xi32>
    %swap3A_524 = arith.constant 1 : i32
    %swap3A_525 = arith.index_cast %swap3A_524 : i32 to index
    %swap3A_526 = arith.constant 144 : index
    %swap3A_527 = tpu.vector_load %arg6[%swap3A_525, %swap3A_526] {strides = array<i32>} : memref<4x1024xi32, #tpu.memory_space<vmem>>, vector<16xi32>,
    tpu.vector_store %arg6[%swap3A_525, %swap3A_526], %add3A_523 {strides = array<i32>} : memref<4x1024xi32, #tpu.memory_space<vmem>>, vector<16xi32>,
    %add3A_528 = vector.broadcast %squeeze3A_515 : i32 to vector<16xi32>
    %add3A_529 = arith.addi %mul3A_23, %add3A_528 : vector<16xi32>
    %swap3A_530 = arith.constant 1 : i32
    %swap3A_531 = arith.index_cast %swap3A_530 : i32 to index
    %swap3A_532 = arith.constant 160 : index
    %swap3A_533 = tpu.vector_load %arg6[%swap3A_531, %swap3A_532] {strides = array<i32>} : memref<4x1024xi32, #tpu.memory_space<vmem>>, vector<16xi32>,
    tpu.vector_store %arg6[%swap3A_531, %swap3A_532], %add3A_529 {strides = array<i32>} : memref<4x1024xi32, #tpu.memory_space<vmem>>, vector<16xi32>,
    %add3A_534 = vector.broadcast %squeeze3A_515 : i32 to vector<16xi32>
    %add3A_535 = arith.addi %mul3A_29, %add3A_534 : vector<16xi32>
    %swap3A_536 = arith.constant 1 : i32
    %swap3A_537 = arith.index_cast %swap3A_536 : i32 to index
    %swap3A_538 = arith.constant 176 : index
    %swap3A_539 = tpu.vector_load %arg6[%swap3A_537, %swap3A_538] {strides = array<i32>} : memref<4x1024xi32, #tpu.memory_space<vmem>>, vector<16xi32>,
    tpu.vector_store %arg6[%swap3A_537, %swap3A_538], %add3A_535 {strides = array<i32>} : memref<4x1024xi32, #tpu.memory_space<vmem>>, vector<16xi32>,
    %add3A_540 = vector.broadcast %squeeze3A_515 : i32 to vector<16xi32>
    %add3A_541 = arith.addi %mul3A_35, %add3A_540 : vector<16xi32>
    %swap3A_542 = arith.constant 1 : i32
    %swap3A_543 = arith.index_cast %swap3A_542 : i32 to index
    %swap3A_544 = arith.constant 192 : index
    %swap3A_545 = tpu.vector_load %arg6[%swap3A_543, %swap3A_544] {strides = array<i32>} : memref<4x1024xi32, #tpu.memory_space<vmem>>, vector<16xi32>,
    tpu.vector_store %arg6[%swap3A_543, %swap3A_544], %add3A_541 {strides = array<i32>} : memref<4x1024xi32, #tpu.memory_space<vmem>>, vector<16xi32>,
    %add3A_546 = vector.broadcast %squeeze3A_515 : i32 to vector<16xi32>
    %add3A_547 = arith.addi %mul3A_41, %add3A_546 : vector<16xi32>
    %swap3A_548 = arith.constant 1 : i32
    %swap3A_549 = arith.index_cast %swap3A_548 : i32 to index
    %swap3A_550 = arith.constant 208 : index
    %swap3A_551 = tpu.vector_load %arg6[%swap3A_549, %swap3A_550] {strides = array<i32>} : memref<4x1024xi32, #tpu.memory_space<vmem>>, vector<16xi32>,
    tpu.vector_store %arg6[%swap3A_549, %swap3A_550], %add3A_547 {strides = array<i32>} : memref<4x1024xi32, #tpu.memory_space<vmem>>, vector<16xi32>,
    %add3A_552 = vector.broadcast %squeeze3A_515 : i32 to vector<16xi32>
    %add3A_553 = arith.addi %mul3A_47, %add3A_552 : vector<16xi32>
    %swap3A_554 = arith.constant 1 : i32
    %swap3A_555 = arith.index_cast %swap3A_554 : i32 to index
    %swap3A_556 = arith.constant 224 : index
    %swap3A_557 = tpu.vector_load %arg6[%swap3A_555, %swap3A_556] {strides = array<i32>} : memref<4x1024xi32, #tpu.memory_space<vmem>>, vector<16xi32>,
    tpu.vector_store %arg6[%swap3A_555, %swap3A_556], %add3A_553 {strides = array<i32>} : memref<4x1024xi32, #tpu.memory_space<vmem>>, vector<16xi32>,
    %add3A_558 = vector.broadcast %squeeze3A_515 : i32 to vector<16xi32>
    %add3A_559 = arith.addi %mul3A_53, %add3A_558 : vector<16xi32>
    %swap3A_560 = arith.constant 1 : i32
    %swap3A_561 = arith.index_cast %swap3A_560 : i32 to index
    %swap3A_562 = arith.constant 240 : index
    %swap3A_563 = tpu.vector_load %arg6[%swap3A_561, %swap3A_562] {strides = array<i32>} : memref<4x1024xi32, #tpu.memory_space<vmem>>, vector<16xi32>,
    tpu.vector_store %arg6[%swap3A_561, %swap3A_562], %add3A_559 {strides = array<i32>} : memref<4x1024xi32, #tpu.memory_space<vmem>>, vector<16xi32>,
    %slice3A_564 = vector.extract_strided_slice %get3A_463 {offsets = [10], sizes = [1], strides = [1]} : vector<16xi32> to vector<1xi32>
    %squeeze3A_565 = vector.extract %slice3A_564[0] : i32 from vector<1xi32>
    %add3A_566 = vector.broadcast %squeeze3A_565 : i32 to vector<16xi32>
    %add3A_567 = arith.addi %mul3A_11, %add3A_566 : vector<16xi32>
    %swap3A_568 = arith.constant 1 : i32
    %swap3A_569 = arith.index_cast %swap3A_568 : i32 to index
    %swap3A_570 = arith.constant 256 : index
    %swap3A_571 = tpu.vector_load %arg6[%swap3A_569, %swap3A_570] {strides = array<i32>} : memref<4x1024xi32, #tpu.memory_space<vmem>>, vector<16xi32>,
    tpu.vector_store %arg6[%swap3A_569, %swap3A_570], %add3A_567 {strides = array<i32>} : memref<4x1024xi32, #tpu.memory_space<vmem>>, vector<16xi32>,
    %add3A_572 = vector.broadcast %squeeze3A_565 : i32 to vector<16xi32>
    %add3A_573 = arith.addi %mul3A_17, %add3A_572 : vector<16xi32>
    %swap3A_574 = arith.constant 1 : i32
    %swap3A_575 = arith.index_cast %swap3A_574 : i32 to index
    %swap3A_576 = arith.constant 272 : index
    %swap3A_577 = tpu.vector_load %arg6[%swap3A_575, %swap3A_576] {strides = array<i32>} : memref<4x1024xi32, #tpu.memory_space<vmem>>, vector<16xi32>,
    tpu.vector_store %arg6[%swap3A_575, %swap3A_576], %add3A_573 {strides = array<i32>} : memref<4x1024xi32, #tpu.memory_space<vmem>>, vector<16xi32>,
    %add3A_578 = vector.broadcast %squeeze3A_565 : i32 to vector<16xi32>
    %add3A_579 = arith.addi %mul3A_23, %add3A_578 : vector<16xi32>
    %swap3A_580 = arith.constant 1 : i32
    %swap3A_581 = arith.index_cast %swap3A_580 : i32 to index
    %swap3A_582 = arith.constant 288 : index
    %swap3A_583 = tpu.vector_load %arg6[%swap3A_581, %swap3A_582] {strides = array<i32>} : memref<4x1024xi32, #tpu.memory_space<vmem>>, vector<16xi32>,
    tpu.vector_store %arg6[%swap3A_581, %swap3A_582], %add3A_579 {strides = array<i32>} : memref<4x1024xi32, #tpu.memory_space<vmem>>, vector<16xi32>,
    %add3A_584 = vector.broadcast %squeeze3A_565 : i32 to vector<16xi32>
    %add3A_585 = arith.addi %mul3A_29, %add3A_584 : vector<16xi32>
    %swap3A_586 = arith.constant 1 : i32
    %swap3A_587 = arith.index_cast %swap3A_586 : i32 to index
    %swap3A_588 = arith.constant 304 : index
    %swap3A_589 = tpu.vector_load %arg6[%swap3A_587, %swap3A_588] {strides = array<i32>} : memref<4x1024xi32, #tpu.memory_space<vmem>>, vector<16xi32>,
    tpu.vector_store %arg6[%swap3A_587, %swap3A_588], %add3A_585 {strides = array<i32>} : memref<4x1024xi32, #tpu.memory_space<vmem>>, vector<16xi32>,
    %add3A_590 = vector.broadcast %squeeze3A_565 : i32 to vector<16xi32>
    %add3A_591 = arith.addi %mul3A_35, %add3A_590 : vector<16xi32>
    %swap3A_592 = arith.constant 1 : i32
    %swap3A_593 = arith.index_cast %swap3A_592 : i32 to index
    %swap3A_594 = arith.constant 320 : index
    %swap3A_595 = tpu.vector_load %arg6[%swap3A_593, %swap3A_594] {strides = array<i32>} : memref<4x1024xi32, #tpu.memory_space<vmem>>, vector<16xi32>,
    tpu.vector_store %arg6[%swap3A_593, %swap3A_594], %add3A_591 {strides = array<i32>} : memref<4x1024xi32, #tpu.memory_space<vmem>>, vector<16xi32>,
    %add3A_596 = vector.broadcast %squeeze3A_565 : i32 to vector<16xi32>
    %add3A_597 = arith.addi %mul3A_41, %add3A_596 : vector<16xi32>
    %swap3A_598 = arith.constant 1 : i32
    %swap3A_599 = arith.index_cast %swap3A_598 : i32 to index
    %swap3A_600 = arith.constant 336 : index
    %swap3A_601 = tpu.vector_load %arg6[%swap3A_599, %swap3A_600] {strides = array<i32>} : memref<4x1024xi32, #tpu.memory_space<vmem>>, vector<16xi32>,
    tpu.vector_store %arg6[%swap3A_599, %swap3A_600], %add3A_597 {strides = array<i32>} : memref<4x1024xi32, #tpu.memory_space<vmem>>, vector<16xi32>,
    %add3A_602 = vector.broadcast %squeeze3A_565 : i32 to vector<16xi32>
    %add3A_603 = arith.addi %mul3A_47, %add3A_602 : vector<16xi32>
    %swap3A_604 = arith.constant 1 : i32
    %swap3A_605 = arith.index_cast %swap3A_604 : i32 to index
    %swap3A_606 = arith.constant 352 : index
    %swap3A_607 = tpu.vector_load %arg6[%swap3A_605, %swap3A_606] {strides = array<i32>} : memref<4x1024xi32, #tpu.memory_space<vmem>>, vector<16xi32>,
    tpu.vector_store %arg6[%swap3A_605, %swap3A_606], %add3A_603 {strides = array<i32>} : memref<4x1024xi32, #tpu.memory_space<vmem>>, vector<16xi32>,
    %add3A_608 = vector.broadcast %squeeze3A_565 : i32 to vector<16xi32>
    %add3A_609 = arith.addi %mul3A_53, %add3A_608 : vector<16xi32>
    %swap3A_610 = arith.constant 1 : i32
    %swap3A_611 = arith.index_cast %swap3A_610 : i32 to index
    %swap3A_612 = arith.constant 368 : index
    %swap3A_613 = tpu.vector_load %arg6[%swap3A_611, %swap3A_612] {strides = array<i32>} : memref<4x1024xi32, #tpu.memory_space<vmem>>, vector<16xi32>,
    tpu.vector_store %arg6[%swap3A_611, %swap3A_612], %add3A_609 {strides = array<i32>} : memref<4x1024xi32, #tpu.memory_space<vmem>>, vector<16xi32>,
    %slice3A_614 = vector.extract_strided_slice %get3A_463 {offsets = [11], sizes = [1], strides = [1]} : vector<16xi32> to vector<1xi32>
    %squeeze3A_615 = vector.extract %slice3A_614[0] : i32 from vector<1xi32>
    %add3A_616 = vector.broadcast %squeeze3A_615 : i32 to vector<16xi32>
    %add3A_617 = arith.addi %mul3A_11, %add3A_616 : vector<16xi32>
    %swap3A_618 = arith.constant 1 : i32
    %swap3A_619 = arith.index_cast %swap3A_618 : i32 to index
    %swap3A_620 = arith.constant 384 : index
    %swap3A_621 = tpu.vector_load %arg6[%swap3A_619, %swap3A_620] {strides = array<i32>} : memref<4x1024xi32, #tpu.memory_space<vmem>>, vector<16xi32>,
    tpu.vector_store %arg6[%swap3A_619, %swap3A_620], %add3A_617 {strides = array<i32>} : memref<4x1024xi32, #tpu.memory_space<vmem>>, vector<16xi32>,
    %add3A_622 = vector.broadcast %squeeze3A_615 : i32 to vector<16xi32>
    %add3A_623 = arith.addi %mul3A_17, %add3A_622 : vector<16xi32>
    %swap3A_624 = arith.constant 1 : i32
    %swap3A_625 = arith.index_cast %swap3A_624 : i32 to index
    %swap3A_626 = arith.constant 400 : index
    %swap3A_627 = tpu.vector_load %arg6[%swap3A_625, %swap3A_626] {strides = array<i32>} : memref<4x1024xi32, #tpu.memory_space<vmem>>, vector<16xi32>,
    tpu.vector_store %arg6[%swap3A_625, %swap3A_626], %add3A_623 {strides = array<i32>} : memref<4x1024xi32, #tpu.memory_space<vmem>>, vector<16xi32>,
    %add3A_628 = vector.broadcast %squeeze3A_615 : i32 to vector<16xi32>
    %add3A_629 = arith.addi %mul3A_23, %add3A_628 : vector<16xi32>
    %swap3A_630 = arith.constant 1 : i32
    %swap3A_631 = arith.index_cast %swap3A_630 : i32 to index
    %swap3A_632 = arith.constant 416 : index
    %swap3A_633 = tpu.vector_load %arg6[%swap3A_631, %swap3A_632] {strides = array<i32>} : memref<4x1024xi32, #tpu.memory_space<vmem>>, vector<16xi32>,
    tpu.vector_store %arg6[%swap3A_631, %swap3A_632], %add3A_629 {strides = array<i32>} : memref<4x1024xi32, #tpu.memory_space<vmem>>, vector<16xi32>,
    %add3A_634 = vector.broadcast %squeeze3A_615 : i32 to vector<16xi32>
    %add3A_635 = arith.addi %mul3A_29, %add3A_634 : vector<16xi32>
    %swap3A_636 = arith.constant 1 : i32
    %swap3A_637 = arith.index_cast %swap3A_636 : i32 to index
    %swap3A_638 = arith.constant 432 : index
    %swap3A_639 = tpu.vector_load %arg6[%swap3A_637, %swap3A_638] {strides = array<i32>} : memref<4x1024xi32, #tpu.memory_space<vmem>>, vector<16xi32>,
    tpu.vector_store %arg6[%swap3A_637, %swap3A_638], %add3A_635 {strides = array<i32>} : memref<4x1024xi32, #tpu.memory_space<vmem>>, vector<16xi32>,
    %add3A_640 = vector.broadcast %squeeze3A_615 : i32 to vector<16xi32>
    %add3A_641 = arith.addi %mul3A_35, %add3A_640 : vector<16xi32>
    %swap3A_642 = arith.constant 1 : i32
    %swap3A_643 = arith.index_cast %swap3A_642 : i32 to index
    %swap3A_644 = arith.constant 448 : index
    %swap3A_645 = tpu.vector_load %arg6[%swap3A_643, %swap3A_644] {strides = array<i32>} : memref<4x1024xi32, #tpu.memory_space<vmem>>, vector<16xi32>,
    tpu.vector_store %arg6[%swap3A_643, %swap3A_644], %add3A_641 {strides = array<i32>} : memref<4x1024xi32, #tpu.memory_space<vmem>>, vector<16xi32>,
    %add3A_646 = vector.broadcast %squeeze3A_615 : i32 to vector<16xi32>
    %add3A_647 = arith.addi %mul3A_41, %add3A_646 : vector<16xi32>
    %swap3A_648 = arith.constant 1 : i32
    %swap3A_649 = arith.index_cast %swap3A_648 : i32 to index
    %swap3A_650 = arith.constant 464 : index
    %swap3A_651 = tpu.vector_load %arg6[%swap3A_649, %swap3A_650] {strides = array<i32>} : memref<4x1024xi32, #tpu.memory_space<vmem>>, vector<16xi32>,
    tpu.vector_store %arg6[%swap3A_649, %swap3A_650], %add3A_647 {strides = array<i32>} : memref<4x1024xi32, #tpu.memory_space<vmem>>, vector<16xi32>,
    %add3A_652 = vector.broadcast %squeeze3A_615 : i32 to vector<16xi32>
    %add3A_653 = arith.addi %mul3A_47, %add3A_652 : vector<16xi32>
    %swap3A_654 = arith.constant 1 : i32
    %swap3A_655 = arith.index_cast %swap3A_654 : i32 to index
    %swap3A_656 = arith.constant 480 : index
    %swap3A_657 = tpu.vector_load %arg6[%swap3A_655, %swap3A_656] {strides = array<i32>} : memref<4x1024xi32, #tpu.memory_space<vmem>>, vector<16xi32>,
    tpu.vector_store %arg6[%swap3A_655, %swap3A_656], %add3A_653 {strides = array<i32>} : memref<4x1024xi32, #tpu.memory_space<vmem>>, vector<16xi32>,
    %add3A_658 = vector.broadcast %squeeze3A_615 : i32 to vector<16xi32>
    %add3A_659 = arith.addi %mul3A_53, %add3A_658 : vector<16xi32>
    %swap3A_660 = arith.constant 1 : i32
    %swap3A_661 = arith.index_cast %swap3A_660 : i32 to index
    %swap3A_662 = arith.constant 496 : index
    %swap3A_663 = tpu.vector_load %arg6[%swap3A_661, %swap3A_662] {strides = array<i32>} : memref<4x1024xi32, #tpu.memory_space<vmem>>, vector<16xi32>,
    tpu.vector_store %arg6[%swap3A_661, %swap3A_662], %add3A_659 {strides = array<i32>} : memref<4x1024xi32, #tpu.memory_space<vmem>>, vector<16xi32>,
    %slice3A_664 = vector.extract_strided_slice %get3A_463 {offsets = [12], sizes = [1], strides = [1]} : vector<16xi32> to vector<1xi32>
    %squeeze3A_665 = vector.extract %slice3A_664[0] : i32 from vector<1xi32>
    %add3A_666 = vector.broadcast %squeeze3A_665 : i32 to vector<16xi32>
    %add3A_667 = arith.addi %mul3A_11, %add3A_666 : vector<16xi32>
    %swap3A_668 = arith.constant 1 : i32
    %swap3A_669 = arith.index_cast %swap3A_668 : i32 to index
    %swap3A_670 = arith.constant 512 : index
    %swap3A_671 = tpu.vector_load %arg6[%swap3A_669, %swap3A_670] {strides = array<i32>} : memref<4x1024xi32, #tpu.memory_space<vmem>>, vector<16xi32>,
    tpu.vector_store %arg6[%swap3A_669, %swap3A_670], %add3A_667 {strides = array<i32>} : memref<4x1024xi32, #tpu.memory_space<vmem>>, vector<16xi32>,
    %add3A_672 = vector.broadcast %squeeze3A_665 : i32 to vector<16xi32>
    %add3A_673 = arith.addi %mul3A_17, %add3A_672 : vector<16xi32>
    %swap3A_674 = arith.constant 1 : i32
    %swap3A_675 = arith.index_cast %swap3A_674 : i32 to index
    %swap3A_676 = arith.constant 528 : index
    %swap3A_677 = tpu.vector_load %arg6[%swap3A_675, %swap3A_676] {strides = array<i32>} : memref<4x1024xi32, #tpu.memory_space<vmem>>, vector<16xi32>,
    tpu.vector_store %arg6[%swap3A_675, %swap3A_676], %add3A_673 {strides = array<i32>} : memref<4x1024xi32, #tpu.memory_space<vmem>>, vector<16xi32>,
    %add3A_678 = vector.broadcast %squeeze3A_665 : i32 to vector<16xi32>
    %add3A_679 = arith.addi %mul3A_23, %add3A_678 : vector<16xi32>
    %swap3A_680 = arith.constant 1 : i32
    %swap3A_681 = arith.index_cast %swap3A_680 : i32 to index
    %swap3A_682 = arith.constant 544 : index
    %swap3A_683 = tpu.vector_load %arg6[%swap3A_681, %swap3A_682] {strides = array<i32>} : memref<4x1024xi32, #tpu.memory_space<vmem>>, vector<16xi32>,
    tpu.vector_store %arg6[%swap3A_681, %swap3A_682], %add3A_679 {strides = array<i32>} : memref<4x1024xi32, #tpu.memory_space<vmem>>, vector<16xi32>,
    %add3A_684 = vector.broadcast %squeeze3A_665 : i32 to vector<16xi32>
    %add3A_685 = arith.addi %mul3A_29, %add3A_684 : vector<16xi32>
    %swap3A_686 = arith.constant 1 : i32
    %swap3A_687 = arith.index_cast %swap3A_686 : i32 to index
    %swap3A_688 = arith.constant 560 : index
    %swap3A_689 = tpu.vector_load %arg6[%swap3A_687, %swap3A_688] {strides = array<i32>} : memref<4x1024xi32, #tpu.memory_space<vmem>>, vector<16xi32>,
    tpu.vector_store %arg6[%swap3A_687, %swap3A_688], %add3A_685 {strides = array<i32>} : memref<4x1024xi32, #tpu.memory_space<vmem>>, vector<16xi32>,
    %add3A_690 = vector.broadcast %squeeze3A_665 : i32 to vector<16xi32>
    %add3A_691 = arith.addi %mul3A_35, %add3A_690 : vector<16xi32>
    %swap3A_692 = arith.constant 1 : i32
    %swap3A_693 = arith.index_cast %swap3A_692 : i32 to index
    %swap3A_694 = arith.constant 576 : index
    %swap3A_695 = tpu.vector_load %arg6[%swap3A_693, %swap3A_694] {strides = array<i32>} : memref<4x1024xi32, #tpu.memory_space<vmem>>, vector<16xi32>,
    tpu.vector_store %arg6[%swap3A_693, %swap3A_694], %add3A_691 {strides = array<i32>} : memref<4x1024xi32, #tpu.memory_space<vmem>>, vector<16xi32>,
    %add3A_696 = vector.broadcast %squeeze3A_665 : i32 to vector<16xi32>
    %add3A_697 = arith.addi %mul3A_41, %add3A_696 : vector<16xi32>
    %swap3A_698 = arith.constant 1 : i32
    %swap3A_699 = arith.index_cast %swap3A_698 : i32 to index
    %swap3A_700 = arith.constant 592 : index
    %swap3A_701 = tpu.vector_load %arg6[%swap3A_699, %swap3A_700] {strides = array<i32>} : memref<4x1024xi32, #tpu.memory_space<vmem>>, vector<16xi32>,
    tpu.vector_store %arg6[%swap3A_699, %swap3A_700], %add3A_697 {strides = array<i32>} : memref<4x1024xi32, #tpu.memory_space<vmem>>, vector<16xi32>,
    %add3A_702 = vector.broadcast %squeeze3A_665 : i32 to vector<16xi32>
    %add3A_703 = arith.addi %mul3A_47, %add3A_702 : vector<16xi32>
    %swap3A_704 = arith.constant 1 : i32
    %swap3A_705 = arith.index_cast %swap3A_704 : i32 to index
    %swap3A_706 = arith.constant 608 : index
    %swap3A_707 = tpu.vector_load %arg6[%swap3A_705, %swap3A_706] {strides = array<i32>} : memref<4x1024xi32, #tpu.memory_space<vmem>>, vector<16xi32>,
    tpu.vector_store %arg6[%swap3A_705, %swap3A_706], %add3A_703 {strides = array<i32>} : memref<4x1024xi32, #tpu.memory_space<vmem>>, vector<16xi32>,
    %add3A_708 = vector.broadcast %squeeze3A_665 : i32 to vector<16xi32>
    %add3A_709 = arith.addi %mul3A_53, %add3A_708 : vector<16xi32>
    %swap3A_710 = arith.constant 1 : i32
    %swap3A_711 = arith.index_cast %swap3A_710 : i32 to index
    %swap3A_712 = arith.constant 624 : index
    %swap3A_713 = tpu.vector_load %arg6[%swap3A_711, %swap3A_712] {strides = array<i32>} : memref<4x1024xi32, #tpu.memory_space<vmem>>, vector<16xi32>,
    tpu.vector_store %arg6[%swap3A_711, %swap3A_712], %add3A_709 {strides = array<i32>} : memref<4x1024xi32, #tpu.memory_space<vmem>>, vector<16xi32>,
    %slice3A_714 = vector.extract_strided_slice %get3A_463 {offsets = [13], sizes = [1], strides = [1]} : vector<16xi32> to vector<1xi32>
    %squeeze3A_715 = vector.extract %slice3A_714[0] : i32 from vector<1xi32>
    %add3A_716 = vector.broadcast %squeeze3A_715 : i32 to vector<16xi32>
    %add3A_717 = arith.addi %mul3A_11, %add3A_716 : vector<16xi32>
    %swap3A_718 = arith.constant 1 : i32
    %swap3A_719 = arith.index_cast %swap3A_718 : i32 to index
    %swap3A_720 = arith.constant 640 : index
    %swap3A_721 = tpu.vector_load %arg6[%swap3A_719, %swap3A_720] {strides = array<i32>} : memref<4x1024xi32, #tpu.memory_space<vmem>>, vector<16xi32>,
    tpu.vector_store %arg6[%swap3A_719, %swap3A_720], %add3A_717 {strides = array<i32>} : memref<4x1024xi32, #tpu.memory_space<vmem>>, vector<16xi32>,
    %add3A_722 = vector.broadcast %squeeze3A_715 : i32 to vector<16xi32>
    %add3A_723 = arith.addi %mul3A_17, %add3A_722 : vector<16xi32>
    %swap3A_724 = arith.constant 1 : i32
    %swap3A_725 = arith.index_cast %swap3A_724 : i32 to index
    %swap3A_726 = arith.constant 656 : index
    %swap3A_727 = tpu.vector_load %arg6[%swap3A_725, %swap3A_726] {strides = array<i32>} : memref<4x1024xi32, #tpu.memory_space<vmem>>, vector<16xi32>,
    tpu.vector_store %arg6[%swap3A_725, %swap3A_726], %add3A_723 {strides = array<i32>} : memref<4x1024xi32, #tpu.memory_space<vmem>>, vector<16xi32>,
    %add3A_728 = vector.broadcast %squeeze3A_715 : i32 to vector<16xi32>
    %add3A_729 = arith.addi %mul3A_23, %add3A_728 : vector<16xi32>
    %swap3A_730 = arith.constant 1 : i32
    %swap3A_731 = arith.index_cast %swap3A_730 : i32 to index
    %swap3A_732 = arith.constant 672 : index
    %swap3A_733 = tpu.vector_load %arg6[%swap3A_731, %swap3A_732] {strides = array<i32>} : memref<4x1024xi32, #tpu.memory_space<vmem>>, vector<16xi32>,
    tpu.vector_store %arg6[%swap3A_731, %swap3A_732], %add3A_729 {strides = array<i32>} : memref<4x1024xi32, #tpu.memory_space<vmem>>, vector<16xi32>,
    %add3A_734 = vector.broadcast %squeeze3A_715 : i32 to vector<16xi32>
    %add3A_735 = arith.addi %mul3A_29, %add3A_734 : vector<16xi32>
    %swap3A_736 = arith.constant 1 : i32
    %swap3A_737 = arith.index_cast %swap3A_736 : i32 to index
    %swap3A_738 = arith.constant 688 : index
    %swap3A_739 = tpu.vector_load %arg6[%swap3A_737, %swap3A_738] {strides = array<i32>} : memref<4x1024xi32, #tpu.memory_space<vmem>>, vector<16xi32>,
    tpu.vector_store %arg6[%swap3A_737, %swap3A_738], %add3A_735 {strides = array<i32>} : memref<4x1024xi32, #tpu.memory_space<vmem>>, vector<16xi32>,
    %add3A_740 = vector.broadcast %squeeze3A_715 : i32 to vector<16xi32>
    %add3A_741 = arith.addi %mul3A_35, %add3A_740 : vector<16xi32>
    %swap3A_742 = arith.constant 1 : i32
    %swap3A_743 = arith.index_cast %swap3A_742 : i32 to index
    %swap3A_744 = arith.constant 704 : index
    %swap3A_745 = tpu.vector_load %arg6[%swap3A_743, %swap3A_744] {strides = array<i32>} : memref<4x1024xi32, #tpu.memory_space<vmem>>, vector<16xi32>,
    tpu.vector_store %arg6[%swap3A_743, %swap3A_744], %add3A_741 {strides = array<i32>} : memref<4x1024xi32, #tpu.memory_space<vmem>>, vector<16xi32>,
    %add3A_746 = vector.broadcast %squeeze3A_715 : i32 to vector<16xi32>
    %add3A_747 = arith.addi %mul3A_41, %add3A_746 : vector<16xi32>
    %swap3A_748 = arith.constant 1 : i32
    %swap3A_749 = arith.index_cast %swap3A_748 : i32 to index
    %swap3A_750 = arith.constant 720 : index
    %swap3A_751 = tpu.vector_load %arg6[%swap3A_749, %swap3A_750] {strides = array<i32>} : memref<4x1024xi32, #tpu.memory_space<vmem>>, vector<16xi32>,
    tpu.vector_store %arg6[%swap3A_749, %swap3A_750], %add3A_747 {strides = array<i32>} : memref<4x1024xi32, #tpu.memory_space<vmem>>, vector<16xi32>,
    %add3A_752 = vector.broadcast %squeeze3A_715 : i32 to vector<16xi32>
    %add3A_753 = arith.addi %mul3A_47, %add3A_752 : vector<16xi32>
    %swap3A_754 = arith.constant 1 : i32
    %swap3A_755 = arith.index_cast %swap3A_754 : i32 to index
    %swap3A_756 = arith.constant 736 : index
    %swap3A_757 = tpu.vector_load %arg6[%swap3A_755, %swap3A_756] {strides = array<i32>} : memref<4x1024xi32, #tpu.memory_space<vmem>>, vector<16xi32>,
    tpu.vector_store %arg6[%swap3A_755, %swap3A_756], %add3A_753 {strides = array<i32>} : memref<4x1024xi32, #tpu.memory_space<vmem>>, vector<16xi32>,
    %add3A_758 = vector.broadcast %squeeze3A_715 : i32 to vector<16xi32>
    %add3A_759 = arith.addi %mul3A_53, %add3A_758 : vector<16xi32>
    %swap3A_760 = arith.constant 1 : i32
    %swap3A_761 = arith.index_cast %swap3A_760 : i32 to index
    %swap3A_762 = arith.constant 752 : index
    %swap3A_763 = tpu.vector_load %arg6[%swap3A_761, %swap3A_762] {strides = array<i32>} : memref<4x1024xi32, #tpu.memory_space<vmem>>, vector<16xi32>,
    tpu.vector_store %arg6[%swap3A_761, %swap3A_762], %add3A_759 {strides = array<i32>} : memref<4x1024xi32, #tpu.memory_space<vmem>>, vector<16xi32>,
    %slice3A_764 = vector.extract_strided_slice %get3A_463 {offsets = [14], sizes = [1], strides = [1]} : vector<16xi32> to vector<1xi32>
    %squeeze3A_765 = vector.extract %slice3A_764[0] : i32 from vector<1xi32>
    %add3A_766 = vector.broadcast %squeeze3A_765 : i32 to vector<16xi32>
    %add3A_767 = arith.addi %mul3A_11, %add3A_766 : vector<16xi32>
    %swap3A_768 = arith.constant 1 : i32
    %swap3A_769 = arith.index_cast %swap3A_768 : i32 to index
    %swap3A_770 = arith.constant 768 : index
    %swap3A_771 = tpu.vector_load %arg6[%swap3A_769, %swap3A_770] {strides = array<i32>} : memref<4x1024xi32, #tpu.memory_space<vmem>>, vector<16xi32>,
    tpu.vector_store %arg6[%swap3A_769, %swap3A_770], %add3A_767 {strides = array<i32>} : memref<4x1024xi32, #tpu.memory_space<vmem>>, vector<16xi32>,
    %add3A_772 = vector.broadcast %squeeze3A_765 : i32 to vector<16xi32>
    %add3A_773 = arith.addi %mul3A_17, %add3A_772 : vector<16xi32>
    %swap3A_774 = arith.constant 1 : i32
    %swap3A_775 = arith.index_cast %swap3A_774 : i32 to index
    %swap3A_776 = arith.constant 784 : index
    %swap3A_777 = tpu.vector_load %arg6[%swap3A_775, %swap3A_776] {strides = array<i32>} : memref<4x1024xi32, #tpu.memory_space<vmem>>, vector<16xi32>,
    tpu.vector_store %arg6[%swap3A_775, %swap3A_776], %add3A_773 {strides = array<i32>} : memref<4x1024xi32, #tpu.memory_space<vmem>>, vector<16xi32>,
    %add3A_778 = vector.broadcast %squeeze3A_765 : i32 to vector<16xi32>
    %add3A_779 = arith.addi %mul3A_23, %add3A_778 : vector<16xi32>
    %swap3A_780 = arith.constant 1 : i32
    %swap3A_781 = arith.index_cast %swap3A_780 : i32 to index
    %swap3A_782 = arith.constant 800 : index
    %swap3A_783 = tpu.vector_load %arg6[%swap3A_781, %swap3A_782] {strides = array<i32>} : memref<4x1024xi32, #tpu.memory_space<vmem>>, vector<16xi32>,
    tpu.vector_store %arg6[%swap3A_781, %swap3A_782], %add3A_779 {strides = array<i32>} : memref<4x1024xi32, #tpu.memory_space<vmem>>, vector<16xi32>,
    %add3A_784 = vector.broadcast %squeeze3A_765 : i32 to vector<16xi32>
    %add3A_785 = arith.addi %mul3A_29, %add3A_784 : vector<16xi32>
    %swap3A_786 = arith.constant 1 : i32
    %swap3A_787 = arith.index_cast %swap3A_786 : i32 to index
    %swap3A_788 = arith.constant 816 : index
    %swap3A_789 = tpu.vector_load %arg6[%swap3A_787, %swap3A_788] {strides = array<i32>} : memref<4x1024xi32, #tpu.memory_space<vmem>>, vector<16xi32>,
    tpu.vector_store %arg6[%swap3A_787, %swap3A_788], %add3A_785 {strides = array<i32>} : memref<4x1024xi32, #tpu.memory_space<vmem>>, vector<16xi32>,
    %add3A_790 = vector.broadcast %squeeze3A_765 : i32 to vector<16xi32>
    %add3A_791 = arith.addi %mul3A_35, %add3A_790 : vector<16xi32>
    %swap3A_792 = arith.constant 1 : i32
    %swap3A_793 = arith.index_cast %swap3A_792 : i32 to index
    %swap3A_794 = arith.constant 832 : index
    %swap3A_795 = tpu.vector_load %arg6[%swap3A_793, %swap3A_794] {strides = array<i32>} : memref<4x1024xi32, #tpu.memory_space<vmem>>, vector<16xi32>,
    tpu.vector_store %arg6[%swap3A_793, %swap3A_794], %add3A_791 {strides = array<i32>} : memref<4x1024xi32, #tpu.memory_space<vmem>>, vector<16xi32>,
    %add3A_796 = vector.broadcast %squeeze3A_765 : i32 to vector<16xi32>
    %add3A_797 = arith.addi %mul3A_41, %add3A_796 : vector<16xi32>
    %swap3A_798 = arith.constant 1 : i32
    %swap3A_799 = arith.index_cast %swap3A_798 : i32 to index
    %swap3A_800 = arith.constant 848 : index
    %swap3A_801 = tpu.vector_load %arg6[%swap3A_799, %swap3A_800] {strides = array<i32>} : memref<4x1024xi32, #tpu.memory_space<vmem>>, vector<16xi32>,
    tpu.vector_store %arg6[%swap3A_799, %swap3A_800], %add3A_797 {strides = array<i32>} : memref<4x1024xi32, #tpu.memory_space<vmem>>, vector<16xi32>,
    %add3A_802 = vector.broadcast %squeeze3A_765 : i32 to vector<16xi32>
    %add3A_803 = arith.addi %mul3A_47, %add3A_802 : vector<16xi32>
    %swap3A_804 = arith.constant 1 : i32
    %swap3A_805 = arith.index_cast %swap3A_804 : i32 to index
    %swap3A_806 = arith.constant 864 : index
    %swap3A_807 = tpu.vector_load %arg6[%swap3A_805, %swap3A_806] {strides = array<i32>} : memref<4x1024xi32, #tpu.memory_space<vmem>>, vector<16xi32>,
    tpu.vector_store %arg6[%swap3A_805, %swap3A_806], %add3A_803 {strides = array<i32>} : memref<4x1024xi32, #tpu.memory_space<vmem>>, vector<16xi32>,
    %add3A_808 = vector.broadcast %squeeze3A_765 : i32 to vector<16xi32>
    %add3A_809 = arith.addi %mul3A_53, %add3A_808 : vector<16xi32>
    %swap3A_810 = arith.constant 1 : i32
    %swap3A_811 = arith.index_cast %swap3A_810 : i32 to index
    %swap3A_812 = arith.constant 880 : index
    %swap3A_813 = tpu.vector_load %arg6[%swap3A_811, %swap3A_812] {strides = array<i32>} : memref<4x1024xi32, #tpu.memory_space<vmem>>, vector<16xi32>,
    tpu.vector_store %arg6[%swap3A_811, %swap3A_812], %add3A_809 {strides = array<i32>} : memref<4x1024xi32, #tpu.memory_space<vmem>>, vector<16xi32>,
    %slice3A_814 = vector.extract_strided_slice %get3A_463 {offsets = [15], sizes = [1], strides = [1]} : vector<16xi32> to vector<1xi32>
    %squeeze3A_815 = vector.extract %slice3A_814[0] : i32 from vector<1xi32>
    %add3A_816 = vector.broadcast %squeeze3A_815 : i32 to vector<16xi32>
    %add3A_817 = arith.addi %mul3A_11, %add3A_816 : vector<16xi32>
    %swap3A_818 = arith.constant 1 : i32
    %swap3A_819 = arith.index_cast %swap3A_818 : i32 to index
    %swap3A_820 = arith.constant 896 : index
    %swap3A_821 = tpu.vector_load %arg6[%swap3A_819, %swap3A_820] {strides = array<i32>} : memref<4x1024xi32, #tpu.memory_space<vmem>>, vector<16xi32>,
    tpu.vector_store %arg6[%swap3A_819, %swap3A_820], %add3A_817 {strides = array<i32>} : memref<4x1024xi32, #tpu.memory_space<vmem>>, vector<16xi32>,
    %add3A_822 = vector.broadcast %squeeze3A_815 : i32 to vector<16xi32>
    %add3A_823 = arith.addi %mul3A_17, %add3A_822 : vector<16xi32>
    %swap3A_824 = arith.constant 1 : i32
    %swap3A_825 = arith.index_cast %swap3A_824 : i32 to index
    %swap3A_826 = arith.constant 912 : index
    %swap3A_827 = tpu.vector_load %arg6[%swap3A_825, %swap3A_826] {strides = array<i32>} : memref<4x1024xi32, #tpu.memory_space<vmem>>, vector<16xi32>,
    tpu.vector_store %arg6[%swap3A_825, %swap3A_826], %add3A_823 {strides = array<i32>} : memref<4x1024xi32, #tpu.memory_space<vmem>>, vector<16xi32>,
    %add3A_828 = vector.broadcast %squeeze3A_815 : i32 to vector<16xi32>
    %add3A_829 = arith.addi %mul3A_23, %add3A_828 : vector<16xi32>
    %swap3A_830 = arith.constant 1 : i32
    %swap3A_831 = arith.index_cast %swap3A_830 : i32 to index
    %swap3A_832 = arith.constant 928 : index
    %swap3A_833 = tpu.vector_load %arg6[%swap3A_831, %swap3A_832] {strides = array<i32>} : memref<4x1024xi32, #tpu.memory_space<vmem>>, vector<16xi32>,
    tpu.vector_store %arg6[%swap3A_831, %swap3A_832], %add3A_829 {strides = array<i32>} : memref<4x1024xi32, #tpu.memory_space<vmem>>, vector<16xi32>,
    %add3A_834 = vector.broadcast %squeeze3A_815 : i32 to vector<16xi32>
    %add3A_835 = arith.addi %mul3A_29, %add3A_834 : vector<16xi32>
    %swap3A_836 = arith.constant 1 : i32
    %swap3A_837 = arith.index_cast %swap3A_836 : i32 to index
    %swap3A_838 = arith.constant 944 : index
    %swap3A_839 = tpu.vector_load %arg6[%swap3A_837, %swap3A_838] {strides = array<i32>} : memref<4x1024xi32, #tpu.memory_space<vmem>>, vector<16xi32>,
    tpu.vector_store %arg6[%swap3A_837, %swap3A_838], %add3A_835 {strides = array<i32>} : memref<4x1024xi32, #tpu.memory_space<vmem>>, vector<16xi32>,
    %add3A_840 = vector.broadcast %squeeze3A_815 : i32 to vector<16xi32>
    %add3A_841 = arith.addi %mul3A_35, %add3A_840 : vector<16xi32>
    %swap3A_842 = arith.constant 1 : i32
    %swap3A_843 = arith.index_cast %swap3A_842 : i32 to index
    %swap3A_844 = arith.constant 960 : index
    %swap3A_845 = tpu.vector_load %arg6[%swap3A_843, %swap3A_844] {strides = array<i32>} : memref<4x1024xi32, #tpu.memory_space<vmem>>, vector<16xi32>,
    tpu.vector_store %arg6[%swap3A_843, %swap3A_844], %add3A_841 {strides = array<i32>} : memref<4x1024xi32, #tpu.memory_space<vmem>>, vector<16xi32>,
    %add3A_846 = vector.broadcast %squeeze3A_815 : i32 to vector<16xi32>
    %add3A_847 = arith.addi %mul3A_41, %add3A_846 : vector<16xi32>
    %swap3A_848 = arith.constant 1 : i32
    %swap3A_849 = arith.index_cast %swap3A_848 : i32 to index
    %swap3A_850 = arith.constant 976 : index
    %swap3A_851 = tpu.vector_load %arg6[%swap3A_849, %swap3A_850] {strides = array<i32>} : memref<4x1024xi32, #tpu.memory_space<vmem>>, vector<16xi32>,
    tpu.vector_store %arg6[%swap3A_849, %swap3A_850], %add3A_847 {strides = array<i32>} : memref<4x1024xi32, #tpu.memory_space<vmem>>, vector<16xi32>,
    %add3A_852 = vector.broadcast %squeeze3A_815 : i32 to vector<16xi32>
    %add3A_853 = arith.addi %mul3A_47, %add3A_852 : vector<16xi32>
    %swap3A_854 = arith.constant 1 : i32
    %swap3A_855 = arith.index_cast %swap3A_854 : i32 to index
    %swap3A_856 = arith.constant 992 : index
    %swap3A_857 = tpu.vector_load %arg6[%swap3A_855, %swap3A_856] {strides = array<i32>} : memref<4x1024xi32, #tpu.memory_space<vmem>>, vector<16xi32>,
    tpu.vector_store %arg6[%swap3A_855, %swap3A_856], %add3A_853 {strides = array<i32>} : memref<4x1024xi32, #tpu.memory_space<vmem>>, vector<16xi32>,
    %add3A_858 = vector.broadcast %squeeze3A_815 : i32 to vector<16xi32>
    %add3A_859 = arith.addi %mul3A_53, %add3A_858 : vector<16xi32>
    %swap3A_860 = arith.constant 1 : i32
    %swap3A_861 = arith.index_cast %swap3A_860 : i32 to index
    %swap3A_862 = arith.constant 1008 : index
    %swap3A_863 = tpu.vector_load %arg6[%swap3A_861, %swap3A_862] {strides = array<i32>} : memref<4x1024xi32, #tpu.memory_space<vmem>>, vector<16xi32>,
    tpu.vector_store %arg6[%swap3A_861, %swap3A_862], %add3A_859 {strides = array<i32>} : memref<4x1024xi32, #tpu.memory_space<vmem>>, vector<16xi32>,
    %dma_start3A_864 = arith.constant 1 : i32
    %dma_start3A_865 = arith.constant 0 : i32
    %dma_start3A_866 = tpu.memref_slice %arg6[%dma_start3A_864, %dma_start3A_865] : memref<4x1024xi32, #tpu.memory_space<vmem>> -> memref<1x1024xi32, #tpu.memory_space<vmem>>
    %dma_start3A_867 = tpu.memref_squeeze %dma_start3A_866 : memref<1x1024xi32, #tpu.memory_space<vmem>> -> memref<1024xi32, #tpu.memory_space<vmem>>
    %dma_start3A_868 = arith.constant 0 : i32
    %dma_start3A_869 = arith.constant 0 : i32
    %dma_start3A_870 = tpu.memref_slice %arg2[%dma_start3A_868, %dma_start3A_869] : memref<4718592x16xf32, #tpu.memory_space<hbm>> -> memref<4718592x16xf32, #tpu.memory_space<hbm>>
    tpu.enqueue_indirect_dma source(%dma_start3A_870 : memref<4718592x16xf32, #tpu.memory_space<hbm>>) target(%arg8 : memref<1024x16xf32, #tpu.memory_space<vmem>>) offsets(%dma_start3A_867 : memref<1024xi32, #tpu.memory_space<vmem>>) semaphore(%arg14 : memref<!tpu.dma_semaphore, #tpu.memory_space<semaphore_mem>>)
    %scan3A = arith.constant 0 : i32
    %scan3A_871 = arith.constant 0 : i32
    %scan3A_872 = arith.constant 16 : i32
    %scan3A_873 = arith.addi %scan3A_871, %scan3A_872 : i32
    %scan3A_874 = arith.constant 1 : i32
    scf.for %scan3A_921 = %scan3A_871 to %scan3A_873 step %scan3A_874  : i32 {
      %mul3A_922 = arith.constant 2 : i32
      %mul3A_923 = arith.muli %mul3A_922, %scan3A_921 : i32
      %add3A_924 = arith.constant 1 : i32
      %add3A_925 = arith.addi %mul3A_923, %add3A_924 : i32
      %add3A_926 = arith.constant 1 : i32
      %add3A_927 = arith.addi %add3A_925, %add3A_926 : i32
      %min3A = arith.constant 31 : i32
      %min3A_928 = arith.minsi %add3A_927, %min3A : i32
      %add3A_929 = arith.addi %mul3A_2, %mul3A_923 : i32
      %add3A_930 = arith.constant 1 : i32
      %add3A_931 = arith.addi %add3A_929, %add3A_930 : i32
      %get3A_932 = arith.index_cast %add3A_925 : i32 to index
      %get3A_933 = arith.constant 0 : index
      %get3A_934 = tpu.vector_load %arg5[%get3A_932, %get3A_933] {strides = array<i32>} : memref<32x16xi32, #tpu.memory_space<vmem>>, vector<16xi32>,
      %slice3A_935 = vector.extract_strided_slice %get3A_934 {offsets = [0], sizes = [1], strides = [1]} : vector<16xi32> to vector<1xi32>
      %squeeze3A_936 = vector.extract %slice3A_935[0] : i32 from vector<1xi32>
      %add3A_937 = vector.broadcast %squeeze3A_936 : i32 to vector<16xi32>
      %add3A_938 = arith.addi %mul3A_11, %add3A_937 : vector<16xi32>
      %swap3A_939 = arith.constant 2 : i32
      %swap3A_940 = arith.index_cast %swap3A_939 : i32 to index
      %swap3A_941 = arith.constant 0 : index
      %swap3A_942 = tpu.vector_load %arg6[%swap3A_940, %swap3A_941] {strides = array<i32>} : memref<4x1024xi32, #tpu.memory_space<vmem>>, vector<16xi32>,
      tpu.vector_store %arg6[%swap3A_940, %swap3A_941], %add3A_938 {strides = array<i32>} : memref<4x1024xi32, #tpu.memory_space<vmem>>, vector<16xi32>,
      %add3A_943 = vector.broadcast %squeeze3A_936 : i32 to vector<16xi32>
      %add3A_944 = arith.addi %mul3A_17, %add3A_943 : vector<16xi32>
      %swap3A_945 = arith.constant 2 : i32
      %swap3A_946 = arith.index_cast %swap3A_945 : i32 to index
      %swap3A_947 = arith.constant 16 : index
      %swap3A_948 = tpu.vector_load %arg6[%swap3A_946, %swap3A_947] {strides = array<i32>} : memref<4x1024xi32, #tpu.memory_space<vmem>>, vector<16xi32>,
      tpu.vector_store %arg6[%swap3A_946, %swap3A_947], %add3A_944 {strides = array<i32>} : memref<4x1024xi32, #tpu.memory_space<vmem>>, vector<16xi32>,
      %add3A_949 = vector.broadcast %squeeze3A_936 : i32 to vector<16xi32>
      %add3A_950 = arith.addi %mul3A_23, %add3A_949 : vector<16xi32>
      %swap3A_951 = arith.constant 2 : i32
      %swap3A_952 = arith.index_cast %swap3A_951 : i32 to index
      %swap3A_953 = arith.constant 32 : index
      %swap3A_954 = tpu.vector_load %arg6[%swap3A_952, %swap3A_953] {strides = array<i32>} : memref<4x1024xi32, #tpu.memory_space<vmem>>, vector<16xi32>,
      tpu.vector_store %arg6[%swap3A_952, %swap3A_953], %add3A_950 {strides = array<i32>} : memref<4x1024xi32, #tpu.memory_space<vmem>>, vector<16xi32>,
      %add3A_955 = vector.broadcast %squeeze3A_936 : i32 to vector<16xi32>
      %add3A_956 = arith.addi %mul3A_29, %add3A_955 : vector<16xi32>
      %swap3A_957 = arith.constant 2 : i32
      %swap3A_958 = arith.index_cast %swap3A_957 : i32 to index
      %swap3A_959 = arith.constant 48 : index
      %swap3A_960 = tpu.vector_load %arg6[%swap3A_958, %swap3A_959] {strides = array<i32>} : memref<4x1024xi32, #tpu.memory_space<vmem>>, vector<16xi32>,
      tpu.vector_store %arg6[%swap3A_958, %swap3A_959], %add3A_956 {strides = array<i32>} : memref<4x1024xi32, #tpu.memory_space<vmem>>, vector<16xi32>,
      %add3A_961 = vector.broadcast %squeeze3A_936 : i32 to vector<16xi32>
      %add3A_962 = arith.addi %mul3A_35, %add3A_961 : vector<16xi32>
      %swap3A_963 = arith.constant 2 : i32
      %swap3A_964 = arith.index_cast %swap3A_963 : i32 to index
      %swap3A_965 = arith.constant 64 : index
      %swap3A_966 = tpu.vector_load %arg6[%swap3A_964, %swap3A_965] {strides = array<i32>} : memref<4x1024xi32, #tpu.memory_space<vmem>>, vector<16xi32>,
      tpu.vector_store %arg6[%swap3A_964, %swap3A_965], %add3A_962 {strides = array<i32>} : memref<4x1024xi32, #tpu.memory_space<vmem>>, vector<16xi32>,
      %add3A_967 = vector.broadcast %squeeze3A_936 : i32 to vector<16xi32>
      %add3A_968 = arith.addi %mul3A_41, %add3A_967 : vector<16xi32>
      %swap3A_969 = arith.constant 2 : i32
      %swap3A_970 = arith.index_cast %swap3A_969 : i32 to index
      %swap3A_971 = arith.constant 80 : index
      %swap3A_972 = tpu.vector_load %arg6[%swap3A_970, %swap3A_971] {strides = array<i32>} : memref<4x1024xi32, #tpu.memory_space<vmem>>, vector<16xi32>,
      tpu.vector_store %arg6[%swap3A_970, %swap3A_971], %add3A_968 {strides = array<i32>} : memref<4x1024xi32, #tpu.memory_space<vmem>>, vector<16xi32>,
      %add3A_973 = vector.broadcast %squeeze3A_936 : i32 to vector<16xi32>
      %add3A_974 = arith.addi %mul3A_47, %add3A_973 : vector<16xi32>
      %swap3A_975 = arith.constant 2 : i32
      %swap3A_976 = arith.index_cast %swap3A_975 : i32 to index
      %swap3A_977 = arith.constant 96 : index
      %swap3A_978 = tpu.vector_load %arg6[%swap3A_976, %swap3A_977] {strides = array<i32>} : memref<4x1024xi32, #tpu.memory_space<vmem>>, vector<16xi32>,
      tpu.vector_store %arg6[%swap3A_976, %swap3A_977], %add3A_974 {strides = array<i32>} : memref<4x1024xi32, #tpu.memory_space<vmem>>, vector<16xi32>,
      %add3A_979 = vector.broadcast %squeeze3A_936 : i32 to vector<16xi32>
      %add3A_980 = arith.addi %mul3A_53, %add3A_979 : vector<16xi32>
      %swap3A_981 = arith.constant 2 : i32
      %swap3A_982 = arith.index_cast %swap3A_981 : i32 to index
      %swap3A_983 = arith.constant 112 : index
      %swap3A_984 = tpu.vector_load %arg6[%swap3A_982, %swap3A_983] {strides = array<i32>} : memref<4x1024xi32, #tpu.memory_space<vmem>>, vector<16xi32>,
      tpu.vector_store %arg6[%swap3A_982, %swap3A_983], %add3A_980 {strides = array<i32>} : memref<4x1024xi32, #tpu.memory_space<vmem>>, vector<16xi32>,
      %slice3A_985 = vector.extract_strided_slice %get3A_934 {offsets = [1], sizes = [1], strides = [1]} : vector<16xi32> to vector<1xi32>
      %squeeze3A_986 = vector.extract %slice3A_985[0] : i32 from vector<1xi32>
      %add3A_987 = vector.broadcast %squeeze3A_986 : i32 to vector<16xi32>
      %add3A_988 = arith.addi %mul3A_11, %add3A_987 : vector<16xi32>
      %swap3A_989 = arith.constant 2 : i32
      %swap3A_990 = arith.index_cast %swap3A_989 : i32 to index
      %swap3A_991 = arith.constant 128 : index
      %swap3A_992 = tpu.vector_load %arg6[%swap3A_990, %swap3A_991] {strides = array<i32>} : memref<4x1024xi32, #tpu.memory_space<vmem>>, vector<16xi32>,
      tpu.vector_store %arg6[%swap3A_990, %swap3A_991], %add3A_988 {strides = array<i32>} : memref<4x1024xi32, #tpu.memory_space<vmem>>, vector<16xi32>,
      %add3A_993 = vector.broadcast %squeeze3A_986 : i32 to vector<16xi32>
      %add3A_994 = arith.addi %mul3A_17, %add3A_993 : vector<16xi32>
      %swap3A_995 = arith.constant 2 : i32
      %swap3A_996 = arith.index_cast %swap3A_995 : i32 to index
      %swap3A_997 = arith.constant 144 : index
      %swap3A_998 = tpu.vector_load %arg6[%swap3A_996, %swap3A_997] {strides = array<i32>} : memref<4x1024xi32, #tpu.memory_space<vmem>>, vector<16xi32>,
      tpu.vector_store %arg6[%swap3A_996, %swap3A_997], %add3A_994 {strides = array<i32>} : memref<4x1024xi32, #tpu.memory_space<vmem>>, vector<16xi32>,
      %add3A_999 = vector.broadcast %squeeze3A_986 : i32 to vector<16xi32>
      %add3A_1000 = arith.addi %mul3A_23, %add3A_999 : vector<16xi32>
      %swap3A_1001 = arith.constant 2 : i32
      %swap3A_1002 = arith.index_cast %swap3A_1001 : i32 to index
      %swap3A_1003 = arith.constant 160 : index
      %swap3A_1004 = tpu.vector_load %arg6[%swap3A_1002, %swap3A_1003] {strides = array<i32>} : memref<4x1024xi32, #tpu.memory_space<vmem>>, vector<16xi32>,
      tpu.vector_store %arg6[%swap3A_1002, %swap3A_1003], %add3A_1000 {strides = array<i32>} : memref<4x1024xi32, #tpu.memory_space<vmem>>, vector<16xi32>,
      %add3A_1005 = vector.broadcast %squeeze3A_986 : i32 to vector<16xi32>
      %add3A_1006 = arith.addi %mul3A_29, %add3A_1005 : vector<16xi32>
      %swap3A_1007 = arith.constant 2 : i32
      %swap3A_1008 = arith.index_cast %swap3A_1007 : i32 to index
      %swap3A_1009 = arith.constant 176 : index
      %swap3A_1010 = tpu.vector_load %arg6[%swap3A_1008, %swap3A_1009] {strides = array<i32>} : memref<4x1024xi32, #tpu.memory_space<vmem>>, vector<16xi32>,
      tpu.vector_store %arg6[%swap3A_1008, %swap3A_1009], %add3A_1006 {strides = array<i32>} : memref<4x1024xi32, #tpu.memory_space<vmem>>, vector<16xi32>,
      %add3A_1011 = vector.broadcast %squeeze3A_986 : i32 to vector<16xi32>
      %add3A_1012 = arith.addi %mul3A_35, %add3A_1011 : vector<16xi32>
      %swap3A_1013 = arith.constant 2 : i32
      %swap3A_1014 = arith.index_cast %swap3A_1013 : i32 to index
      %swap3A_1015 = arith.constant 192 : index
      %swap3A_1016 = tpu.vector_load %arg6[%swap3A_1014, %swap3A_1015] {strides = array<i32>} : memref<4x1024xi32, #tpu.memory_space<vmem>>, vector<16xi32>,
      tpu.vector_store %arg6[%swap3A_1014, %swap3A_1015], %add3A_1012 {strides = array<i32>} : memref<4x1024xi32, #tpu.memory_space<vmem>>, vector<16xi32>,
      %add3A_1017 = vector.broadcast %squeeze3A_986 : i32 to vector<16xi32>
      %add3A_1018 = arith.addi %mul3A_41, %add3A_1017 : vector<16xi32>
      %swap3A_1019 = arith.constant 2 : i32
      %swap3A_1020 = arith.index_cast %swap3A_1019 : i32 to index
      %swap3A_1021 = arith.constant 208 : index
      %swap3A_1022 = tpu.vector_load %arg6[%swap3A_1020, %swap3A_1021] {strides = array<i32>} : memref<4x1024xi32, #tpu.memory_space<vmem>>, vector<16xi32>,
      tpu.vector_store %arg6[%swap3A_1020, %swap3A_1021], %add3A_1018 {strides = array<i32>} : memref<4x1024xi32, #tpu.memory_space<vmem>>, vector<16xi32>,
      %add3A_1023 = vector.broadcast %squeeze3A_986 : i32 to vector<16xi32>
      %add3A_1024 = arith.addi %mul3A_47, %add3A_1023 : vector<16xi32>
      %swap3A_1025 = arith.constant 2 : i32
      %swap3A_1026 = arith.index_cast %swap3A_1025 : i32 to index
      %swap3A_1027 = arith.constant 224 : index
      %swap3A_1028 = tpu.vector_load %arg6[%swap3A_1026, %swap3A_1027] {strides = array<i32>} : memref<4x1024xi32, #tpu.memory_space<vmem>>, vector<16xi32>,
      tpu.vector_store %arg6[%swap3A_1026, %swap3A_1027], %add3A_1024 {strides = array<i32>} : memref<4x1024xi32, #tpu.memory_space<vmem>>, vector<16xi32>,
      %add3A_1029 = vector.broadcast %squeeze3A_986 : i32 to vector<16xi32>
      %add3A_1030 = arith.addi %mul3A_53, %add3A_1029 : vector<16xi32>
      %swap3A_1031 = arith.constant 2 : i32
      %swap3A_1032 = arith.index_cast %swap3A_1031 : i32 to index
      %swap3A_1033 = arith.constant 240 : index
      %swap3A_1034 = tpu.vector_load %arg6[%swap3A_1032, %swap3A_1033] {strides = array<i32>} : memref<4x1024xi32, #tpu.memory_space<vmem>>, vector<16xi32>,
      tpu.vector_store %arg6[%swap3A_1032, %swap3A_1033], %add3A_1030 {strides = array<i32>} : memref<4x1024xi32, #tpu.memory_space<vmem>>, vector<16xi32>,
      %slice3A_1035 = vector.extract_strided_slice %get3A_934 {offsets = [2], sizes = [1], strides = [1]} : vector<16xi32> to vector<1xi32>
      %squeeze3A_1036 = vector.extract %slice3A_1035[0] : i32 from vector<1xi32>
      %add3A_1037 = vector.broadcast %squeeze3A_1036 : i32 to vector<16xi32>
      %add3A_1038 = arith.addi %mul3A_11, %add3A_1037 : vector<16xi32>
      %swap3A_1039 = arith.constant 2 : i32
      %swap3A_1040 = arith.index_cast %swap3A_1039 : i32 to index
      %swap3A_1041 = arith.constant 256 : index
      %swap3A_1042 = tpu.vector_load %arg6[%swap3A_1040, %swap3A_1041] {strides = array<i32>} : memref<4x1024xi32, #tpu.memory_space<vmem>>, vector<16xi32>,
      tpu.vector_store %arg6[%swap3A_1040, %swap3A_1041], %add3A_1038 {strides = array<i32>} : memref<4x1024xi32, #tpu.memory_space<vmem>>, vector<16xi32>,
      %add3A_1043 = vector.broadcast %squeeze3A_1036 : i32 to vector<16xi32>
      %add3A_1044 = arith.addi %mul3A_17, %add3A_1043 : vector<16xi32>
      %swap3A_1045 = arith.constant 2 : i32
      %swap3A_1046 = arith.index_cast %swap3A_1045 : i32 to index
      %swap3A_1047 = arith.constant 272 : index
      %swap3A_1048 = tpu.vector_load %arg6[%swap3A_1046, %swap3A_1047] {strides = array<i32>} : memref<4x1024xi32, #tpu.memory_space<vmem>>, vector<16xi32>,
      tpu.vector_store %arg6[%swap3A_1046, %swap3A_1047], %add3A_1044 {strides = array<i32>} : memref<4x1024xi32, #tpu.memory_space<vmem>>, vector<16xi32>,
      %add3A_1049 = vector.broadcast %squeeze3A_1036 : i32 to vector<16xi32>
      %add3A_1050 = arith.addi %mul3A_23, %add3A_1049 : vector<16xi32>
      %swap3A_1051 = arith.constant 2 : i32
      %swap3A_1052 = arith.index_cast %swap3A_1051 : i32 to index
      %swap3A_1053 = arith.constant 288 : index
      %swap3A_1054 = tpu.vector_load %arg6[%swap3A_1052, %swap3A_1053] {strides = array<i32>} : memref<4x1024xi32, #tpu.memory_space<vmem>>, vector<16xi32>,
      tpu.vector_store %arg6[%swap3A_1052, %swap3A_1053], %add3A_1050 {strides = array<i32>} : memref<4x1024xi32, #tpu.memory_space<vmem>>, vector<16xi32>,
      %add3A_1055 = vector.broadcast %squeeze3A_1036 : i32 to vector<16xi32>
      %add3A_1056 = arith.addi %mul3A_29, %add3A_1055 : vector<16xi32>
      %swap3A_1057 = arith.constant 2 : i32
      %swap3A_1058 = arith.index_cast %swap3A_1057 : i32 to index
      %swap3A_1059 = arith.constant 304 : index
      %swap3A_1060 = tpu.vector_load %arg6[%swap3A_1058, %swap3A_1059] {strides = array<i32>} : memref<4x1024xi32, #tpu.memory_space<vmem>>, vector<16xi32>,
      tpu.vector_store %arg6[%swap3A_1058, %swap3A_1059], %add3A_1056 {strides = array<i32>} : memref<4x1024xi32, #tpu.memory_space<vmem>>, vector<16xi32>,
      %add3A_1061 = vector.broadcast %squeeze3A_1036 : i32 to vector<16xi32>
      %add3A_1062 = arith.addi %mul3A_35, %add3A_1061 : vector<16xi32>
      %swap3A_1063 = arith.constant 2 : i32
      %swap3A_1064 = arith.index_cast %swap3A_1063 : i32 to index
      %swap3A_1065 = arith.constant 320 : index
      %swap3A_1066 = tpu.vector_load %arg6[%swap3A_1064, %swap3A_1065] {strides = array<i32>} : memref<4x1024xi32, #tpu.memory_space<vmem>>, vector<16xi32>,
      tpu.vector_store %arg6[%swap3A_1064, %swap3A_1065], %add3A_1062 {strides = array<i32>} : memref<4x1024xi32, #tpu.memory_space<vmem>>, vector<16xi32>,
      %add3A_1067 = vector.broadcast %squeeze3A_1036 : i32 to vector<16xi32>
      %add3A_1068 = arith.addi %mul3A_41, %add3A_1067 : vector<16xi32>
      %swap3A_1069 = arith.constant 2 : i32
      %swap3A_1070 = arith.index_cast %swap3A_1069 : i32 to index
      %swap3A_1071 = arith.constant 336 : index
      %swap3A_1072 = tpu.vector_load %arg6[%swap3A_1070, %swap3A_1071] {strides = array<i32>} : memref<4x1024xi32, #tpu.memory_space<vmem>>, vector<16xi32>,
      tpu.vector_store %arg6[%swap3A_1070, %swap3A_1071], %add3A_1068 {strides = array<i32>} : memref<4x1024xi32, #tpu.memory_space<vmem>>, vector<16xi32>,
      %add3A_1073 = vector.broadcast %squeeze3A_1036 : i32 to vector<16xi32>
      %add3A_1074 = arith.addi %mul3A_47, %add3A_1073 : vector<16xi32>
      %swap3A_1075 = arith.constant 2 : i32
      %swap3A_1076 = arith.index_cast %swap3A_1075 : i32 to index
      %swap3A_1077 = arith.constant 352 : index
      %swap3A_1078 = tpu.vector_load %arg6[%swap3A_1076, %swap3A_1077] {strides = array<i32>} : memref<4x1024xi32, #tpu.memory_space<vmem>>, vector<16xi32>,
      tpu.vector_store %arg6[%swap3A_1076, %swap3A_1077], %add3A_1074 {strides = array<i32>} : memref<4x1024xi32, #tpu.memory_space<vmem>>, vector<16xi32>,
      %add3A_1079 = vector.broadcast %squeeze3A_1036 : i32 to vector<16xi32>
      %add3A_1080 = arith.addi %mul3A_53, %add3A_1079 : vector<16xi32>
      %swap3A_1081 = arith.constant 2 : i32
      %swap3A_1082 = arith.index_cast %swap3A_1081 : i32 to index
      %swap3A_1083 = arith.constant 368 : index
      %swap3A_1084 = tpu.vector_load %arg6[%swap3A_1082, %swap3A_1083] {strides = array<i32>} : memref<4x1024xi32, #tpu.memory_space<vmem>>, vector<16xi32>,
      tpu.vector_store %arg6[%swap3A_1082, %swap3A_1083], %add3A_1080 {strides = array<i32>} : memref<4x1024xi32, #tpu.memory_space<vmem>>, vector<16xi32>,
      %slice3A_1085 = vector.extract_strided_slice %get3A_934 {offsets = [3], sizes = [1], strides = [1]} : vector<16xi32> to vector<1xi32>
      %squeeze3A_1086 = vector.extract %slice3A_1085[0] : i32 from vector<1xi32>
      %add3A_1087 = vector.broadcast %squeeze3A_1086 : i32 to vector<16xi32>
      %add3A_1088 = arith.addi %mul3A_11, %add3A_1087 : vector<16xi32>
      %swap3A_1089 = arith.constant 2 : i32
      %swap3A_1090 = arith.index_cast %swap3A_1089 : i32 to index
      %swap3A_1091 = arith.constant 384 : index
      %swap3A_1092 = tpu.vector_load %arg6[%swap3A_1090, %swap3A_1091] {strides = array<i32>} : memref<4x1024xi32, #tpu.memory_space<vmem>>, vector<16xi32>,
      tpu.vector_store %arg6[%swap3A_1090, %swap3A_1091], %add3A_1088 {strides = array<i32>} : memref<4x1024xi32, #tpu.memory_space<vmem>>, vector<16xi32>,
      %add3A_1093 = vector.broadcast %squeeze3A_1086 : i32 to vector<16xi32>
      %add3A_1094 = arith.addi %mul3A_17, %add3A_1093 : vector<16xi32>
      %swap3A_1095 = arith.constant 2 : i32
      %swap3A_1096 = arith.index_cast %swap3A_1095 : i32 to index
      %swap3A_1097 = arith.constant 400 : index
      %swap3A_1098 = tpu.vector_load %arg6[%swap3A_1096, %swap3A_1097] {strides = array<i32>} : memref<4x1024xi32, #tpu.memory_space<vmem>>, vector<16xi32>,
      tpu.vector_store %arg6[%swap3A_1096, %swap3A_1097], %add3A_1094 {strides = array<i32>} : memref<4x1024xi32, #tpu.memory_space<vmem>>, vector<16xi32>,
      %add3A_1099 = vector.broadcast %squeeze3A_1086 : i32 to vector<16xi32>
      %add3A_1100 = arith.addi %mul3A_23, %add3A_1099 : vector<16xi32>
      %swap3A_1101 = arith.constant 2 : i32
      %swap3A_1102 = arith.index_cast %swap3A_1101 : i32 to index
      %swap3A_1103 = arith.constant 416 : index
      %swap3A_1104 = tpu.vector_load %arg6[%swap3A_1102, %swap3A_1103] {strides = array<i32>} : memref<4x1024xi32, #tpu.memory_space<vmem>>, vector<16xi32>,
      tpu.vector_store %arg6[%swap3A_1102, %swap3A_1103], %add3A_1100 {strides = array<i32>} : memref<4x1024xi32, #tpu.memory_space<vmem>>, vector<16xi32>,
      %add3A_1105 = vector.broadcast %squeeze3A_1086 : i32 to vector<16xi32>
      %add3A_1106 = arith.addi %mul3A_29, %add3A_1105 : vector<16xi32>
      %swap3A_1107 = arith.constant 2 : i32
      %swap3A_1108 = arith.index_cast %swap3A_1107 : i32 to index
      %swap3A_1109 = arith.constant 432 : index
      %swap3A_1110 = tpu.vector_load %arg6[%swap3A_1108, %swap3A_1109] {strides = array<i32>} : memref<4x1024xi32, #tpu.memory_space<vmem>>, vector<16xi32>,
      tpu.vector_store %arg6[%swap3A_1108, %swap3A_1109], %add3A_1106 {strides = array<i32>} : memref<4x1024xi32, #tpu.memory_space<vmem>>, vector<16xi32>,
      %add3A_1111 = vector.broadcast %squeeze3A_1086 : i32 to vector<16xi32>
      %add3A_1112 = arith.addi %mul3A_35, %add3A_1111 : vector<16xi32>
      %swap3A_1113 = arith.constant 2 : i32
      %swap3A_1114 = arith.index_cast %swap3A_1113 : i32 to index
      %swap3A_1115 = arith.constant 448 : index
      %swap3A_1116 = tpu.vector_load %arg6[%swap3A_1114, %swap3A_1115] {strides = array<i32>} : memref<4x1024xi32, #tpu.memory_space<vmem>>, vector<16xi32>,
      tpu.vector_store %arg6[%swap3A_1114, %swap3A_1115], %add3A_1112 {strides = array<i32>} : memref<4x1024xi32, #tpu.memory_space<vmem>>, vector<16xi32>,
      %add3A_1117 = vector.broadcast %squeeze3A_1086 : i32 to vector<16xi32>
      %add3A_1118 = arith.addi %mul3A_41, %add3A_1117 : vector<16xi32>
      %swap3A_1119 = arith.constant 2 : i32
      %swap3A_1120 = arith.index_cast %swap3A_1119 : i32 to index
      %swap3A_1121 = arith.constant 464 : index
      %swap3A_1122 = tpu.vector_load %arg6[%swap3A_1120, %swap3A_1121] {strides = array<i32>} : memref<4x1024xi32, #tpu.memory_space<vmem>>, vector<16xi32>,
      tpu.vector_store %arg6[%swap3A_1120, %swap3A_1121], %add3A_1118 {strides = array<i32>} : memref<4x1024xi32, #tpu.memory_space<vmem>>, vector<16xi32>,
      %add3A_1123 = vector.broadcast %squeeze3A_1086 : i32 to vector<16xi32>
      %add3A_1124 = arith.addi %mul3A_47, %add3A_1123 : vector<16xi32>
      %swap3A_1125 = arith.constant 2 : i32
      %swap3A_1126 = arith.index_cast %swap3A_1125 : i32 to index
      %swap3A_1127 = arith.constant 480 : index
      %swap3A_1128 = tpu.vector_load %arg6[%swap3A_1126, %swap3A_1127] {strides = array<i32>} : memref<4x1024xi32, #tpu.memory_space<vmem>>, vector<16xi32>,
      tpu.vector_store %arg6[%swap3A_1126, %swap3A_1127], %add3A_1124 {strides = array<i32>} : memref<4x1024xi32, #tpu.memory_space<vmem>>, vector<16xi32>,
      %add3A_1129 = vector.broadcast %squeeze3A_1086 : i32 to vector<16xi32>
      %add3A_1130 = arith.addi %mul3A_53, %add3A_1129 : vector<16xi32>
      %swap3A_1131 = arith.constant 2 : i32
      %swap3A_1132 = arith.index_cast %swap3A_1131 : i32 to index
      %swap3A_1133 = arith.constant 496 : index
      %swap3A_1134 = tpu.vector_load %arg6[%swap3A_1132, %swap3A_1133] {strides = array<i32>} : memref<4x1024xi32, #tpu.memory_space<vmem>>, vector<16xi32>,
      tpu.vector_store %arg6[%swap3A_1132, %swap3A_1133], %add3A_1130 {strides = array<i32>} : memref<4x1024xi32, #tpu.memory_space<vmem>>, vector<16xi32>,
      %slice3A_1135 = vector.extract_strided_slice %get3A_934 {offsets = [4], sizes = [1], strides = [1]} : vector<16xi32> to vector<1xi32>
      %squeeze3A_1136 = vector.extract %slice3A_1135[0] : i32 from vector<1xi32>
      %add3A_1137 = vector.broadcast %squeeze3A_1136 : i32 to vector<16xi32>
      %add3A_1138 = arith.addi %mul3A_11, %add3A_1137 : vector<16xi32>
      %swap3A_1139 = arith.constant 2 : i32
      %swap3A_1140 = arith.index_cast %swap3A_1139 : i32 to index
      %swap3A_1141 = arith.constant 512 : index
      %swap3A_1142 = tpu.vector_load %arg6[%swap3A_1140, %swap3A_1141] {strides = array<i32>} : memref<4x1024xi32, #tpu.memory_space<vmem>>, vector<16xi32>,
      tpu.vector_store %arg6[%swap3A_1140, %swap3A_1141], %add3A_1138 {strides = array<i32>} : memref<4x1024xi32, #tpu.memory_space<vmem>>, vector<16xi32>,
      %add3A_1143 = vector.broadcast %squeeze3A_1136 : i32 to vector<16xi32>
      %add3A_1144 = arith.addi %mul3A_17, %add3A_1143 : vector<16xi32>
      %swap3A_1145 = arith.constant 2 : i32
      %swap3A_1146 = arith.index_cast %swap3A_1145 : i32 to index
      %swap3A_1147 = arith.constant 528 : index
      %swap3A_1148 = tpu.vector_load %arg6[%swap3A_1146, %swap3A_1147] {strides = array<i32>} : memref<4x1024xi32, #tpu.memory_space<vmem>>, vector<16xi32>,
      tpu.vector_store %arg6[%swap3A_1146, %swap3A_1147], %add3A_1144 {strides = array<i32>} : memref<4x1024xi32, #tpu.memory_space<vmem>>, vector<16xi32>,
      %add3A_1149 = vector.broadcast %squeeze3A_1136 : i32 to vector<16xi32>
      %add3A_1150 = arith.addi %mul3A_23, %add3A_1149 : vector<16xi32>
      %swap3A_1151 = arith.constant 2 : i32
      %swap3A_1152 = arith.index_cast %swap3A_1151 : i32 to index
      %swap3A_1153 = arith.constant 544 : index
      %swap3A_1154 = tpu.vector_load %arg6[%swap3A_1152, %swap3A_1153] {strides = array<i32>} : memref<4x1024xi32, #tpu.memory_space<vmem>>, vector<16xi32>,
      tpu.vector_store %arg6[%swap3A_1152, %swap3A_1153], %add3A_1150 {strides = array<i32>} : memref<4x1024xi32, #tpu.memory_space<vmem>>, vector<16xi32>,
      %add3A_1155 = vector.broadcast %squeeze3A_1136 : i32 to vector<16xi32>
      %add3A_1156 = arith.addi %mul3A_29, %add3A_1155 : vector<16xi32>
      %swap3A_1157 = arith.constant 2 : i32
      %swap3A_1158 = arith.index_cast %swap3A_1157 : i32 to index
      %swap3A_1159 = arith.constant 560 : index
      %swap3A_1160 = tpu.vector_load %arg6[%swap3A_1158, %swap3A_1159] {strides = array<i32>} : memref<4x1024xi32, #tpu.memory_space<vmem>>, vector<16xi32>,
      tpu.vector_store %arg6[%swap3A_1158, %swap3A_1159], %add3A_1156 {strides = array<i32>} : memref<4x1024xi32, #tpu.memory_space<vmem>>, vector<16xi32>,
      %add3A_1161 = vector.broadcast %squeeze3A_1136 : i32 to vector<16xi32>
      %add3A_1162 = arith.addi %mul3A_35, %add3A_1161 : vector<16xi32>
      %swap3A_1163 = arith.constant 2 : i32
      %swap3A_1164 = arith.index_cast %swap3A_1163 : i32 to index
      %swap3A_1165 = arith.constant 576 : index
      %swap3A_1166 = tpu.vector_load %arg6[%swap3A_1164, %swap3A_1165] {strides = array<i32>} : memref<4x1024xi32, #tpu.memory_space<vmem>>, vector<16xi32>,
      tpu.vector_store %arg6[%swap3A_1164, %swap3A_1165], %add3A_1162 {strides = array<i32>} : memref<4x1024xi32, #tpu.memory_space<vmem>>, vector<16xi32>,
      %add3A_1167 = vector.broadcast %squeeze3A_1136 : i32 to vector<16xi32>
      %add3A_1168 = arith.addi %mul3A_41, %add3A_1167 : vector<16xi32>
      %swap3A_1169 = arith.constant 2 : i32
      %swap3A_1170 = arith.index_cast %swap3A_1169 : i32 to index
      %swap3A_1171 = arith.constant 592 : index
      %swap3A_1172 = tpu.vector_load %arg6[%swap3A_1170, %swap3A_1171] {strides = array<i32>} : memref<4x1024xi32, #tpu.memory_space<vmem>>, vector<16xi32>,
      tpu.vector_store %arg6[%swap3A_1170, %swap3A_1171], %add3A_1168 {strides = array<i32>} : memref<4x1024xi32, #tpu.memory_space<vmem>>, vector<16xi32>,
      %add3A_1173 = vector.broadcast %squeeze3A_1136 : i32 to vector<16xi32>
      %add3A_1174 = arith.addi %mul3A_47, %add3A_1173 : vector<16xi32>
      %swap3A_1175 = arith.constant 2 : i32
      %swap3A_1176 = arith.index_cast %swap3A_1175 : i32 to index
      %swap3A_1177 = arith.constant 608 : index
      %swap3A_1178 = tpu.vector_load %arg6[%swap3A_1176, %swap3A_1177] {strides = array<i32>} : memref<4x1024xi32, #tpu.memory_space<vmem>>, vector<16xi32>,
      tpu.vector_store %arg6[%swap3A_1176, %swap3A_1177], %add3A_1174 {strides = array<i32>} : memref<4x1024xi32, #tpu.memory_space<vmem>>, vector<16xi32>,
      %add3A_1179 = vector.broadcast %squeeze3A_1136 : i32 to vector<16xi32>
      %add3A_1180 = arith.addi %mul3A_53, %add3A_1179 : vector<16xi32>
      %swap3A_1181 = arith.constant 2 : i32
      %swap3A_1182 = arith.index_cast %swap3A_1181 : i32 to index
      %swap3A_1183 = arith.constant 624 : index
      %swap3A_1184 = tpu.vector_load %arg6[%swap3A_1182, %swap3A_1183] {strides = array<i32>} : memref<4x1024xi32, #tpu.memory_space<vmem>>, vector<16xi32>,
      tpu.vector_store %arg6[%swap3A_1182, %swap3A_1183], %add3A_1180 {strides = array<i32>} : memref<4x1024xi32, #tpu.memory_space<vmem>>, vector<16xi32>,
      %slice3A_1185 = vector.extract_strided_slice %get3A_934 {offsets = [5], sizes = [1], strides = [1]} : vector<16xi32> to vector<1xi32>
      %squeeze3A_1186 = vector.extract %slice3A_1185[0] : i32 from vector<1xi32>
      %add3A_1187 = vector.broadcast %squeeze3A_1186 : i32 to vector<16xi32>
      %add3A_1188 = arith.addi %mul3A_11, %add3A_1187 : vector<16xi32>
      %swap3A_1189 = arith.constant 2 : i32
      %swap3A_1190 = arith.index_cast %swap3A_1189 : i32 to index
      %swap3A_1191 = arith.constant 640 : index
      %swap3A_1192 = tpu.vector_load %arg6[%swap3A_1190, %swap3A_1191] {strides = array<i32>} : memref<4x1024xi32, #tpu.memory_space<vmem>>, vector<16xi32>,
      tpu.vector_store %arg6[%swap3A_1190, %swap3A_1191], %add3A_1188 {strides = array<i32>} : memref<4x1024xi32, #tpu.memory_space<vmem>>, vector<16xi32>,
      %add3A_1193 = vector.broadcast %squeeze3A_1186 : i32 to vector<16xi32>
      %add3A_1194 = arith.addi %mul3A_17, %add3A_1193 : vector<16xi32>
      %swap3A_1195 = arith.constant 2 : i32
      %swap3A_1196 = arith.index_cast %swap3A_1195 : i32 to index
      %swap3A_1197 = arith.constant 656 : index
      %swap3A_1198 = tpu.vector_load %arg6[%swap3A_1196, %swap3A_1197] {strides = array<i32>} : memref<4x1024xi32, #tpu.memory_space<vmem>>, vector<16xi32>,
      tpu.vector_store %arg6[%swap3A_1196, %swap3A_1197], %add3A_1194 {strides = array<i32>} : memref<4x1024xi32, #tpu.memory_space<vmem>>, vector<16xi32>,
      %add3A_1199 = vector.broadcast %squeeze3A_1186 : i32 to vector<16xi32>
      %add3A_1200 = arith.addi %mul3A_23, %add3A_1199 : vector<16xi32>
      %swap3A_1201 = arith.constant 2 : i32
      %swap3A_1202 = arith.index_cast %swap3A_1201 : i32 to index
      %swap3A_1203 = arith.constant 672 : index
      %swap3A_1204 = tpu.vector_load %arg6[%swap3A_1202, %swap3A_1203] {strides = array<i32>} : memref<4x1024xi32, #tpu.memory_space<vmem>>, vector<16xi32>,
      tpu.vector_store %arg6[%swap3A_1202, %swap3A_1203], %add3A_1200 {strides = array<i32>} : memref<4x1024xi32, #tpu.memory_space<vmem>>, vector<16xi32>,
      %add3A_1205 = vector.broadcast %squeeze3A_1186 : i32 to vector<16xi32>
      %add3A_1206 = arith.addi %mul3A_29, %add3A_1205 : vector<16xi32>
      %swap3A_1207 = arith.constant 2 : i32
      %swap3A_1208 = arith.index_cast %swap3A_1207 : i32 to index
      %swap3A_1209 = arith.constant 688 : index
      %swap3A_1210 = tpu.vector_load %arg6[%swap3A_1208, %swap3A_1209] {strides = array<i32>} : memref<4x1024xi32, #tpu.memory_space<vmem>>, vector<16xi32>,
      tpu.vector_store %arg6[%swap3A_1208, %swap3A_1209], %add3A_1206 {strides = array<i32>} : memref<4x1024xi32, #tpu.memory_space<vmem>>, vector<16xi32>,
      %add3A_1211 = vector.broadcast %squeeze3A_1186 : i32 to vector<16xi32>
      %add3A_1212 = arith.addi %mul3A_35, %add3A_1211 : vector<16xi32>
      %swap3A_1213 = arith.constant 2 : i32
      %swap3A_1214 = arith.index_cast %swap3A_1213 : i32 to index
      %swap3A_1215 = arith.constant 704 : index
      %swap3A_1216 = tpu.vector_load %arg6[%swap3A_1214, %swap3A_1215] {strides = array<i32>} : memref<4x1024xi32, #tpu.memory_space<vmem>>, vector<16xi32>,
      tpu.vector_store %arg6[%swap3A_1214, %swap3A_1215], %add3A_1212 {strides = array<i32>} : memref<4x1024xi32, #tpu.memory_space<vmem>>, vector<16xi32>,
      %add3A_1217 = vector.broadcast %squeeze3A_1186 : i32 to vector<16xi32>
      %add3A_1218 = arith.addi %mul3A_41, %add3A_1217 : vector<16xi32>
      %swap3A_1219 = arith.constant 2 : i32
      %swap3A_1220 = arith.index_cast %swap3A_1219 : i32 to index
      %swap3A_1221 = arith.constant 720 : index
      %swap3A_1222 = tpu.vector_load %arg6[%swap3A_1220, %swap3A_1221] {strides = array<i32>} : memref<4x1024xi32, #tpu.memory_space<vmem>>, vector<16xi32>,
      tpu.vector_store %arg6[%swap3A_1220, %swap3A_1221], %add3A_1218 {strides = array<i32>} : memref<4x1024xi32, #tpu.memory_space<vmem>>, vector<16xi32>,
      %add3A_1223 = vector.broadcast %squeeze3A_1186 : i32 to vector<16xi32>
      %add3A_1224 = arith.addi %mul3A_47, %add3A_1223 : vector<16xi32>
      %swap3A_1225 = arith.constant 2 : i32
      %swap3A_1226 = arith.index_cast %swap3A_1225 : i32 to index
      %swap3A_1227 = arith.constant 736 : index
      %swap3A_1228 = tpu.vector_load %arg6[%swap3A_1226, %swap3A_1227] {strides = array<i32>} : memref<4x1024xi32, #tpu.memory_space<vmem>>, vector<16xi32>,
      tpu.vector_store %arg6[%swap3A_1226, %swap3A_1227], %add3A_1224 {strides = array<i32>} : memref<4x1024xi32, #tpu.memory_space<vmem>>, vector<16xi32>,
      %add3A_1229 = vector.broadcast %squeeze3A_1186 : i32 to vector<16xi32>
      %add3A_1230 = arith.addi %mul3A_53, %add3A_1229 : vector<16xi32>
      %swap3A_1231 = arith.constant 2 : i32
      %swap3A_1232 = arith.index_cast %swap3A_1231 : i32 to index
      %swap3A_1233 = arith.constant 752 : index
      %swap3A_1234 = tpu.vector_load %arg6[%swap3A_1232, %swap3A_1233] {strides = array<i32>} : memref<4x1024xi32, #tpu.memory_space<vmem>>, vector<16xi32>,
      tpu.vector_store %arg6[%swap3A_1232, %swap3A_1233], %add3A_1230 {strides = array<i32>} : memref<4x1024xi32, #tpu.memory_space<vmem>>, vector<16xi32>,
      %slice3A_1235 = vector.extract_strided_slice %get3A_934 {offsets = [6], sizes = [1], strides = [1]} : vector<16xi32> to vector<1xi32>
      %squeeze3A_1236 = vector.extract %slice3A_1235[0] : i32 from vector<1xi32>
      %add3A_1237 = vector.broadcast %squeeze3A_1236 : i32 to vector<16xi32>
      %add3A_1238 = arith.addi %mul3A_11, %add3A_1237 : vector<16xi32>
      %swap3A_1239 = arith.constant 2 : i32
      %swap3A_1240 = arith.index_cast %swap3A_1239 : i32 to index
      %swap3A_1241 = arith.constant 768 : index
      %swap3A_1242 = tpu.vector_load %arg6[%swap3A_1240, %swap3A_1241] {strides = array<i32>} : memref<4x1024xi32, #tpu.memory_space<vmem>>, vector<16xi32>,
      tpu.vector_store %arg6[%swap3A_1240, %swap3A_1241], %add3A_1238 {strides = array<i32>} : memref<4x1024xi32, #tpu.memory_space<vmem>>, vector<16xi32>,
      %add3A_1243 = vector.broadcast %squeeze3A_1236 : i32 to vector<16xi32>
      %add3A_1244 = arith.addi %mul3A_17, %add3A_1243 : vector<16xi32>
      %swap3A_1245 = arith.constant 2 : i32
      %swap3A_1246 = arith.index_cast %swap3A_1245 : i32 to index
      %swap3A_1247 = arith.constant 784 : index
      %swap3A_1248 = tpu.vector_load %arg6[%swap3A_1246, %swap3A_1247] {strides = array<i32>} : memref<4x1024xi32, #tpu.memory_space<vmem>>, vector<16xi32>,
      tpu.vector_store %arg6[%swap3A_1246, %swap3A_1247], %add3A_1244 {strides = array<i32>} : memref<4x1024xi32, #tpu.memory_space<vmem>>, vector<16xi32>,
      %add3A_1249 = vector.broadcast %squeeze3A_1236 : i32 to vector<16xi32>
      %add3A_1250 = arith.addi %mul3A_23, %add3A_1249 : vector<16xi32>
      %swap3A_1251 = arith.constant 2 : i32
      %swap3A_1252 = arith.index_cast %swap3A_1251 : i32 to index
      %swap3A_1253 = arith.constant 800 : index
      %swap3A_1254 = tpu.vector_load %arg6[%swap3A_1252, %swap3A_1253] {strides = array<i32>} : memref<4x1024xi32, #tpu.memory_space<vmem>>, vector<16xi32>,
      tpu.vector_store %arg6[%swap3A_1252, %swap3A_1253], %add3A_1250 {strides = array<i32>} : memref<4x1024xi32, #tpu.memory_space<vmem>>, vector<16xi32>,
      %add3A_1255 = vector.broadcast %squeeze3A_1236 : i32 to vector<16xi32>
      %add3A_1256 = arith.addi %mul3A_29, %add3A_1255 : vector<16xi32>
      %swap3A_1257 = arith.constant 2 : i32
      %swap3A_1258 = arith.index_cast %swap3A_1257 : i32 to index
      %swap3A_1259 = arith.constant 816 : index
      %swap3A_1260 = tpu.vector_load %arg6[%swap3A_1258, %swap3A_1259] {strides = array<i32>} : memref<4x1024xi32, #tpu.memory_space<vmem>>, vector<16xi32>,
      tpu.vector_store %arg6[%swap3A_1258, %swap3A_1259], %add3A_1256 {strides = array<i32>} : memref<4x1024xi32, #tpu.memory_space<vmem>>, vector<16xi32>,
      %add3A_1261 = vector.broadcast %squeeze3A_1236 : i32 to vector<16xi32>
      %add3A_1262 = arith.addi %mul3A_35, %add3A_1261 : vector<16xi32>
      %swap3A_1263 = arith.constant 2 : i32
      %swap3A_1264 = arith.index_cast %swap3A_1263 : i32 to index
      %swap3A_1265 = arith.constant 832 : index
      %swap3A_1266 = tpu.vector_load %arg6[%swap3A_1264, %swap3A_1265] {strides = array<i32>} : memref<4x1024xi32, #tpu.memory_space<vmem>>, vector<16xi32>,
      tpu.vector_store %arg6[%swap3A_1264, %swap3A_1265], %add3A_1262 {strides = array<i32>} : memref<4x1024xi32, #tpu.memory_space<vmem>>, vector<16xi32>,
      %add3A_1267 = vector.broadcast %squeeze3A_1236 : i32 to vector<16xi32>
      %add3A_1268 = arith.addi %mul3A_41, %add3A_1267 : vector<16xi32>
      %swap3A_1269 = arith.constant 2 : i32
      %swap3A_1270 = arith.index_cast %swap3A_1269 : i32 to index
      %swap3A_1271 = arith.constant 848 : index
      %swap3A_1272 = tpu.vector_load %arg6[%swap3A_1270, %swap3A_1271] {strides = array<i32>} : memref<4x1024xi32, #tpu.memory_space<vmem>>, vector<16xi32>,
      tpu.vector_store %arg6[%swap3A_1270, %swap3A_1271], %add3A_1268 {strides = array<i32>} : memref<4x1024xi32, #tpu.memory_space<vmem>>, vector<16xi32>,
      %add3A_1273 = vector.broadcast %squeeze3A_1236 : i32 to vector<16xi32>
      %add3A_1274 = arith.addi %mul3A_47, %add3A_1273 : vector<16xi32>
      %swap3A_1275 = arith.constant 2 : i32
      %swap3A_1276 = arith.index_cast %swap3A_1275 : i32 to index
      %swap3A_1277 = arith.constant 864 : index
      %swap3A_1278 = tpu.vector_load %arg6[%swap3A_1276, %swap3A_1277] {strides = array<i32>} : memref<4x1024xi32, #tpu.memory_space<vmem>>, vector<16xi32>,
      tpu.vector_store %arg6[%swap3A_1276, %swap3A_1277], %add3A_1274 {strides = array<i32>} : memref<4x1024xi32, #tpu.memory_space<vmem>>, vector<16xi32>,
      %add3A_1279 = vector.broadcast %squeeze3A_1236 : i32 to vector<16xi32>
      %add3A_1280 = arith.addi %mul3A_53, %add3A_1279 : vector<16xi32>
      %swap3A_1281 = arith.constant 2 : i32
      %swap3A_1282 = arith.index_cast %swap3A_1281 : i32 to index
      %swap3A_1283 = arith.constant 880 : index
      %swap3A_1284 = tpu.vector_load %arg6[%swap3A_1282, %swap3A_1283] {strides = array<i32>} : memref<4x1024xi32, #tpu.memory_space<vmem>>, vector<16xi32>,
      tpu.vector_store %arg6[%swap3A_1282, %swap3A_1283], %add3A_1280 {strides = array<i32>} : memref<4x1024xi32, #tpu.memory_space<vmem>>, vector<16xi32>,
      %slice3A_1285 = vector.extract_strided_slice %get3A_934 {offsets = [7], sizes = [1], strides = [1]} : vector<16xi32> to vector<1xi32>
      %squeeze3A_1286 = vector.extract %slice3A_1285[0] : i32 from vector<1xi32>
      %add3A_1287 = vector.broadcast %squeeze3A_1286 : i32 to vector<16xi32>
      %add3A_1288 = arith.addi %mul3A_11, %add3A_1287 : vector<16xi32>
      %swap3A_1289 = arith.constant 2 : i32
      %swap3A_1290 = arith.index_cast %swap3A_1289 : i32 to index
      %swap3A_1291 = arith.constant 896 : index
      %swap3A_1292 = tpu.vector_load %arg6[%swap3A_1290, %swap3A_1291] {strides = array<i32>} : memref<4x1024xi32, #tpu.memory_space<vmem>>, vector<16xi32>,
      tpu.vector_store %arg6[%swap3A_1290, %swap3A_1291], %add3A_1288 {strides = array<i32>} : memref<4x1024xi32, #tpu.memory_space<vmem>>, vector<16xi32>,
      %add3A_1293 = vector.broadcast %squeeze3A_1286 : i32 to vector<16xi32>
      %add3A_1294 = arith.addi %mul3A_17, %add3A_1293 : vector<16xi32>
      %swap3A_1295 = arith.constant 2 : i32
      %swap3A_1296 = arith.index_cast %swap3A_1295 : i32 to index
      %swap3A_1297 = arith.constant 912 : index
      %swap3A_1298 = tpu.vector_load %arg6[%swap3A_1296, %swap3A_1297] {strides = array<i32>} : memref<4x1024xi32, #tpu.memory_space<vmem>>, vector<16xi32>,
      tpu.vector_store %arg6[%swap3A_1296, %swap3A_1297], %add3A_1294 {strides = array<i32>} : memref<4x1024xi32, #tpu.memory_space<vmem>>, vector<16xi32>,
      %add3A_1299 = vector.broadcast %squeeze3A_1286 : i32 to vector<16xi32>
      %add3A_1300 = arith.addi %mul3A_23, %add3A_1299 : vector<16xi32>
      %swap3A_1301 = arith.constant 2 : i32
      %swap3A_1302 = arith.index_cast %swap3A_1301 : i32 to index
      %swap3A_1303 = arith.constant 928 : index
      %swap3A_1304 = tpu.vector_load %arg6[%swap3A_1302, %swap3A_1303] {strides = array<i32>} : memref<4x1024xi32, #tpu.memory_space<vmem>>, vector<16xi32>,
      tpu.vector_store %arg6[%swap3A_1302, %swap3A_1303], %add3A_1300 {strides = array<i32>} : memref<4x1024xi32, #tpu.memory_space<vmem>>, vector<16xi32>,
      %add3A_1305 = vector.broadcast %squeeze3A_1286 : i32 to vector<16xi32>
      %add3A_1306 = arith.addi %mul3A_29, %add3A_1305 : vector<16xi32>
      %swap3A_1307 = arith.constant 2 : i32
      %swap3A_1308 = arith.index_cast %swap3A_1307 : i32 to index
      %swap3A_1309 = arith.constant 944 : index
      %swap3A_1310 = tpu.vector_load %arg6[%swap3A_1308, %swap3A_1309] {strides = array<i32>} : memref<4x1024xi32, #tpu.memory_space<vmem>>, vector<16xi32>,
      tpu.vector_store %arg6[%swap3A_1308, %swap3A_1309], %add3A_1306 {strides = array<i32>} : memref<4x1024xi32, #tpu.memory_space<vmem>>, vector<16xi32>,
      %add3A_1311 = vector.broadcast %squeeze3A_1286 : i32 to vector<16xi32>
      %add3A_1312 = arith.addi %mul3A_35, %add3A_1311 : vector<16xi32>
      %swap3A_1313 = arith.constant 2 : i32
      %swap3A_1314 = arith.index_cast %swap3A_1313 : i32 to index
      %swap3A_1315 = arith.constant 960 : index
      %swap3A_1316 = tpu.vector_load %arg6[%swap3A_1314, %swap3A_1315] {strides = array<i32>} : memref<4x1024xi32, #tpu.memory_space<vmem>>, vector<16xi32>,
      tpu.vector_store %arg6[%swap3A_1314, %swap3A_1315], %add3A_1312 {strides = array<i32>} : memref<4x1024xi32, #tpu.memory_space<vmem>>, vector<16xi32>,
      %add3A_1317 = vector.broadcast %squeeze3A_1286 : i32 to vector<16xi32>
      %add3A_1318 = arith.addi %mul3A_41, %add3A_1317 : vector<16xi32>
      %swap3A_1319 = arith.constant 2 : i32
      %swap3A_1320 = arith.index_cast %swap3A_1319 : i32 to index
      %swap3A_1321 = arith.constant 976 : index
      %swap3A_1322 = tpu.vector_load %arg6[%swap3A_1320, %swap3A_1321] {strides = array<i32>} : memref<4x1024xi32, #tpu.memory_space<vmem>>, vector<16xi32>,
      tpu.vector_store %arg6[%swap3A_1320, %swap3A_1321], %add3A_1318 {strides = array<i32>} : memref<4x1024xi32, #tpu.memory_space<vmem>>, vector<16xi32>,
      %add3A_1323 = vector.broadcast %squeeze3A_1286 : i32 to vector<16xi32>
      %add3A_1324 = arith.addi %mul3A_47, %add3A_1323 : vector<16xi32>
      %swap3A_1325 = arith.constant 2 : i32
      %swap3A_1326 = arith.index_cast %swap3A_1325 : i32 to index
      %swap3A_1327 = arith.constant 992 : index
      %swap3A_1328 = tpu.vector_load %arg6[%swap3A_1326, %swap3A_1327] {strides = array<i32>} : memref<4x1024xi32, #tpu.memory_space<vmem>>, vector<16xi32>,
      tpu.vector_store %arg6[%swap3A_1326, %swap3A_1327], %add3A_1324 {strides = array<i32>} : memref<4x1024xi32, #tpu.memory_space<vmem>>, vector<16xi32>,
      %add3A_1329 = vector.broadcast %squeeze3A_1286 : i32 to vector<16xi32>
      %add3A_1330 = arith.addi %mul3A_53, %add3A_1329 : vector<16xi32>
      %swap3A_1331 = arith.constant 2 : i32
      %swap3A_1332 = arith.index_cast %swap3A_1331 : i32 to index
      %swap3A_1333 = arith.constant 1008 : index
      %swap3A_1334 = tpu.vector_load %arg6[%swap3A_1332, %swap3A_1333] {strides = array<i32>} : memref<4x1024xi32, #tpu.memory_space<vmem>>, vector<16xi32>,
      tpu.vector_store %arg6[%swap3A_1332, %swap3A_1333], %add3A_1330 {strides = array<i32>} : memref<4x1024xi32, #tpu.memory_space<vmem>>, vector<16xi32>,
      %dma_start3A_1335 = arith.constant 2 : i32
      %dma_start3A_1336 = arith.constant 0 : i32
      %dma_start3A_1337 = tpu.memref_slice %arg6[%dma_start3A_1335, %dma_start3A_1336] : memref<4x1024xi32, #tpu.memory_space<vmem>> -> memref<1x1024xi32, #tpu.memory_space<vmem>>
      %dma_start3A_1338 = tpu.memref_squeeze %dma_start3A_1337 : memref<1x1024xi32, #tpu.memory_space<vmem>> -> memref<1024xi32, #tpu.memory_space<vmem>>
      %dma_start3A_1339 = arith.constant 0 : i32
      %dma_start3A_1340 = arith.constant 0 : i32
      %dma_start3A_1341 = tpu.memref_slice %arg2[%dma_start3A_1339, %dma_start3A_1340] : memref<4718592x16xf32, #tpu.memory_space<hbm>> -> memref<4718592x16xf32, #tpu.memory_space<hbm>>
      tpu.enqueue_indirect_dma source(%dma_start3A_1341 : memref<4718592x16xf32, #tpu.memory_space<hbm>>) target(%arg9 : memref<1024x16xf32, #tpu.memory_space<vmem>>) offsets(%dma_start3A_1338 : memref<1024xi32, #tpu.memory_space<vmem>>) semaphore(%arg15 : memref<!tpu.dma_semaphore, #tpu.memory_space<semaphore_mem>>)
      %dma_wait3A_1342 = arith.constant 0 : i32
      %dma_wait3A_1343 = arith.constant 0 : i32
      %dma_wait3A_1344 = tpu.memref_slice %arg6[%dma_wait3A_1342, %dma_wait3A_1343] : memref<4x1024xi32, #tpu.memory_space<vmem>> -> memref<1x1024xi32, #tpu.memory_space<vmem>>
      %dma_wait3A_1345 = tpu.memref_squeeze %dma_wait3A_1344 : memref<1x1024xi32, #tpu.memory_space<vmem>> -> memref<1024xi32, #tpu.memory_space<vmem>>
      %dma_wait3A_1346 = arith.constant 0 : i32
      %dma_wait3A_1347 = arith.constant 0 : i32
      %dma_wait3A_1348 = tpu.memref_slice %arg2[%dma_wait3A_1346, %dma_wait3A_1347] : memref<4718592x16xf32, #tpu.memory_space<hbm>> -> memref<4718592x16xf32, #tpu.memory_space<hbm>>
      tpu.wait_indirect_dma semaphore(%arg13 : memref<!tpu.dma_semaphore, #tpu.memory_space<semaphore_mem>>) src(%dma_wait3A_1348 : memref<4718592x16xf32, #tpu.memory_space<hbm>>) dst(%arg7 : memref<1024x16xf32, #tpu.memory_space<vmem>>)
      %gt3A = arith.constant 0 : i32
      %gt3A_1349 = arith.cmpi sgt, %scan3A_921, %gt3A : i32
      %convert_element_type3A = arith.extui %gt3A_1349 : i1 to i32
      %cond3A = arith.constant 0 : i32
      %cond3A_1350 = arith.cmpi ne, %convert_element_type3A, %cond3A : i32
      scf.if %cond3A_1350 {
        %dma_wait3A_2705 = arith.constant 0 : i32
        %dma_wait3A_2706 = arith.constant 0 : i32
        %dma_wait3A_2707 = arith.constant 0 : i32
        %dma_wait3A_2708 = arith.constant 0 : i32
        %dma_wait3A_2709 = tpu.memref_slice %arg11[%dma_wait3A_2707, %dma_wait3A_2708] : memref<128x129xf32, #tpu.memory_space<vmem>> -> memref<128x128xf32, #tpu.memory_space<vmem>>
        %dma_wait3A_2710 = arith.constant 0 : i32
        %dma_wait3A_2711 = arith.constant 0 : i32
        %dma_wait3A_2712 = tpu.memref_slice %arg4[%dma_wait3A_2705, %dma_wait3A_2706, %dma_wait3A_2710, %dma_wait3A_2711] : memref<1024x2x128x128xf32, #tpu.memory_space<hbm>> -> memref<1x1x128x128xf32, #tpu.memory_space<hbm>>
        %dma_wait3A_2713 = tpu.memref_squeeze %dma_wait3A_2712 : memref<1x1x128x128xf32, #tpu.memory_space<hbm>> -> memref<128x128xf32, #tpu.memory_space<hbm>>
        %dma_wait3A_2714 = arith.constant 0 : i32
        %dma_wait3A_2715 = arith.constant 0 : i32
        %dma_wait3A_2716 = tpu.memref_slice %arg4[%dma_wait3A_2705, %dma_wait3A_2706, %dma_wait3A_2714, %dma_wait3A_2715] : memref<1024x2x128x128xf32, #tpu.memory_space<hbm>> -> memref<1x1x128x128xf32, #tpu.memory_space<hbm>>
        %dma_wait3A_2717 = tpu.memref_squeeze %dma_wait3A_2716 : memref<1x1x128x128xf32, #tpu.memory_space<hbm>> -> memref<128x128xf32, #tpu.memory_space<hbm>>
        %dma_wait3A_2718 = arith.constant 0 : i32
        %dma_wait3A_2719 = arith.constant 0 : i32
        %dma_wait3A_2720 = tpu.memref_slice %arg11[%dma_wait3A_2718, %dma_wait3A_2719] : memref<128x129xf32, #tpu.memory_space<vmem>> -> memref<128x128xf32, #tpu.memory_space<vmem>>
        tpu.wait_dma2 semaphore(%arg17 : memref<!tpu.dma_semaphore, #tpu.memory_space<semaphore_mem>>) src(%dma_wait3A_2720 : memref<128x128xf32, #tpu.memory_space<vmem>>) dst(%dma_wait3A_2717 : memref<128x128xf32, #tpu.memory_space<hbm>>)
      } else {
      }
      %scan3A_1351 = arith.constant 0 : i32
      %scan3A_1352 = arith.constant 0 : i32
      %scan3A_1353 = arith.constant 8 : i32
      %scan3A_1354 = arith.addi %scan3A_1352, %scan3A_1353 : i32
      %scan3A_1355 = arith.constant 1 : i32
      scf.for %scan3A_2705 = %scan3A_1352 to %scan3A_1354 step %scan3A_1355  : i32 {
        %mul3A_2706 = arith.constant 128 : i32
        %mul3A_2707 = arith.muli %scan3A_2705, %mul3A_2706 : i32
        %mul3A_2708 = arith.constant 16 : i32
        %mul3A_2709 = arith.muli %scan3A_2705, %mul3A_2708 : i32
        %add3A_2710 = vector.broadcast %mul3A_2709 : i32 to vector<16xi32>
        %add3A_2711 = arith.addi %iota3A, %add3A_2710 : vector<16xi32>
        %parallel_loop3A = arith.constant 0 : i32
        %parallel_loop3A_2712 = arith.constant 128 : i32
        %parallel_loop3A_2713 = arith.constant 1 : i32
        %parallel_loop3A_2714 = scf.for %parallel_loop3A_2715 = %parallel_loop3A to %parallel_loop3A_2712 step %parallel_loop3A_2713 iter_args(%parallel_loop3A_2716 = %broadcast_in_dim3A_3) -> (vector<16xi32>)  : i32 {
          %parallel_loop3A_2717 = arith.addi %mul3A_2707, %parallel_loop3A_2715 : i32
          %parallel_loop3A_2718 = arith.index_cast %parallel_loop3A_2717 : i32 to index
          %parallel_loop3A_2719 = arith.constant 0 : index
          %parallel_loop3A_2720 = tpu.vector_load %arg7[%parallel_loop3A_2718, %parallel_loop3A_2719] {strides = array<i32>} : memref<1024x16xf32, #tpu.memory_space<vmem>>, vector<16xf32>,
          tpu.vector_store_idx %arg11[%add3A_2711, %parallel_loop3A_2716], %parallel_loop3A_2720 : memref<128x129xf32, #tpu.memory_space<vmem>>[vector<16xi32>, vector<16xi32>], vector<16xf32>,
          %parallel_loop3A_2721 = arith.addi %parallel_loop3A_2716, %broadcast_in_dim3A_5 : vector<16xi32>
          scf.yield %parallel_loop3A_2721 : vector<16xi32>
        } {sc.loop_unroll_factor = 16 : i64, sc.parallel_access}
      }
      %scan3A_1356 = arith.constant 8 : i32
      %dma_start3A_1357 = arith.constant 0 : i32
      %dma_start3A_1358 = arith.constant 0 : i32
      %dma_start3A_1359 = arith.constant 0 : i32
      %dma_start3A_1360 = tpu.memref_slice %arg11[%dma_start3A_1358, %dma_start3A_1359] : memref<128x129xf32, #tpu.memory_space<vmem>> -> memref<128x128xf32, #tpu.memory_space<vmem>>
      %dma_start3A_1361 = arith.constant 0 : i32
      %dma_start3A_1362 = arith.constant 0 : i32
      %dma_start3A_1363 = tpu.memref_slice %arg4[%add3A_929, %dma_start3A_1357, %dma_start3A_1361, %dma_start3A_1362] : memref<1024x2x128x128xf32, #tpu.memory_space<hbm>> -> memref<1x1x128x128xf32, #tpu.memory_space<hbm>>
      %dma_start3A_1364 = tpu.memref_squeeze %dma_start3A_1363 : memref<1x1x128x128xf32, #tpu.memory_space<hbm>> -> memref<128x128xf32, #tpu.memory_space<hbm>>
      %dma_start3A_1365 = arith.constant 0 : i32
      %dma_start3A_1366 = arith.constant 0 : i32
      %dma_start3A_1367 = tpu.memref_slice %arg4[%add3A_929, %dma_start3A_1357, %dma_start3A_1365, %dma_start3A_1366] : memref<1024x2x128x128xf32, #tpu.memory_space<hbm>> -> memref<1x1x128x128xf32, #tpu.memory_space<hbm>>
      %dma_start3A_1368 = tpu.memref_squeeze %dma_start3A_1367 : memref<1x1x128x128xf32, #tpu.memory_space<hbm>> -> memref<128x128xf32, #tpu.memory_space<hbm>>
      %dma_start3A_1369 = arith.constant 0 : i32
      %dma_start3A_1370 = arith.constant 0 : i32
      %dma_start3A_1371 = tpu.memref_slice %arg11[%dma_start3A_1369, %dma_start3A_1370] : memref<128x129xf32, #tpu.memory_space<vmem>> -> memref<128x128xf32, #tpu.memory_space<vmem>>
      tpu.enqueue_dma source(%dma_start3A_1371 : memref<128x128xf32, #tpu.memory_space<vmem>>) target(%dma_start3A_1368 : memref<128x128xf32, #tpu.memory_space<hbm>>) target_semaphore(%arg17 : memref<!tpu.dma_semaphore, #tpu.memory_space<semaphore_mem>>)
      %get3A_1372 = arith.index_cast %add3A_925 : i32 to index
      %get3A_1373 = arith.constant 0 : index
      %get3A_1374 = tpu.vector_load %arg5[%get3A_1372, %get3A_1373] {strides = array<i32>} : memref<32x16xi32, #tpu.memory_space<vmem>>, vector<16xi32>,
      %slice3A_1375 = vector.extract_strided_slice %get3A_1374 {offsets = [8], sizes = [1], strides = [1]} : vector<16xi32> to vector<1xi32>
      %squeeze3A_1376 = vector.extract %slice3A_1375[0] : i32 from vector<1xi32>
      %add3A_1377 = vector.broadcast %squeeze3A_1376 : i32 to vector<16xi32>
      %add3A_1378 = arith.addi %mul3A_11, %add3A_1377 : vector<16xi32>
      %swap3A_1379 = arith.constant 3 : i32
      %swap3A_1380 = arith.index_cast %swap3A_1379 : i32 to index
      %swap3A_1381 = arith.constant 0 : index
      %swap3A_1382 = tpu.vector_load %arg6[%swap3A_1380, %swap3A_1381] {strides = array<i32>} : memref<4x1024xi32, #tpu.memory_space<vmem>>, vector<16xi32>,
      tpu.vector_store %arg6[%swap3A_1380, %swap3A_1381], %add3A_1378 {strides = array<i32>} : memref<4x1024xi32, #tpu.memory_space<vmem>>, vector<16xi32>,
      %add3A_1383 = vector.broadcast %squeeze3A_1376 : i32 to vector<16xi32>
      %add3A_1384 = arith.addi %mul3A_17, %add3A_1383 : vector<16xi32>
      %swap3A_1385 = arith.constant 3 : i32
      %swap3A_1386 = arith.index_cast %swap3A_1385 : i32 to index
      %swap3A_1387 = arith.constant 16 : index
      %swap3A_1388 = tpu.vector_load %arg6[%swap3A_1386, %swap3A_1387] {strides = array<i32>} : memref<4x1024xi32, #tpu.memory_space<vmem>>, vector<16xi32>,
      tpu.vector_store %arg6[%swap3A_1386, %swap3A_1387], %add3A_1384 {strides = array<i32>} : memref<4x1024xi32, #tpu.memory_space<vmem>>, vector<16xi32>,
      %add3A_1389 = vector.broadcast %squeeze3A_1376 : i32 to vector<16xi32>
      %add3A_1390 = arith.addi %mul3A_23, %add3A_1389 : vector<16xi32>
      %swap3A_1391 = arith.constant 3 : i32
      %swap3A_1392 = arith.index_cast %swap3A_1391 : i32 to index
      %swap3A_1393 = arith.constant 32 : index
      %swap3A_1394 = tpu.vector_load %arg6[%swap3A_1392, %swap3A_1393] {strides = array<i32>} : memref<4x1024xi32, #tpu.memory_space<vmem>>, vector<16xi32>,
      tpu.vector_store %arg6[%swap3A_1392, %swap3A_1393], %add3A_1390 {strides = array<i32>} : memref<4x1024xi32, #tpu.memory_space<vmem>>, vector<16xi32>,
      %add3A_1395 = vector.broadcast %squeeze3A_1376 : i32 to vector<16xi32>
      %add3A_1396 = arith.addi %mul3A_29, %add3A_1395 : vector<16xi32>
      %swap3A_1397 = arith.constant 3 : i32
      %swap3A_1398 = arith.index_cast %swap3A_1397 : i32 to index
      %swap3A_1399 = arith.constant 48 : index
      %swap3A_1400 = tpu.vector_load %arg6[%swap3A_1398, %swap3A_1399] {strides = array<i32>} : memref<4x1024xi32, #tpu.memory_space<vmem>>, vector<16xi32>,
      tpu.vector_store %arg6[%swap3A_1398, %swap3A_1399], %add3A_1396 {strides = array<i32>} : memref<4x1024xi32, #tpu.memory_space<vmem>>, vector<16xi32>,
      %add3A_1401 = vector.broadcast %squeeze3A_1376 : i32 to vector<16xi32>
      %add3A_1402 = arith.addi %mul3A_35, %add3A_1401 : vector<16xi32>
      %swap3A_1403 = arith.constant 3 : i32
      %swap3A_1404 = arith.index_cast %swap3A_1403 : i32 to index
      %swap3A_1405 = arith.constant 64 : index
      %swap3A_1406 = tpu.vector_load %arg6[%swap3A_1404, %swap3A_1405] {strides = array<i32>} : memref<4x1024xi32, #tpu.memory_space<vmem>>, vector<16xi32>,
      tpu.vector_store %arg6[%swap3A_1404, %swap3A_1405], %add3A_1402 {strides = array<i32>} : memref<4x1024xi32, #tpu.memory_space<vmem>>, vector<16xi32>,
      %add3A_1407 = vector.broadcast %squeeze3A_1376 : i32 to vector<16xi32>
      %add3A_1408 = arith.addi %mul3A_41, %add3A_1407 : vector<16xi32>
      %swap3A_1409 = arith.constant 3 : i32
      %swap3A_1410 = arith.index_cast %swap3A_1409 : i32 to index
      %swap3A_1411 = arith.constant 80 : index
      %swap3A_1412 = tpu.vector_load %arg6[%swap3A_1410, %swap3A_1411] {strides = array<i32>} : memref<4x1024xi32, #tpu.memory_space<vmem>>, vector<16xi32>,
      tpu.vector_store %arg6[%swap3A_1410, %swap3A_1411], %add3A_1408 {strides = array<i32>} : memref<4x1024xi32, #tpu.memory_space<vmem>>, vector<16xi32>,
      %add3A_1413 = vector.broadcast %squeeze3A_1376 : i32 to vector<16xi32>
      %add3A_1414 = arith.addi %mul3A_47, %add3A_1413 : vector<16xi32>
      %swap3A_1415 = arith.constant 3 : i32
      %swap3A_1416 = arith.index_cast %swap3A_1415 : i32 to index
      %swap3A_1417 = arith.constant 96 : index
      %swap3A_1418 = tpu.vector_load %arg6[%swap3A_1416, %swap3A_1417] {strides = array<i32>} : memref<4x1024xi32, #tpu.memory_space<vmem>>, vector<16xi32>,
      tpu.vector_store %arg6[%swap3A_1416, %swap3A_1417], %add3A_1414 {strides = array<i32>} : memref<4x1024xi32, #tpu.memory_space<vmem>>, vector<16xi32>,
      %add3A_1419 = vector.broadcast %squeeze3A_1376 : i32 to vector<16xi32>
      %add3A_1420 = arith.addi %mul3A_53, %add3A_1419 : vector<16xi32>
      %swap3A_1421 = arith.constant 3 : i32
      %swap3A_1422 = arith.index_cast %swap3A_1421 : i32 to index
      %swap3A_1423 = arith.constant 112 : index
      %swap3A_1424 = tpu.vector_load %arg6[%swap3A_1422, %swap3A_1423] {strides = array<i32>} : memref<4x1024xi32, #tpu.memory_space<vmem>>, vector<16xi32>,
      tpu.vector_store %arg6[%swap3A_1422, %swap3A_1423], %add3A_1420 {strides = array<i32>} : memref<4x1024xi32, #tpu.memory_space<vmem>>, vector<16xi32>,
      %slice3A_1425 = vector.extract_strided_slice %get3A_1374 {offsets = [9], sizes = [1], strides = [1]} : vector<16xi32> to vector<1xi32>
      %squeeze3A_1426 = vector.extract %slice3A_1425[0] : i32 from vector<1xi32>
      %add3A_1427 = vector.broadcast %squeeze3A_1426 : i32 to vector<16xi32>
      %add3A_1428 = arith.addi %mul3A_11, %add3A_1427 : vector<16xi32>
      %swap3A_1429 = arith.constant 3 : i32
      %swap3A_1430 = arith.index_cast %swap3A_1429 : i32 to index
      %swap3A_1431 = arith.constant 128 : index
      %swap3A_1432 = tpu.vector_load %arg6[%swap3A_1430, %swap3A_1431] {strides = array<i32>} : memref<4x1024xi32, #tpu.memory_space<vmem>>, vector<16xi32>,
      tpu.vector_store %arg6[%swap3A_1430, %swap3A_1431], %add3A_1428 {strides = array<i32>} : memref<4x1024xi32, #tpu.memory_space<vmem>>, vector<16xi32>,
      %add3A_1433 = vector.broadcast %squeeze3A_1426 : i32 to vector<16xi32>
      %add3A_1434 = arith.addi %mul3A_17, %add3A_1433 : vector<16xi32>
      %swap3A_1435 = arith.constant 3 : i32
      %swap3A_1436 = arith.index_cast %swap3A_1435 : i32 to index
      %swap3A_1437 = arith.constant 144 : index
      %swap3A_1438 = tpu.vector_load %arg6[%swap3A_1436, %swap3A_1437] {strides = array<i32>} : memref<4x1024xi32, #tpu.memory_space<vmem>>, vector<16xi32>,
      tpu.vector_store %arg6[%swap3A_1436, %swap3A_1437], %add3A_1434 {strides = array<i32>} : memref<4x1024xi32, #tpu.memory_space<vmem>>, vector<16xi32>,
      %add3A_1439 = vector.broadcast %squeeze3A_1426 : i32 to vector<16xi32>
      %add3A_1440 = arith.addi %mul3A_23, %add3A_1439 : vector<16xi32>
      %swap3A_1441 = arith.constant 3 : i32
      %swap3A_1442 = arith.index_cast %swap3A_1441 : i32 to index
      %swap3A_1443 = arith.constant 160 : index
      %swap3A_1444 = tpu.vector_load %arg6[%swap3A_1442, %swap3A_1443] {strides = array<i32>} : memref<4x1024xi32, #tpu.memory_space<vmem>>, vector<16xi32>,
      tpu.vector_store %arg6[%swap3A_1442, %swap3A_1443], %add3A_1440 {strides = array<i32>} : memref<4x1024xi32, #tpu.memory_space<vmem>>, vector<16xi32>,
      %add3A_1445 = vector.broadcast %squeeze3A_1426 : i32 to vector<16xi32>
      %add3A_1446 = arith.addi %mul3A_29, %add3A_1445 : vector<16xi32>
      %swap3A_1447 = arith.constant 3 : i32
      %swap3A_1448 = arith.index_cast %swap3A_1447 : i32 to index
      %swap3A_1449 = arith.constant 176 : index
      %swap3A_1450 = tpu.vector_load %arg6[%swap3A_1448, %swap3A_1449] {strides = array<i32>} : memref<4x1024xi32, #tpu.memory_space<vmem>>, vector<16xi32>,
      tpu.vector_store %arg6[%swap3A_1448, %swap3A_1449], %add3A_1446 {strides = array<i32>} : memref<4x1024xi32, #tpu.memory_space<vmem>>, vector<16xi32>,
      %add3A_1451 = vector.broadcast %squeeze3A_1426 : i32 to vector<16xi32>
      %add3A_1452 = arith.addi %mul3A_35, %add3A_1451 : vector<16xi32>
      %swap3A_1453 = arith.constant 3 : i32
      %swap3A_1454 = arith.index_cast %swap3A_1453 : i32 to index
      %swap3A_1455 = arith.constant 192 : index
      %swap3A_1456 = tpu.vector_load %arg6[%swap3A_1454, %swap3A_1455] {strides = array<i32>} : memref<4x1024xi32, #tpu.memory_space<vmem>>, vector<16xi32>,
      tpu.vector_store %arg6[%swap3A_1454, %swap3A_1455], %add3A_1452 {strides = array<i32>} : memref<4x1024xi32, #tpu.memory_space<vmem>>, vector<16xi32>,
      %add3A_1457 = vector.broadcast %squeeze3A_1426 : i32 to vector<16xi32>
      %add3A_1458 = arith.addi %mul3A_41, %add3A_1457 : vector<16xi32>
      %swap3A_1459 = arith.constant 3 : i32
      %swap3A_1460 = arith.index_cast %swap3A_1459 : i32 to index
      %swap3A_1461 = arith.constant 208 : index
      %swap3A_1462 = tpu.vector_load %arg6[%swap3A_1460, %swap3A_1461] {strides = array<i32>} : memref<4x1024xi32, #tpu.memory_space<vmem>>, vector<16xi32>,
      tpu.vector_store %arg6[%swap3A_1460, %swap3A_1461], %add3A_1458 {strides = array<i32>} : memref<4x1024xi32, #tpu.memory_space<vmem>>, vector<16xi32>,
      %add3A_1463 = vector.broadcast %squeeze3A_1426 : i32 to vector<16xi32>
      %add3A_1464 = arith.addi %mul3A_47, %add3A_1463 : vector<16xi32>
      %swap3A_1465 = arith.constant 3 : i32
      %swap3A_1466 = arith.index_cast %swap3A_1465 : i32 to index
      %swap3A_1467 = arith.constant 224 : index
      %swap3A_1468 = tpu.vector_load %arg6[%swap3A_1466, %swap3A_1467] {strides = array<i32>} : memref<4x1024xi32, #tpu.memory_space<vmem>>, vector<16xi32>,
      tpu.vector_store %arg6[%swap3A_1466, %swap3A_1467], %add3A_1464 {strides = array<i32>} : memref<4x1024xi32, #tpu.memory_space<vmem>>, vector<16xi32>,
      %add3A_1469 = vector.broadcast %squeeze3A_1426 : i32 to vector<16xi32>
      %add3A_1470 = arith.addi %mul3A_53, %add3A_1469 : vector<16xi32>
      %swap3A_1471 = arith.constant 3 : i32
      %swap3A_1472 = arith.index_cast %swap3A_1471 : i32 to index
      %swap3A_1473 = arith.constant 240 : index
      %swap3A_1474 = tpu.vector_load %arg6[%swap3A_1472, %swap3A_1473] {strides = array<i32>} : memref<4x1024xi32, #tpu.memory_space<vmem>>, vector<16xi32>,
      tpu.vector_store %arg6[%swap3A_1472, %swap3A_1473], %add3A_1470 {strides = array<i32>} : memref<4x1024xi32, #tpu.memory_space<vmem>>, vector<16xi32>,
      %slice3A_1475 = vector.extract_strided_slice %get3A_1374 {offsets = [10], sizes = [1], strides = [1]} : vector<16xi32> to vector<1xi32>
      %squeeze3A_1476 = vector.extract %slice3A_1475[0] : i32 from vector<1xi32>
      %add3A_1477 = vector.broadcast %squeeze3A_1476 : i32 to vector<16xi32>
      %add3A_1478 = arith.addi %mul3A_11, %add3A_1477 : vector<16xi32>
      %swap3A_1479 = arith.constant 3 : i32
      %swap3A_1480 = arith.index_cast %swap3A_1479 : i32 to index
      %swap3A_1481 = arith.constant 256 : index
      %swap3A_1482 = tpu.vector_load %arg6[%swap3A_1480, %swap3A_1481] {strides = array<i32>} : memref<4x1024xi32, #tpu.memory_space<vmem>>, vector<16xi32>,
      tpu.vector_store %arg6[%swap3A_1480, %swap3A_1481], %add3A_1478 {strides = array<i32>} : memref<4x1024xi32, #tpu.memory_space<vmem>>, vector<16xi32>,
      %add3A_1483 = vector.broadcast %squeeze3A_1476 : i32 to vector<16xi32>
      %add3A_1484 = arith.addi %mul3A_17, %add3A_1483 : vector<16xi32>
      %swap3A_1485 = arith.constant 3 : i32
      %swap3A_1486 = arith.index_cast %swap3A_1485 : i32 to index
      %swap3A_1487 = arith.constant 272 : index
      %swap3A_1488 = tpu.vector_load %arg6[%swap3A_1486, %swap3A_1487] {strides = array<i32>} : memref<4x1024xi32, #tpu.memory_space<vmem>>, vector<16xi32>,
      tpu.vector_store %arg6[%swap3A_1486, %swap3A_1487], %add3A_1484 {strides = array<i32>} : memref<4x1024xi32, #tpu.memory_space<vmem>>, vector<16xi32>,
      %add3A_1489 = vector.broadcast %squeeze3A_1476 : i32 to vector<16xi32>
      %add3A_1490 = arith.addi %mul3A_23, %add3A_1489 : vector<16xi32>
      %swap3A_1491 = arith.constant 3 : i32
      %swap3A_1492 = arith.index_cast %swap3A_1491 : i32 to index
      %swap3A_1493 = arith.constant 288 : index
      %swap3A_1494 = tpu.vector_load %arg6[%swap3A_1492, %swap3A_1493] {strides = array<i32>} : memref<4x1024xi32, #tpu.memory_space<vmem>>, vector<16xi32>,
      tpu.vector_store %arg6[%swap3A_1492, %swap3A_1493], %add3A_1490 {strides = array<i32>} : memref<4x1024xi32, #tpu.memory_space<vmem>>, vector<16xi32>,
      %add3A_1495 = vector.broadcast %squeeze3A_1476 : i32 to vector<16xi32>
      %add3A_1496 = arith.addi %mul3A_29, %add3A_1495 : vector<16xi32>
      %swap3A_1497 = arith.constant 3 : i32
      %swap3A_1498 = arith.index_cast %swap3A_1497 : i32 to index
      %swap3A_1499 = arith.constant 304 : index
      %swap3A_1500 = tpu.vector_load %arg6[%swap3A_1498, %swap3A_1499] {strides = array<i32>} : memref<4x1024xi32, #tpu.memory_space<vmem>>, vector<16xi32>,
      tpu.vector_store %arg6[%swap3A_1498, %swap3A_1499], %add3A_1496 {strides = array<i32>} : memref<4x1024xi32, #tpu.memory_space<vmem>>, vector<16xi32>,
      %add3A_1501 = vector.broadcast %squeeze3A_1476 : i32 to vector<16xi32>
      %add3A_1502 = arith.addi %mul3A_35, %add3A_1501 : vector<16xi32>
      %swap3A_1503 = arith.constant 3 : i32
      %swap3A_1504 = arith.index_cast %swap3A_1503 : i32 to index
      %swap3A_1505 = arith.constant 320 : index
      %swap3A_1506 = tpu.vector_load %arg6[%swap3A_1504, %swap3A_1505] {strides = array<i32>} : memref<4x1024xi32, #tpu.memory_space<vmem>>, vector<16xi32>,
      tpu.vector_store %arg6[%swap3A_1504, %swap3A_1505], %add3A_1502 {strides = array<i32>} : memref<4x1024xi32, #tpu.memory_space<vmem>>, vector<16xi32>,
      %add3A_1507 = vector.broadcast %squeeze3A_1476 : i32 to vector<16xi32>
      %add3A_1508 = arith.addi %mul3A_41, %add3A_1507 : vector<16xi32>
      %swap3A_1509 = arith.constant 3 : i32
      %swap3A_1510 = arith.index_cast %swap3A_1509 : i32 to index
      %swap3A_1511 = arith.constant 336 : index
      %swap3A_1512 = tpu.vector_load %arg6[%swap3A_1510, %swap3A_1511] {strides = array<i32>} : memref<4x1024xi32, #tpu.memory_space<vmem>>, vector<16xi32>,
      tpu.vector_store %arg6[%swap3A_1510, %swap3A_1511], %add3A_1508 {strides = array<i32>} : memref<4x1024xi32, #tpu.memory_space<vmem>>, vector<16xi32>,
      %add3A_1513 = vector.broadcast %squeeze3A_1476 : i32 to vector<16xi32>
      %add3A_1514 = arith.addi %mul3A_47, %add3A_1513 : vector<16xi32>
      %swap3A_1515 = arith.constant 3 : i32
      %swap3A_1516 = arith.index_cast %swap3A_1515 : i32 to index
      %swap3A_1517 = arith.constant 352 : index
      %swap3A_1518 = tpu.vector_load %arg6[%swap3A_1516, %swap3A_1517] {strides = array<i32>} : memref<4x1024xi32, #tpu.memory_space<vmem>>, vector<16xi32>,
      tpu.vector_store %arg6[%swap3A_1516, %swap3A_1517], %add3A_1514 {strides = array<i32>} : memref<4x1024xi32, #tpu.memory_space<vmem>>, vector<16xi32>,
      %add3A_1519 = vector.broadcast %squeeze3A_1476 : i32 to vector<16xi32>
      %add3A_1520 = arith.addi %mul3A_53, %add3A_1519 : vector<16xi32>
      %swap3A_1521 = arith.constant 3 : i32
      %swap3A_1522 = arith.index_cast %swap3A_1521 : i32 to index
      %swap3A_1523 = arith.constant 368 : index
      %swap3A_1524 = tpu.vector_load %arg6[%swap3A_1522, %swap3A_1523] {strides = array<i32>} : memref<4x1024xi32, #tpu.memory_space<vmem>>, vector<16xi32>,
      tpu.vector_store %arg6[%swap3A_1522, %swap3A_1523], %add3A_1520 {strides = array<i32>} : memref<4x1024xi32, #tpu.memory_space<vmem>>, vector<16xi32>,
      %slice3A_1525 = vector.extract_strided_slice %get3A_1374 {offsets = [11], sizes = [1], strides = [1]} : vector<16xi32> to vector<1xi32>
      %squeeze3A_1526 = vector.extract %slice3A_1525[0] : i32 from vector<1xi32>
      %add3A_1527 = vector.broadcast %squeeze3A_1526 : i32 to vector<16xi32>
      %add3A_1528 = arith.addi %mul3A_11, %add3A_1527 : vector<16xi32>
      %swap3A_1529 = arith.constant 3 : i32
      %swap3A_1530 = arith.index_cast %swap3A_1529 : i32 to index
      %swap3A_1531 = arith.constant 384 : index
      %swap3A_1532 = tpu.vector_load %arg6[%swap3A_1530, %swap3A_1531] {strides = array<i32>} : memref<4x1024xi32, #tpu.memory_space<vmem>>, vector<16xi32>,
      tpu.vector_store %arg6[%swap3A_1530, %swap3A_1531], %add3A_1528 {strides = array<i32>} : memref<4x1024xi32, #tpu.memory_space<vmem>>, vector<16xi32>,
      %add3A_1533 = vector.broadcast %squeeze3A_1526 : i32 to vector<16xi32>
      %add3A_1534 = arith.addi %mul3A_17, %add3A_1533 : vector<16xi32>
      %swap3A_1535 = arith.constant 3 : i32
      %swap3A_1536 = arith.index_cast %swap3A_1535 : i32 to index
      %swap3A_1537 = arith.constant 400 : index
      %swap3A_1538 = tpu.vector_load %arg6[%swap3A_1536, %swap3A_1537] {strides = array<i32>} : memref<4x1024xi32, #tpu.memory_space<vmem>>, vector<16xi32>,
      tpu.vector_store %arg6[%swap3A_1536, %swap3A_1537], %add3A_1534 {strides = array<i32>} : memref<4x1024xi32, #tpu.memory_space<vmem>>, vector<16xi32>,
      %add3A_1539 = vector.broadcast %squeeze3A_1526 : i32 to vector<16xi32>
      %add3A_1540 = arith.addi %mul3A_23, %add3A_1539 : vector<16xi32>
      %swap3A_1541 = arith.constant 3 : i32
      %swap3A_1542 = arith.index_cast %swap3A_1541 : i32 to index
      %swap3A_1543 = arith.constant 416 : index
      %swap3A_1544 = tpu.vector_load %arg6[%swap3A_1542, %swap3A_1543] {strides = array<i32>} : memref<4x1024xi32, #tpu.memory_space<vmem>>, vector<16xi32>,
      tpu.vector_store %arg6[%swap3A_1542, %swap3A_1543], %add3A_1540 {strides = array<i32>} : memref<4x1024xi32, #tpu.memory_space<vmem>>, vector<16xi32>,
      %add3A_1545 = vector.broadcast %squeeze3A_1526 : i32 to vector<16xi32>
      %add3A_1546 = arith.addi %mul3A_29, %add3A_1545 : vector<16xi32>
      %swap3A_1547 = arith.constant 3 : i32
      %swap3A_1548 = arith.index_cast %swap3A_1547 : i32 to index
      %swap3A_1549 = arith.constant 432 : index
      %swap3A_1550 = tpu.vector_load %arg6[%swap3A_1548, %swap3A_1549] {strides = array<i32>} : memref<4x1024xi32, #tpu.memory_space<vmem>>, vector<16xi32>,
      tpu.vector_store %arg6[%swap3A_1548, %swap3A_1549], %add3A_1546 {strides = array<i32>} : memref<4x1024xi32, #tpu.memory_space<vmem>>, vector<16xi32>,
      %add3A_1551 = vector.broadcast %squeeze3A_1526 : i32 to vector<16xi32>
      %add3A_1552 = arith.addi %mul3A_35, %add3A_1551 : vector<16xi32>
      %swap3A_1553 = arith.constant 3 : i32
      %swap3A_1554 = arith.index_cast %swap3A_1553 : i32 to index
      %swap3A_1555 = arith.constant 448 : index
      %swap3A_1556 = tpu.vector_load %arg6[%swap3A_1554, %swap3A_1555] {strides = array<i32>} : memref<4x1024xi32, #tpu.memory_space<vmem>>, vector<16xi32>,
      tpu.vector_store %arg6[%swap3A_1554, %swap3A_1555], %add3A_1552 {strides = array<i32>} : memref<4x1024xi32, #tpu.memory_space<vmem>>, vector<16xi32>,
      %add3A_1557 = vector.broadcast %squeeze3A_1526 : i32 to vector<16xi32>
      %add3A_1558 = arith.addi %mul3A_41, %add3A_1557 : vector<16xi32>
      %swap3A_1559 = arith.constant 3 : i32
      %swap3A_1560 = arith.index_cast %swap3A_1559 : i32 to index
      %swap3A_1561 = arith.constant 464 : index
      %swap3A_1562 = tpu.vector_load %arg6[%swap3A_1560, %swap3A_1561] {strides = array<i32>} : memref<4x1024xi32, #tpu.memory_space<vmem>>, vector<16xi32>,
      tpu.vector_store %arg6[%swap3A_1560, %swap3A_1561], %add3A_1558 {strides = array<i32>} : memref<4x1024xi32, #tpu.memory_space<vmem>>, vector<16xi32>,
      %add3A_1563 = vector.broadcast %squeeze3A_1526 : i32 to vector<16xi32>
      %add3A_1564 = arith.addi %mul3A_47, %add3A_1563 : vector<16xi32>
      %swap3A_1565 = arith.constant 3 : i32
      %swap3A_1566 = arith.index_cast %swap3A_1565 : i32 to index
      %swap3A_1567 = arith.constant 480 : index
      %swap3A_1568 = tpu.vector_load %arg6[%swap3A_1566, %swap3A_1567] {strides = array<i32>} : memref<4x1024xi32, #tpu.memory_space<vmem>>, vector<16xi32>,
      tpu.vector_store %arg6[%swap3A_1566, %swap3A_1567], %add3A_1564 {strides = array<i32>} : memref<4x1024xi32, #tpu.memory_space<vmem>>, vector<16xi32>,
      %add3A_1569 = vector.broadcast %squeeze3A_1526 : i32 to vector<16xi32>
      %add3A_1570 = arith.addi %mul3A_53, %add3A_1569 : vector<16xi32>
      %swap3A_1571 = arith.constant 3 : i32
      %swap3A_1572 = arith.index_cast %swap3A_1571 : i32 to index
      %swap3A_1573 = arith.constant 496 : index
      %swap3A_1574 = tpu.vector_load %arg6[%swap3A_1572, %swap3A_1573] {strides = array<i32>} : memref<4x1024xi32, #tpu.memory_space<vmem>>, vector<16xi32>,
      tpu.vector_store %arg6[%swap3A_1572, %swap3A_1573], %add3A_1570 {strides = array<i32>} : memref<4x1024xi32, #tpu.memory_space<vmem>>, vector<16xi32>,
      %slice3A_1575 = vector.extract_strided_slice %get3A_1374 {offsets = [12], sizes = [1], strides = [1]} : vector<16xi32> to vector<1xi32>
      %squeeze3A_1576 = vector.extract %slice3A_1575[0] : i32 from vector<1xi32>
      %add3A_1577 = vector.broadcast %squeeze3A_1576 : i32 to vector<16xi32>
      %add3A_1578 = arith.addi %mul3A_11, %add3A_1577 : vector<16xi32>
      %swap3A_1579 = arith.constant 3 : i32
      %swap3A_1580 = arith.index_cast %swap3A_1579 : i32 to index
      %swap3A_1581 = arith.constant 512 : index
      %swap3A_1582 = tpu.vector_load %arg6[%swap3A_1580, %swap3A_1581] {strides = array<i32>} : memref<4x1024xi32, #tpu.memory_space<vmem>>, vector<16xi32>,
      tpu.vector_store %arg6[%swap3A_1580, %swap3A_1581], %add3A_1578 {strides = array<i32>} : memref<4x1024xi32, #tpu.memory_space<vmem>>, vector<16xi32>,
      %add3A_1583 = vector.broadcast %squeeze3A_1576 : i32 to vector<16xi32>
      %add3A_1584 = arith.addi %mul3A_17, %add3A_1583 : vector<16xi32>
      %swap3A_1585 = arith.constant 3 : i32
      %swap3A_1586 = arith.index_cast %swap3A_1585 : i32 to index
      %swap3A_1587 = arith.constant 528 : index
      %swap3A_1588 = tpu.vector_load %arg6[%swap3A_1586, %swap3A_1587] {strides = array<i32>} : memref<4x1024xi32, #tpu.memory_space<vmem>>, vector<16xi32>,
      tpu.vector_store %arg6[%swap3A_1586, %swap3A_1587], %add3A_1584 {strides = array<i32>} : memref<4x1024xi32, #tpu.memory_space<vmem>>, vector<16xi32>,
      %add3A_1589 = vector.broadcast %squeeze3A_1576 : i32 to vector<16xi32>
      %add3A_1590 = arith.addi %mul3A_23, %add3A_1589 : vector<16xi32>
      %swap3A_1591 = arith.constant 3 : i32
      %swap3A_1592 = arith.index_cast %swap3A_1591 : i32 to index
      %swap3A_1593 = arith.constant 544 : index
      %swap3A_1594 = tpu.vector_load %arg6[%swap3A_1592, %swap3A_1593] {strides = array<i32>} : memref<4x1024xi32, #tpu.memory_space<vmem>>, vector<16xi32>,
      tpu.vector_store %arg6[%swap3A_1592, %swap3A_1593], %add3A_1590 {strides = array<i32>} : memref<4x1024xi32, #tpu.memory_space<vmem>>, vector<16xi32>,
      %add3A_1595 = vector.broadcast %squeeze3A_1576 : i32 to vector<16xi32>
      %add3A_1596 = arith.addi %mul3A_29, %add3A_1595 : vector<16xi32>
      %swap3A_1597 = arith.constant 3 : i32
      %swap3A_1598 = arith.index_cast %swap3A_1597 : i32 to index
      %swap3A_1599 = arith.constant 560 : index
      %swap3A_1600 = tpu.vector_load %arg6[%swap3A_1598, %swap3A_1599] {strides = array<i32>} : memref<4x1024xi32, #tpu.memory_space<vmem>>, vector<16xi32>,
      tpu.vector_store %arg6[%swap3A_1598, %swap3A_1599], %add3A_1596 {strides = array<i32>} : memref<4x1024xi32, #tpu.memory_space<vmem>>, vector<16xi32>,
      %add3A_1601 = vector.broadcast %squeeze3A_1576 : i32 to vector<16xi32>
      %add3A_1602 = arith.addi %mul3A_35, %add3A_1601 : vector<16xi32>
      %swap3A_1603 = arith.constant 3 : i32
      %swap3A_1604 = arith.index_cast %swap3A_1603 : i32 to index
      %swap3A_1605 = arith.constant 576 : index
      %swap3A_1606 = tpu.vector_load %arg6[%swap3A_1604, %swap3A_1605] {strides = array<i32>} : memref<4x1024xi32, #tpu.memory_space<vmem>>, vector<16xi32>,
      tpu.vector_store %arg6[%swap3A_1604, %swap3A_1605], %add3A_1602 {strides = array<i32>} : memref<4x1024xi32, #tpu.memory_space<vmem>>, vector<16xi32>,
      %add3A_1607 = vector.broadcast %squeeze3A_1576 : i32 to vector<16xi32>
      %add3A_1608 = arith.addi %mul3A_41, %add3A_1607 : vector<16xi32>
      %swap3A_1609 = arith.constant 3 : i32
      %swap3A_1610 = arith.index_cast %swap3A_1609 : i32 to index
      %swap3A_1611 = arith.constant 592 : index
      %swap3A_1612 = tpu.vector_load %arg6[%swap3A_1610, %swap3A_1611] {strides = array<i32>} : memref<4x1024xi32, #tpu.memory_space<vmem>>, vector<16xi32>,
      tpu.vector_store %arg6[%swap3A_1610, %swap3A_1611], %add3A_1608 {strides = array<i32>} : memref<4x1024xi32, #tpu.memory_space<vmem>>, vector<16xi32>,
      %add3A_1613 = vector.broadcast %squeeze3A_1576 : i32 to vector<16xi32>
      %add3A_1614 = arith.addi %mul3A_47, %add3A_1613 : vector<16xi32>
      %swap3A_1615 = arith.constant 3 : i32
      %swap3A_1616 = arith.index_cast %swap3A_1615 : i32 to index
      %swap3A_1617 = arith.constant 608 : index
      %swap3A_1618 = tpu.vector_load %arg6[%swap3A_1616, %swap3A_1617] {strides = array<i32>} : memref<4x1024xi32, #tpu.memory_space<vmem>>, vector<16xi32>,
      tpu.vector_store %arg6[%swap3A_1616, %swap3A_1617], %add3A_1614 {strides = array<i32>} : memref<4x1024xi32, #tpu.memory_space<vmem>>, vector<16xi32>,
      %add3A_1619 = vector.broadcast %squeeze3A_1576 : i32 to vector<16xi32>
      %add3A_1620 = arith.addi %mul3A_53, %add3A_1619 : vector<16xi32>
      %swap3A_1621 = arith.constant 3 : i32
      %swap3A_1622 = arith.index_cast %swap3A_1621 : i32 to index
      %swap3A_1623 = arith.constant 624 : index
      %swap3A_1624 = tpu.vector_load %arg6[%swap3A_1622, %swap3A_1623] {strides = array<i32>} : memref<4x1024xi32, #tpu.memory_space<vmem>>, vector<16xi32>,
      tpu.vector_store %arg6[%swap3A_1622, %swap3A_1623], %add3A_1620 {strides = array<i32>} : memref<4x1024xi32, #tpu.memory_space<vmem>>, vector<16xi32>,
      %slice3A_1625 = vector.extract_strided_slice %get3A_1374 {offsets = [13], sizes = [1], strides = [1]} : vector<16xi32> to vector<1xi32>
      %squeeze3A_1626 = vector.extract %slice3A_1625[0] : i32 from vector<1xi32>
      %add3A_1627 = vector.broadcast %squeeze3A_1626 : i32 to vector<16xi32>
      %add3A_1628 = arith.addi %mul3A_11, %add3A_1627 : vector<16xi32>
      %swap3A_1629 = arith.constant 3 : i32
      %swap3A_1630 = arith.index_cast %swap3A_1629 : i32 to index
      %swap3A_1631 = arith.constant 640 : index
      %swap3A_1632 = tpu.vector_load %arg6[%swap3A_1630, %swap3A_1631] {strides = array<i32>} : memref<4x1024xi32, #tpu.memory_space<vmem>>, vector<16xi32>,
      tpu.vector_store %arg6[%swap3A_1630, %swap3A_1631], %add3A_1628 {strides = array<i32>} : memref<4x1024xi32, #tpu.memory_space<vmem>>, vector<16xi32>,
      %add3A_1633 = vector.broadcast %squeeze3A_1626 : i32 to vector<16xi32>
      %add3A_1634 = arith.addi %mul3A_17, %add3A_1633 : vector<16xi32>
      %swap3A_1635 = arith.constant 3 : i32
      %swap3A_1636 = arith.index_cast %swap3A_1635 : i32 to index
      %swap3A_1637 = arith.constant 656 : index
      %swap3A_1638 = tpu.vector_load %arg6[%swap3A_1636, %swap3A_1637] {strides = array<i32>} : memref<4x1024xi32, #tpu.memory_space<vmem>>, vector<16xi32>,
      tpu.vector_store %arg6[%swap3A_1636, %swap3A_1637], %add3A_1634 {strides = array<i32>} : memref<4x1024xi32, #tpu.memory_space<vmem>>, vector<16xi32>,
      %add3A_1639 = vector.broadcast %squeeze3A_1626 : i32 to vector<16xi32>
      %add3A_1640 = arith.addi %mul3A_23, %add3A_1639 : vector<16xi32>
      %swap3A_1641 = arith.constant 3 : i32
      %swap3A_1642 = arith.index_cast %swap3A_1641 : i32 to index
      %swap3A_1643 = arith.constant 672 : index
      %swap3A_1644 = tpu.vector_load %arg6[%swap3A_1642, %swap3A_1643] {strides = array<i32>} : memref<4x1024xi32, #tpu.memory_space<vmem>>, vector<16xi32>,
      tpu.vector_store %arg6[%swap3A_1642, %swap3A_1643], %add3A_1640 {strides = array<i32>} : memref<4x1024xi32, #tpu.memory_space<vmem>>, vector<16xi32>,
      %add3A_1645 = vector.broadcast %squeeze3A_1626 : i32 to vector<16xi32>
      %add3A_1646 = arith.addi %mul3A_29, %add3A_1645 : vector<16xi32>
      %swap3A_1647 = arith.constant 3 : i32
      %swap3A_1648 = arith.index_cast %swap3A_1647 : i32 to index
      %swap3A_1649 = arith.constant 688 : index
      %swap3A_1650 = tpu.vector_load %arg6[%swap3A_1648, %swap3A_1649] {strides = array<i32>} : memref<4x1024xi32, #tpu.memory_space<vmem>>, vector<16xi32>,
      tpu.vector_store %arg6[%swap3A_1648, %swap3A_1649], %add3A_1646 {strides = array<i32>} : memref<4x1024xi32, #tpu.memory_space<vmem>>, vector<16xi32>,
      %add3A_1651 = vector.broadcast %squeeze3A_1626 : i32 to vector<16xi32>
      %add3A_1652 = arith.addi %mul3A_35, %add3A_1651 : vector<16xi32>
      %swap3A_1653 = arith.constant 3 : i32
      %swap3A_1654 = arith.index_cast %swap3A_1653 : i32 to index
      %swap3A_1655 = arith.constant 704 : index
      %swap3A_1656 = tpu.vector_load %arg6[%swap3A_1654, %swap3A_1655] {strides = array<i32>} : memref<4x1024xi32, #tpu.memory_space<vmem>>, vector<16xi32>,
      tpu.vector_store %arg6[%swap3A_1654, %swap3A_1655], %add3A_1652 {strides = array<i32>} : memref<4x1024xi32, #tpu.memory_space<vmem>>, vector<16xi32>,
      %add3A_1657 = vector.broadcast %squeeze3A_1626 : i32 to vector<16xi32>
      %add3A_1658 = arith.addi %mul3A_41, %add3A_1657 : vector<16xi32>
      %swap3A_1659 = arith.constant 3 : i32
      %swap3A_1660 = arith.index_cast %swap3A_1659 : i32 to index
      %swap3A_1661 = arith.constant 720 : index
      %swap3A_1662 = tpu.vector_load %arg6[%swap3A_1660, %swap3A_1661] {strides = array<i32>} : memref<4x1024xi32, #tpu.memory_space<vmem>>, vector<16xi32>,
      tpu.vector_store %arg6[%swap3A_1660, %swap3A_1661], %add3A_1658 {strides = array<i32>} : memref<4x1024xi32, #tpu.memory_space<vmem>>, vector<16xi32>,
      %add3A_1663 = vector.broadcast %squeeze3A_1626 : i32 to vector<16xi32>
      %add3A_1664 = arith.addi %mul3A_47, %add3A_1663 : vector<16xi32>
      %swap3A_1665 = arith.constant 3 : i32
      %swap3A_1666 = arith.index_cast %swap3A_1665 : i32 to index
      %swap3A_1667 = arith.constant 736 : index
      %swap3A_1668 = tpu.vector_load %arg6[%swap3A_1666, %swap3A_1667] {strides = array<i32>} : memref<4x1024xi32, #tpu.memory_space<vmem>>, vector<16xi32>,
      tpu.vector_store %arg6[%swap3A_1666, %swap3A_1667], %add3A_1664 {strides = array<i32>} : memref<4x1024xi32, #tpu.memory_space<vmem>>, vector<16xi32>,
      %add3A_1669 = vector.broadcast %squeeze3A_1626 : i32 to vector<16xi32>
      %add3A_1670 = arith.addi %mul3A_53, %add3A_1669 : vector<16xi32>
      %swap3A_1671 = arith.constant 3 : i32
      %swap3A_1672 = arith.index_cast %swap3A_1671 : i32 to index
      %swap3A_1673 = arith.constant 752 : index
      %swap3A_1674 = tpu.vector_load %arg6[%swap3A_1672, %swap3A_1673] {strides = array<i32>} : memref<4x1024xi32, #tpu.memory_space<vmem>>, vector<16xi32>,
      tpu.vector_store %arg6[%swap3A_1672, %swap3A_1673], %add3A_1670 {strides = array<i32>} : memref<4x1024xi32, #tpu.memory_space<vmem>>, vector<16xi32>,
      %slice3A_1675 = vector.extract_strided_slice %get3A_1374 {offsets = [14], sizes = [1], strides = [1]} : vector<16xi32> to vector<1xi32>
      %squeeze3A_1676 = vector.extract %slice3A_1675[0] : i32 from vector<1xi32>
      %add3A_1677 = vector.broadcast %squeeze3A_1676 : i32 to vector<16xi32>
      %add3A_1678 = arith.addi %mul3A_11, %add3A_1677 : vector<16xi32>
      %swap3A_1679 = arith.constant 3 : i32
      %swap3A_1680 = arith.index_cast %swap3A_1679 : i32 to index
      %swap3A_1681 = arith.constant 768 : index
      %swap3A_1682 = tpu.vector_load %arg6[%swap3A_1680, %swap3A_1681] {strides = array<i32>} : memref<4x1024xi32, #tpu.memory_space<vmem>>, vector<16xi32>,
      tpu.vector_store %arg6[%swap3A_1680, %swap3A_1681], %add3A_1678 {strides = array<i32>} : memref<4x1024xi32, #tpu.memory_space<vmem>>, vector<16xi32>,
      %add3A_1683 = vector.broadcast %squeeze3A_1676 : i32 to vector<16xi32>
      %add3A_1684 = arith.addi %mul3A_17, %add3A_1683 : vector<16xi32>
      %swap3A_1685 = arith.constant 3 : i32
      %swap3A_1686 = arith.index_cast %swap3A_1685 : i32 to index
      %swap3A_1687 = arith.constant 784 : index
      %swap3A_1688 = tpu.vector_load %arg6[%swap3A_1686, %swap3A_1687] {strides = array<i32>} : memref<4x1024xi32, #tpu.memory_space<vmem>>, vector<16xi32>,
      tpu.vector_store %arg6[%swap3A_1686, %swap3A_1687], %add3A_1684 {strides = array<i32>} : memref<4x1024xi32, #tpu.memory_space<vmem>>, vector<16xi32>,
      %add3A_1689 = vector.broadcast %squeeze3A_1676 : i32 to vector<16xi32>
      %add3A_1690 = arith.addi %mul3A_23, %add3A_1689 : vector<16xi32>
      %swap3A_1691 = arith.constant 3 : i32
      %swap3A_1692 = arith.index_cast %swap3A_1691 : i32 to index
      %swap3A_1693 = arith.constant 800 : index
      %swap3A_1694 = tpu.vector_load %arg6[%swap3A_1692, %swap3A_1693] {strides = array<i32>} : memref<4x1024xi32, #tpu.memory_space<vmem>>, vector<16xi32>,
      tpu.vector_store %arg6[%swap3A_1692, %swap3A_1693], %add3A_1690 {strides = array<i32>} : memref<4x1024xi32, #tpu.memory_space<vmem>>, vector<16xi32>,
      %add3A_1695 = vector.broadcast %squeeze3A_1676 : i32 to vector<16xi32>
      %add3A_1696 = arith.addi %mul3A_29, %add3A_1695 : vector<16xi32>
      %swap3A_1697 = arith.constant 3 : i32
      %swap3A_1698 = arith.index_cast %swap3A_1697 : i32 to index
      %swap3A_1699 = arith.constant 816 : index
      %swap3A_1700 = tpu.vector_load %arg6[%swap3A_1698, %swap3A_1699] {strides = array<i32>} : memref<4x1024xi32, #tpu.memory_space<vmem>>, vector<16xi32>,
      tpu.vector_store %arg6[%swap3A_1698, %swap3A_1699], %add3A_1696 {strides = array<i32>} : memref<4x1024xi32, #tpu.memory_space<vmem>>, vector<16xi32>,
      %add3A_1701 = vector.broadcast %squeeze3A_1676 : i32 to vector<16xi32>
      %add3A_1702 = arith.addi %mul3A_35, %add3A_1701 : vector<16xi32>
      %swap3A_1703 = arith.constant 3 : i32
      %swap3A_1704 = arith.index_cast %swap3A_1703 : i32 to index
      %swap3A_1705 = arith.constant 832 : index
      %swap3A_1706 = tpu.vector_load %arg6[%swap3A_1704, %swap3A_1705] {strides = array<i32>} : memref<4x1024xi32, #tpu.memory_space<vmem>>, vector<16xi32>,
      tpu.vector_store %arg6[%swap3A_1704, %swap3A_1705], %add3A_1702 {strides = array<i32>} : memref<4x1024xi32, #tpu.memory_space<vmem>>, vector<16xi32>,
      %add3A_1707 = vector.broadcast %squeeze3A_1676 : i32 to vector<16xi32>
      %add3A_1708 = arith.addi %mul3A_41, %add3A_1707 : vector<16xi32>
      %swap3A_1709 = arith.constant 3 : i32
      %swap3A_1710 = arith.index_cast %swap3A_1709 : i32 to index
      %swap3A_1711 = arith.constant 848 : index
      %swap3A_1712 = tpu.vector_load %arg6[%swap3A_1710, %swap3A_1711] {strides = array<i32>} : memref<4x1024xi32, #tpu.memory_space<vmem>>, vector<16xi32>,
      tpu.vector_store %arg6[%swap3A_1710, %swap3A_1711], %add3A_1708 {strides = array<i32>} : memref<4x1024xi32, #tpu.memory_space<vmem>>, vector<16xi32>,
      %add3A_1713 = vector.broadcast %squeeze3A_1676 : i32 to vector<16xi32>
      %add3A_1714 = arith.addi %mul3A_47, %add3A_1713 : vector<16xi32>
      %swap3A_1715 = arith.constant 3 : i32
      %swap3A_1716 = arith.index_cast %swap3A_1715 : i32 to index
      %swap3A_1717 = arith.constant 864 : index
      %swap3A_1718 = tpu.vector_load %arg6[%swap3A_1716, %swap3A_1717] {strides = array<i32>} : memref<4x1024xi32, #tpu.memory_space<vmem>>, vector<16xi32>,
      tpu.vector_store %arg6[%swap3A_1716, %swap3A_1717], %add3A_1714 {strides = array<i32>} : memref<4x1024xi32, #tpu.memory_space<vmem>>, vector<16xi32>,
      %add3A_1719 = vector.broadcast %squeeze3A_1676 : i32 to vector<16xi32>
      %add3A_1720 = arith.addi %mul3A_53, %add3A_1719 : vector<16xi32>
      %swap3A_1721 = arith.constant 3 : i32
      %swap3A_1722 = arith.index_cast %swap3A_1721 : i32 to index
      %swap3A_1723 = arith.constant 880 : index
      %swap3A_1724 = tpu.vector_load %arg6[%swap3A_1722, %swap3A_1723] {strides = array<i32>} : memref<4x1024xi32, #tpu.memory_space<vmem>>, vector<16xi32>,
      tpu.vector_store %arg6[%swap3A_1722, %swap3A_1723], %add3A_1720 {strides = array<i32>} : memref<4x1024xi32, #tpu.memory_space<vmem>>, vector<16xi32>,
      %slice3A_1725 = vector.extract_strided_slice %get3A_1374 {offsets = [15], sizes = [1], strides = [1]} : vector<16xi32> to vector<1xi32>
      %squeeze3A_1726 = vector.extract %slice3A_1725[0] : i32 from vector<1xi32>
      %add3A_1727 = vector.broadcast %squeeze3A_1726 : i32 to vector<16xi32>
      %add3A_1728 = arith.addi %mul3A_11, %add3A_1727 : vector<16xi32>
      %swap3A_1729 = arith.constant 3 : i32
      %swap3A_1730 = arith.index_cast %swap3A_1729 : i32 to index
      %swap3A_1731 = arith.constant 896 : index
      %swap3A_1732 = tpu.vector_load %arg6[%swap3A_1730, %swap3A_1731] {strides = array<i32>} : memref<4x1024xi32, #tpu.memory_space<vmem>>, vector<16xi32>,
      tpu.vector_store %arg6[%swap3A_1730, %swap3A_1731], %add3A_1728 {strides = array<i32>} : memref<4x1024xi32, #tpu.memory_space<vmem>>, vector<16xi32>,
      %add3A_1733 = vector.broadcast %squeeze3A_1726 : i32 to vector<16xi32>
      %add3A_1734 = arith.addi %mul3A_17, %add3A_1733 : vector<16xi32>
      %swap3A_1735 = arith.constant 3 : i32
      %swap3A_1736 = arith.index_cast %swap3A_1735 : i32 to index
      %swap3A_1737 = arith.constant 912 : index
      %swap3A_1738 = tpu.vector_load %arg6[%swap3A_1736, %swap3A_1737] {strides = array<i32>} : memref<4x1024xi32, #tpu.memory_space<vmem>>, vector<16xi32>,
      tpu.vector_store %arg6[%swap3A_1736, %swap3A_1737], %add3A_1734 {strides = array<i32>} : memref<4x1024xi32, #tpu.memory_space<vmem>>, vector<16xi32>,
      %add3A_1739 = vector.broadcast %squeeze3A_1726 : i32 to vector<16xi32>
      %add3A_1740 = arith.addi %mul3A_23, %add3A_1739 : vector<16xi32>
      %swap3A_1741 = arith.constant 3 : i32
      %swap3A_1742 = arith.index_cast %swap3A_1741 : i32 to index
      %swap3A_1743 = arith.constant 928 : index
      %swap3A_1744 = tpu.vector_load %arg6[%swap3A_1742, %swap3A_1743] {strides = array<i32>} : memref<4x1024xi32, #tpu.memory_space<vmem>>, vector<16xi32>,
      tpu.vector_store %arg6[%swap3A_1742, %swap3A_1743], %add3A_1740 {strides = array<i32>} : memref<4x1024xi32, #tpu.memory_space<vmem>>, vector<16xi32>,
      %add3A_1745 = vector.broadcast %squeeze3A_1726 : i32 to vector<16xi32>
      %add3A_1746 = arith.addi %mul3A_29, %add3A_1745 : vector<16xi32>
      %swap3A_1747 = arith.constant 3 : i32
      %swap3A_1748 = arith.index_cast %swap3A_1747 : i32 to index
      %swap3A_1749 = arith.constant 944 : index
      %swap3A_1750 = tpu.vector_load %arg6[%swap3A_1748, %swap3A_1749] {strides = array<i32>} : memref<4x1024xi32, #tpu.memory_space<vmem>>, vector<16xi32>,
      tpu.vector_store %arg6[%swap3A_1748, %swap3A_1749], %add3A_1746 {strides = array<i32>} : memref<4x1024xi32, #tpu.memory_space<vmem>>, vector<16xi32>,
      %add3A_1751 = vector.broadcast %squeeze3A_1726 : i32 to vector<16xi32>
      %add3A_1752 = arith.addi %mul3A_35, %add3A_1751 : vector<16xi32>
      %swap3A_1753 = arith.constant 3 : i32
      %swap3A_1754 = arith.index_cast %swap3A_1753 : i32 to index
      %swap3A_1755 = arith.constant 960 : index
      %swap3A_1756 = tpu.vector_load %arg6[%swap3A_1754, %swap3A_1755] {strides = array<i32>} : memref<4x1024xi32, #tpu.memory_space<vmem>>, vector<16xi32>,
      tpu.vector_store %arg6[%swap3A_1754, %swap3A_1755], %add3A_1752 {strides = array<i32>} : memref<4x1024xi32, #tpu.memory_space<vmem>>, vector<16xi32>,
      %add3A_1757 = vector.broadcast %squeeze3A_1726 : i32 to vector<16xi32>
      %add3A_1758 = arith.addi %mul3A_41, %add3A_1757 : vector<16xi32>
      %swap3A_1759 = arith.constant 3 : i32
      %swap3A_1760 = arith.index_cast %swap3A_1759 : i32 to index
      %swap3A_1761 = arith.constant 976 : index
      %swap3A_1762 = tpu.vector_load %arg6[%swap3A_1760, %swap3A_1761] {strides = array<i32>} : memref<4x1024xi32, #tpu.memory_space<vmem>>, vector<16xi32>,
      tpu.vector_store %arg6[%swap3A_1760, %swap3A_1761], %add3A_1758 {strides = array<i32>} : memref<4x1024xi32, #tpu.memory_space<vmem>>, vector<16xi32>,
      %add3A_1763 = vector.broadcast %squeeze3A_1726 : i32 to vector<16xi32>
      %add3A_1764 = arith.addi %mul3A_47, %add3A_1763 : vector<16xi32>
      %swap3A_1765 = arith.constant 3 : i32
      %swap3A_1766 = arith.index_cast %swap3A_1765 : i32 to index
      %swap3A_1767 = arith.constant 992 : index
      %swap3A_1768 = tpu.vector_load %arg6[%swap3A_1766, %swap3A_1767] {strides = array<i32>} : memref<4x1024xi32, #tpu.memory_space<vmem>>, vector<16xi32>,
      tpu.vector_store %arg6[%swap3A_1766, %swap3A_1767], %add3A_1764 {strides = array<i32>} : memref<4x1024xi32, #tpu.memory_space<vmem>>, vector<16xi32>,
      %add3A_1769 = vector.broadcast %squeeze3A_1726 : i32 to vector<16xi32>
      %add3A_1770 = arith.addi %mul3A_53, %add3A_1769 : vector<16xi32>
      %swap3A_1771 = arith.constant 3 : i32
      %swap3A_1772 = arith.index_cast %swap3A_1771 : i32 to index
      %swap3A_1773 = arith.constant 1008 : index
      %swap3A_1774 = tpu.vector_load %arg6[%swap3A_1772, %swap3A_1773] {strides = array<i32>} : memref<4x1024xi32, #tpu.memory_space<vmem>>, vector<16xi32>,
      tpu.vector_store %arg6[%swap3A_1772, %swap3A_1773], %add3A_1770 {strides = array<i32>} : memref<4x1024xi32, #tpu.memory_space<vmem>>, vector<16xi32>,
      %dma_start3A_1775 = arith.constant 3 : i32
      %dma_start3A_1776 = arith.constant 0 : i32
      %dma_start3A_1777 = tpu.memref_slice %arg6[%dma_start3A_1775, %dma_start3A_1776] : memref<4x1024xi32, #tpu.memory_space<vmem>> -> memref<1x1024xi32, #tpu.memory_space<vmem>>
      %dma_start3A_1778 = tpu.memref_squeeze %dma_start3A_1777 : memref<1x1024xi32, #tpu.memory_space<vmem>> -> memref<1024xi32, #tpu.memory_space<vmem>>
      %dma_start3A_1779 = arith.constant 0 : i32
      %dma_start3A_1780 = arith.constant 0 : i32
      %dma_start3A_1781 = tpu.memref_slice %arg2[%dma_start3A_1779, %dma_start3A_1780] : memref<4718592x16xf32, #tpu.memory_space<hbm>> -> memref<4718592x16xf32, #tpu.memory_space<hbm>>
      tpu.enqueue_indirect_dma source(%dma_start3A_1781 : memref<4718592x16xf32, #tpu.memory_space<hbm>>) target(%arg10 : memref<1024x16xf32, #tpu.memory_space<vmem>>) offsets(%dma_start3A_1778 : memref<1024xi32, #tpu.memory_space<vmem>>) semaphore(%arg16 : memref<!tpu.dma_semaphore, #tpu.memory_space<semaphore_mem>>)
      %dma_wait3A_1782 = arith.constant 0 : i32
      %dma_wait3A_1783 = arith.constant 0 : i32
      %dma_wait3A_1784 = tpu.memref_slice %arg6[%dma_wait3A_1782, %dma_wait3A_1783] : memref<4x1024xi32, #tpu.memory_space<vmem>> -> memref<1x1024xi32, #tpu.memory_space<vmem>>
      %dma_wait3A_1785 = tpu.memref_squeeze %dma_wait3A_1784 : memref<1x1024xi32, #tpu.memory_space<vmem>> -> memref<1024xi32, #tpu.memory_space<vmem>>
      %dma_wait3A_1786 = arith.constant 0 : i32
      %dma_wait3A_1787 = arith.constant 0 : i32
      %dma_wait3A_1788 = tpu.memref_slice %arg2[%dma_wait3A_1786, %dma_wait3A_1787] : memref<4718592x16xf32, #tpu.memory_space<hbm>> -> memref<4718592x16xf32, #tpu.memory_space<hbm>>
      tpu.wait_indirect_dma semaphore(%arg14 : memref<!tpu.dma_semaphore, #tpu.memory_space<semaphore_mem>>) src(%dma_wait3A_1788 : memref<4718592x16xf32, #tpu.memory_space<hbm>>) dst(%arg8 : memref<1024x16xf32, #tpu.memory_space<vmem>>)
      %gt3A_1789 = arith.constant 0 : i32
      %gt3A_1790 = arith.cmpi sgt, %scan3A_921, %gt3A_1789 : i32
      %convert_element_type3A_1791 = arith.extui %gt3A_1790 : i1 to i32
      %cond3A_1792 = arith.constant 0 : i32
      %cond3A_1793 = arith.cmpi ne, %convert_element_type3A_1791, %cond3A_1792 : i32
      scf.if %cond3A_1793 {
        %dma_wait3A_2705 = arith.constant 0 : i32
        %dma_wait3A_2706 = arith.constant 0 : i32
        %dma_wait3A_2707 = arith.constant 0 : i32
        %dma_wait3A_2708 = arith.constant 0 : i32
        %dma_wait3A_2709 = tpu.memref_slice %arg12[%dma_wait3A_2707, %dma_wait3A_2708] : memref<128x129xf32, #tpu.memory_space<vmem>> -> memref<128x128xf32, #tpu.memory_space<vmem>>
        %dma_wait3A_2710 = arith.constant 0 : i32
        %dma_wait3A_2711 = arith.constant 0 : i32
        %dma_wait3A_2712 = tpu.memref_slice %arg4[%dma_wait3A_2705, %dma_wait3A_2706, %dma_wait3A_2710, %dma_wait3A_2711] : memref<1024x2x128x128xf32, #tpu.memory_space<hbm>> -> memref<1x1x128x128xf32, #tpu.memory_space<hbm>>
        %dma_wait3A_2713 = tpu.memref_squeeze %dma_wait3A_2712 : memref<1x1x128x128xf32, #tpu.memory_space<hbm>> -> memref<128x128xf32, #tpu.memory_space<hbm>>
        %dma_wait3A_2714 = arith.constant 0 : i32
        %dma_wait3A_2715 = arith.constant 0 : i32
        %dma_wait3A_2716 = tpu.memref_slice %arg4[%dma_wait3A_2705, %dma_wait3A_2706, %dma_wait3A_2714, %dma_wait3A_2715] : memref<1024x2x128x128xf32, #tpu.memory_space<hbm>> -> memref<1x1x128x128xf32, #tpu.memory_space<hbm>>
        %dma_wait3A_2717 = tpu.memref_squeeze %dma_wait3A_2716 : memref<1x1x128x128xf32, #tpu.memory_space<hbm>> -> memref<128x128xf32, #tpu.memory_space<hbm>>
        %dma_wait3A_2718 = arith.constant 0 : i32
        %dma_wait3A_2719 = arith.constant 0 : i32
        %dma_wait3A_2720 = tpu.memref_slice %arg12[%dma_wait3A_2718, %dma_wait3A_2719] : memref<128x129xf32, #tpu.memory_space<vmem>> -> memref<128x128xf32, #tpu.memory_space<vmem>>
        tpu.wait_dma2 semaphore(%arg18 : memref<!tpu.dma_semaphore, #tpu.memory_space<semaphore_mem>>) src(%dma_wait3A_2720 : memref<128x128xf32, #tpu.memory_space<vmem>>) dst(%dma_wait3A_2717 : memref<128x128xf32, #tpu.memory_space<hbm>>)
      } else {
      }
      %scan3A_1794 = arith.constant 0 : i32
      %scan3A_1795 = arith.constant 0 : i32
      %scan3A_1796 = arith.constant 8 : i32
      %scan3A_1797 = arith.addi %scan3A_1795, %scan3A_1796 : i32
      %scan3A_1798 = arith.constant 1 : i32
      scf.for %scan3A_2705 = %scan3A_1795 to %scan3A_1797 step %scan3A_1798  : i32 {
        %mul3A_2706 = arith.constant 128 : i32
        %mul3A_2707 = arith.muli %scan3A_2705, %mul3A_2706 : i32
        %mul3A_2708 = arith.constant 16 : i32
        %mul3A_2709 = arith.muli %scan3A_2705, %mul3A_2708 : i32
        %add3A_2710 = vector.broadcast %mul3A_2709 : i32 to vector<16xi32>
        %add3A_2711 = arith.addi %iota3A, %add3A_2710 : vector<16xi32>
        %parallel_loop3A = arith.constant 0 : i32
        %parallel_loop3A_2712 = arith.constant 128 : i32
        %parallel_loop3A_2713 = arith.constant 1 : i32
        %parallel_loop3A_2714 = scf.for %parallel_loop3A_2715 = %parallel_loop3A to %parallel_loop3A_2712 step %parallel_loop3A_2713 iter_args(%parallel_loop3A_2716 = %broadcast_in_dim3A_3) -> (vector<16xi32>)  : i32 {
          %parallel_loop3A_2717 = arith.addi %mul3A_2707, %parallel_loop3A_2715 : i32
          %parallel_loop3A_2718 = arith.index_cast %parallel_loop3A_2717 : i32 to index
          %parallel_loop3A_2719 = arith.constant 0 : index
          %parallel_loop3A_2720 = tpu.vector_load %arg8[%parallel_loop3A_2718, %parallel_loop3A_2719] {strides = array<i32>} : memref<1024x16xf32, #tpu.memory_space<vmem>>, vector<16xf32>,
          tpu.vector_store_idx %arg12[%add3A_2711, %parallel_loop3A_2716], %parallel_loop3A_2720 : memref<128x129xf32, #tpu.memory_space<vmem>>[vector<16xi32>, vector<16xi32>], vector<16xf32>,
          %parallel_loop3A_2721 = arith.addi %parallel_loop3A_2716, %broadcast_in_dim3A_5 : vector<16xi32>
          scf.yield %parallel_loop3A_2721 : vector<16xi32>
        } {sc.loop_unroll_factor = 16 : i64, sc.parallel_access}
      }
      %scan3A_1799 = arith.constant 8 : i32
      %dma_start3A_1800 = arith.constant 1 : i32
      %dma_start3A_1801 = arith.constant 0 : i32
      %dma_start3A_1802 = arith.constant 0 : i32
      %dma_start3A_1803 = tpu.memref_slice %arg12[%dma_start3A_1801, %dma_start3A_1802] : memref<128x129xf32, #tpu.memory_space<vmem>> -> memref<128x128xf32, #tpu.memory_space<vmem>>
      %dma_start3A_1804 = arith.constant 0 : i32
      %dma_start3A_1805 = arith.constant 0 : i32
      %dma_start3A_1806 = tpu.memref_slice %arg4[%add3A_929, %dma_start3A_1800, %dma_start3A_1804, %dma_start3A_1805] : memref<1024x2x128x128xf32, #tpu.memory_space<hbm>> -> memref<1x1x128x128xf32, #tpu.memory_space<hbm>>
      %dma_start3A_1807 = tpu.memref_squeeze %dma_start3A_1806 : memref<1x1x128x128xf32, #tpu.memory_space<hbm>> -> memref<128x128xf32, #tpu.memory_space<hbm>>
      %dma_start3A_1808 = arith.constant 0 : i32
      %dma_start3A_1809 = arith.constant 0 : i32
      %dma_start3A_1810 = tpu.memref_slice %arg4[%add3A_929, %dma_start3A_1800, %dma_start3A_1808, %dma_start3A_1809] : memref<1024x2x128x128xf32, #tpu.memory_space<hbm>> -> memref<1x1x128x128xf32, #tpu.memory_space<hbm>>
      %dma_start3A_1811 = tpu.memref_squeeze %dma_start3A_1810 : memref<1x1x128x128xf32, #tpu.memory_space<hbm>> -> memref<128x128xf32, #tpu.memory_space<hbm>>
      %dma_start3A_1812 = arith.constant 0 : i32
      %dma_start3A_1813 = arith.constant 0 : i32
      %dma_start3A_1814 = tpu.memref_slice %arg12[%dma_start3A_1812, %dma_start3A_1813] : memref<128x129xf32, #tpu.memory_space<vmem>> -> memref<128x128xf32, #tpu.memory_space<vmem>>
      tpu.enqueue_dma source(%dma_start3A_1814 : memref<128x128xf32, #tpu.memory_space<vmem>>) target(%dma_start3A_1811 : memref<128x128xf32, #tpu.memory_space<hbm>>) target_semaphore(%arg18 : memref<!tpu.dma_semaphore, #tpu.memory_space<semaphore_mem>>)
      %get3A_1815 = arith.index_cast %min3A_928 : i32 to index
      %get3A_1816 = arith.constant 0 : index
      %get3A_1817 = tpu.vector_load %arg5[%get3A_1815, %get3A_1816] {strides = array<i32>} : memref<32x16xi32, #tpu.memory_space<vmem>>, vector<16xi32>,
      %slice3A_1818 = vector.extract_strided_slice %get3A_1817 {offsets = [0], sizes = [1], strides = [1]} : vector<16xi32> to vector<1xi32>
      %squeeze3A_1819 = vector.extract %slice3A_1818[0] : i32 from vector<1xi32>
      %add3A_1820 = vector.broadcast %squeeze3A_1819 : i32 to vector<16xi32>
      %add3A_1821 = arith.addi %mul3A_11, %add3A_1820 : vector<16xi32>
      %swap3A_1822 = arith.constant 0 : i32
      %swap3A_1823 = arith.index_cast %swap3A_1822 : i32 to index
      %swap3A_1824 = arith.constant 0 : index
      %swap3A_1825 = tpu.vector_load %arg6[%swap3A_1823, %swap3A_1824] {strides = array<i32>} : memref<4x1024xi32, #tpu.memory_space<vmem>>, vector<16xi32>,
      tpu.vector_store %arg6[%swap3A_1823, %swap3A_1824], %add3A_1821 {strides = array<i32>} : memref<4x1024xi32, #tpu.memory_space<vmem>>, vector<16xi32>,
      %add3A_1826 = vector.broadcast %squeeze3A_1819 : i32 to vector<16xi32>
      %add3A_1827 = arith.addi %mul3A_17, %add3A_1826 : vector<16xi32>
      %swap3A_1828 = arith.constant 0 : i32
      %swap3A_1829 = arith.index_cast %swap3A_1828 : i32 to index
      %swap3A_1830 = arith.constant 16 : index
      %swap3A_1831 = tpu.vector_load %arg6[%swap3A_1829, %swap3A_1830] {strides = array<i32>} : memref<4x1024xi32, #tpu.memory_space<vmem>>, vector<16xi32>,
      tpu.vector_store %arg6[%swap3A_1829, %swap3A_1830], %add3A_1827 {strides = array<i32>} : memref<4x1024xi32, #tpu.memory_space<vmem>>, vector<16xi32>,
      %add3A_1832 = vector.broadcast %squeeze3A_1819 : i32 to vector<16xi32>
      %add3A_1833 = arith.addi %mul3A_23, %add3A_1832 : vector<16xi32>
      %swap3A_1834 = arith.constant 0 : i32
      %swap3A_1835 = arith.index_cast %swap3A_1834 : i32 to index
      %swap3A_1836 = arith.constant 32 : index
      %swap3A_1837 = tpu.vector_load %arg6[%swap3A_1835, %swap3A_1836] {strides = array<i32>} : memref<4x1024xi32, #tpu.memory_space<vmem>>, vector<16xi32>,
      tpu.vector_store %arg6[%swap3A_1835, %swap3A_1836], %add3A_1833 {strides = array<i32>} : memref<4x1024xi32, #tpu.memory_space<vmem>>, vector<16xi32>,
      %add3A_1838 = vector.broadcast %squeeze3A_1819 : i32 to vector<16xi32>
      %add3A_1839 = arith.addi %mul3A_29, %add3A_1838 : vector<16xi32>
      %swap3A_1840 = arith.constant 0 : i32
      %swap3A_1841 = arith.index_cast %swap3A_1840 : i32 to index
      %swap3A_1842 = arith.constant 48 : index
      %swap3A_1843 = tpu.vector_load %arg6[%swap3A_1841, %swap3A_1842] {strides = array<i32>} : memref<4x1024xi32, #tpu.memory_space<vmem>>, vector<16xi32>,
      tpu.vector_store %arg6[%swap3A_1841, %swap3A_1842], %add3A_1839 {strides = array<i32>} : memref<4x1024xi32, #tpu.memory_space<vmem>>, vector<16xi32>,
      %add3A_1844 = vector.broadcast %squeeze3A_1819 : i32 to vector<16xi32>
      %add3A_1845 = arith.addi %mul3A_35, %add3A_1844 : vector<16xi32>
      %swap3A_1846 = arith.constant 0 : i32
      %swap3A_1847 = arith.index_cast %swap3A_1846 : i32 to index
      %swap3A_1848 = arith.constant 64 : index
      %swap3A_1849 = tpu.vector_load %arg6[%swap3A_1847, %swap3A_1848] {strides = array<i32>} : memref<4x1024xi32, #tpu.memory_space<vmem>>, vector<16xi32>,
      tpu.vector_store %arg6[%swap3A_1847, %swap3A_1848], %add3A_1845 {strides = array<i32>} : memref<4x1024xi32, #tpu.memory_space<vmem>>, vector<16xi32>,
      %add3A_1850 = vector.broadcast %squeeze3A_1819 : i32 to vector<16xi32>
      %add3A_1851 = arith.addi %mul3A_41, %add3A_1850 : vector<16xi32>
      %swap3A_1852 = arith.constant 0 : i32
      %swap3A_1853 = arith.index_cast %swap3A_1852 : i32 to index
      %swap3A_1854 = arith.constant 80 : index
      %swap3A_1855 = tpu.vector_load %arg6[%swap3A_1853, %swap3A_1854] {strides = array<i32>} : memref<4x1024xi32, #tpu.memory_space<vmem>>, vector<16xi32>,
      tpu.vector_store %arg6[%swap3A_1853, %swap3A_1854], %add3A_1851 {strides = array<i32>} : memref<4x1024xi32, #tpu.memory_space<vmem>>, vector<16xi32>,
      %add3A_1856 = vector.broadcast %squeeze3A_1819 : i32 to vector<16xi32>
      %add3A_1857 = arith.addi %mul3A_47, %add3A_1856 : vector<16xi32>
      %swap3A_1858 = arith.constant 0 : i32
      %swap3A_1859 = arith.index_cast %swap3A_1858 : i32 to index
      %swap3A_1860 = arith.constant 96 : index
      %swap3A_1861 = tpu.vector_load %arg6[%swap3A_1859, %swap3A_1860] {strides = array<i32>} : memref<4x1024xi32, #tpu.memory_space<vmem>>, vector<16xi32>,
      tpu.vector_store %arg6[%swap3A_1859, %swap3A_1860], %add3A_1857 {strides = array<i32>} : memref<4x1024xi32, #tpu.memory_space<vmem>>, vector<16xi32>,
      %add3A_1862 = vector.broadcast %squeeze3A_1819 : i32 to vector<16xi32>
      %add3A_1863 = arith.addi %mul3A_53, %add3A_1862 : vector<16xi32>
      %swap3A_1864 = arith.constant 0 : i32
      %swap3A_1865 = arith.index_cast %swap3A_1864 : i32 to index
      %swap3A_1866 = arith.constant 112 : index
      %swap3A_1867 = tpu.vector_load %arg6[%swap3A_1865, %swap3A_1866] {strides = array<i32>} : memref<4x1024xi32, #tpu.memory_space<vmem>>, vector<16xi32>,
      tpu.vector_store %arg6[%swap3A_1865, %swap3A_1866], %add3A_1863 {strides = array<i32>} : memref<4x1024xi32, #tpu.memory_space<vmem>>, vector<16xi32>,
      %slice3A_1868 = vector.extract_strided_slice %get3A_1817 {offsets = [1], sizes = [1], strides = [1]} : vector<16xi32> to vector<1xi32>
      %squeeze3A_1869 = vector.extract %slice3A_1868[0] : i32 from vector<1xi32>
      %add3A_1870 = vector.broadcast %squeeze3A_1869 : i32 to vector<16xi32>
      %add3A_1871 = arith.addi %mul3A_11, %add3A_1870 : vector<16xi32>
      %swap3A_1872 = arith.constant 0 : i32
      %swap3A_1873 = arith.index_cast %swap3A_1872 : i32 to index
      %swap3A_1874 = arith.constant 128 : index
      %swap3A_1875 = tpu.vector_load %arg6[%swap3A_1873, %swap3A_1874] {strides = array<i32>} : memref<4x1024xi32, #tpu.memory_space<vmem>>, vector<16xi32>,
      tpu.vector_store %arg6[%swap3A_1873, %swap3A_1874], %add3A_1871 {strides = array<i32>} : memref<4x1024xi32, #tpu.memory_space<vmem>>, vector<16xi32>,
      %add3A_1876 = vector.broadcast %squeeze3A_1869 : i32 to vector<16xi32>
      %add3A_1877 = arith.addi %mul3A_17, %add3A_1876 : vector<16xi32>
      %swap3A_1878 = arith.constant 0 : i32
      %swap3A_1879 = arith.index_cast %swap3A_1878 : i32 to index
      %swap3A_1880 = arith.constant 144 : index
      %swap3A_1881 = tpu.vector_load %arg6[%swap3A_1879, %swap3A_1880] {strides = array<i32>} : memref<4x1024xi32, #tpu.memory_space<vmem>>, vector<16xi32>,
      tpu.vector_store %arg6[%swap3A_1879, %swap3A_1880], %add3A_1877 {strides = array<i32>} : memref<4x1024xi32, #tpu.memory_space<vmem>>, vector<16xi32>,
      %add3A_1882 = vector.broadcast %squeeze3A_1869 : i32 to vector<16xi32>
      %add3A_1883 = arith.addi %mul3A_23, %add3A_1882 : vector<16xi32>
      %swap3A_1884 = arith.constant 0 : i32
      %swap3A_1885 = arith.index_cast %swap3A_1884 : i32 to index
      %swap3A_1886 = arith.constant 160 : index
      %swap3A_1887 = tpu.vector_load %arg6[%swap3A_1885, %swap3A_1886] {strides = array<i32>} : memref<4x1024xi32, #tpu.memory_space<vmem>>, vector<16xi32>,
      tpu.vector_store %arg6[%swap3A_1885, %swap3A_1886], %add3A_1883 {strides = array<i32>} : memref<4x1024xi32, #tpu.memory_space<vmem>>, vector<16xi32>,
      %add3A_1888 = vector.broadcast %squeeze3A_1869 : i32 to vector<16xi32>
      %add3A_1889 = arith.addi %mul3A_29, %add3A_1888 : vector<16xi32>
      %swap3A_1890 = arith.constant 0 : i32
      %swap3A_1891 = arith.index_cast %swap3A_1890 : i32 to index
      %swap3A_1892 = arith.constant 176 : index
      %swap3A_1893 = tpu.vector_load %arg6[%swap3A_1891, %swap3A_1892] {strides = array<i32>} : memref<4x1024xi32, #tpu.memory_space<vmem>>, vector<16xi32>,
      tpu.vector_store %arg6[%swap3A_1891, %swap3A_1892], %add3A_1889 {strides = array<i32>} : memref<4x1024xi32, #tpu.memory_space<vmem>>, vector<16xi32>,
      %add3A_1894 = vector.broadcast %squeeze3A_1869 : i32 to vector<16xi32>
      %add3A_1895 = arith.addi %mul3A_35, %add3A_1894 : vector<16xi32>
      %swap3A_1896 = arith.constant 0 : i32
      %swap3A_1897 = arith.index_cast %swap3A_1896 : i32 to index
      %swap3A_1898 = arith.constant 192 : index
      %swap3A_1899 = tpu.vector_load %arg6[%swap3A_1897, %swap3A_1898] {strides = array<i32>} : memref<4x1024xi32, #tpu.memory_space<vmem>>, vector<16xi32>,
      tpu.vector_store %arg6[%swap3A_1897, %swap3A_1898], %add3A_1895 {strides = array<i32>} : memref<4x1024xi32, #tpu.memory_space<vmem>>, vector<16xi32>,
      %add3A_1900 = vector.broadcast %squeeze3A_1869 : i32 to vector<16xi32>
      %add3A_1901 = arith.addi %mul3A_41, %add3A_1900 : vector<16xi32>
      %swap3A_1902 = arith.constant 0 : i32
      %swap3A_1903 = arith.index_cast %swap3A_1902 : i32 to index
      %swap3A_1904 = arith.constant 208 : index
      %swap3A_1905 = tpu.vector_load %arg6[%swap3A_1903, %swap3A_1904] {strides = array<i32>} : memref<4x1024xi32, #tpu.memory_space<vmem>>, vector<16xi32>,
      tpu.vector_store %arg6[%swap3A_1903, %swap3A_1904], %add3A_1901 {strides = array<i32>} : memref<4x1024xi32, #tpu.memory_space<vmem>>, vector<16xi32>,
      %add3A_1906 = vector.broadcast %squeeze3A_1869 : i32 to vector<16xi32>
      %add3A_1907 = arith.addi %mul3A_47, %add3A_1906 : vector<16xi32>
      %swap3A_1908 = arith.constant 0 : i32
      %swap3A_1909 = arith.index_cast %swap3A_1908 : i32 to index
      %swap3A_1910 = arith.constant 224 : index
      %swap3A_1911 = tpu.vector_load %arg6[%swap3A_1909, %swap3A_1910] {strides = array<i32>} : memref<4x1024xi32, #tpu.memory_space<vmem>>, vector<16xi32>,
      tpu.vector_store %arg6[%swap3A_1909, %swap3A_1910], %add3A_1907 {strides = array<i32>} : memref<4x1024xi32, #tpu.memory_space<vmem>>, vector<16xi32>,
      %add3A_1912 = vector.broadcast %squeeze3A_1869 : i32 to vector<16xi32>
      %add3A_1913 = arith.addi %mul3A_53, %add3A_1912 : vector<16xi32>
      %swap3A_1914 = arith.constant 0 : i32
      %swap3A_1915 = arith.index_cast %swap3A_1914 : i32 to index
      %swap3A_1916 = arith.constant 240 : index
      %swap3A_1917 = tpu.vector_load %arg6[%swap3A_1915, %swap3A_1916] {strides = array<i32>} : memref<4x1024xi32, #tpu.memory_space<vmem>>, vector<16xi32>,
      tpu.vector_store %arg6[%swap3A_1915, %swap3A_1916], %add3A_1913 {strides = array<i32>} : memref<4x1024xi32, #tpu.memory_space<vmem>>, vector<16xi32>,
      %slice3A_1918 = vector.extract_strided_slice %get3A_1817 {offsets = [2], sizes = [1], strides = [1]} : vector<16xi32> to vector<1xi32>
      %squeeze3A_1919 = vector.extract %slice3A_1918[0] : i32 from vector<1xi32>
      %add3A_1920 = vector.broadcast %squeeze3A_1919 : i32 to vector<16xi32>
      %add3A_1921 = arith.addi %mul3A_11, %add3A_1920 : vector<16xi32>
      %swap3A_1922 = arith.constant 0 : i32
      %swap3A_1923 = arith.index_cast %swap3A_1922 : i32 to index
      %swap3A_1924 = arith.constant 256 : index
      %swap3A_1925 = tpu.vector_load %arg6[%swap3A_1923, %swap3A_1924] {strides = array<i32>} : memref<4x1024xi32, #tpu.memory_space<vmem>>, vector<16xi32>,
      tpu.vector_store %arg6[%swap3A_1923, %swap3A_1924], %add3A_1921 {strides = array<i32>} : memref<4x1024xi32, #tpu.memory_space<vmem>>, vector<16xi32>,
      %add3A_1926 = vector.broadcast %squeeze3A_1919 : i32 to vector<16xi32>
      %add3A_1927 = arith.addi %mul3A_17, %add3A_1926 : vector<16xi32>
      %swap3A_1928 = arith.constant 0 : i32
      %swap3A_1929 = arith.index_cast %swap3A_1928 : i32 to index
      %swap3A_1930 = arith.constant 272 : index
      %swap3A_1931 = tpu.vector_load %arg6[%swap3A_1929, %swap3A_1930] {strides = array<i32>} : memref<4x1024xi32, #tpu.memory_space<vmem>>, vector<16xi32>,
      tpu.vector_store %arg6[%swap3A_1929, %swap3A_1930], %add3A_1927 {strides = array<i32>} : memref<4x1024xi32, #tpu.memory_space<vmem>>, vector<16xi32>,
      %add3A_1932 = vector.broadcast %squeeze3A_1919 : i32 to vector<16xi32>
      %add3A_1933 = arith.addi %mul3A_23, %add3A_1932 : vector<16xi32>
      %swap3A_1934 = arith.constant 0 : i32
      %swap3A_1935 = arith.index_cast %swap3A_1934 : i32 to index
      %swap3A_1936 = arith.constant 288 : index
      %swap3A_1937 = tpu.vector_load %arg6[%swap3A_1935, %swap3A_1936] {strides = array<i32>} : memref<4x1024xi32, #tpu.memory_space<vmem>>, vector<16xi32>,
      tpu.vector_store %arg6[%swap3A_1935, %swap3A_1936], %add3A_1933 {strides = array<i32>} : memref<4x1024xi32, #tpu.memory_space<vmem>>, vector<16xi32>,
      %add3A_1938 = vector.broadcast %squeeze3A_1919 : i32 to vector<16xi32>
      %add3A_1939 = arith.addi %mul3A_29, %add3A_1938 : vector<16xi32>
      %swap3A_1940 = arith.constant 0 : i32
      %swap3A_1941 = arith.index_cast %swap3A_1940 : i32 to index
      %swap3A_1942 = arith.constant 304 : index
      %swap3A_1943 = tpu.vector_load %arg6[%swap3A_1941, %swap3A_1942] {strides = array<i32>} : memref<4x1024xi32, #tpu.memory_space<vmem>>, vector<16xi32>,
      tpu.vector_store %arg6[%swap3A_1941, %swap3A_1942], %add3A_1939 {strides = array<i32>} : memref<4x1024xi32, #tpu.memory_space<vmem>>, vector<16xi32>,
      %add3A_1944 = vector.broadcast %squeeze3A_1919 : i32 to vector<16xi32>
      %add3A_1945 = arith.addi %mul3A_35, %add3A_1944 : vector<16xi32>
      %swap3A_1946 = arith.constant 0 : i32
      %swap3A_1947 = arith.index_cast %swap3A_1946 : i32 to index
      %swap3A_1948 = arith.constant 320 : index
      %swap3A_1949 = tpu.vector_load %arg6[%swap3A_1947, %swap3A_1948] {strides = array<i32>} : memref<4x1024xi32, #tpu.memory_space<vmem>>, vector<16xi32>,
      tpu.vector_store %arg6[%swap3A_1947, %swap3A_1948], %add3A_1945 {strides = array<i32>} : memref<4x1024xi32, #tpu.memory_space<vmem>>, vector<16xi32>,
      %add3A_1950 = vector.broadcast %squeeze3A_1919 : i32 to vector<16xi32>
      %add3A_1951 = arith.addi %mul3A_41, %add3A_1950 : vector<16xi32>
      %swap3A_1952 = arith.constant 0 : i32
      %swap3A_1953 = arith.index_cast %swap3A_1952 : i32 to index
      %swap3A_1954 = arith.constant 336 : index
      %swap3A_1955 = tpu.vector_load %arg6[%swap3A_1953, %swap3A_1954] {strides = array<i32>} : memref<4x1024xi32, #tpu.memory_space<vmem>>, vector<16xi32>,
      tpu.vector_store %arg6[%swap3A_1953, %swap3A_1954], %add3A_1951 {strides = array<i32>} : memref<4x1024xi32, #tpu.memory_space<vmem>>, vector<16xi32>,
      %add3A_1956 = vector.broadcast %squeeze3A_1919 : i32 to vector<16xi32>
      %add3A_1957 = arith.addi %mul3A_47, %add3A_1956 : vector<16xi32>
      %swap3A_1958 = arith.constant 0 : i32
      %swap3A_1959 = arith.index_cast %swap3A_1958 : i32 to index
      %swap3A_1960 = arith.constant 352 : index
      %swap3A_1961 = tpu.vector_load %arg6[%swap3A_1959, %swap3A_1960] {strides = array<i32>} : memref<4x1024xi32, #tpu.memory_space<vmem>>, vector<16xi32>,
      tpu.vector_store %arg6[%swap3A_1959, %swap3A_1960], %add3A_1957 {strides = array<i32>} : memref<4x1024xi32, #tpu.memory_space<vmem>>, vector<16xi32>,
      %add3A_1962 = vector.broadcast %squeeze3A_1919 : i32 to vector<16xi32>
      %add3A_1963 = arith.addi %mul3A_53, %add3A_1962 : vector<16xi32>
      %swap3A_1964 = arith.constant 0 : i32
      %swap3A_1965 = arith.index_cast %swap3A_1964 : i32 to index
      %swap3A_1966 = arith.constant 368 : index
      %swap3A_1967 = tpu.vector_load %arg6[%swap3A_1965, %swap3A_1966] {strides = array<i32>} : memref<4x1024xi32, #tpu.memory_space<vmem>>, vector<16xi32>,
      tpu.vector_store %arg6[%swap3A_1965, %swap3A_1966], %add3A_1963 {strides = array<i32>} : memref<4x1024xi32, #tpu.memory_space<vmem>>, vector<16xi32>,
      %slice3A_1968 = vector.extract_strided_slice %get3A_1817 {offsets = [3], sizes = [1], strides = [1]} : vector<16xi32> to vector<1xi32>
      %squeeze3A_1969 = vector.extract %slice3A_1968[0] : i32 from vector<1xi32>
      %add3A_1970 = vector.broadcast %squeeze3A_1969 : i32 to vector<16xi32>
      %add3A_1971 = arith.addi %mul3A_11, %add3A_1970 : vector<16xi32>
      %swap3A_1972 = arith.constant 0 : i32
      %swap3A_1973 = arith.index_cast %swap3A_1972 : i32 to index
      %swap3A_1974 = arith.constant 384 : index
      %swap3A_1975 = tpu.vector_load %arg6[%swap3A_1973, %swap3A_1974] {strides = array<i32>} : memref<4x1024xi32, #tpu.memory_space<vmem>>, vector<16xi32>,
      tpu.vector_store %arg6[%swap3A_1973, %swap3A_1974], %add3A_1971 {strides = array<i32>} : memref<4x1024xi32, #tpu.memory_space<vmem>>, vector<16xi32>,
      %add3A_1976 = vector.broadcast %squeeze3A_1969 : i32 to vector<16xi32>
      %add3A_1977 = arith.addi %mul3A_17, %add3A_1976 : vector<16xi32>
      %swap3A_1978 = arith.constant 0 : i32
      %swap3A_1979 = arith.index_cast %swap3A_1978 : i32 to index
      %swap3A_1980 = arith.constant 400 : index
      %swap3A_1981 = tpu.vector_load %arg6[%swap3A_1979, %swap3A_1980] {strides = array<i32>} : memref<4x1024xi32, #tpu.memory_space<vmem>>, vector<16xi32>,
      tpu.vector_store %arg6[%swap3A_1979, %swap3A_1980], %add3A_1977 {strides = array<i32>} : memref<4x1024xi32, #tpu.memory_space<vmem>>, vector<16xi32>,
      %add3A_1982 = vector.broadcast %squeeze3A_1969 : i32 to vector<16xi32>
      %add3A_1983 = arith.addi %mul3A_23, %add3A_1982 : vector<16xi32>
      %swap3A_1984 = arith.constant 0 : i32
      %swap3A_1985 = arith.index_cast %swap3A_1984 : i32 to index
      %swap3A_1986 = arith.constant 416 : index
      %swap3A_1987 = tpu.vector_load %arg6[%swap3A_1985, %swap3A_1986] {strides = array<i32>} : memref<4x1024xi32, #tpu.memory_space<vmem>>, vector<16xi32>,
      tpu.vector_store %arg6[%swap3A_1985, %swap3A_1986], %add3A_1983 {strides = array<i32>} : memref<4x1024xi32, #tpu.memory_space<vmem>>, vector<16xi32>,
      %add3A_1988 = vector.broadcast %squeeze3A_1969 : i32 to vector<16xi32>
      %add3A_1989 = arith.addi %mul3A_29, %add3A_1988 : vector<16xi32>
      %swap3A_1990 = arith.constant 0 : i32
      %swap3A_1991 = arith.index_cast %swap3A_1990 : i32 to index
      %swap3A_1992 = arith.constant 432 : index
      %swap3A_1993 = tpu.vector_load %arg6[%swap3A_1991, %swap3A_1992] {strides = array<i32>} : memref<4x1024xi32, #tpu.memory_space<vmem>>, vector<16xi32>,
      tpu.vector_store %arg6[%swap3A_1991, %swap3A_1992], %add3A_1989 {strides = array<i32>} : memref<4x1024xi32, #tpu.memory_space<vmem>>, vector<16xi32>,
      %add3A_1994 = vector.broadcast %squeeze3A_1969 : i32 to vector<16xi32>
      %add3A_1995 = arith.addi %mul3A_35, %add3A_1994 : vector<16xi32>
      %swap3A_1996 = arith.constant 0 : i32
      %swap3A_1997 = arith.index_cast %swap3A_1996 : i32 to index
      %swap3A_1998 = arith.constant 448 : index
      %swap3A_1999 = tpu.vector_load %arg6[%swap3A_1997, %swap3A_1998] {strides = array<i32>} : memref<4x1024xi32, #tpu.memory_space<vmem>>, vector<16xi32>,
      tpu.vector_store %arg6[%swap3A_1997, %swap3A_1998], %add3A_1995 {strides = array<i32>} : memref<4x1024xi32, #tpu.memory_space<vmem>>, vector<16xi32>,
      %add3A_2000 = vector.broadcast %squeeze3A_1969 : i32 to vector<16xi32>
      %add3A_2001 = arith.addi %mul3A_41, %add3A_2000 : vector<16xi32>
      %swap3A_2002 = arith.constant 0 : i32
      %swap3A_2003 = arith.index_cast %swap3A_2002 : i32 to index
      %swap3A_2004 = arith.constant 464 : index
      %swap3A_2005 = tpu.vector_load %arg6[%swap3A_2003, %swap3A_2004] {strides = array<i32>} : memref<4x1024xi32, #tpu.memory_space<vmem>>, vector<16xi32>,
      tpu.vector_store %arg6[%swap3A_2003, %swap3A_2004], %add3A_2001 {strides = array<i32>} : memref<4x1024xi32, #tpu.memory_space<vmem>>, vector<16xi32>,
      %add3A_2006 = vector.broadcast %squeeze3A_1969 : i32 to vector<16xi32>
      %add3A_2007 = arith.addi %mul3A_47, %add3A_2006 : vector<16xi32>
      %swap3A_2008 = arith.constant 0 : i32
      %swap3A_2009 = arith.index_cast %swap3A_2008 : i32 to index
      %swap3A_2010 = arith.constant 480 : index
      %swap3A_2011 = tpu.vector_load %arg6[%swap3A_2009, %swap3A_2010] {strides = array<i32>} : memref<4x1024xi32, #tpu.memory_space<vmem>>, vector<16xi32>,
      tpu.vector_store %arg6[%swap3A_2009, %swap3A_2010], %add3A_2007 {strides = array<i32>} : memref<4x1024xi32, #tpu.memory_space<vmem>>, vector<16xi32>,
      %add3A_2012 = vector.broadcast %squeeze3A_1969 : i32 to vector<16xi32>
      %add3A_2013 = arith.addi %mul3A_53, %add3A_2012 : vector<16xi32>
      %swap3A_2014 = arith.constant 0 : i32
      %swap3A_2015 = arith.index_cast %swap3A_2014 : i32 to index
      %swap3A_2016 = arith.constant 496 : index
      %swap3A_2017 = tpu.vector_load %arg6[%swap3A_2015, %swap3A_2016] {strides = array<i32>} : memref<4x1024xi32, #tpu.memory_space<vmem>>, vector<16xi32>,
      tpu.vector_store %arg6[%swap3A_2015, %swap3A_2016], %add3A_2013 {strides = array<i32>} : memref<4x1024xi32, #tpu.memory_space<vmem>>, vector<16xi32>,
      %slice3A_2018 = vector.extract_strided_slice %get3A_1817 {offsets = [4], sizes = [1], strides = [1]} : vector<16xi32> to vector<1xi32>
      %squeeze3A_2019 = vector.extract %slice3A_2018[0] : i32 from vector<1xi32>
      %add3A_2020 = vector.broadcast %squeeze3A_2019 : i32 to vector<16xi32>
      %add3A_2021 = arith.addi %mul3A_11, %add3A_2020 : vector<16xi32>
      %swap3A_2022 = arith.constant 0 : i32
      %swap3A_2023 = arith.index_cast %swap3A_2022 : i32 to index
      %swap3A_2024 = arith.constant 512 : index
      %swap3A_2025 = tpu.vector_load %arg6[%swap3A_2023, %swap3A_2024] {strides = array<i32>} : memref<4x1024xi32, #tpu.memory_space<vmem>>, vector<16xi32>,
      tpu.vector_store %arg6[%swap3A_2023, %swap3A_2024], %add3A_2021 {strides = array<i32>} : memref<4x1024xi32, #tpu.memory_space<vmem>>, vector<16xi32>,
      %add3A_2026 = vector.broadcast %squeeze3A_2019 : i32 to vector<16xi32>
      %add3A_2027 = arith.addi %mul3A_17, %add3A_2026 : vector<16xi32>
      %swap3A_2028 = arith.constant 0 : i32
      %swap3A_2029 = arith.index_cast %swap3A_2028 : i32 to index
      %swap3A_2030 = arith.constant 528 : index
      %swap3A_2031 = tpu.vector_load %arg6[%swap3A_2029, %swap3A_2030] {strides = array<i32>} : memref<4x1024xi32, #tpu.memory_space<vmem>>, vector<16xi32>,
      tpu.vector_store %arg6[%swap3A_2029, %swap3A_2030], %add3A_2027 {strides = array<i32>} : memref<4x1024xi32, #tpu.memory_space<vmem>>, vector<16xi32>,
      %add3A_2032 = vector.broadcast %squeeze3A_2019 : i32 to vector<16xi32>
      %add3A_2033 = arith.addi %mul3A_23, %add3A_2032 : vector<16xi32>
      %swap3A_2034 = arith.constant 0 : i32
      %swap3A_2035 = arith.index_cast %swap3A_2034 : i32 to index
      %swap3A_2036 = arith.constant 544 : index
      %swap3A_2037 = tpu.vector_load %arg6[%swap3A_2035, %swap3A_2036] {strides = array<i32>} : memref<4x1024xi32, #tpu.memory_space<vmem>>, vector<16xi32>,
      tpu.vector_store %arg6[%swap3A_2035, %swap3A_2036], %add3A_2033 {strides = array<i32>} : memref<4x1024xi32, #tpu.memory_space<vmem>>, vector<16xi32>,
      %add3A_2038 = vector.broadcast %squeeze3A_2019 : i32 to vector<16xi32>
      %add3A_2039 = arith.addi %mul3A_29, %add3A_2038 : vector<16xi32>
      %swap3A_2040 = arith.constant 0 : i32
      %swap3A_2041 = arith.index_cast %swap3A_2040 : i32 to index
      %swap3A_2042 = arith.constant 560 : index
      %swap3A_2043 = tpu.vector_load %arg6[%swap3A_2041, %swap3A_2042] {strides = array<i32>} : memref<4x1024xi32, #tpu.memory_space<vmem>>, vector<16xi32>,
      tpu.vector_store %arg6[%swap3A_2041, %swap3A_2042], %add3A_2039 {strides = array<i32>} : memref<4x1024xi32, #tpu.memory_space<vmem>>, vector<16xi32>,
      %add3A_2044 = vector.broadcast %squeeze3A_2019 : i32 to vector<16xi32>
      %add3A_2045 = arith.addi %mul3A_35, %add3A_2044 : vector<16xi32>
      %swap3A_2046 = arith.constant 0 : i32
      %swap3A_2047 = arith.index_cast %swap3A_2046 : i32 to index
      %swap3A_2048 = arith.constant 576 : index
      %swap3A_2049 = tpu.vector_load %arg6[%swap3A_2047, %swap3A_2048] {strides = array<i32>} : memref<4x1024xi32, #tpu.memory_space<vmem>>, vector<16xi32>,
      tpu.vector_store %arg6[%swap3A_2047, %swap3A_2048], %add3A_2045 {strides = array<i32>} : memref<4x1024xi32, #tpu.memory_space<vmem>>, vector<16xi32>,
      %add3A_2050 = vector.broadcast %squeeze3A_2019 : i32 to vector<16xi32>
      %add3A_2051 = arith.addi %mul3A_41, %add3A_2050 : vector<16xi32>
      %swap3A_2052 = arith.constant 0 : i32
      %swap3A_2053 = arith.index_cast %swap3A_2052 : i32 to index
      %swap3A_2054 = arith.constant 592 : index
      %swap3A_2055 = tpu.vector_load %arg6[%swap3A_2053, %swap3A_2054] {strides = array<i32>} : memref<4x1024xi32, #tpu.memory_space<vmem>>, vector<16xi32>,
      tpu.vector_store %arg6[%swap3A_2053, %swap3A_2054], %add3A_2051 {strides = array<i32>} : memref<4x1024xi32, #tpu.memory_space<vmem>>, vector<16xi32>,
      %add3A_2056 = vector.broadcast %squeeze3A_2019 : i32 to vector<16xi32>
      %add3A_2057 = arith.addi %mul3A_47, %add3A_2056 : vector<16xi32>
      %swap3A_2058 = arith.constant 0 : i32
      %swap3A_2059 = arith.index_cast %swap3A_2058 : i32 to index
      %swap3A_2060 = arith.constant 608 : index
      %swap3A_2061 = tpu.vector_load %arg6[%swap3A_2059, %swap3A_2060] {strides = array<i32>} : memref<4x1024xi32, #tpu.memory_space<vmem>>, vector<16xi32>,
      tpu.vector_store %arg6[%swap3A_2059, %swap3A_2060], %add3A_2057 {strides = array<i32>} : memref<4x1024xi32, #tpu.memory_space<vmem>>, vector<16xi32>,
      %add3A_2062 = vector.broadcast %squeeze3A_2019 : i32 to vector<16xi32>
      %add3A_2063 = arith.addi %mul3A_53, %add3A_2062 : vector<16xi32>
      %swap3A_2064 = arith.constant 0 : i32
      %swap3A_2065 = arith.index_cast %swap3A_2064 : i32 to index
      %swap3A_2066 = arith.constant 624 : index
      %swap3A_2067 = tpu.vector_load %arg6[%swap3A_2065, %swap3A_2066] {strides = array<i32>} : memref<4x1024xi32, #tpu.memory_space<vmem>>, vector<16xi32>,
      tpu.vector_store %arg6[%swap3A_2065, %swap3A_2066], %add3A_2063 {strides = array<i32>} : memref<4x1024xi32, #tpu.memory_space<vmem>>, vector<16xi32>,
      %slice3A_2068 = vector.extract_strided_slice %get3A_1817 {offsets = [5], sizes = [1], strides = [1]} : vector<16xi32> to vector<1xi32>
      %squeeze3A_2069 = vector.extract %slice3A_2068[0] : i32 from vector<1xi32>
      %add3A_2070 = vector.broadcast %squeeze3A_2069 : i32 to vector<16xi32>
      %add3A_2071 = arith.addi %mul3A_11, %add3A_2070 : vector<16xi32>
      %swap3A_2072 = arith.constant 0 : i32
      %swap3A_2073 = arith.index_cast %swap3A_2072 : i32 to index
      %swap3A_2074 = arith.constant 640 : index
      %swap3A_2075 = tpu.vector_load %arg6[%swap3A_2073, %swap3A_2074] {strides = array<i32>} : memref<4x1024xi32, #tpu.memory_space<vmem>>, vector<16xi32>,
      tpu.vector_store %arg6[%swap3A_2073, %swap3A_2074], %add3A_2071 {strides = array<i32>} : memref<4x1024xi32, #tpu.memory_space<vmem>>, vector<16xi32>,
      %add3A_2076 = vector.broadcast %squeeze3A_2069 : i32 to vector<16xi32>
      %add3A_2077 = arith.addi %mul3A_17, %add3A_2076 : vector<16xi32>
      %swap3A_2078 = arith.constant 0 : i32
      %swap3A_2079 = arith.index_cast %swap3A_2078 : i32 to index
      %swap3A_2080 = arith.constant 656 : index
      %swap3A_2081 = tpu.vector_load %arg6[%swap3A_2079, %swap3A_2080] {strides = array<i32>} : memref<4x1024xi32, #tpu.memory_space<vmem>>, vector<16xi32>,
      tpu.vector_store %arg6[%swap3A_2079, %swap3A_2080], %add3A_2077 {strides = array<i32>} : memref<4x1024xi32, #tpu.memory_space<vmem>>, vector<16xi32>,
      %add3A_2082 = vector.broadcast %squeeze3A_2069 : i32 to vector<16xi32>
      %add3A_2083 = arith.addi %mul3A_23, %add3A_2082 : vector<16xi32>
      %swap3A_2084 = arith.constant 0 : i32
      %swap3A_2085 = arith.index_cast %swap3A_2084 : i32 to index
      %swap3A_2086 = arith.constant 672 : index
      %swap3A_2087 = tpu.vector_load %arg6[%swap3A_2085, %swap3A_2086] {strides = array<i32>} : memref<4x1024xi32, #tpu.memory_space<vmem>>, vector<16xi32>,
      tpu.vector_store %arg6[%swap3A_2085, %swap3A_2086], %add3A_2083 {strides = array<i32>} : memref<4x1024xi32, #tpu.memory_space<vmem>>, vector<16xi32>,
      %add3A_2088 = vector.broadcast %squeeze3A_2069 : i32 to vector<16xi32>
      %add3A_2089 = arith.addi %mul3A_29, %add3A_2088 : vector<16xi32>
      %swap3A_2090 = arith.constant 0 : i32
      %swap3A_2091 = arith.index_cast %swap3A_2090 : i32 to index
      %swap3A_2092 = arith.constant 688 : index
      %swap3A_2093 = tpu.vector_load %arg6[%swap3A_2091, %swap3A_2092] {strides = array<i32>} : memref<4x1024xi32, #tpu.memory_space<vmem>>, vector<16xi32>,
      tpu.vector_store %arg6[%swap3A_2091, %swap3A_2092], %add3A_2089 {strides = array<i32>} : memref<4x1024xi32, #tpu.memory_space<vmem>>, vector<16xi32>,
      %add3A_2094 = vector.broadcast %squeeze3A_2069 : i32 to vector<16xi32>
      %add3A_2095 = arith.addi %mul3A_35, %add3A_2094 : vector<16xi32>
      %swap3A_2096 = arith.constant 0 : i32
      %swap3A_2097 = arith.index_cast %swap3A_2096 : i32 to index
      %swap3A_2098 = arith.constant 704 : index
      %swap3A_2099 = tpu.vector_load %arg6[%swap3A_2097, %swap3A_2098] {strides = array<i32>} : memref<4x1024xi32, #tpu.memory_space<vmem>>, vector<16xi32>,
      tpu.vector_store %arg6[%swap3A_2097, %swap3A_2098], %add3A_2095 {strides = array<i32>} : memref<4x1024xi32, #tpu.memory_space<vmem>>, vector<16xi32>,
      %add3A_2100 = vector.broadcast %squeeze3A_2069 : i32 to vector<16xi32>
      %add3A_2101 = arith.addi %mul3A_41, %add3A_2100 : vector<16xi32>
      %swap3A_2102 = arith.constant 0 : i32
      %swap3A_2103 = arith.index_cast %swap3A_2102 : i32 to index
      %swap3A_2104 = arith.constant 720 : index
      %swap3A_2105 = tpu.vector_load %arg6[%swap3A_2103, %swap3A_2104] {strides = array<i32>} : memref<4x1024xi32, #tpu.memory_space<vmem>>, vector<16xi32>,
      tpu.vector_store %arg6[%swap3A_2103, %swap3A_2104], %add3A_2101 {strides = array<i32>} : memref<4x1024xi32, #tpu.memory_space<vmem>>, vector<16xi32>,
      %add3A_2106 = vector.broadcast %squeeze3A_2069 : i32 to vector<16xi32>
      %add3A_2107 = arith.addi %mul3A_47, %add3A_2106 : vector<16xi32>
      %swap3A_2108 = arith.constant 0 : i32
      %swap3A_2109 = arith.index_cast %swap3A_2108 : i32 to index
      %swap3A_2110 = arith.constant 736 : index
      %swap3A_2111 = tpu.vector_load %arg6[%swap3A_2109, %swap3A_2110] {strides = array<i32>} : memref<4x1024xi32, #tpu.memory_space<vmem>>, vector<16xi32>,
      tpu.vector_store %arg6[%swap3A_2109, %swap3A_2110], %add3A_2107 {strides = array<i32>} : memref<4x1024xi32, #tpu.memory_space<vmem>>, vector<16xi32>,
      %add3A_2112 = vector.broadcast %squeeze3A_2069 : i32 to vector<16xi32>
      %add3A_2113 = arith.addi %mul3A_53, %add3A_2112 : vector<16xi32>
      %swap3A_2114 = arith.constant 0 : i32
      %swap3A_2115 = arith.index_cast %swap3A_2114 : i32 to index
      %swap3A_2116 = arith.constant 752 : index
      %swap3A_2117 = tpu.vector_load %arg6[%swap3A_2115, %swap3A_2116] {strides = array<i32>} : memref<4x1024xi32, #tpu.memory_space<vmem>>, vector<16xi32>,
      tpu.vector_store %arg6[%swap3A_2115, %swap3A_2116], %add3A_2113 {strides = array<i32>} : memref<4x1024xi32, #tpu.memory_space<vmem>>, vector<16xi32>,
      %slice3A_2118 = vector.extract_strided_slice %get3A_1817 {offsets = [6], sizes = [1], strides = [1]} : vector<16xi32> to vector<1xi32>
      %squeeze3A_2119 = vector.extract %slice3A_2118[0] : i32 from vector<1xi32>
      %add3A_2120 = vector.broadcast %squeeze3A_2119 : i32 to vector<16xi32>
      %add3A_2121 = arith.addi %mul3A_11, %add3A_2120 : vector<16xi32>
      %swap3A_2122 = arith.constant 0 : i32
      %swap3A_2123 = arith.index_cast %swap3A_2122 : i32 to index
      %swap3A_2124 = arith.constant 768 : index
      %swap3A_2125 = tpu.vector_load %arg6[%swap3A_2123, %swap3A_2124] {strides = array<i32>} : memref<4x1024xi32, #tpu.memory_space<vmem>>, vector<16xi32>,
      tpu.vector_store %arg6[%swap3A_2123, %swap3A_2124], %add3A_2121 {strides = array<i32>} : memref<4x1024xi32, #tpu.memory_space<vmem>>, vector<16xi32>,
      %add3A_2126 = vector.broadcast %squeeze3A_2119 : i32 to vector<16xi32>
      %add3A_2127 = arith.addi %mul3A_17, %add3A_2126 : vector<16xi32>
      %swap3A_2128 = arith.constant 0 : i32
      %swap3A_2129 = arith.index_cast %swap3A_2128 : i32 to index
      %swap3A_2130 = arith.constant 784 : index
      %swap3A_2131 = tpu.vector_load %arg6[%swap3A_2129, %swap3A_2130] {strides = array<i32>} : memref<4x1024xi32, #tpu.memory_space<vmem>>, vector<16xi32>,
      tpu.vector_store %arg6[%swap3A_2129, %swap3A_2130], %add3A_2127 {strides = array<i32>} : memref<4x1024xi32, #tpu.memory_space<vmem>>, vector<16xi32>,
      %add3A_2132 = vector.broadcast %squeeze3A_2119 : i32 to vector<16xi32>
      %add3A_2133 = arith.addi %mul3A_23, %add3A_2132 : vector<16xi32>
      %swap3A_2134 = arith.constant 0 : i32
      %swap3A_2135 = arith.index_cast %swap3A_2134 : i32 to index
      %swap3A_2136 = arith.constant 800 : index
      %swap3A_2137 = tpu.vector_load %arg6[%swap3A_2135, %swap3A_2136] {strides = array<i32>} : memref<4x1024xi32, #tpu.memory_space<vmem>>, vector<16xi32>,
      tpu.vector_store %arg6[%swap3A_2135, %swap3A_2136], %add3A_2133 {strides = array<i32>} : memref<4x1024xi32, #tpu.memory_space<vmem>>, vector<16xi32>,
      %add3A_2138 = vector.broadcast %squeeze3A_2119 : i32 to vector<16xi32>
      %add3A_2139 = arith.addi %mul3A_29, %add3A_2138 : vector<16xi32>
      %swap3A_2140 = arith.constant 0 : i32
      %swap3A_2141 = arith.index_cast %swap3A_2140 : i32 to index
      %swap3A_2142 = arith.constant 816 : index
      %swap3A_2143 = tpu.vector_load %arg6[%swap3A_2141, %swap3A_2142] {strides = array<i32>} : memref<4x1024xi32, #tpu.memory_space<vmem>>, vector<16xi32>,
      tpu.vector_store %arg6[%swap3A_2141, %swap3A_2142], %add3A_2139 {strides = array<i32>} : memref<4x1024xi32, #tpu.memory_space<vmem>>, vector<16xi32>,
      %add3A_2144 = vector.broadcast %squeeze3A_2119 : i32 to vector<16xi32>
      %add3A_2145 = arith.addi %mul3A_35, %add3A_2144 : vector<16xi32>
      %swap3A_2146 = arith.constant 0 : i32
      %swap3A_2147 = arith.index_cast %swap3A_2146 : i32 to index
      %swap3A_2148 = arith.constant 832 : index
      %swap3A_2149 = tpu.vector_load %arg6[%swap3A_2147, %swap3A_2148] {strides = array<i32>} : memref<4x1024xi32, #tpu.memory_space<vmem>>, vector<16xi32>,
      tpu.vector_store %arg6[%swap3A_2147, %swap3A_2148], %add3A_2145 {strides = array<i32>} : memref<4x1024xi32, #tpu.memory_space<vmem>>, vector<16xi32>,
      %add3A_2150 = vector.broadcast %squeeze3A_2119 : i32 to vector<16xi32>
      %add3A_2151 = arith.addi %mul3A_41, %add3A_2150 : vector<16xi32>
      %swap3A_2152 = arith.constant 0 : i32
      %swap3A_2153 = arith.index_cast %swap3A_2152 : i32 to index
      %swap3A_2154 = arith.constant 848 : index
      %swap3A_2155 = tpu.vector_load %arg6[%swap3A_2153, %swap3A_2154] {strides = array<i32>} : memref<4x1024xi32, #tpu.memory_space<vmem>>, vector<16xi32>,
      tpu.vector_store %arg6[%swap3A_2153, %swap3A_2154], %add3A_2151 {strides = array<i32>} : memref<4x1024xi32, #tpu.memory_space<vmem>>, vector<16xi32>,
      %add3A_2156 = vector.broadcast %squeeze3A_2119 : i32 to vector<16xi32>
      %add3A_2157 = arith.addi %mul3A_47, %add3A_2156 : vector<16xi32>
      %swap3A_2158 = arith.constant 0 : i32
      %swap3A_2159 = arith.index_cast %swap3A_2158 : i32 to index
      %swap3A_2160 = arith.constant 864 : index
      %swap3A_2161 = tpu.vector_load %arg6[%swap3A_2159, %swap3A_2160] {strides = array<i32>} : memref<4x1024xi32, #tpu.memory_space<vmem>>, vector<16xi32>,
      tpu.vector_store %arg6[%swap3A_2159, %swap3A_2160], %add3A_2157 {strides = array<i32>} : memref<4x1024xi32, #tpu.memory_space<vmem>>, vector<16xi32>,
      %add3A_2162 = vector.broadcast %squeeze3A_2119 : i32 to vector<16xi32>
      %add3A_2163 = arith.addi %mul3A_53, %add3A_2162 : vector<16xi32>
      %swap3A_2164 = arith.constant 0 : i32
      %swap3A_2165 = arith.index_cast %swap3A_2164 : i32 to index
      %swap3A_2166 = arith.constant 880 : index
      %swap3A_2167 = tpu.vector_load %arg6[%swap3A_2165, %swap3A_2166] {strides = array<i32>} : memref<4x1024xi32, #tpu.memory_space<vmem>>, vector<16xi32>,
      tpu.vector_store %arg6[%swap3A_2165, %swap3A_2166], %add3A_2163 {strides = array<i32>} : memref<4x1024xi32, #tpu.memory_space<vmem>>, vector<16xi32>,
      %slice3A_2168 = vector.extract_strided_slice %get3A_1817 {offsets = [7], sizes = [1], strides = [1]} : vector<16xi32> to vector<1xi32>
      %squeeze3A_2169 = vector.extract %slice3A_2168[0] : i32 from vector<1xi32>
      %add3A_2170 = vector.broadcast %squeeze3A_2169 : i32 to vector<16xi32>
      %add3A_2171 = arith.addi %mul3A_11, %add3A_2170 : vector<16xi32>
      %swap3A_2172 = arith.constant 0 : i32
      %swap3A_2173 = arith.index_cast %swap3A_2172 : i32 to index
      %swap3A_2174 = arith.constant 896 : index
      %swap3A_2175 = tpu.vector_load %arg6[%swap3A_2173, %swap3A_2174] {strides = array<i32>} : memref<4x1024xi32, #tpu.memory_space<vmem>>, vector<16xi32>,
      tpu.vector_store %arg6[%swap3A_2173, %swap3A_2174], %add3A_2171 {strides = array<i32>} : memref<4x1024xi32, #tpu.memory_space<vmem>>, vector<16xi32>,
      %add3A_2176 = vector.broadcast %squeeze3A_2169 : i32 to vector<16xi32>
      %add3A_2177 = arith.addi %mul3A_17, %add3A_2176 : vector<16xi32>
      %swap3A_2178 = arith.constant 0 : i32
      %swap3A_2179 = arith.index_cast %swap3A_2178 : i32 to index
      %swap3A_2180 = arith.constant 912 : index
      %swap3A_2181 = tpu.vector_load %arg6[%swap3A_2179, %swap3A_2180] {strides = array<i32>} : memref<4x1024xi32, #tpu.memory_space<vmem>>, vector<16xi32>,
      tpu.vector_store %arg6[%swap3A_2179, %swap3A_2180], %add3A_2177 {strides = array<i32>} : memref<4x1024xi32, #tpu.memory_space<vmem>>, vector<16xi32>,
      %add3A_2182 = vector.broadcast %squeeze3A_2169 : i32 to vector<16xi32>
      %add3A_2183 = arith.addi %mul3A_23, %add3A_2182 : vector<16xi32>
      %swap3A_2184 = arith.constant 0 : i32
      %swap3A_2185 = arith.index_cast %swap3A_2184 : i32 to index
      %swap3A_2186 = arith.constant 928 : index
      %swap3A_2187 = tpu.vector_load %arg6[%swap3A_2185, %swap3A_2186] {strides = array<i32>} : memref<4x1024xi32, #tpu.memory_space<vmem>>, vector<16xi32>,
      tpu.vector_store %arg6[%swap3A_2185, %swap3A_2186], %add3A_2183 {strides = array<i32>} : memref<4x1024xi32, #tpu.memory_space<vmem>>, vector<16xi32>,
      %add3A_2188 = vector.broadcast %squeeze3A_2169 : i32 to vector<16xi32>
      %add3A_2189 = arith.addi %mul3A_29, %add3A_2188 : vector<16xi32>
      %swap3A_2190 = arith.constant 0 : i32
      %swap3A_2191 = arith.index_cast %swap3A_2190 : i32 to index
      %swap3A_2192 = arith.constant 944 : index
      %swap3A_2193 = tpu.vector_load %arg6[%swap3A_2191, %swap3A_2192] {strides = array<i32>} : memref<4x1024xi32, #tpu.memory_space<vmem>>, vector<16xi32>,
      tpu.vector_store %arg6[%swap3A_2191, %swap3A_2192], %add3A_2189 {strides = array<i32>} : memref<4x1024xi32, #tpu.memory_space<vmem>>, vector<16xi32>,
      %add3A_2194 = vector.broadcast %squeeze3A_2169 : i32 to vector<16xi32>
      %add3A_2195 = arith.addi %mul3A_35, %add3A_2194 : vector<16xi32>
      %swap3A_2196 = arith.constant 0 : i32
      %swap3A_2197 = arith.index_cast %swap3A_2196 : i32 to index
      %swap3A_2198 = arith.constant 960 : index
      %swap3A_2199 = tpu.vector_load %arg6[%swap3A_2197, %swap3A_2198] {strides = array<i32>} : memref<4x1024xi32, #tpu.memory_space<vmem>>, vector<16xi32>,
      tpu.vector_store %arg6[%swap3A_2197, %swap3A_2198], %add3A_2195 {strides = array<i32>} : memref<4x1024xi32, #tpu.memory_space<vmem>>, vector<16xi32>,
      %add3A_2200 = vector.broadcast %squeeze3A_2169 : i32 to vector<16xi32>
      %add3A_2201 = arith.addi %mul3A_41, %add3A_2200 : vector<16xi32>
      %swap3A_2202 = arith.constant 0 : i32
      %swap3A_2203 = arith.index_cast %swap3A_2202 : i32 to index
      %swap3A_2204 = arith.constant 976 : index
      %swap3A_2205 = tpu.vector_load %arg6[%swap3A_2203, %swap3A_2204] {strides = array<i32>} : memref<4x1024xi32, #tpu.memory_space<vmem>>, vector<16xi32>,
      tpu.vector_store %arg6[%swap3A_2203, %swap3A_2204], %add3A_2201 {strides = array<i32>} : memref<4x1024xi32, #tpu.memory_space<vmem>>, vector<16xi32>,
      %add3A_2206 = vector.broadcast %squeeze3A_2169 : i32 to vector<16xi32>
      %add3A_2207 = arith.addi %mul3A_47, %add3A_2206 : vector<16xi32>
      %swap3A_2208 = arith.constant 0 : i32
      %swap3A_2209 = arith.index_cast %swap3A_2208 : i32 to index
      %swap3A_2210 = arith.constant 992 : index
      %swap3A_2211 = tpu.vector_load %arg6[%swap3A_2209, %swap3A_2210] {strides = array<i32>} : memref<4x1024xi32, #tpu.memory_space<vmem>>, vector<16xi32>,
      tpu.vector_store %arg6[%swap3A_2209, %swap3A_2210], %add3A_2207 {strides = array<i32>} : memref<4x1024xi32, #tpu.memory_space<vmem>>, vector<16xi32>,
      %add3A_2212 = vector.broadcast %squeeze3A_2169 : i32 to vector<16xi32>
      %add3A_2213 = arith.addi %mul3A_53, %add3A_2212 : vector<16xi32>
      %swap3A_2214 = arith.constant 0 : i32
      %swap3A_2215 = arith.index_cast %swap3A_2214 : i32 to index
      %swap3A_2216 = arith.constant 1008 : index
      %swap3A_2217 = tpu.vector_load %arg6[%swap3A_2215, %swap3A_2216] {strides = array<i32>} : memref<4x1024xi32, #tpu.memory_space<vmem>>, vector<16xi32>,
      tpu.vector_store %arg6[%swap3A_2215, %swap3A_2216], %add3A_2213 {strides = array<i32>} : memref<4x1024xi32, #tpu.memory_space<vmem>>, vector<16xi32>,
      %dma_start3A_2218 = arith.constant 0 : i32
      %dma_start3A_2219 = arith.constant 0 : i32
      %dma_start3A_2220 = tpu.memref_slice %arg6[%dma_start3A_2218, %dma_start3A_2219] : memref<4x1024xi32, #tpu.memory_space<vmem>> -> memref<1x1024xi32, #tpu.memory_space<vmem>>
      %dma_start3A_2221 = tpu.memref_squeeze %dma_start3A_2220 : memref<1x1024xi32, #tpu.memory_space<vmem>> -> memref<1024xi32, #tpu.memory_space<vmem>>
      %dma_start3A_2222 = arith.constant 0 : i32
      %dma_start3A_2223 = arith.constant 0 : i32
      %dma_start3A_2224 = tpu.memref_slice %arg2[%dma_start3A_2222, %dma_start3A_2223] : memref<4718592x16xf32, #tpu.memory_space<hbm>> -> memref<4718592x16xf32, #tpu.memory_space<hbm>>
      tpu.enqueue_indirect_dma source(%dma_start3A_2224 : memref<4718592x16xf32, #tpu.memory_space<hbm>>) target(%arg7 : memref<1024x16xf32, #tpu.memory_space<vmem>>) offsets(%dma_start3A_2221 : memref<1024xi32, #tpu.memory_space<vmem>>) semaphore(%arg13 : memref<!tpu.dma_semaphore, #tpu.memory_space<semaphore_mem>>)
      %add3A_2225 = arith.constant 1 : i32
      %add3A_2226 = arith.addi %scan3A_921, %add3A_2225 : i32
      %dma_wait3A_2227 = arith.constant 0 : i32
      %dma_wait3A_2228 = arith.constant 0 : i32
      %dma_wait3A_2229 = tpu.memref_slice %arg6[%dma_wait3A_2227, %dma_wait3A_2228] : memref<4x1024xi32, #tpu.memory_space<vmem>> -> memref<1x1024xi32, #tpu.memory_space<vmem>>
      %dma_wait3A_2230 = tpu.memref_squeeze %dma_wait3A_2229 : memref<1x1024xi32, #tpu.memory_space<vmem>> -> memref<1024xi32, #tpu.memory_space<vmem>>
      %dma_wait3A_2231 = arith.constant 0 : i32
      %dma_wait3A_2232 = arith.constant 0 : i32
      %dma_wait3A_2233 = tpu.memref_slice %arg2[%dma_wait3A_2231, %dma_wait3A_2232] : memref<4718592x16xf32, #tpu.memory_space<hbm>> -> memref<4718592x16xf32, #tpu.memory_space<hbm>>
      tpu.wait_indirect_dma semaphore(%arg15 : memref<!tpu.dma_semaphore, #tpu.memory_space<semaphore_mem>>) src(%dma_wait3A_2233 : memref<4718592x16xf32, #tpu.memory_space<hbm>>) dst(%arg9 : memref<1024x16xf32, #tpu.memory_space<vmem>>)
      %gt3A_2234 = arith.constant 0 : i32
      %gt3A_2235 = arith.cmpi sgt, %add3A_2226, %gt3A_2234 : i32
      %convert_element_type3A_2236 = arith.extui %gt3A_2235 : i1 to i32
      %cond3A_2237 = arith.constant 0 : i32
      %cond3A_2238 = arith.cmpi ne, %convert_element_type3A_2236, %cond3A_2237 : i32
      scf.if %cond3A_2238 {
        %dma_wait3A_2705 = arith.constant 0 : i32
        %dma_wait3A_2706 = arith.constant 0 : i32
        %dma_wait3A_2707 = arith.constant 0 : i32
        %dma_wait3A_2708 = arith.constant 0 : i32
        %dma_wait3A_2709 = tpu.memref_slice %arg11[%dma_wait3A_2707, %dma_wait3A_2708] : memref<128x129xf32, #tpu.memory_space<vmem>> -> memref<128x128xf32, #tpu.memory_space<vmem>>
        %dma_wait3A_2710 = arith.constant 0 : i32
        %dma_wait3A_2711 = arith.constant 0 : i32
        %dma_wait3A_2712 = tpu.memref_slice %arg4[%dma_wait3A_2705, %dma_wait3A_2706, %dma_wait3A_2710, %dma_wait3A_2711] : memref<1024x2x128x128xf32, #tpu.memory_space<hbm>> -> memref<1x1x128x128xf32, #tpu.memory_space<hbm>>
        %dma_wait3A_2713 = tpu.memref_squeeze %dma_wait3A_2712 : memref<1x1x128x128xf32, #tpu.memory_space<hbm>> -> memref<128x128xf32, #tpu.memory_space<hbm>>
        %dma_wait3A_2714 = arith.constant 0 : i32
        %dma_wait3A_2715 = arith.constant 0 : i32
        %dma_wait3A_2716 = tpu.memref_slice %arg4[%dma_wait3A_2705, %dma_wait3A_2706, %dma_wait3A_2714, %dma_wait3A_2715] : memref<1024x2x128x128xf32, #tpu.memory_space<hbm>> -> memref<1x1x128x128xf32, #tpu.memory_space<hbm>>
        %dma_wait3A_2717 = tpu.memref_squeeze %dma_wait3A_2716 : memref<1x1x128x128xf32, #tpu.memory_space<hbm>> -> memref<128x128xf32, #tpu.memory_space<hbm>>
        %dma_wait3A_2718 = arith.constant 0 : i32
        %dma_wait3A_2719 = arith.constant 0 : i32
        %dma_wait3A_2720 = tpu.memref_slice %arg11[%dma_wait3A_2718, %dma_wait3A_2719] : memref<128x129xf32, #tpu.memory_space<vmem>> -> memref<128x128xf32, #tpu.memory_space<vmem>>
        tpu.wait_dma2 semaphore(%arg17 : memref<!tpu.dma_semaphore, #tpu.memory_space<semaphore_mem>>) src(%dma_wait3A_2720 : memref<128x128xf32, #tpu.memory_space<vmem>>) dst(%dma_wait3A_2717 : memref<128x128xf32, #tpu.memory_space<hbm>>)
      } else {
      }
      %scan3A_2239 = arith.constant 0 : i32
      %scan3A_2240 = arith.constant 0 : i32
      %scan3A_2241 = arith.constant 8 : i32
      %scan3A_2242 = arith.addi %scan3A_2240, %scan3A_2241 : i32
      %scan3A_2243 = arith.constant 1 : i32
      scf.for %scan3A_2705 = %scan3A_2240 to %scan3A_2242 step %scan3A_2243  : i32 {
        %mul3A_2706 = arith.constant 128 : i32
        %mul3A_2707 = arith.muli %scan3A_2705, %mul3A_2706 : i32
        %mul3A_2708 = arith.constant 16 : i32
        %mul3A_2709 = arith.muli %scan3A_2705, %mul3A_2708 : i32
        %add3A_2710 = vector.broadcast %mul3A_2709 : i32 to vector<16xi32>
        %add3A_2711 = arith.addi %iota3A, %add3A_2710 : vector<16xi32>
        %parallel_loop3A = arith.constant 0 : i32
        %parallel_loop3A_2712 = arith.constant 128 : i32
        %parallel_loop3A_2713 = arith.constant 1 : i32
        %parallel_loop3A_2714 = scf.for %parallel_loop3A_2715 = %parallel_loop3A to %parallel_loop3A_2712 step %parallel_loop3A_2713 iter_args(%parallel_loop3A_2716 = %broadcast_in_dim3A_3) -> (vector<16xi32>)  : i32 {
          %parallel_loop3A_2717 = arith.addi %mul3A_2707, %parallel_loop3A_2715 : i32
          %parallel_loop3A_2718 = arith.index_cast %parallel_loop3A_2717 : i32 to index
          %parallel_loop3A_2719 = arith.constant 0 : index
          %parallel_loop3A_2720 = tpu.vector_load %arg9[%parallel_loop3A_2718, %parallel_loop3A_2719] {strides = array<i32>} : memref<1024x16xf32, #tpu.memory_space<vmem>>, vector<16xf32>,
          tpu.vector_store_idx %arg11[%add3A_2711, %parallel_loop3A_2716], %parallel_loop3A_2720 : memref<128x129xf32, #tpu.memory_space<vmem>>[vector<16xi32>, vector<16xi32>], vector<16xf32>,
          %parallel_loop3A_2721 = arith.addi %parallel_loop3A_2716, %broadcast_in_dim3A_5 : vector<16xi32>
          scf.yield %parallel_loop3A_2721 : vector<16xi32>
        } {sc.loop_unroll_factor = 16 : i64, sc.parallel_access}
      }
      %scan3A_2244 = arith.constant 8 : i32
      %dma_start3A_2245 = arith.constant 0 : i32
      %dma_start3A_2246 = arith.constant 0 : i32
      %dma_start3A_2247 = arith.constant 0 : i32
      %dma_start3A_2248 = tpu.memref_slice %arg11[%dma_start3A_2246, %dma_start3A_2247] : memref<128x129xf32, #tpu.memory_space<vmem>> -> memref<128x128xf32, #tpu.memory_space<vmem>>
      %dma_start3A_2249 = arith.constant 0 : i32
      %dma_start3A_2250 = arith.constant 0 : i32
      %dma_start3A_2251 = tpu.memref_slice %arg4[%add3A_931, %dma_start3A_2245, %dma_start3A_2249, %dma_start3A_2250] : memref<1024x2x128x128xf32, #tpu.memory_space<hbm>> -> memref<1x1x128x128xf32, #tpu.memory_space<hbm>>
      %dma_start3A_2252 = tpu.memref_squeeze %dma_start3A_2251 : memref<1x1x128x128xf32, #tpu.memory_space<hbm>> -> memref<128x128xf32, #tpu.memory_space<hbm>>
      %dma_start3A_2253 = arith.constant 0 : i32
      %dma_start3A_2254 = arith.constant 0 : i32
      %dma_start3A_2255 = tpu.memref_slice %arg4[%add3A_931, %dma_start3A_2245, %dma_start3A_2253, %dma_start3A_2254] : memref<1024x2x128x128xf32, #tpu.memory_space<hbm>> -> memref<1x1x128x128xf32, #tpu.memory_space<hbm>>
      %dma_start3A_2256 = tpu.memref_squeeze %dma_start3A_2255 : memref<1x1x128x128xf32, #tpu.memory_space<hbm>> -> memref<128x128xf32, #tpu.memory_space<hbm>>
      %dma_start3A_2257 = arith.constant 0 : i32
      %dma_start3A_2258 = arith.constant 0 : i32
      %dma_start3A_2259 = tpu.memref_slice %arg11[%dma_start3A_2257, %dma_start3A_2258] : memref<128x129xf32, #tpu.memory_space<vmem>> -> memref<128x128xf32, #tpu.memory_space<vmem>>
      tpu.enqueue_dma source(%dma_start3A_2259 : memref<128x128xf32, #tpu.memory_space<vmem>>) target(%dma_start3A_2256 : memref<128x128xf32, #tpu.memory_space<hbm>>) target_semaphore(%arg17 : memref<!tpu.dma_semaphore, #tpu.memory_space<semaphore_mem>>)
      %get3A_2260 = arith.index_cast %min3A_928 : i32 to index
      %get3A_2261 = arith.constant 0 : index
      %get3A_2262 = tpu.vector_load %arg5[%get3A_2260, %get3A_2261] {strides = array<i32>} : memref<32x16xi32, #tpu.memory_space<vmem>>, vector<16xi32>,
      %slice3A_2263 = vector.extract_strided_slice %get3A_2262 {offsets = [8], sizes = [1], strides = [1]} : vector<16xi32> to vector<1xi32>
      %squeeze3A_2264 = vector.extract %slice3A_2263[0] : i32 from vector<1xi32>
      %add3A_2265 = vector.broadcast %squeeze3A_2264 : i32 to vector<16xi32>
      %add3A_2266 = arith.addi %mul3A_11, %add3A_2265 : vector<16xi32>
      %swap3A_2267 = arith.constant 1 : i32
      %swap3A_2268 = arith.index_cast %swap3A_2267 : i32 to index
      %swap3A_2269 = arith.constant 0 : index
      %swap3A_2270 = tpu.vector_load %arg6[%swap3A_2268, %swap3A_2269] {strides = array<i32>} : memref<4x1024xi32, #tpu.memory_space<vmem>>, vector<16xi32>,
      tpu.vector_store %arg6[%swap3A_2268, %swap3A_2269], %add3A_2266 {strides = array<i32>} : memref<4x1024xi32, #tpu.memory_space<vmem>>, vector<16xi32>,
      %add3A_2271 = vector.broadcast %squeeze3A_2264 : i32 to vector<16xi32>
      %add3A_2272 = arith.addi %mul3A_17, %add3A_2271 : vector<16xi32>
      %swap3A_2273 = arith.constant 1 : i32
      %swap3A_2274 = arith.index_cast %swap3A_2273 : i32 to index
      %swap3A_2275 = arith.constant 16 : index
      %swap3A_2276 = tpu.vector_load %arg6[%swap3A_2274, %swap3A_2275] {strides = array<i32>} : memref<4x1024xi32, #tpu.memory_space<vmem>>, vector<16xi32>,
      tpu.vector_store %arg6[%swap3A_2274, %swap3A_2275], %add3A_2272 {strides = array<i32>} : memref<4x1024xi32, #tpu.memory_space<vmem>>, vector<16xi32>,
      %add3A_2277 = vector.broadcast %squeeze3A_2264 : i32 to vector<16xi32>
      %add3A_2278 = arith.addi %mul3A_23, %add3A_2277 : vector<16xi32>
      %swap3A_2279 = arith.constant 1 : i32
      %swap3A_2280 = arith.index_cast %swap3A_2279 : i32 to index
      %swap3A_2281 = arith.constant 32 : index
      %swap3A_2282 = tpu.vector_load %arg6[%swap3A_2280, %swap3A_2281] {strides = array<i32>} : memref<4x1024xi32, #tpu.memory_space<vmem>>, vector<16xi32>,
      tpu.vector_store %arg6[%swap3A_2280, %swap3A_2281], %add3A_2278 {strides = array<i32>} : memref<4x1024xi32, #tpu.memory_space<vmem>>, vector<16xi32>,
      %add3A_2283 = vector.broadcast %squeeze3A_2264 : i32 to vector<16xi32>
      %add3A_2284 = arith.addi %mul3A_29, %add3A_2283 : vector<16xi32>
      %swap3A_2285 = arith.constant 1 : i32
      %swap3A_2286 = arith.index_cast %swap3A_2285 : i32 to index
      %swap3A_2287 = arith.constant 48 : index
      %swap3A_2288 = tpu.vector_load %arg6[%swap3A_2286, %swap3A_2287] {strides = array<i32>} : memref<4x1024xi32, #tpu.memory_space<vmem>>, vector<16xi32>,
      tpu.vector_store %arg6[%swap3A_2286, %swap3A_2287], %add3A_2284 {strides = array<i32>} : memref<4x1024xi32, #tpu.memory_space<vmem>>, vector<16xi32>,
      %add3A_2289 = vector.broadcast %squeeze3A_2264 : i32 to vector<16xi32>
      %add3A_2290 = arith.addi %mul3A_35, %add3A_2289 : vector<16xi32>
      %swap3A_2291 = arith.constant 1 : i32
      %swap3A_2292 = arith.index_cast %swap3A_2291 : i32 to index
      %swap3A_2293 = arith.constant 64 : index
      %swap3A_2294 = tpu.vector_load %arg6[%swap3A_2292, %swap3A_2293] {strides = array<i32>} : memref<4x1024xi32, #tpu.memory_space<vmem>>, vector<16xi32>,
      tpu.vector_store %arg6[%swap3A_2292, %swap3A_2293], %add3A_2290 {strides = array<i32>} : memref<4x1024xi32, #tpu.memory_space<vmem>>, vector<16xi32>,
      %add3A_2295 = vector.broadcast %squeeze3A_2264 : i32 to vector<16xi32>
      %add3A_2296 = arith.addi %mul3A_41, %add3A_2295 : vector<16xi32>
      %swap3A_2297 = arith.constant 1 : i32
      %swap3A_2298 = arith.index_cast %swap3A_2297 : i32 to index
      %swap3A_2299 = arith.constant 80 : index
      %swap3A_2300 = tpu.vector_load %arg6[%swap3A_2298, %swap3A_2299] {strides = array<i32>} : memref<4x1024xi32, #tpu.memory_space<vmem>>, vector<16xi32>,
      tpu.vector_store %arg6[%swap3A_2298, %swap3A_2299], %add3A_2296 {strides = array<i32>} : memref<4x1024xi32, #tpu.memory_space<vmem>>, vector<16xi32>,
      %add3A_2301 = vector.broadcast %squeeze3A_2264 : i32 to vector<16xi32>
      %add3A_2302 = arith.addi %mul3A_47, %add3A_2301 : vector<16xi32>
      %swap3A_2303 = arith.constant 1 : i32
      %swap3A_2304 = arith.index_cast %swap3A_2303 : i32 to index
      %swap3A_2305 = arith.constant 96 : index
      %swap3A_2306 = tpu.vector_load %arg6[%swap3A_2304, %swap3A_2305] {strides = array<i32>} : memref<4x1024xi32, #tpu.memory_space<vmem>>, vector<16xi32>,
      tpu.vector_store %arg6[%swap3A_2304, %swap3A_2305], %add3A_2302 {strides = array<i32>} : memref<4x1024xi32, #tpu.memory_space<vmem>>, vector<16xi32>,
      %add3A_2307 = vector.broadcast %squeeze3A_2264 : i32 to vector<16xi32>
      %add3A_2308 = arith.addi %mul3A_53, %add3A_2307 : vector<16xi32>
      %swap3A_2309 = arith.constant 1 : i32
      %swap3A_2310 = arith.index_cast %swap3A_2309 : i32 to index
      %swap3A_2311 = arith.constant 112 : index
      %swap3A_2312 = tpu.vector_load %arg6[%swap3A_2310, %swap3A_2311] {strides = array<i32>} : memref<4x1024xi32, #tpu.memory_space<vmem>>, vector<16xi32>,
      tpu.vector_store %arg6[%swap3A_2310, %swap3A_2311], %add3A_2308 {strides = array<i32>} : memref<4x1024xi32, #tpu.memory_space<vmem>>, vector<16xi32>,
      %slice3A_2313 = vector.extract_strided_slice %get3A_2262 {offsets = [9], sizes = [1], strides = [1]} : vector<16xi32> to vector<1xi32>
      %squeeze3A_2314 = vector.extract %slice3A_2313[0] : i32 from vector<1xi32>
      %add3A_2315 = vector.broadcast %squeeze3A_2314 : i32 to vector<16xi32>
      %add3A_2316 = arith.addi %mul3A_11, %add3A_2315 : vector<16xi32>
      %swap3A_2317 = arith.constant 1 : i32
      %swap3A_2318 = arith.index_cast %swap3A_2317 : i32 to index
      %swap3A_2319 = arith.constant 128 : index
      %swap3A_2320 = tpu.vector_load %arg6[%swap3A_2318, %swap3A_2319] {strides = array<i32>} : memref<4x1024xi32, #tpu.memory_space<vmem>>, vector<16xi32>,
      tpu.vector_store %arg6[%swap3A_2318, %swap3A_2319], %add3A_2316 {strides = array<i32>} : memref<4x1024xi32, #tpu.memory_space<vmem>>, vector<16xi32>,
      %add3A_2321 = vector.broadcast %squeeze3A_2314 : i32 to vector<16xi32>
      %add3A_2322 = arith.addi %mul3A_17, %add3A_2321 : vector<16xi32>
      %swap3A_2323 = arith.constant 1 : i32
      %swap3A_2324 = arith.index_cast %swap3A_2323 : i32 to index
      %swap3A_2325 = arith.constant 144 : index
      %swap3A_2326 = tpu.vector_load %arg6[%swap3A_2324, %swap3A_2325] {strides = array<i32>} : memref<4x1024xi32, #tpu.memory_space<vmem>>, vector<16xi32>,
      tpu.vector_store %arg6[%swap3A_2324, %swap3A_2325], %add3A_2322 {strides = array<i32>} : memref<4x1024xi32, #tpu.memory_space<vmem>>, vector<16xi32>,
      %add3A_2327 = vector.broadcast %squeeze3A_2314 : i32 to vector<16xi32>
      %add3A_2328 = arith.addi %mul3A_23, %add3A_2327 : vector<16xi32>
      %swap3A_2329 = arith.constant 1 : i32
      %swap3A_2330 = arith.index_cast %swap3A_2329 : i32 to index
      %swap3A_2331 = arith.constant 160 : index
      %swap3A_2332 = tpu.vector_load %arg6[%swap3A_2330, %swap3A_2331] {strides = array<i32>} : memref<4x1024xi32, #tpu.memory_space<vmem>>, vector<16xi32>,
      tpu.vector_store %arg6[%swap3A_2330, %swap3A_2331], %add3A_2328 {strides = array<i32>} : memref<4x1024xi32, #tpu.memory_space<vmem>>, vector<16xi32>,
      %add3A_2333 = vector.broadcast %squeeze3A_2314 : i32 to vector<16xi32>
      %add3A_2334 = arith.addi %mul3A_29, %add3A_2333 : vector<16xi32>
      %swap3A_2335 = arith.constant 1 : i32
      %swap3A_2336 = arith.index_cast %swap3A_2335 : i32 to index
      %swap3A_2337 = arith.constant 176 : index
      %swap3A_2338 = tpu.vector_load %arg6[%swap3A_2336, %swap3A_2337] {strides = array<i32>} : memref<4x1024xi32, #tpu.memory_space<vmem>>, vector<16xi32>,
      tpu.vector_store %arg6[%swap3A_2336, %swap3A_2337], %add3A_2334 {strides = array<i32>} : memref<4x1024xi32, #tpu.memory_space<vmem>>, vector<16xi32>,
      %add3A_2339 = vector.broadcast %squeeze3A_2314 : i32 to vector<16xi32>
      %add3A_2340 = arith.addi %mul3A_35, %add3A_2339 : vector<16xi32>
      %swap3A_2341 = arith.constant 1 : i32
      %swap3A_2342 = arith.index_cast %swap3A_2341 : i32 to index
      %swap3A_2343 = arith.constant 192 : index
      %swap3A_2344 = tpu.vector_load %arg6[%swap3A_2342, %swap3A_2343] {strides = array<i32>} : memref<4x1024xi32, #tpu.memory_space<vmem>>, vector<16xi32>,
      tpu.vector_store %arg6[%swap3A_2342, %swap3A_2343], %add3A_2340 {strides = array<i32>} : memref<4x1024xi32, #tpu.memory_space<vmem>>, vector<16xi32>,
      %add3A_2345 = vector.broadcast %squeeze3A_2314 : i32 to vector<16xi32>
      %add3A_2346 = arith.addi %mul3A_41, %add3A_2345 : vector<16xi32>
      %swap3A_2347 = arith.constant 1 : i32
      %swap3A_2348 = arith.index_cast %swap3A_2347 : i32 to index
      %swap3A_2349 = arith.constant 208 : index
      %swap3A_2350 = tpu.vector_load %arg6[%swap3A_2348, %swap3A_2349] {strides = array<i32>} : memref<4x1024xi32, #tpu.memory_space<vmem>>, vector<16xi32>,
      tpu.vector_store %arg6[%swap3A_2348, %swap3A_2349], %add3A_2346 {strides = array<i32>} : memref<4x1024xi32, #tpu.memory_space<vmem>>, vector<16xi32>,
      %add3A_2351 = vector.broadcast %squeeze3A_2314 : i32 to vector<16xi32>
      %add3A_2352 = arith.addi %mul3A_47, %add3A_2351 : vector<16xi32>
      %swap3A_2353 = arith.constant 1 : i32
      %swap3A_2354 = arith.index_cast %swap3A_2353 : i32 to index
      %swap3A_2355 = arith.constant 224 : index
      %swap3A_2356 = tpu.vector_load %arg6[%swap3A_2354, %swap3A_2355] {strides = array<i32>} : memref<4x1024xi32, #tpu.memory_space<vmem>>, vector<16xi32>,
      tpu.vector_store %arg6[%swap3A_2354, %swap3A_2355], %add3A_2352 {strides = array<i32>} : memref<4x1024xi32, #tpu.memory_space<vmem>>, vector<16xi32>,
      %add3A_2357 = vector.broadcast %squeeze3A_2314 : i32 to vector<16xi32>
      %add3A_2358 = arith.addi %mul3A_53, %add3A_2357 : vector<16xi32>
      %swap3A_2359 = arith.constant 1 : i32
      %swap3A_2360 = arith.index_cast %swap3A_2359 : i32 to index
      %swap3A_2361 = arith.constant 240 : index
      %swap3A_2362 = tpu.vector_load %arg6[%swap3A_2360, %swap3A_2361] {strides = array<i32>} : memref<4x1024xi32, #tpu.memory_space<vmem>>, vector<16xi32>,
      tpu.vector_store %arg6[%swap3A_2360, %swap3A_2361], %add3A_2358 {strides = array<i32>} : memref<4x1024xi32, #tpu.memory_space<vmem>>, vector<16xi32>,
      %slice3A_2363 = vector.extract_strided_slice %get3A_2262 {offsets = [10], sizes = [1], strides = [1]} : vector<16xi32> to vector<1xi32>
      %squeeze3A_2364 = vector.extract %slice3A_2363[0] : i32 from vector<1xi32>
      %add3A_2365 = vector.broadcast %squeeze3A_2364 : i32 to vector<16xi32>
      %add3A_2366 = arith.addi %mul3A_11, %add3A_2365 : vector<16xi32>
      %swap3A_2367 = arith.constant 1 : i32
      %swap3A_2368 = arith.index_cast %swap3A_2367 : i32 to index
      %swap3A_2369 = arith.constant 256 : index
      %swap3A_2370 = tpu.vector_load %arg6[%swap3A_2368, %swap3A_2369] {strides = array<i32>} : memref<4x1024xi32, #tpu.memory_space<vmem>>, vector<16xi32>,
      tpu.vector_store %arg6[%swap3A_2368, %swap3A_2369], %add3A_2366 {strides = array<i32>} : memref<4x1024xi32, #tpu.memory_space<vmem>>, vector<16xi32>,
      %add3A_2371 = vector.broadcast %squeeze3A_2364 : i32 to vector<16xi32>
      %add3A_2372 = arith.addi %mul3A_17, %add3A_2371 : vector<16xi32>
      %swap3A_2373 = arith.constant 1 : i32
      %swap3A_2374 = arith.index_cast %swap3A_2373 : i32 to index
      %swap3A_2375 = arith.constant 272 : index
      %swap3A_2376 = tpu.vector_load %arg6[%swap3A_2374, %swap3A_2375] {strides = array<i32>} : memref<4x1024xi32, #tpu.memory_space<vmem>>, vector<16xi32>,
      tpu.vector_store %arg6[%swap3A_2374, %swap3A_2375], %add3A_2372 {strides = array<i32>} : memref<4x1024xi32, #tpu.memory_space<vmem>>, vector<16xi32>,
      %add3A_2377 = vector.broadcast %squeeze3A_2364 : i32 to vector<16xi32>
      %add3A_2378 = arith.addi %mul3A_23, %add3A_2377 : vector<16xi32>
      %swap3A_2379 = arith.constant 1 : i32
      %swap3A_2380 = arith.index_cast %swap3A_2379 : i32 to index
      %swap3A_2381 = arith.constant 288 : index
      %swap3A_2382 = tpu.vector_load %arg6[%swap3A_2380, %swap3A_2381] {strides = array<i32>} : memref<4x1024xi32, #tpu.memory_space<vmem>>, vector<16xi32>,
      tpu.vector_store %arg6[%swap3A_2380, %swap3A_2381], %add3A_2378 {strides = array<i32>} : memref<4x1024xi32, #tpu.memory_space<vmem>>, vector<16xi32>,
      %add3A_2383 = vector.broadcast %squeeze3A_2364 : i32 to vector<16xi32>
      %add3A_2384 = arith.addi %mul3A_29, %add3A_2383 : vector<16xi32>
      %swap3A_2385 = arith.constant 1 : i32
      %swap3A_2386 = arith.index_cast %swap3A_2385 : i32 to index
      %swap3A_2387 = arith.constant 304 : index
      %swap3A_2388 = tpu.vector_load %arg6[%swap3A_2386, %swap3A_2387] {strides = array<i32>} : memref<4x1024xi32, #tpu.memory_space<vmem>>, vector<16xi32>,
      tpu.vector_store %arg6[%swap3A_2386, %swap3A_2387], %add3A_2384 {strides = array<i32>} : memref<4x1024xi32, #tpu.memory_space<vmem>>, vector<16xi32>,
      %add3A_2389 = vector.broadcast %squeeze3A_2364 : i32 to vector<16xi32>
      %add3A_2390 = arith.addi %mul3A_35, %add3A_2389 : vector<16xi32>
      %swap3A_2391 = arith.constant 1 : i32
      %swap3A_2392 = arith.index_cast %swap3A_2391 : i32 to index
      %swap3A_2393 = arith.constant 320 : index
      %swap3A_2394 = tpu.vector_load %arg6[%swap3A_2392, %swap3A_2393] {strides = array<i32>} : memref<4x1024xi32, #tpu.memory_space<vmem>>, vector<16xi32>,
      tpu.vector_store %arg6[%swap3A_2392, %swap3A_2393], %add3A_2390 {strides = array<i32>} : memref<4x1024xi32, #tpu.memory_space<vmem>>, vector<16xi32>,
      %add3A_2395 = vector.broadcast %squeeze3A_2364 : i32 to vector<16xi32>
      %add3A_2396 = arith.addi %mul3A_41, %add3A_2395 : vector<16xi32>
      %swap3A_2397 = arith.constant 1 : i32
      %swap3A_2398 = arith.index_cast %swap3A_2397 : i32 to index
      %swap3A_2399 = arith.constant 336 : index
      %swap3A_2400 = tpu.vector_load %arg6[%swap3A_2398, %swap3A_2399] {strides = array<i32>} : memref<4x1024xi32, #tpu.memory_space<vmem>>, vector<16xi32>,
      tpu.vector_store %arg6[%swap3A_2398, %swap3A_2399], %add3A_2396 {strides = array<i32>} : memref<4x1024xi32, #tpu.memory_space<vmem>>, vector<16xi32>,
      %add3A_2401 = vector.broadcast %squeeze3A_2364 : i32 to vector<16xi32>
      %add3A_2402 = arith.addi %mul3A_47, %add3A_2401 : vector<16xi32>
      %swap3A_2403 = arith.constant 1 : i32
      %swap3A_2404 = arith.index_cast %swap3A_2403 : i32 to index
      %swap3A_2405 = arith.constant 352 : index
      %swap3A_2406 = tpu.vector_load %arg6[%swap3A_2404, %swap3A_2405] {strides = array<i32>} : memref<4x1024xi32, #tpu.memory_space<vmem>>, vector<16xi32>,
      tpu.vector_store %arg6[%swap3A_2404, %swap3A_2405], %add3A_2402 {strides = array<i32>} : memref<4x1024xi32, #tpu.memory_space<vmem>>, vector<16xi32>,
      %add3A_2407 = vector.broadcast %squeeze3A_2364 : i32 to vector<16xi32>
      %add3A_2408 = arith.addi %mul3A_53, %add3A_2407 : vector<16xi32>
      %swap3A_2409 = arith.constant 1 : i32
      %swap3A_2410 = arith.index_cast %swap3A_2409 : i32 to index
      %swap3A_2411 = arith.constant 368 : index
      %swap3A_2412 = tpu.vector_load %arg6[%swap3A_2410, %swap3A_2411] {strides = array<i32>} : memref<4x1024xi32, #tpu.memory_space<vmem>>, vector<16xi32>,
      tpu.vector_store %arg6[%swap3A_2410, %swap3A_2411], %add3A_2408 {strides = array<i32>} : memref<4x1024xi32, #tpu.memory_space<vmem>>, vector<16xi32>,
      %slice3A_2413 = vector.extract_strided_slice %get3A_2262 {offsets = [11], sizes = [1], strides = [1]} : vector<16xi32> to vector<1xi32>
      %squeeze3A_2414 = vector.extract %slice3A_2413[0] : i32 from vector<1xi32>
      %add3A_2415 = vector.broadcast %squeeze3A_2414 : i32 to vector<16xi32>
      %add3A_2416 = arith.addi %mul3A_11, %add3A_2415 : vector<16xi32>
      %swap3A_2417 = arith.constant 1 : i32
      %swap3A_2418 = arith.index_cast %swap3A_2417 : i32 to index
      %swap3A_2419 = arith.constant 384 : index
      %swap3A_2420 = tpu.vector_load %arg6[%swap3A_2418, %swap3A_2419] {strides = array<i32>} : memref<4x1024xi32, #tpu.memory_space<vmem>>, vector<16xi32>,
      tpu.vector_store %arg6[%swap3A_2418, %swap3A_2419], %add3A_2416 {strides = array<i32>} : memref<4x1024xi32, #tpu.memory_space<vmem>>, vector<16xi32>,
      %add3A_2421 = vector.broadcast %squeeze3A_2414 : i32 to vector<16xi32>
      %add3A_2422 = arith.addi %mul3A_17, %add3A_2421 : vector<16xi32>
      %swap3A_2423 = arith.constant 1 : i32
      %swap3A_2424 = arith.index_cast %swap3A_2423 : i32 to index
      %swap3A_2425 = arith.constant 400 : index
      %swap3A_2426 = tpu.vector_load %arg6[%swap3A_2424, %swap3A_2425] {strides = array<i32>} : memref<4x1024xi32, #tpu.memory_space<vmem>>, vector<16xi32>,
      tpu.vector_store %arg6[%swap3A_2424, %swap3A_2425], %add3A_2422 {strides = array<i32>} : memref<4x1024xi32, #tpu.memory_space<vmem>>, vector<16xi32>,
      %add3A_2427 = vector.broadcast %squeeze3A_2414 : i32 to vector<16xi32>
      %add3A_2428 = arith.addi %mul3A_23, %add3A_2427 : vector<16xi32>
      %swap3A_2429 = arith.constant 1 : i32
      %swap3A_2430 = arith.index_cast %swap3A_2429 : i32 to index
      %swap3A_2431 = arith.constant 416 : index
      %swap3A_2432 = tpu.vector_load %arg6[%swap3A_2430, %swap3A_2431] {strides = array<i32>} : memref<4x1024xi32, #tpu.memory_space<vmem>>, vector<16xi32>,
      tpu.vector_store %arg6[%swap3A_2430, %swap3A_2431], %add3A_2428 {strides = array<i32>} : memref<4x1024xi32, #tpu.memory_space<vmem>>, vector<16xi32>,
      %add3A_2433 = vector.broadcast %squeeze3A_2414 : i32 to vector<16xi32>
      %add3A_2434 = arith.addi %mul3A_29, %add3A_2433 : vector<16xi32>
      %swap3A_2435 = arith.constant 1 : i32
      %swap3A_2436 = arith.index_cast %swap3A_2435 : i32 to index
      %swap3A_2437 = arith.constant 432 : index
      %swap3A_2438 = tpu.vector_load %arg6[%swap3A_2436, %swap3A_2437] {strides = array<i32>} : memref<4x1024xi32, #tpu.memory_space<vmem>>, vector<16xi32>,
      tpu.vector_store %arg6[%swap3A_2436, %swap3A_2437], %add3A_2434 {strides = array<i32>} : memref<4x1024xi32, #tpu.memory_space<vmem>>, vector<16xi32>,
      %add3A_2439 = vector.broadcast %squeeze3A_2414 : i32 to vector<16xi32>
      %add3A_2440 = arith.addi %mul3A_35, %add3A_2439 : vector<16xi32>
      %swap3A_2441 = arith.constant 1 : i32
      %swap3A_2442 = arith.index_cast %swap3A_2441 : i32 to index
      %swap3A_2443 = arith.constant 448 : index
      %swap3A_2444 = tpu.vector_load %arg6[%swap3A_2442, %swap3A_2443] {strides = array<i32>} : memref<4x1024xi32, #tpu.memory_space<vmem>>, vector<16xi32>,
      tpu.vector_store %arg6[%swap3A_2442, %swap3A_2443], %add3A_2440 {strides = array<i32>} : memref<4x1024xi32, #tpu.memory_space<vmem>>, vector<16xi32>,
      %add3A_2445 = vector.broadcast %squeeze3A_2414 : i32 to vector<16xi32>
      %add3A_2446 = arith.addi %mul3A_41, %add3A_2445 : vector<16xi32>
      %swap3A_2447 = arith.constant 1 : i32
      %swap3A_2448 = arith.index_cast %swap3A_2447 : i32 to index
      %swap3A_2449 = arith.constant 464 : index
      %swap3A_2450 = tpu.vector_load %arg6[%swap3A_2448, %swap3A_2449] {strides = array<i32>} : memref<4x1024xi32, #tpu.memory_space<vmem>>, vector<16xi32>,
      tpu.vector_store %arg6[%swap3A_2448, %swap3A_2449], %add3A_2446 {strides = array<i32>} : memref<4x1024xi32, #tpu.memory_space<vmem>>, vector<16xi32>,
      %add3A_2451 = vector.broadcast %squeeze3A_2414 : i32 to vector<16xi32>
      %add3A_2452 = arith.addi %mul3A_47, %add3A_2451 : vector<16xi32>
      %swap3A_2453 = arith.constant 1 : i32
      %swap3A_2454 = arith.index_cast %swap3A_2453 : i32 to index
      %swap3A_2455 = arith.constant 480 : index
      %swap3A_2456 = tpu.vector_load %arg6[%swap3A_2454, %swap3A_2455] {strides = array<i32>} : memref<4x1024xi32, #tpu.memory_space<vmem>>, vector<16xi32>,
      tpu.vector_store %arg6[%swap3A_2454, %swap3A_2455], %add3A_2452 {strides = array<i32>} : memref<4x1024xi32, #tpu.memory_space<vmem>>, vector<16xi32>,
      %add3A_2457 = vector.broadcast %squeeze3A_2414 : i32 to vector<16xi32>
      %add3A_2458 = arith.addi %mul3A_53, %add3A_2457 : vector<16xi32>
      %swap3A_2459 = arith.constant 1 : i32
      %swap3A_2460 = arith.index_cast %swap3A_2459 : i32 to index
      %swap3A_2461 = arith.constant 496 : index
      %swap3A_2462 = tpu.vector_load %arg6[%swap3A_2460, %swap3A_2461] {strides = array<i32>} : memref<4x1024xi32, #tpu.memory_space<vmem>>, vector<16xi32>,
      tpu.vector_store %arg6[%swap3A_2460, %swap3A_2461], %add3A_2458 {strides = array<i32>} : memref<4x1024xi32, #tpu.memory_space<vmem>>, vector<16xi32>,
      %slice3A_2463 = vector.extract_strided_slice %get3A_2262 {offsets = [12], sizes = [1], strides = [1]} : vector<16xi32> to vector<1xi32>
      %squeeze3A_2464 = vector.extract %slice3A_2463[0] : i32 from vector<1xi32>
      %add3A_2465 = vector.broadcast %squeeze3A_2464 : i32 to vector<16xi32>
      %add3A_2466 = arith.addi %mul3A_11, %add3A_2465 : vector<16xi32>
      %swap3A_2467 = arith.constant 1 : i32
      %swap3A_2468 = arith.index_cast %swap3A_2467 : i32 to index
      %swap3A_2469 = arith.constant 512 : index
      %swap3A_2470 = tpu.vector_load %arg6[%swap3A_2468, %swap3A_2469] {strides = array<i32>} : memref<4x1024xi32, #tpu.memory_space<vmem>>, vector<16xi32>,
      tpu.vector_store %arg6[%swap3A_2468, %swap3A_2469], %add3A_2466 {strides = array<i32>} : memref<4x1024xi32, #tpu.memory_space<vmem>>, vector<16xi32>,
      %add3A_2471 = vector.broadcast %squeeze3A_2464 : i32 to vector<16xi32>
      %add3A_2472 = arith.addi %mul3A_17, %add3A_2471 : vector<16xi32>
      %swap3A_2473 = arith.constant 1 : i32
      %swap3A_2474 = arith.index_cast %swap3A_2473 : i32 to index
      %swap3A_2475 = arith.constant 528 : index
      %swap3A_2476 = tpu.vector_load %arg6[%swap3A_2474, %swap3A_2475] {strides = array<i32>} : memref<4x1024xi32, #tpu.memory_space<vmem>>, vector<16xi32>,
      tpu.vector_store %arg6[%swap3A_2474, %swap3A_2475], %add3A_2472 {strides = array<i32>} : memref<4x1024xi32, #tpu.memory_space<vmem>>, vector<16xi32>,
      %add3A_2477 = vector.broadcast %squeeze3A_2464 : i32 to vector<16xi32>
      %add3A_2478 = arith.addi %mul3A_23, %add3A_2477 : vector<16xi32>
      %swap3A_2479 = arith.constant 1 : i32
      %swap3A_2480 = arith.index_cast %swap3A_2479 : i32 to index
      %swap3A_2481 = arith.constant 544 : index
      %swap3A_2482 = tpu.vector_load %arg6[%swap3A_2480, %swap3A_2481] {strides = array<i32>} : memref<4x1024xi32, #tpu.memory_space<vmem>>, vector<16xi32>,
      tpu.vector_store %arg6[%swap3A_2480, %swap3A_2481], %add3A_2478 {strides = array<i32>} : memref<4x1024xi32, #tpu.memory_space<vmem>>, vector<16xi32>,
      %add3A_2483 = vector.broadcast %squeeze3A_2464 : i32 to vector<16xi32>
      %add3A_2484 = arith.addi %mul3A_29, %add3A_2483 : vector<16xi32>
      %swap3A_2485 = arith.constant 1 : i32
      %swap3A_2486 = arith.index_cast %swap3A_2485 : i32 to index
      %swap3A_2487 = arith.constant 560 : index
      %swap3A_2488 = tpu.vector_load %arg6[%swap3A_2486, %swap3A_2487] {strides = array<i32>} : memref<4x1024xi32, #tpu.memory_space<vmem>>, vector<16xi32>,
      tpu.vector_store %arg6[%swap3A_2486, %swap3A_2487], %add3A_2484 {strides = array<i32>} : memref<4x1024xi32, #tpu.memory_space<vmem>>, vector<16xi32>,
      %add3A_2489 = vector.broadcast %squeeze3A_2464 : i32 to vector<16xi32>
      %add3A_2490 = arith.addi %mul3A_35, %add3A_2489 : vector<16xi32>
      %swap3A_2491 = arith.constant 1 : i32
      %swap3A_2492 = arith.index_cast %swap3A_2491 : i32 to index
      %swap3A_2493 = arith.constant 576 : index
      %swap3A_2494 = tpu.vector_load %arg6[%swap3A_2492, %swap3A_2493] {strides = array<i32>} : memref<4x1024xi32, #tpu.memory_space<vmem>>, vector<16xi32>,
      tpu.vector_store %arg6[%swap3A_2492, %swap3A_2493], %add3A_2490 {strides = array<i32>} : memref<4x1024xi32, #tpu.memory_space<vmem>>, vector<16xi32>,
      %add3A_2495 = vector.broadcast %squeeze3A_2464 : i32 to vector<16xi32>
      %add3A_2496 = arith.addi %mul3A_41, %add3A_2495 : vector<16xi32>
      %swap3A_2497 = arith.constant 1 : i32
      %swap3A_2498 = arith.index_cast %swap3A_2497 : i32 to index
      %swap3A_2499 = arith.constant 592 : index
      %swap3A_2500 = tpu.vector_load %arg6[%swap3A_2498, %swap3A_2499] {strides = array<i32>} : memref<4x1024xi32, #tpu.memory_space<vmem>>, vector<16xi32>,
      tpu.vector_store %arg6[%swap3A_2498, %swap3A_2499], %add3A_2496 {strides = array<i32>} : memref<4x1024xi32, #tpu.memory_space<vmem>>, vector<16xi32>,
      %add3A_2501 = vector.broadcast %squeeze3A_2464 : i32 to vector<16xi32>
      %add3A_2502 = arith.addi %mul3A_47, %add3A_2501 : vector<16xi32>
      %swap3A_2503 = arith.constant 1 : i32
      %swap3A_2504 = arith.index_cast %swap3A_2503 : i32 to index
      %swap3A_2505 = arith.constant 608 : index
      %swap3A_2506 = tpu.vector_load %arg6[%swap3A_2504, %swap3A_2505] {strides = array<i32>} : memref<4x1024xi32, #tpu.memory_space<vmem>>, vector<16xi32>,
      tpu.vector_store %arg6[%swap3A_2504, %swap3A_2505], %add3A_2502 {strides = array<i32>} : memref<4x1024xi32, #tpu.memory_space<vmem>>, vector<16xi32>,
      %add3A_2507 = vector.broadcast %squeeze3A_2464 : i32 to vector<16xi32>
      %add3A_2508 = arith.addi %mul3A_53, %add3A_2507 : vector<16xi32>
      %swap3A_2509 = arith.constant 1 : i32
      %swap3A_2510 = arith.index_cast %swap3A_2509 : i32 to index
      %swap3A_2511 = arith.constant 624 : index
      %swap3A_2512 = tpu.vector_load %arg6[%swap3A_2510, %swap3A_2511] {strides = array<i32>} : memref<4x1024xi32, #tpu.memory_space<vmem>>, vector<16xi32>,
      tpu.vector_store %arg6[%swap3A_2510, %swap3A_2511], %add3A_2508 {strides = array<i32>} : memref<4x1024xi32, #tpu.memory_space<vmem>>, vector<16xi32>,
      %slice3A_2513 = vector.extract_strided_slice %get3A_2262 {offsets = [13], sizes = [1], strides = [1]} : vector<16xi32> to vector<1xi32>
      %squeeze3A_2514 = vector.extract %slice3A_2513[0] : i32 from vector<1xi32>
      %add3A_2515 = vector.broadcast %squeeze3A_2514 : i32 to vector<16xi32>
      %add3A_2516 = arith.addi %mul3A_11, %add3A_2515 : vector<16xi32>
      %swap3A_2517 = arith.constant 1 : i32
      %swap3A_2518 = arith.index_cast %swap3A_2517 : i32 to index
      %swap3A_2519 = arith.constant 640 : index
      %swap3A_2520 = tpu.vector_load %arg6[%swap3A_2518, %swap3A_2519] {strides = array<i32>} : memref<4x1024xi32, #tpu.memory_space<vmem>>, vector<16xi32>,
      tpu.vector_store %arg6[%swap3A_2518, %swap3A_2519], %add3A_2516 {strides = array<i32>} : memref<4x1024xi32, #tpu.memory_space<vmem>>, vector<16xi32>,
      %add3A_2521 = vector.broadcast %squeeze3A_2514 : i32 to vector<16xi32>
      %add3A_2522 = arith.addi %mul3A_17, %add3A_2521 : vector<16xi32>
      %swap3A_2523 = arith.constant 1 : i32
      %swap3A_2524 = arith.index_cast %swap3A_2523 : i32 to index
      %swap3A_2525 = arith.constant 656 : index
      %swap3A_2526 = tpu.vector_load %arg6[%swap3A_2524, %swap3A_2525] {strides = array<i32>} : memref<4x1024xi32, #tpu.memory_space<vmem>>, vector<16xi32>,
      tpu.vector_store %arg6[%swap3A_2524, %swap3A_2525], %add3A_2522 {strides = array<i32>} : memref<4x1024xi32, #tpu.memory_space<vmem>>, vector<16xi32>,
      %add3A_2527 = vector.broadcast %squeeze3A_2514 : i32 to vector<16xi32>
      %add3A_2528 = arith.addi %mul3A_23, %add3A_2527 : vector<16xi32>
      %swap3A_2529 = arith.constant 1 : i32
      %swap3A_2530 = arith.index_cast %swap3A_2529 : i32 to index
      %swap3A_2531 = arith.constant 672 : index
      %swap3A_2532 = tpu.vector_load %arg6[%swap3A_2530, %swap3A_2531] {strides = array<i32>} : memref<4x1024xi32, #tpu.memory_space<vmem>>, vector<16xi32>,
      tpu.vector_store %arg6[%swap3A_2530, %swap3A_2531], %add3A_2528 {strides = array<i32>} : memref<4x1024xi32, #tpu.memory_space<vmem>>, vector<16xi32>,
      %add3A_2533 = vector.broadcast %squeeze3A_2514 : i32 to vector<16xi32>
      %add3A_2534 = arith.addi %mul3A_29, %add3A_2533 : vector<16xi32>
      %swap3A_2535 = arith.constant 1 : i32
      %swap3A_2536 = arith.index_cast %swap3A_2535 : i32 to index
      %swap3A_2537 = arith.constant 688 : index
      %swap3A_2538 = tpu.vector_load %arg6[%swap3A_2536, %swap3A_2537] {strides = array<i32>} : memref<4x1024xi32, #tpu.memory_space<vmem>>, vector<16xi32>,
      tpu.vector_store %arg6[%swap3A_2536, %swap3A_2537], %add3A_2534 {strides = array<i32>} : memref<4x1024xi32, #tpu.memory_space<vmem>>, vector<16xi32>,
      %add3A_2539 = vector.broadcast %squeeze3A_2514 : i32 to vector<16xi32>
      %add3A_2540 = arith.addi %mul3A_35, %add3A_2539 : vector<16xi32>
      %swap3A_2541 = arith.constant 1 : i32
      %swap3A_2542 = arith.index_cast %swap3A_2541 : i32 to index
      %swap3A_2543 = arith.constant 704 : index
      %swap3A_2544 = tpu.vector_load %arg6[%swap3A_2542, %swap3A_2543] {strides = array<i32>} : memref<4x1024xi32, #tpu.memory_space<vmem>>, vector<16xi32>,
      tpu.vector_store %arg6[%swap3A_2542, %swap3A_2543], %add3A_2540 {strides = array<i32>} : memref<4x1024xi32, #tpu.memory_space<vmem>>, vector<16xi32>,
      %add3A_2545 = vector.broadcast %squeeze3A_2514 : i32 to vector<16xi32>
      %add3A_2546 = arith.addi %mul3A_41, %add3A_2545 : vector<16xi32>
      %swap3A_2547 = arith.constant 1 : i32
      %swap3A_2548 = arith.index_cast %swap3A_2547 : i32 to index
      %swap3A_2549 = arith.constant 720 : index
      %swap3A_2550 = tpu.vector_load %arg6[%swap3A_2548, %swap3A_2549] {strides = array<i32>} : memref<4x1024xi32, #tpu.memory_space<vmem>>, vector<16xi32>,
      tpu.vector_store %arg6[%swap3A_2548, %swap3A_2549], %add3A_2546 {strides = array<i32>} : memref<4x1024xi32, #tpu.memory_space<vmem>>, vector<16xi32>,
      %add3A_2551 = vector.broadcast %squeeze3A_2514 : i32 to vector<16xi32>
      %add3A_2552 = arith.addi %mul3A_47, %add3A_2551 : vector<16xi32>
      %swap3A_2553 = arith.constant 1 : i32
      %swap3A_2554 = arith.index_cast %swap3A_2553 : i32 to index
      %swap3A_2555 = arith.constant 736 : index
      %swap3A_2556 = tpu.vector_load %arg6[%swap3A_2554, %swap3A_2555] {strides = array<i32>} : memref<4x1024xi32, #tpu.memory_space<vmem>>, vector<16xi32>,
      tpu.vector_store %arg6[%swap3A_2554, %swap3A_2555], %add3A_2552 {strides = array<i32>} : memref<4x1024xi32, #tpu.memory_space<vmem>>, vector<16xi32>,
      %add3A_2557 = vector.broadcast %squeeze3A_2514 : i32 to vector<16xi32>
      %add3A_2558 = arith.addi %mul3A_53, %add3A_2557 : vector<16xi32>
      %swap3A_2559 = arith.constant 1 : i32
      %swap3A_2560 = arith.index_cast %swap3A_2559 : i32 to index
      %swap3A_2561 = arith.constant 752 : index
      %swap3A_2562 = tpu.vector_load %arg6[%swap3A_2560, %swap3A_2561] {strides = array<i32>} : memref<4x1024xi32, #tpu.memory_space<vmem>>, vector<16xi32>,
      tpu.vector_store %arg6[%swap3A_2560, %swap3A_2561], %add3A_2558 {strides = array<i32>} : memref<4x1024xi32, #tpu.memory_space<vmem>>, vector<16xi32>,
      %slice3A_2563 = vector.extract_strided_slice %get3A_2262 {offsets = [14], sizes = [1], strides = [1]} : vector<16xi32> to vector<1xi32>
      %squeeze3A_2564 = vector.extract %slice3A_2563[0] : i32 from vector<1xi32>
      %add3A_2565 = vector.broadcast %squeeze3A_2564 : i32 to vector<16xi32>
      %add3A_2566 = arith.addi %mul3A_11, %add3A_2565 : vector<16xi32>
      %swap3A_2567 = arith.constant 1 : i32
      %swap3A_2568 = arith.index_cast %swap3A_2567 : i32 to index
      %swap3A_2569 = arith.constant 768 : index
      %swap3A_2570 = tpu.vector_load %arg6[%swap3A_2568, %swap3A_2569] {strides = array<i32>} : memref<4x1024xi32, #tpu.memory_space<vmem>>, vector<16xi32>,
      tpu.vector_store %arg6[%swap3A_2568, %swap3A_2569], %add3A_2566 {strides = array<i32>} : memref<4x1024xi32, #tpu.memory_space<vmem>>, vector<16xi32>,
      %add3A_2571 = vector.broadcast %squeeze3A_2564 : i32 to vector<16xi32>
      %add3A_2572 = arith.addi %mul3A_17, %add3A_2571 : vector<16xi32>
      %swap3A_2573 = arith.constant 1 : i32
      %swap3A_2574 = arith.index_cast %swap3A_2573 : i32 to index
      %swap3A_2575 = arith.constant 784 : index
      %swap3A_2576 = tpu.vector_load %arg6[%swap3A_2574, %swap3A_2575] {strides = array<i32>} : memref<4x1024xi32, #tpu.memory_space<vmem>>, vector<16xi32>,
      tpu.vector_store %arg6[%swap3A_2574, %swap3A_2575], %add3A_2572 {strides = array<i32>} : memref<4x1024xi32, #tpu.memory_space<vmem>>, vector<16xi32>,
      %add3A_2577 = vector.broadcast %squeeze3A_2564 : i32 to vector<16xi32>
      %add3A_2578 = arith.addi %mul3A_23, %add3A_2577 : vector<16xi32>
      %swap3A_2579 = arith.constant 1 : i32
      %swap3A_2580 = arith.index_cast %swap3A_2579 : i32 to index
      %swap3A_2581 = arith.constant 800 : index
      %swap3A_2582 = tpu.vector_load %arg6[%swap3A_2580, %swap3A_2581] {strides = array<i32>} : memref<4x1024xi32, #tpu.memory_space<vmem>>, vector<16xi32>,
      tpu.vector_store %arg6[%swap3A_2580, %swap3A_2581], %add3A_2578 {strides = array<i32>} : memref<4x1024xi32, #tpu.memory_space<vmem>>, vector<16xi32>,
      %add3A_2583 = vector.broadcast %squeeze3A_2564 : i32 to vector<16xi32>
      %add3A_2584 = arith.addi %mul3A_29, %add3A_2583 : vector<16xi32>
      %swap3A_2585 = arith.constant 1 : i32
      %swap3A_2586 = arith.index_cast %swap3A_2585 : i32 to index
      %swap3A_2587 = arith.constant 816 : index
      %swap3A_2588 = tpu.vector_load %arg6[%swap3A_2586, %swap3A_2587] {strides = array<i32>} : memref<4x1024xi32, #tpu.memory_space<vmem>>, vector<16xi32>,
      tpu.vector_store %arg6[%swap3A_2586, %swap3A_2587], %add3A_2584 {strides = array<i32>} : memref<4x1024xi32, #tpu.memory_space<vmem>>, vector<16xi32>,
      %add3A_2589 = vector.broadcast %squeeze3A_2564 : i32 to vector<16xi32>
      %add3A_2590 = arith.addi %mul3A_35, %add3A_2589 : vector<16xi32>
      %swap3A_2591 = arith.constant 1 : i32
      %swap3A_2592 = arith.index_cast %swap3A_2591 : i32 to index
      %swap3A_2593 = arith.constant 832 : index
      %swap3A_2594 = tpu.vector_load %arg6[%swap3A_2592, %swap3A_2593] {strides = array<i32>} : memref<4x1024xi32, #tpu.memory_space<vmem>>, vector<16xi32>,
      tpu.vector_store %arg6[%swap3A_2592, %swap3A_2593], %add3A_2590 {strides = array<i32>} : memref<4x1024xi32, #tpu.memory_space<vmem>>, vector<16xi32>,
      %add3A_2595 = vector.broadcast %squeeze3A_2564 : i32 to vector<16xi32>
      %add3A_2596 = arith.addi %mul3A_41, %add3A_2595 : vector<16xi32>
      %swap3A_2597 = arith.constant 1 : i32
      %swap3A_2598 = arith.index_cast %swap3A_2597 : i32 to index
      %swap3A_2599 = arith.constant 848 : index
      %swap3A_2600 = tpu.vector_load %arg6[%swap3A_2598, %swap3A_2599] {strides = array<i32>} : memref<4x1024xi32, #tpu.memory_space<vmem>>, vector<16xi32>,
      tpu.vector_store %arg6[%swap3A_2598, %swap3A_2599], %add3A_2596 {strides = array<i32>} : memref<4x1024xi32, #tpu.memory_space<vmem>>, vector<16xi32>,
      %add3A_2601 = vector.broadcast %squeeze3A_2564 : i32 to vector<16xi32>
      %add3A_2602 = arith.addi %mul3A_47, %add3A_2601 : vector<16xi32>
      %swap3A_2603 = arith.constant 1 : i32
      %swap3A_2604 = arith.index_cast %swap3A_2603 : i32 to index
      %swap3A_2605 = arith.constant 864 : index
      %swap3A_2606 = tpu.vector_load %arg6[%swap3A_2604, %swap3A_2605] {strides = array<i32>} : memref<4x1024xi32, #tpu.memory_space<vmem>>, vector<16xi32>,
      tpu.vector_store %arg6[%swap3A_2604, %swap3A_2605], %add3A_2602 {strides = array<i32>} : memref<4x1024xi32, #tpu.memory_space<vmem>>, vector<16xi32>,
      %add3A_2607 = vector.broadcast %squeeze3A_2564 : i32 to vector<16xi32>
      %add3A_2608 = arith.addi %mul3A_53, %add3A_2607 : vector<16xi32>
      %swap3A_2609 = arith.constant 1 : i32
      %swap3A_2610 = arith.index_cast %swap3A_2609 : i32 to index
      %swap3A_2611 = arith.constant 880 : index
      %swap3A_2612 = tpu.vector_load %arg6[%swap3A_2610, %swap3A_2611] {strides = array<i32>} : memref<4x1024xi32, #tpu.memory_space<vmem>>, vector<16xi32>,
      tpu.vector_store %arg6[%swap3A_2610, %swap3A_2611], %add3A_2608 {strides = array<i32>} : memref<4x1024xi32, #tpu.memory_space<vmem>>, vector<16xi32>,
      %slice3A_2613 = vector.extract_strided_slice %get3A_2262 {offsets = [15], sizes = [1], strides = [1]} : vector<16xi32> to vector<1xi32>
      %squeeze3A_2614 = vector.extract %slice3A_2613[0] : i32 from vector<1xi32>
      %add3A_2615 = vector.broadcast %squeeze3A_2614 : i32 to vector<16xi32>
      %add3A_2616 = arith.addi %mul3A_11, %add3A_2615 : vector<16xi32>
      %swap3A_2617 = arith.constant 1 : i32
      %swap3A_2618 = arith.index_cast %swap3A_2617 : i32 to index
      %swap3A_2619 = arith.constant 896 : index
      %swap3A_2620 = tpu.vector_load %arg6[%swap3A_2618, %swap3A_2619] {strides = array<i32>} : memref<4x1024xi32, #tpu.memory_space<vmem>>, vector<16xi32>,
      tpu.vector_store %arg6[%swap3A_2618, %swap3A_2619], %add3A_2616 {strides = array<i32>} : memref<4x1024xi32, #tpu.memory_space<vmem>>, vector<16xi32>,
      %add3A_2621 = vector.broadcast %squeeze3A_2614 : i32 to vector<16xi32>
      %add3A_2622 = arith.addi %mul3A_17, %add3A_2621 : vector<16xi32>
      %swap3A_2623 = arith.constant 1 : i32
      %swap3A_2624 = arith.index_cast %swap3A_2623 : i32 to index
      %swap3A_2625 = arith.constant 912 : index
      %swap3A_2626 = tpu.vector_load %arg6[%swap3A_2624, %swap3A_2625] {strides = array<i32>} : memref<4x1024xi32, #tpu.memory_space<vmem>>, vector<16xi32>,
      tpu.vector_store %arg6[%swap3A_2624, %swap3A_2625], %add3A_2622 {strides = array<i32>} : memref<4x1024xi32, #tpu.memory_space<vmem>>, vector<16xi32>,
      %add3A_2627 = vector.broadcast %squeeze3A_2614 : i32 to vector<16xi32>
      %add3A_2628 = arith.addi %mul3A_23, %add3A_2627 : vector<16xi32>
      %swap3A_2629 = arith.constant 1 : i32
      %swap3A_2630 = arith.index_cast %swap3A_2629 : i32 to index
      %swap3A_2631 = arith.constant 928 : index
      %swap3A_2632 = tpu.vector_load %arg6[%swap3A_2630, %swap3A_2631] {strides = array<i32>} : memref<4x1024xi32, #tpu.memory_space<vmem>>, vector<16xi32>,
      tpu.vector_store %arg6[%swap3A_2630, %swap3A_2631], %add3A_2628 {strides = array<i32>} : memref<4x1024xi32, #tpu.memory_space<vmem>>, vector<16xi32>,
      %add3A_2633 = vector.broadcast %squeeze3A_2614 : i32 to vector<16xi32>
      %add3A_2634 = arith.addi %mul3A_29, %add3A_2633 : vector<16xi32>
      %swap3A_2635 = arith.constant 1 : i32
      %swap3A_2636 = arith.index_cast %swap3A_2635 : i32 to index
      %swap3A_2637 = arith.constant 944 : index
      %swap3A_2638 = tpu.vector_load %arg6[%swap3A_2636, %swap3A_2637] {strides = array<i32>} : memref<4x1024xi32, #tpu.memory_space<vmem>>, vector<16xi32>,
      tpu.vector_store %arg6[%swap3A_2636, %swap3A_2637], %add3A_2634 {strides = array<i32>} : memref<4x1024xi32, #tpu.memory_space<vmem>>, vector<16xi32>,
      %add3A_2639 = vector.broadcast %squeeze3A_2614 : i32 to vector<16xi32>
      %add3A_2640 = arith.addi %mul3A_35, %add3A_2639 : vector<16xi32>
      %swap3A_2641 = arith.constant 1 : i32
      %swap3A_2642 = arith.index_cast %swap3A_2641 : i32 to index
      %swap3A_2643 = arith.constant 960 : index
      %swap3A_2644 = tpu.vector_load %arg6[%swap3A_2642, %swap3A_2643] {strides = array<i32>} : memref<4x1024xi32, #tpu.memory_space<vmem>>, vector<16xi32>,
      tpu.vector_store %arg6[%swap3A_2642, %swap3A_2643], %add3A_2640 {strides = array<i32>} : memref<4x1024xi32, #tpu.memory_space<vmem>>, vector<16xi32>,
      %add3A_2645 = vector.broadcast %squeeze3A_2614 : i32 to vector<16xi32>
      %add3A_2646 = arith.addi %mul3A_41, %add3A_2645 : vector<16xi32>
      %swap3A_2647 = arith.constant 1 : i32
      %swap3A_2648 = arith.index_cast %swap3A_2647 : i32 to index
      %swap3A_2649 = arith.constant 976 : index
      %swap3A_2650 = tpu.vector_load %arg6[%swap3A_2648, %swap3A_2649] {strides = array<i32>} : memref<4x1024xi32, #tpu.memory_space<vmem>>, vector<16xi32>,
      tpu.vector_store %arg6[%swap3A_2648, %swap3A_2649], %add3A_2646 {strides = array<i32>} : memref<4x1024xi32, #tpu.memory_space<vmem>>, vector<16xi32>,
      %add3A_2651 = vector.broadcast %squeeze3A_2614 : i32 to vector<16xi32>
      %add3A_2652 = arith.addi %mul3A_47, %add3A_2651 : vector<16xi32>
      %swap3A_2653 = arith.constant 1 : i32
      %swap3A_2654 = arith.index_cast %swap3A_2653 : i32 to index
      %swap3A_2655 = arith.constant 992 : index
      %swap3A_2656 = tpu.vector_load %arg6[%swap3A_2654, %swap3A_2655] {strides = array<i32>} : memref<4x1024xi32, #tpu.memory_space<vmem>>, vector<16xi32>,
      tpu.vector_store %arg6[%swap3A_2654, %swap3A_2655], %add3A_2652 {strides = array<i32>} : memref<4x1024xi32, #tpu.memory_space<vmem>>, vector<16xi32>,
      %add3A_2657 = vector.broadcast %squeeze3A_2614 : i32 to vector<16xi32>
      %add3A_2658 = arith.addi %mul3A_53, %add3A_2657 : vector<16xi32>
      %swap3A_2659 = arith.constant 1 : i32
      %swap3A_2660 = arith.index_cast %swap3A_2659 : i32 to index
      %swap3A_2661 = arith.constant 1008 : index
      %swap3A_2662 = tpu.vector_load %arg6[%swap3A_2660, %swap3A_2661] {strides = array<i32>} : memref<4x1024xi32, #tpu.memory_space<vmem>>, vector<16xi32>,
      tpu.vector_store %arg6[%swap3A_2660, %swap3A_2661], %add3A_2658 {strides = array<i32>} : memref<4x1024xi32, #tpu.memory_space<vmem>>, vector<16xi32>,
      %dma_start3A_2663 = arith.constant 1 : i32
      %dma_start3A_2664 = arith.constant 0 : i32
      %dma_start3A_2665 = tpu.memref_slice %arg6[%dma_start3A_2663, %dma_start3A_2664] : memref<4x1024xi32, #tpu.memory_space<vmem>> -> memref<1x1024xi32, #tpu.memory_space<vmem>>
      %dma_start3A_2666 = tpu.memref_squeeze %dma_start3A_2665 : memref<1x1024xi32, #tpu.memory_space<vmem>> -> memref<1024xi32, #tpu.memory_space<vmem>>
      %dma_start3A_2667 = arith.constant 0 : i32
      %dma_start3A_2668 = arith.constant 0 : i32
      %dma_start3A_2669 = tpu.memref_slice %arg2[%dma_start3A_2667, %dma_start3A_2668] : memref<4718592x16xf32, #tpu.memory_space<hbm>> -> memref<4718592x16xf32, #tpu.memory_space<hbm>>
      tpu.enqueue_indirect_dma source(%dma_start3A_2669 : memref<4718592x16xf32, #tpu.memory_space<hbm>>) target(%arg8 : memref<1024x16xf32, #tpu.memory_space<vmem>>) offsets(%dma_start3A_2666 : memref<1024xi32, #tpu.memory_space<vmem>>) semaphore(%arg14 : memref<!tpu.dma_semaphore, #tpu.memory_space<semaphore_mem>>)
      %add3A_2670 = arith.constant 1 : i32
      %add3A_2671 = arith.addi %scan3A_921, %add3A_2670 : i32
      %dma_wait3A_2672 = arith.constant 0 : i32
      %dma_wait3A_2673 = arith.constant 0 : i32
      %dma_wait3A_2674 = tpu.memref_slice %arg6[%dma_wait3A_2672, %dma_wait3A_2673] : memref<4x1024xi32, #tpu.memory_space<vmem>> -> memref<1x1024xi32, #tpu.memory_space<vmem>>
      %dma_wait3A_2675 = tpu.memref_squeeze %dma_wait3A_2674 : memref<1x1024xi32, #tpu.memory_space<vmem>> -> memref<1024xi32, #tpu.memory_space<vmem>>
      %dma_wait3A_2676 = arith.constant 0 : i32
      %dma_wait3A_2677 = arith.constant 0 : i32
      %dma_wait3A_2678 = tpu.memref_slice %arg2[%dma_wait3A_2676, %dma_wait3A_2677] : memref<4718592x16xf32, #tpu.memory_space<hbm>> -> memref<4718592x16xf32, #tpu.memory_space<hbm>>
      tpu.wait_indirect_dma semaphore(%arg16 : memref<!tpu.dma_semaphore, #tpu.memory_space<semaphore_mem>>) src(%dma_wait3A_2678 : memref<4718592x16xf32, #tpu.memory_space<hbm>>) dst(%arg10 : memref<1024x16xf32, #tpu.memory_space<vmem>>)
      %gt3A_2679 = arith.constant 0 : i32
      %gt3A_2680 = arith.cmpi sgt, %add3A_2671, %gt3A_2679 : i32
      %convert_element_type3A_2681 = arith.extui %gt3A_2680 : i1 to i32
      %cond3A_2682 = arith.constant 0 : i32
      %cond3A_2683 = arith.cmpi ne, %convert_element_type3A_2681, %cond3A_2682 : i32
      scf.if %cond3A_2683 {
        %dma_wait3A_2705 = arith.constant 0 : i32
        %dma_wait3A_2706 = arith.constant 0 : i32
        %dma_wait3A_2707 = arith.constant 0 : i32
        %dma_wait3A_2708 = arith.constant 0 : i32
        %dma_wait3A_2709 = tpu.memref_slice %arg12[%dma_wait3A_2707, %dma_wait3A_2708] : memref<128x129xf32, #tpu.memory_space<vmem>> -> memref<128x128xf32, #tpu.memory_space<vmem>>
        %dma_wait3A_2710 = arith.constant 0 : i32
        %dma_wait3A_2711 = arith.constant 0 : i32
        %dma_wait3A_2712 = tpu.memref_slice %arg4[%dma_wait3A_2705, %dma_wait3A_2706, %dma_wait3A_2710, %dma_wait3A_2711] : memref<1024x2x128x128xf32, #tpu.memory_space<hbm>> -> memref<1x1x128x128xf32, #tpu.memory_space<hbm>>
        %dma_wait3A_2713 = tpu.memref_squeeze %dma_wait3A_2712 : memref<1x1x128x128xf32, #tpu.memory_space<hbm>> -> memref<128x128xf32, #tpu.memory_space<hbm>>
        %dma_wait3A_2714 = arith.constant 0 : i32
        %dma_wait3A_2715 = arith.constant 0 : i32
        %dma_wait3A_2716 = tpu.memref_slice %arg4[%dma_wait3A_2705, %dma_wait3A_2706, %dma_wait3A_2714, %dma_wait3A_2715] : memref<1024x2x128x128xf32, #tpu.memory_space<hbm>> -> memref<1x1x128x128xf32, #tpu.memory_space<hbm>>
        %dma_wait3A_2717 = tpu.memref_squeeze %dma_wait3A_2716 : memref<1x1x128x128xf32, #tpu.memory_space<hbm>> -> memref<128x128xf32, #tpu.memory_space<hbm>>
        %dma_wait3A_2718 = arith.constant 0 : i32
        %dma_wait3A_2719 = arith.constant 0 : i32
        %dma_wait3A_2720 = tpu.memref_slice %arg12[%dma_wait3A_2718, %dma_wait3A_2719] : memref<128x129xf32, #tpu.memory_space<vmem>> -> memref<128x128xf32, #tpu.memory_space<vmem>>
        tpu.wait_dma2 semaphore(%arg18 : memref<!tpu.dma_semaphore, #tpu.memory_space<semaphore_mem>>) src(%dma_wait3A_2720 : memref<128x128xf32, #tpu.memory_space<vmem>>) dst(%dma_wait3A_2717 : memref<128x128xf32, #tpu.memory_space<hbm>>)
      } else {
      }
      %scan3A_2684 = arith.constant 0 : i32
      %scan3A_2685 = arith.constant 0 : i32
      %scan3A_2686 = arith.constant 8 : i32
      %scan3A_2687 = arith.addi %scan3A_2685, %scan3A_2686 : i32
      %scan3A_2688 = arith.constant 1 : i32
      scf.for %scan3A_2705 = %scan3A_2685 to %scan3A_2687 step %scan3A_2688  : i32 {
        %mul3A_2706 = arith.constant 128 : i32
        %mul3A_2707 = arith.muli %scan3A_2705, %mul3A_2706 : i32
        %mul3A_2708 = arith.constant 16 : i32
        %mul3A_2709 = arith.muli %scan3A_2705, %mul3A_2708 : i32
        %add3A_2710 = vector.broadcast %mul3A_2709 : i32 to vector<16xi32>
        %add3A_2711 = arith.addi %iota3A, %add3A_2710 : vector<16xi32>
        %parallel_loop3A = arith.constant 0 : i32
        %parallel_loop3A_2712 = arith.constant 128 : i32
        %parallel_loop3A_2713 = arith.constant 1 : i32
        %parallel_loop3A_2714 = scf.for %parallel_loop3A_2715 = %parallel_loop3A to %parallel_loop3A_2712 step %parallel_loop3A_2713 iter_args(%parallel_loop3A_2716 = %broadcast_in_dim3A_3) -> (vector<16xi32>)  : i32 {
          %parallel_loop3A_2717 = arith.addi %mul3A_2707, %parallel_loop3A_2715 : i32
          %parallel_loop3A_2718 = arith.index_cast %parallel_loop3A_2717 : i32 to index
          %parallel_loop3A_2719 = arith.constant 0 : index
          %parallel_loop3A_2720 = tpu.vector_load %arg10[%parallel_loop3A_2718, %parallel_loop3A_2719] {strides = array<i32>} : memref<1024x16xf32, #tpu.memory_space<vmem>>, vector<16xf32>,
          tpu.vector_store_idx %arg12[%add3A_2711, %parallel_loop3A_2716], %parallel_loop3A_2720 : memref<128x129xf32, #tpu.memory_space<vmem>>[vector<16xi32>, vector<16xi32>], vector<16xf32>,
          %parallel_loop3A_2721 = arith.addi %parallel_loop3A_2716, %broadcast_in_dim3A_5 : vector<16xi32>
          scf.yield %parallel_loop3A_2721 : vector<16xi32>
        } {sc.loop_unroll_factor = 16 : i64, sc.parallel_access}
      }
      %scan3A_2689 = arith.constant 8 : i32
      %dma_start3A_2690 = arith.constant 1 : i32
      %dma_start3A_2691 = arith.constant 0 : i32
      %dma_start3A_2692 = arith.constant 0 : i32
      %dma_start3A_2693 = tpu.memref_slice %arg12[%dma_start3A_2691, %dma_start3A_2692] : memref<128x129xf32, #tpu.memory_space<vmem>> -> memref<128x128xf32, #tpu.memory_space<vmem>>
      %dma_start3A_2694 = arith.constant 0 : i32
      %dma_start3A_2695 = arith.constant 0 : i32
      %dma_start3A_2696 = tpu.memref_slice %arg4[%add3A_931, %dma_start3A_2690, %dma_start3A_2694, %dma_start3A_2695] : memref<1024x2x128x128xf32, #tpu.memory_space<hbm>> -> memref<1x1x128x128xf32, #tpu.memory_space<hbm>>
      %dma_start3A_2697 = tpu.memref_squeeze %dma_start3A_2696 : memref<1x1x128x128xf32, #tpu.memory_space<hbm>> -> memref<128x128xf32, #tpu.memory_space<hbm>>
      %dma_start3A_2698 = arith.constant 0 : i32
      %dma_start3A_2699 = arith.constant 0 : i32
      %dma_start3A_2700 = tpu.memref_slice %arg4[%add3A_931, %dma_start3A_2690, %dma_start3A_2698, %dma_start3A_2699] : memref<1024x2x128x128xf32, #tpu.memory_space<hbm>> -> memref<1x1x128x128xf32, #tpu.memory_space<hbm>>
      %dma_start3A_2701 = tpu.memref_squeeze %dma_start3A_2700 : memref<1x1x128x128xf32, #tpu.memory_space<hbm>> -> memref<128x128xf32, #tpu.memory_space<hbm>>
      %dma_start3A_2702 = arith.constant 0 : i32
      %dma_start3A_2703 = arith.constant 0 : i32
      %dma_start3A_2704 = tpu.memref_slice %arg12[%dma_start3A_2702, %dma_start3A_2703] : memref<128x129xf32, #tpu.memory_space<vmem>> -> memref<128x128xf32, #tpu.memory_space<vmem>>
      tpu.enqueue_dma source(%dma_start3A_2704 : memref<128x128xf32, #tpu.memory_space<vmem>>) target(%dma_start3A_2701 : memref<128x128xf32, #tpu.memory_space<hbm>>) target_semaphore(%arg18 : memref<!tpu.dma_semaphore, #tpu.memory_space<semaphore_mem>>)
    }
    %scan3A_875 = arith.constant 16 : i32
    %dma_wait3A = arith.constant 0 : i32
    %dma_wait3A_876 = arith.constant 0 : i32
    %dma_wait3A_877 = tpu.memref_slice %arg6[%dma_wait3A, %dma_wait3A_876] : memref<4x1024xi32, #tpu.memory_space<vmem>> -> memref<1x1024xi32, #tpu.memory_space<vmem>>
    %dma_wait3A_878 = tpu.memref_squeeze %dma_wait3A_877 : memref<1x1024xi32, #tpu.memory_space<vmem>> -> memref<1024xi32, #tpu.memory_space<vmem>>
    %dma_wait3A_879 = arith.constant 0 : i32
    %dma_wait3A_880 = arith.constant 0 : i32
    %dma_wait3A_881 = tpu.memref_slice %arg2[%dma_wait3A_879, %dma_wait3A_880] : memref<4718592x16xf32, #tpu.memory_space<hbm>> -> memref<4718592x16xf32, #tpu.memory_space<hbm>>
    tpu.wait_indirect_dma semaphore(%arg13 : memref<!tpu.dma_semaphore, #tpu.memory_space<semaphore_mem>>) src(%dma_wait3A_881 : memref<4718592x16xf32, #tpu.memory_space<hbm>>) dst(%arg7 : memref<1024x16xf32, #tpu.memory_space<vmem>>)
    %dma_wait3A_882 = arith.constant 0 : i32
    %dma_wait3A_883 = arith.constant 0 : i32
    %dma_wait3A_884 = tpu.memref_slice %arg6[%dma_wait3A_882, %dma_wait3A_883] : memref<4x1024xi32, #tpu.memory_space<vmem>> -> memref<1x1024xi32, #tpu.memory_space<vmem>>
    %dma_wait3A_885 = tpu.memref_squeeze %dma_wait3A_884 : memref<1x1024xi32, #tpu.memory_space<vmem>> -> memref<1024xi32, #tpu.memory_space<vmem>>
    %dma_wait3A_886 = arith.constant 0 : i32
    %dma_wait3A_887 = arith.constant 0 : i32
    %dma_wait3A_888 = tpu.memref_slice %arg2[%dma_wait3A_886, %dma_wait3A_887] : memref<4718592x16xf32, #tpu.memory_space<hbm>> -> memref<4718592x16xf32, #tpu.memory_space<hbm>>
    tpu.wait_indirect_dma semaphore(%arg14 : memref<!tpu.dma_semaphore, #tpu.memory_space<semaphore_mem>>) src(%dma_wait3A_888 : memref<4718592x16xf32, #tpu.memory_space<hbm>>) dst(%arg8 : memref<1024x16xf32, #tpu.memory_space<vmem>>)
    %dma_wait3A_889 = arith.constant 0 : i32
    %dma_wait3A_890 = arith.constant 0 : i32
    %dma_wait3A_891 = arith.constant 0 : i32
    %dma_wait3A_892 = arith.constant 0 : i32
    %dma_wait3A_893 = tpu.memref_slice %arg11[%dma_wait3A_891, %dma_wait3A_892] : memref<128x129xf32, #tpu.memory_space<vmem>> -> memref<128x128xf32, #tpu.memory_space<vmem>>
    %dma_wait3A_894 = arith.constant 0 : i32
    %dma_wait3A_895 = arith.constant 0 : i32
    %dma_wait3A_896 = tpu.memref_slice %arg4[%dma_wait3A_889, %dma_wait3A_890, %dma_wait3A_894, %dma_wait3A_895] : memref<1024x2x128x128xf32, #tpu.memory_space<hbm>> -> memref<1x1x128x128xf32, #tpu.memory_space<hbm>>
    %dma_wait3A_897 = tpu.memref_squeeze %dma_wait3A_896 : memref<1x1x128x128xf32, #tpu.memory_space<hbm>> -> memref<128x128xf32, #tpu.memory_space<hbm>>
    %dma_wait3A_898 = arith.constant 0 : i32
    %dma_wait3A_899 = arith.constant 0 : i32
    %dma_wait3A_900 = tpu.memref_slice %arg4[%dma_wait3A_889, %dma_wait3A_890, %dma_wait3A_898, %dma_wait3A_899] : memref<1024x2x128x128xf32, #tpu.memory_space<hbm>> -> memref<1x1x128x128xf32, #tpu.memory_space<hbm>>
    %dma_wait3A_901 = tpu.memref_squeeze %dma_wait3A_900 : memref<1x1x128x128xf32, #tpu.memory_space<hbm>> -> memref<128x128xf32, #tpu.memory_space<hbm>>
    %dma_wait3A_902 = arith.constant 0 : i32
    %dma_wait3A_903 = arith.constant 0 : i32
    %dma_wait3A_904 = tpu.memref_slice %arg11[%dma_wait3A_902, %dma_wait3A_903] : memref<128x129xf32, #tpu.memory_space<vmem>> -> memref<128x128xf32, #tpu.memory_space<vmem>>
    tpu.wait_dma2 semaphore(%arg17 : memref<!tpu.dma_semaphore, #tpu.memory_space<semaphore_mem>>) src(%dma_wait3A_904 : memref<128x128xf32, #tpu.memory_space<vmem>>) dst(%dma_wait3A_901 : memref<128x128xf32, #tpu.memory_space<hbm>>)
    %dma_wait3A_905 = arith.constant 0 : i32
    %dma_wait3A_906 = arith.constant 0 : i32
    %dma_wait3A_907 = arith.constant 0 : i32
    %dma_wait3A_908 = arith.constant 0 : i32
    %dma_wait3A_909 = tpu.memref_slice %arg12[%dma_wait3A_907, %dma_wait3A_908] : memref<128x129xf32, #tpu.memory_space<vmem>> -> memref<128x128xf32, #tpu.memory_space<vmem>>
    %dma_wait3A_910 = arith.constant 0 : i32
    %dma_wait3A_911 = arith.constant 0 : i32
    %dma_wait3A_912 = tpu.memref_slice %arg4[%dma_wait3A_905, %dma_wait3A_906, %dma_wait3A_910, %dma_wait3A_911] : memref<1024x2x128x128xf32, #tpu.memory_space<hbm>> -> memref<1x1x128x128xf32, #tpu.memory_space<hbm>>
    %dma_wait3A_913 = tpu.memref_squeeze %dma_wait3A_912 : memref<1x1x128x128xf32, #tpu.memory_space<hbm>> -> memref<128x128xf32, #tpu.memory_space<hbm>>
    %dma_wait3A_914 = arith.constant 0 : i32
    %dma_wait3A_915 = arith.constant 0 : i32
    %dma_wait3A_916 = tpu.memref_slice %arg4[%dma_wait3A_905, %dma_wait3A_906, %dma_wait3A_914, %dma_wait3A_915] : memref<1024x2x128x128xf32, #tpu.memory_space<hbm>> -> memref<1x1x128x128xf32, #tpu.memory_space<hbm>>
    %dma_wait3A_917 = tpu.memref_squeeze %dma_wait3A_916 : memref<1x1x128x128xf32, #tpu.memory_space<hbm>> -> memref<128x128xf32, #tpu.memory_space<hbm>>
    %dma_wait3A_918 = arith.constant 0 : i32
    %dma_wait3A_919 = arith.constant 0 : i32
    %dma_wait3A_920 = tpu.memref_slice %arg12[%dma_wait3A_918, %dma_wait3A_919] : memref<128x129xf32, #tpu.memory_space<vmem>> -> memref<128x128xf32, #tpu.memory_space<vmem>>
    tpu.wait_dma2 semaphore(%arg18 : memref<!tpu.dma_semaphore, #tpu.memory_space<semaphore_mem>>) src(%dma_wait3A_920 : memref<128x128xf32, #tpu.memory_space<vmem>>) dst(%dma_wait3A_917 : memref<128x128xf32, #tpu.memory_space<hbm>>)
    return
  }
}

</mosaic_0001>

<sc_bundles>
// kernel: kernel.3.cloned.1.call-start
scs
__scs_entry_jumppad:
0x0: {  	(pc) =	sbr.rel $0x88, $3  }
0x1: {  	(tag) =	ssettag $0x0;
	lr =	simm.s32 $0x1  }
0x2: {  	[smem:$0x3F9D] =	sst lr;
	_ =	strace $0xD0000000  }
0x3: {  	_ = 	snop  }
0x4: {  	_ = 	snop  }
0x5: {  	_ = 	snop  }
0x6: {  	_ = 	snop  }
0x7: {  	_ = 	snop  }
__scs_overlays_trampoline_lowered:
0x8: {  	[smem:$0x3FAC] =	sst s0  }
0x9: {  	[smem:$0x3FAD] =	sst s1  }
0xa: {  	[smem:$0x3FAE] =	sst s2  }
0xb: {  	[smem:$0x3FAF] =	sst s3  }
0xc: {  	[smem:$0x3FB0] =	sst s4  }
0xd: {  	[smem:$0x3FB1] =	sst s5  }
0xe: {  	[smem:$0x3FB2] =	sst s6  }
0xf: {  	[smem:$0x3FB3] =	sst s7  }
0x10: {  	[smem:$0x3FB4] =	sst s8  }
0x11: {  	[smem:$0x3FB5] =	sst s9;
	s0 =	simm.s32 @!p0 $0x0  }
0x12: {  	s1 =	sld [smem:$0x3F9B];
	s0 =	simm.s32 @p0 $0x1  }
0x13: {  	[smem:$0x3FB6] =	sst s0;
	s0 =	simm.s32 @!p1 $0x0  }
0x14: {  	s2 =	sld [smem:$0x3F9A];
	s0 =	simm.s32 @p1 $0x1  }
0x15: {  	[smem:$0x3FB7] =	sst s0;
	s0 =	simm.s32 @!p2 $0x0  }
0x16: {  	s3 =	sld [smem:$0x3FDB];
	s0 =	simm.s32 @p2 $0x1  }
0x17: {  	s4 =	simm.s32 $0x1BF5;
	[smem:$0x3FB9] =	sst s0  }
0x18: {  	s0 =	sld [smem:$0x3F9C];
	_ =	swait.ge [sflag:s4], $0x0  }
0x19: {  	s7 =	sld [smem:$0x3F9D]  }
0x1a: {  	s8 =	sadd.s32 $0xFFFFE003, lr  }
0x1b: {  	s9 =	sadd.s32 $0xFFFFFEF7, lr;
	s5 =	simm.s32 $0xFFFFFFFF;
	p2 =	slt.u32 s8, $0xFFFFF086  }
0x1c: {  	p1 =	slt.u32 s9, $0xF7A;
	s5 =	simm.s32 @!p2 $0x0  }
0x1d: {  	s5 =	simm.s32 @p1 $0x1;
	p0 =	seq.s32 s7, s2  }
0x1e: {  	s7 =	smul.u32 @!p0 $0xF7A, s2;
	p2 =	seq.s32 @!p0 s5, $0x0  }
0x1f: {  	s9 =	smul.u32 $0xF7A, s1;
	s8 =	simm.s32 @!p0 $0x1BF5;
	p2 =	por !p2, p0  }
0x20: {  	[sflag:s8] =	ssyncset.s32 @!p0 $0xFFFFF086;
	s6 =	sadd.s32 @!p0 s3, s7;
	s7 =	simm.s32 @!p0 $0x108  }
0x21: {  	s3 =	sadd.s32 s3, s9;
	s6 =	sadd.s32 @!p0 $0x88, s6;
	s7 =	simm.s32 @p2 $0x1082  }
0x22: {  	[simem:s7], [sflag:s8] =	dma.local @!p0 [hbm:s6], $0xF7A  }
0x23: {  	s9 =	sor.u32 $0xD0000000, s2;
	s6 =	simm.s32 $0x108;
	_ =	swait.ge @!p0 [sflag:s8], $0x0  }
0x24: {  	s3 =	sadd.s32 $0x88, s3;
	s6 =	simm.s32 @!p1 $0x1082;
	[sflag:s4] =	ssyncset.s32 $0xFFFFF086  }
0x25: {  	[simem:s6], [sflag:s4] =	dma.local [hbm:s3], $0xF7A  }
0x26: {  	[smem:$0x3F9D] =	sst s1;
	(tag) =	ssettag s2;
	_ =	strace s9  }
0x27: {  	s1 =	sld [smem:$0x3FAD]  }
0x28: {  	s2 =	sld [smem:$0x3FAE]  }
0x29: {  	s4 =	sld [smem:$0x3FB0]  }
0x2a: {  	p0 =	seq.s32 s5, $0x0;
	s5 =	sld [smem:$0x3FB1]  }
0x2b: {  	s6 =	sld [smem:$0x3FB2]  }
0x2c: {  	s7 =	sld [smem:$0x3FB3]  }
0x2d: {  	s3 =	simm.s32 $0x108;
	s8 =	sld [smem:$0x3FB4]  }
0x2e: {  	s3 =	simm.s32 @!p0 $0x1082;
	s9 =	sld [smem:$0x3FB5]  }
0x2f: {  	lr =	sadd.s32 s0, s3;
	s0 =	sld [smem:$0x3FAC]  }
0x30: {  	s3 =	sld [smem:$0x3FAF]  }
0x31: {  	[smem:$0x3FB8] =	sst s10  }
0x32: {  	s10 =	sld [smem:$0x3FB6];
	_ =	sdelay $0x3  }
0x33: {  	p0 =	seq.s32 s10, $0x1;
	s10 =	sld [smem:$0x3FB8];
	_ =	sdelay $0x3  }
0x34: {  	[smem:$0x3FB8] =	sst s10  }
0x35: {  	s10 =	sld [smem:$0x3FB7];
	_ =	sdelay $0x3  }
0x36: {  	p1 =	seq.s32 s10, $0x1;
	s10 =	sld [smem:$0x3FB8];
	_ =	sdelay $0x3  }
0x37: {  	[smem:$0x3FB8] =	sst s10  }
0x38: {  	s10 =	sld [smem:$0x3FB9]  }
0x39: {  	_ = 	snop;
	(pc) =	sbr.ind lr, $3  }
0x3a: {  	_ = 	snop  }
0x3b: {  	_ = 	snop  }
0x3c: {  	p2 =	seq.s32 s10, $0x1;
	s10 =	sld [smem:$0x3FB8]  }
0x3d: {  	_ =	shalt  }
0x3e: {  	_ =	shalt  }
0x3f: {  	_ =	shalt  }
0x40: {  	_ =	shalt  }
0x41: {  	_ =	shalt  }
0x42: {  	_ =	shalt  }
0x43: {  	_ =	shalt  }
0x44: {  	_ =	shalt  }
0x45: {  	_ =	shalt  }
0x46: {  	_ =	shalt  }
0x47: {  	_ =	shalt  }
0x48: {  	_ =	shalt  }
0x49: {  	_ =	shalt  }
0x4a: {  	_ =	shalt  }
0x4b: {  	_ =	shalt  }
0x4c: {  	_ =	shalt  }
0x4d: {  	_ =	shalt  }
0x4e: {  	_ =	shalt  }
0x4f: {  	_ =	shalt  }
0x50: {  	_ =	shalt  }
0x51: {  	_ =	shalt  }
0x52: {  	_ =	shalt  }
0x53: {  	_ =	shalt  }
0x54: {  	_ =	shalt  }
0x55: {  	_ =	shalt  }
0x56: {  	_ =	shalt  }
0x57: {  	_ =	shalt  }
0x58: {  	_ =	shalt  }
0x59: {  	_ =	shalt  }
0x5a: {  	_ =	shalt  }
0x5b: {  	_ =	shalt  }
0x5c: {  	_ =	shalt  }
0x5d: {  	_ =	shalt  }
0x5e: {  	_ =	shalt  }
0x5f: {  	_ =	shalt  }
0x60: {  	_ =	shalt  }
0x61: {  	_ =	shalt  }
0x62: {  	_ =	shalt  }
0x63: {  	_ =	shalt  }
0x64: {  	_ =	shalt  }
0x65: {  	_ =	shalt  }
0x66: {  	_ =	shalt  }
0x67: {  	_ =	shalt  }
0x68: {  	_ =	shalt  }
0x69: {  	_ =	shalt  }
0x6a: {  	_ =	shalt  }
0x6b: {  	_ =	shalt  }
0x6c: {  	_ =	shalt  }
0x6d: {  	_ =	shalt  }
0x6e: {  	_ =	shalt  }
0x6f: {  	_ =	shalt  }
0x70: {  	_ =	shalt  }
0x71: {  	_ =	shalt  }
0x72: {  	_ =	shalt  }
0x73: {  	_ =	shalt  }
0x74: {  	_ =	shalt  }
0x75: {  	_ =	shalt  }
0x76: {  	_ =	shalt  }
0x77: {  	_ =	shalt  }
0x78: {  	_ =	shalt  }
0x79: {  	_ =	shalt  }
0x7a: {  	_ =	shalt  }
0x7b: {  	_ =	shalt  }
0x7c: {  	_ =	shalt  }
0x7d: {  	_ =	shalt  }
0x7e: {  	_ =	shalt  }
0x7f: {  	_ =	shalt  }
0x80: {  	_ =	shalt  }
0x81: {  	_ =	shalt  }
0x82: {  	_ =	shalt  }
0x83: {  	_ =	shalt  }
0x84: {  	_ =	shalt  }
0x85: {  	_ =	shalt  }
0x86: {  	_ =	shalt  }
0x87: {  	_ =	shalt  }
.Lfunc_end0:
.L_simem_size_0:
called_computation_lowered:
.L_overlay_start_0:
0x88: {  	s2 =	sld [smem:$0x3FD9]  }
0x89: {  	s3 =	sld [smem:$0x3FFE];
	_ =	sdelay $0x1  }
0x8a: {  	s1 =	srdreg.scid  }
0x8b: {  	s0 =	sand.u32 $0x1, s1  }
0x8c: {  	s17 =	sshll.u32 s0, $0xA;
	s2 =	sadd.s32 s3, s2  }
0x8d: {  	s2 =	sadd.s32 s2, s17  }
0x8e: {  	[smem:$0x3FC4] =	sst s2  }
0x8f: {  	_ = 	snop  }
0x90: {  	s2 =	sld [smem:$0x3FC9]  }
0x91: {  	s18 =	sld [smem:$0x3FD0];
	(tm) =	ssettm $0x1  }
0x92: {  	s4 =	sld [smem:$0x3FFB];
	_ =	sdelay $0x3  }
0x93: {  	_ =	strace s4  }
0x94: {  	s4 =	sld [smem:$0x3FFC];
	_ =	sdelay $0x3  }
0x95: {  	_ =	strace s4  }
0x96: {  	s4 =	sld [smem:$0x3FFD];
	_ =	sdelay $0x3  }
0x97: {  	_ =	strace s4  }
0x98: {  	_ =	strace $0x8FFFFFFF  }
0x99: {  	s19 =	sld [smem:$0x3FDB];
	_ =	sdelay $0x1  }
0x9a: {  	s5 =	simm.s32 $_scs_section_size  }
0x9b: {  	s6 =	simm.s32 $_size__tile_overlayer_lowered;
	s7 =	simm.s32 $_tile_overlayer_lowered  }
0x9c: {  	s22 =	simm.s32 $0x1BFF;
	s21 =	sshll.u32 s7, $0x1;
	s4 =	sadd.s32 s5, s19  }
0x9d: {  	s8 =	simm.s32 $0x0;
	s20 =	sshll.u32 s6, $0x1;
	s6 =	sadd.s32 s21, s4  }
0x9e: {  	[timem:s8], [sflag:s22] =	dma.local [hbm:s6], s20  }
0x9f: {  	_ =	swait.ge [sflag:s22], s20  }
0xa0: {  	s5 =	ssub.s32 $0x0, s20;
	[sflag:s22] =	ssyncset.done $0x0  }
0xa1: {  	[sflag:s22] =	ssyncadd.s32 s5;
	_ =	sdelay $0x1  }
0xa2: {  	s23 =	simm.s32 $0x1B8B  }
0xa3: {  	_ =	swait.ge [sflag:s23], $0x1  }
0xa4: {  	[sflag:s23] =	ssyncset.done $0x0  }
0xa5: {  	s25 =	simm.s32 $0x1B8E;
	s24 =	sld [smem:$0x3FFE];
	[sflag:s23] =	ssyncadd.s32 $0xFFFFFFFF  }
0xa6: {  	s26 =	simm.s32 $execute0_lowered;
	[smem:$0x3FD2] =	sst s25  }
0xa7: {  	s6 =	sshll.u32 s26, $0x1;
	_ =	strace $0x80000046;
	[dreg:$0x1] =	wrdreg $0xFFFFFFFF  }
0xa8: {  	s28 =	simm.s32 $_size_execute0_lowered;
	s4 =	sadd.s32 s4, s6;
	[dreg:$0x0] =	wrdreg $0x0  }
0xa9: {  	s6 =	sshll.u32 s28, $0x1;
	[dreg:$0x2] =	wrdreg s4  }
0xaa: {  	[dreg:$0x3] =	wrdreg s6  }
0xab: {  	[dreg:$0x4] =	wrdreg $0xC0  }
0xac: {  	_ =	task [dreg:s8], $0x5FFFF  }
0xad: {  	[dreg:$0x1] =	wrdreg $0xFFFFFFFF  }
0xae: {  	[dreg:$0x0] =	wrdreg $0x60  }
0xaf: {  	[dreg:$0x2] =	wrdreg s2  }
0xb0: {  	[dreg:$0x3] =	wrdreg s24  }
0xb1: {  	[dreg:$0x4] =	wrdreg s18  }
0xb2: {  	[dreg:$0x5] =	wrdreg $0x9  }
0xb3: {  	_ =	task.clear_ibuf [dreg:s8], $0x6FFFF;
	_ =	strace $0x90000046  }
0xb4: {  	s29 =	simm.s32 $0x9;
	_ =	strace $0x80000048  }
0xb5: {  	_ =	swait.ge [sflag:s29], $0x1  }
0xb6: {  	[sflag:s29] =	ssyncadd.s32 $0xFFFFFFFF  }
0xb7: {  	_ =	strace $0x90000048  }
0xb8: {  	_ =	sfence  }
0xb9: {  	s30 =	sld [smem:$0x0];
	_ =	sdelay $0x2  }
0xba: {  	s31 =	sshll.u32 s1, $0xD;
	s1 =	sshrl.u32 s1, $0x2  }
0xbb: {  	s3 =	sand.u32 $0x4000, s31;
	s1 =	sadd.s32 s1, s30  }
0xbc: {  	s0 =	sor.u32 s3, s0;
	s1 =	sshll.u32 s1, $0x11  }
0xbd: {  	s0 =	sor.u32 s1, s0  }
0xbe: {  	s0 =	sadd.s32 $0x8F2B, s0  }
0xbf: {  	[sflag:s0] =	ssyncadd.remote.s32 $0x1  }
0xc0: {  	_ =	sfence.sel $0xFFFF  }
0xc1: {  	[dreg:$0x0] =	wrdreg $0xFFFFFFFF;
	(pc) =	sbr.abs _section_cstart, $3  }
0xc2: {  	[dreg:$0x1] =	wrdreg $0xFFFFFFFF  }
0xc3: {  	_ =	task.clear_ibuf [dreg:s8], $0x2FFFF;
	_ =	strace $0x9FFFFFFF  }
0xc4: {  	(tm) =	ssettm $0x7FFFFFFF  }
0xc5: {  	_ =	shalt  }
tec
execute0_lowered:
.L_overlay_start_1:
0x0: {  	(tag) =	ssettag $0x1  }
0x1: {  	s2 =	rddreg [dreg:$0x0]  }
0x2: {  	s0 =	rddreg [dreg:$0x1]  }
0x3: {  	s9 =	rddreg [dreg:$0x2];
	s1 =	srdreg.scid  }
0x4: {  	s3 =	stileid.u32;
	s4 =	simm.s32 $0x0;
	s12 =	simm.s32 $0x400  }
0x5: {  	s13 =	simm.s32 $0x200;
	s14 =	simm.s32 $0x1200;
	s15 =	simm.s32 $0x600  }
0x6: {  	s16 =	simm.s32 $0x5200;
	s19 =	simm.s32 $0x1;
	s20 =	simm.s32 $0x11200  }
0x7: {  	s21 =	simm.s32 $0xE00;
	s22 =	simm.s32 $0xD200;
	s23 =	simm.s32 $0x2  }
0x8: {  	s24 =	simm.s32 $0x15600;
	s25 =	simm.s32 $0x3;
	s26 =	simm.s32 $0x5  }
0x9: {  	s28 =	simm.s32 $0x4;
	s29 =	simm.s32 $0x6;
	s1 =	sand.u32 $0x1, s1  }
0xa: {  	v8 =	vlaneseq.u32;
	s3 =	sshll.u32 s3, $0x1;
	[smem:$0x7FF] =	sst s4;
	s7 =	sadd.s32 $0x800, s9  }
0xb: {  	s8 =	sadd.s32 $0x1000, s9;
	v0 =	vmul.u32 $0x2400, v8;
	s5 =	ssub.s32 $0x2, s1;
	s1 =	sor.u32 s1, s3  }
0xc: {  	s18 =	smov.u32 s9;
	s30 =	sshrl.u32 s5, $0x1;
	s6 =	sshll.u32 s1, $0x6  }
0xd: {  	s9 =	sadd.s32 $0x1800, s9;
	v8 =	vmul.u32 $0x88, v8;
	v1 =	vadd.s32 $0x24000, v0;
	s3 =	ssub.s32 s5, s30;
	s0 =	sadd.s32 s0, s6  }
0xe: {  	_ =	strace $0x80000047;
	v2 =	vadd.s32 $0x48000, v0;
	v3 =	vadd.s32 $0x6C000, v0;
	v4 =	vadd.s32 $0x90000, v0;
	[dreg:$0x4] =	wrdreg s0;
	s31 =	smax.u32 s3, $0x1  }
0xf: {  	v5 =	vadd.s32 $0xB4000, v0;
	v6 =	vadd.s32 $0xD8000, v0;
	v7 =	vadd.s32 $0xFC000, v0;
	s6 =	sshll.u32 s1, $0x11;
	s1 =	simm.s32 $0x0;
	[dreg:$0x5] =	wrdreg s31  }
.LBB2_1:
0x10: {  	[dreg:$0x6] =	wrdreg s1  }
0x11: {  	s0 =	rddreg [dreg:$0x4];
	s30 =	simm.s32 $0x7  }
0x12: {  	[tilespmem:s4], [sflag:$0x7] =	stream.linear.gather [hbm4b:s0+s4], $0x200, $0x38;
	[tilespmem:$0x19A00] =	vst v63  }
0x13: {  	_ =	swait.ge [sflag:s30], $0x200  }
0x14: {  	[sflag:s30] =	ssyncset.done $0x0  }
0x15: {  	[sflag:s30] =	ssyncadd.s32 $0xFFFFFE00  }
0x16: {  	v9 =	vld [tilespmem:$0x0];
	_ =	sdelay $0x4  }
0x17: {  	v10 =	vbroadcast v9, $0x0;
	_ =	sdelay $0x1  }
0x18: {  	v11 =	vadd.s32 v0, v10  }
0x19: {  	[tilespmem:$0x200] =	vst v11;
	v11 =	vadd.s32 v1, v10  }
0x1a: {  	[tilespmem:$0x210] =	vst v11;
	v11 =	vadd.s32 v2, v10  }
0x1b: {  	[tilespmem:$0x220] =	vst v11;
	v11 =	vadd.s32 v3, v10  }
0x1c: {  	[tilespmem:$0x230] =	vst v11;
	v11 =	vadd.s32 v4, v10  }
0x1d: {  	[tilespmem:$0x240] =	vst v11;
	v11 =	vadd.s32 v5, v10  }
0x1e: {  	v12 =	vbroadcast v9, $0x1;
	[tilespmem:$0x250] =	vst v11;
	v11 =	vadd.s32 v6, v10  }
0x1f: {  	v10 =	vadd.s32 v7, v10;
	[tilespmem:$0x260] =	vst v11  }
0x20: {  	[tilespmem:$0x270] =	vst v10;
	v10 =	vadd.s32 v0, v12  }
0x21: {  	[tilespmem:$0x280] =	vst v10;
	v10 =	vadd.s32 v1, v12  }
0x22: {  	[tilespmem:$0x290] =	vst v10;
	v10 =	vadd.s32 v2, v12  }
0x23: {  	[tilespmem:$0x2A0] =	vst v10;
	v10 =	vadd.s32 v3, v12  }
0x24: {  	[tilespmem:$0x2B0] =	vst v10;
	v10 =	vadd.s32 v4, v12  }
0x25: {  	[tilespmem:$0x2C0] =	vst v10;
	v10 =	vadd.s32 v5, v12  }
0x26: {  	v11 =	vbroadcast v9, $0x2;
	[tilespmem:$0x2D0] =	vst v10;
	v10 =	vadd.s32 v6, v12  }
0x27: {  	[tilespmem:$0x2E0] =	vst v10;
	v10 =	vadd.s32 v7, v12  }
0x28: {  	[tilespmem:$0x2F0] =	vst v10;
	v10 =	vadd.s32 v0, v11  }
0x29: {  	[tilespmem:$0x300] =	vst v10;
	v10 =	vadd.s32 v1, v11  }
0x2a: {  	[tilespmem:$0x310] =	vst v10;
	v10 =	vadd.s32 v2, v11  }
0x2b: {  	[tilespmem:$0x320] =	vst v10;
	v10 =	vadd.s32 v3, v11  }
0x2c: {  	[tilespmem:$0x330] =	vst v10;
	v10 =	vadd.s32 v4, v11  }
0x2d: {  	[tilespmem:$0x340] =	vst v10;
	v10 =	vadd.s32 v5, v11  }
0x2e: {  	v59 =	vbroadcast v9, $0x3;
	[tilespmem:$0x350] =	vst v10;
	v10 =	vadd.s32 v6, v11  }
0x2f: {  	[tilespmem:$0x360] =	vst v10;
	v10 =	vadd.s32 v7, v11  }
0x30: {  	[tilespmem:$0x370] =	vst v10;
	v10 =	vadd.s32 v0, v59  }
0x31: {  	[tilespmem:$0x380] =	vst v10;
	v10 =	vadd.s32 v1, v59  }
0x32: {  	[tilespmem:$0x390] =	vst v10;
	v10 =	vadd.s32 v2, v59  }
0x33: {  	[tilespmem:$0x3A0] =	vst v10;
	v10 =	vadd.s32 v3, v59  }
0x34: {  	[tilespmem:$0x3B0] =	vst v10;
	v10 =	vadd.s32 v4, v59  }
0x35: {  	[tilespmem:$0x3C0] =	vst v10;
	v10 =	vadd.s32 v5, v59  }
0x36: {  	v11 =	vbroadcast v9, $0x4;
	[tilespmem:$0x3D0] =	vst v10;
	v10 =	vadd.s32 v6, v59  }
0x37: {  	[tilespmem:$0x3E0] =	vst v10;
	v10 =	vadd.s32 v7, v59  }
0x38: {  	[tilespmem:$0x3F0] =	vst v10;
	v10 =	vadd.s32 v0, v11  }
0x39: {  	[tilespmem:$0x400] =	vst v10;
	v10 =	vadd.s32 v1, v11  }
0x3a: {  	[tilespmem:$0x410] =	vst v10;
	v10 =	vadd.s32 v2, v11  }
0x3b: {  	[tilespmem:$0x420] =	vst v10;
	v10 =	vadd.s32 v3, v11  }
0x3c: {  	[tilespmem:$0x430] =	vst v10;
	v10 =	vadd.s32 v4, v11  }
0x3d: {  	[tilespmem:$0x440] =	vst v10;
	v10 =	vadd.s32 v5, v11  }
0x3e: {  	v60 =	vbroadcast v9, $0x5;
	[tilespmem:$0x450] =	vst v10;
	v10 =	vadd.s32 v6, v11  }
0x3f: {  	[tilespmem:$0x460] =	vst v10;
	v10 =	vadd.s32 v7, v11  }
0x40: {  	[tilespmem:$0x470] =	vst v10;
	v10 =	vadd.s32 v0, v60  }
0x41: {  	[tilespmem:$0x480] =	vst v10;
	v10 =	vadd.s32 v1, v60  }
0x42: {  	[tilespmem:$0x490] =	vst v10;
	v10 =	vadd.s32 v2, v60  }
0x43: {  	[tilespmem:$0x4A0] =	vst v10;
	v10 =	vadd.s32 v3, v60  }
0x44: {  	[tilespmem:$0x4B0] =	vst v10;
	v10 =	vadd.s32 v4, v60  }
0x45: {  	[tilespmem:$0x4C0] =	vst v10;
	v10 =	vadd.s32 v5, v60  }
0x46: {  	v11 =	vbroadcast v9, $0x6;
	[tilespmem:$0x4D0] =	vst v10;
	v10 =	vadd.s32 v6, v60  }
0x47: {  	[tilespmem:$0x4E0] =	vst v10;
	v10 =	vadd.s32 v7, v60  }
0x48: {  	[tilespmem:$0x4F0] =	vst v10;
	v10 =	vadd.s32 v0, v11  }
0x49: {  	[tilespmem:$0x500] =	vst v10;
	v10 =	vadd.s32 v1, v11  }
0x4a: {  	[tilespmem:$0x510] =	vst v10;
	v10 =	vadd.s32 v2, v11  }
0x4b: {  	[tilespmem:$0x520] =	vst v10;
	v10 =	vadd.s32 v3, v11  }
0x4c: {  	[tilespmem:$0x530] =	vst v10;
	v10 =	vadd.s32 v4, v11  }
0x4d: {  	[tilespmem:$0x540] =	vst v10;
	v10 =	vadd.s32 v5, v11  }
0x4e: {  	v9 =	vbroadcast v9, $0x7;
	[tilespmem:$0x550] =	vst v10;
	v10 =	vadd.s32 v6, v11  }
0x4f: {  	[tilespmem:$0x560] =	vst v10;
	v10 =	vadd.s32 v7, v11  }
0x50: {  	[tilespmem:$0x570] =	vst v10;
	v10 =	vadd.s32 v0, v9  }
0x51: {  	[tilespmem:$0x580] =	vst v10;
	v10 =	vadd.s32 v1, v9  }
0x52: {  	[tilespmem:$0x590] =	vst v10;
	v10 =	vadd.s32 v2, v9  }
0x53: {  	[tilespmem:$0x5A0] =	vst v10;
	v10 =	vadd.s32 v3, v9  }
0x54: {  	[tilespmem:$0x5B0] =	vst v10;
	v10 =	vadd.s32 v4, v9  }
0x55: {  	[tilespmem:$0x5C0] =	vst v10;
	v10 =	vadd.s32 v5, v9  }
0x56: {  	[tilespmem:$0x5D0] =	vst v10;
	v10 =	vadd.s32 v6, v9  }
0x57: {  	v9 =	vadd.s32 v7, v9;
	[tilespmem:$0x5E0] =	vst v10  }
0x58: {  	[tilespmem:$0x5F0] =	vst v9  }
0x59: {  	[tilespmem:s14], [sflag:$0x1] =	stream.indirect.gather [hbm4b:s2+s12], $0x10, s13, s12, $0xb8;
	[tilespmem:$0x19A00] =	vst v63  }
0x5a: {  	v9 =	vld [tilespmem:$0x0];
	_ =	sdelay $0x4  }
0x5b: {  	v10 =	vbroadcast v9, $0x8;
	_ =	sdelay $0x1  }
0x5c: {  	v11 =	vadd.s32 v0, v10  }
0x5d: {  	[tilespmem:$0x600] =	vst v11;
	v11 =	vadd.s32 v1, v10  }
0x5e: {  	[tilespmem:$0x610] =	vst v11;
	v11 =	vadd.s32 v2, v10  }
0x5f: {  	[tilespmem:$0x620] =	vst v11;
	v11 =	vadd.s32 v3, v10  }
0x60: {  	[tilespmem:$0x630] =	vst v11;
	v11 =	vadd.s32 v4, v10  }
0x61: {  	[tilespmem:$0x640] =	vst v11;
	v11 =	vadd.s32 v5, v10  }
0x62: {  	v61 =	vbroadcast v9, $0x9;
	[tilespmem:$0x650] =	vst v11;
	v11 =	vadd.s32 v6, v10  }
0x63: {  	v10 =	vadd.s32 v7, v10;
	[tilespmem:$0x660] =	vst v11  }
0x64: {  	[tilespmem:$0x670] =	vst v10;
	v10 =	vadd.s32 v0, v61  }
0x65: {  	[tilespmem:$0x680] =	vst v10;
	v10 =	vadd.s32 v1, v61  }
0x66: {  	[tilespmem:$0x690] =	vst v10;
	v10 =	vadd.s32 v2, v61  }
0x67: {  	[tilespmem:$0x6A0] =	vst v10;
	v10 =	vadd.s32 v3, v61  }
0x68: {  	[tilespmem:$0x6B0] =	vst v10;
	v10 =	vadd.s32 v4, v61  }
0x69: {  	[tilespmem:$0x6C0] =	vst v10;
	v10 =	vadd.s32 v5, v61  }
0x6a: {  	v11 =	vbroadcast v9, $0xA;
	[tilespmem:$0x6D0] =	vst v10;
	v10 =	vadd.s32 v6, v61  }
0x6b: {  	[tilespmem:$0x6E0] =	vst v10;
	v10 =	vadd.s32 v7, v61  }
0x6c: {  	[tilespmem:$0x6F0] =	vst v10;
	v10 =	vadd.s32 v0, v11  }
0x6d: {  	[tilespmem:$0x700] =	vst v10;
	v10 =	vadd.s32 v1, v11  }
0x6e: {  	[tilespmem:$0x710] =	vst v10;
	v10 =	vadd.s32 v2, v11  }
0x6f: {  	[tilespmem:$0x720] =	vst v10;
	v10 =	vadd.s32 v3, v11  }
0x70: {  	[tilespmem:$0x730] =	vst v10;
	v10 =	vadd.s32 v4, v11  }
0x71: {  	[tilespmem:$0x740] =	vst v10;
	v10 =	vadd.s32 v5, v11  }
0x72: {  	v62 =	vbroadcast v9, $0xB;
	[tilespmem:$0x750] =	vst v10;
	v10 =	vadd.s32 v6, v11  }
0x73: {  	[tilespmem:$0x760] =	vst v10;
	v10 =	vadd.s32 v7, v11  }
0x74: {  	[tilespmem:$0x770] =	vst v10;
	v10 =	vadd.s32 v0, v62  }
0x75: {  	[tilespmem:$0x780] =	vst v10;
	v10 =	vadd.s32 v1, v62  }
0x76: {  	[tilespmem:$0x790] =	vst v10;
	v10 =	vadd.s32 v2, v62  }
0x77: {  	[tilespmem:$0x7A0] =	vst v10;
	v10 =	vadd.s32 v3, v62  }
0x78: {  	[tilespmem:$0x7B0] =	vst v10;
	v10 =	vadd.s32 v4, v62  }
0x79: {  	[tilespmem:$0x7C0] =	vst v10;
	v10 =	vadd.s32 v5, v62  }
0x7a: {  	v11 =	vbroadcast v9, $0xC;
	[tilespmem:$0x7D0] =	vst v10;
	v10 =	vadd.s32 v6, v62  }
0x7b: {  	[tilespmem:$0x7E0] =	vst v10;
	v10 =	vadd.s32 v7, v62  }
0x7c: {  	[tilespmem:$0x7F0] =	vst v10;
	v10 =	vadd.s32 v0, v11  }
0x7d: {  	[tilespmem:$0x800] =	vst v10;
	v10 =	vadd.s32 v1, v11  }
0x7e: {  	[tilespmem:$0x810] =	vst v10;
	v10 =	vadd.s32 v2, v11  }
0x7f: {  	[tilespmem:$0x820] =	vst v10;
	v10 =	vadd.s32 v3, v11  }
0x80: {  	[tilespmem:$0x830] =	vst v10;
	v10 =	vadd.s32 v4, v11  }
0x81: {  	[tilespmem:$0x840] =	vst v10;
	v10 =	vadd.s32 v5, v11  }
0x82: {  	v63 =	vbroadcast v9, $0xD;
	[tilespmem:$0x850] =	vst v10;
	v10 =	vadd.s32 v6, v11  }
0x83: {  	[tilespmem:$0x860] =	vst v10;
	v10 =	vadd.s32 v7, v11  }
0x84: {  	[tilespmem:$0x870] =	vst v10;
	v10 =	vadd.s32 v0, v63  }
0x85: {  	[tilespmem:$0x880] =	vst v10;
	v10 =	vadd.s32 v1, v63  }
0x86: {  	[tilespmem:$0x890] =	vst v10;
	v10 =	vadd.s32 v2, v63  }
0x87: {  	[tilespmem:$0x8A0] =	vst v10;
	v10 =	vadd.s32 v3, v63  }
0x88: {  	[tilespmem:$0x8B0] =	vst v10;
	v10 =	vadd.s32 v4, v63  }
0x89: {  	[tilespmem:$0x8C0] =	vst v10;
	v10 =	vadd.s32 v5, v63  }
0x8a: {  	v11 =	vbroadcast v9, $0xE;
	[tilespmem:$0x8D0] =	vst v10;
	v10 =	vadd.s32 v6, v63  }
0x8b: {  	[tilespmem:$0x8E0] =	vst v10;
	v10 =	vadd.s32 v7, v63  }
0x8c: {  	[tilespmem:$0x8F0] =	vst v10;
	v10 =	vadd.s32 v0, v11  }
0x8d: {  	[tilespmem:$0x900] =	vst v10;
	v10 =	vadd.s32 v1, v11  }
0x8e: {  	[tilespmem:$0x910] =	vst v10;
	v10 =	vadd.s32 v2, v11  }
0x8f: {  	[tilespmem:$0x920] =	vst v10;
	v10 =	vadd.s32 v3, v11  }
0x90: {  	[tilespmem:$0x930] =	vst v10;
	v10 =	vadd.s32 v4, v11  }
0x91: {  	[tilespmem:$0x940] =	vst v10;
	v10 =	vadd.s32 v5, v11  }
0x92: {  	v9 =	vbroadcast v9, $0xF;
	[tilespmem:$0x950] =	vst v10;
	v10 =	vadd.s32 v6, v11  }
0x93: {  	[tilespmem:$0x960] =	vst v10;
	v10 =	vadd.s32 v7, v11  }
0x94: {  	[tilespmem:$0x970] =	vst v10;
	v10 =	vadd.s32 v0, v9  }
0x95: {  	[tilespmem:$0x980] =	vst v10;
	v10 =	vadd.s32 v1, v9  }
0x96: {  	[tilespmem:$0x990] =	vst v10;
	v10 =	vadd.s32 v2, v9  }
0x97: {  	[tilespmem:$0x9A0] =	vst v10;
	v10 =	vadd.s32 v3, v9  }
0x98: {  	[tilespmem:$0x9B0] =	vst v10;
	v10 =	vadd.s32 v4, v9  }
0x99: {  	[tilespmem:$0x9C0] =	vst v10;
	v10 =	vadd.s32 v5, v9  }
0x9a: {  	[tilespmem:$0x9D0] =	vst v10;
	v10 =	vadd.s32 v6, v9  }
0x9b: {  	v9 =	vadd.s32 v7, v9;
	[tilespmem:$0x9E0] =	vst v10  }
0x9c: {  	s31 =	simm.s32 $0x0;
	[tilespmem:$0x9F0] =	vst v9  }
0x9d: {  	[tilespmem:s16], [sflag:$0x2] =	stream.indirect.gather [hbm4b:s2+s12], $0x10, s15, s12, $0xb8;
	[tilespmem:$0x19A00] =	vst v63  }
.LBB2_3:
0x9e: {  	s0 =	sshll.u32 s31, $0x5  }
0x9f: {  	s5 =	sand.u32 $0x3FFFFFE0, s0  }
0xa0: {  	v9 =	vld [tilespmem:s5+$0x10];
	_ =	sdelay $0x4  }
0xa1: {  	v10 =	vbroadcast v9, $0x0;
	_ =	sdelay $0x1  }
0xa2: {  	v11 =	vadd.s32 v0, v10  }
0xa3: {  	[tilespmem:$0xA00] =	vst v11;
	v11 =	vadd.s32 v1, v10  }
0xa4: {  	[tilespmem:$0xA10] =	vst v11;
	v11 =	vadd.s32 v2, v10  }
0xa5: {  	[tilespmem:$0xA20] =	vst v11;
	v11 =	vadd.s32 v3, v10  }
0xa6: {  	[tilespmem:$0xA30] =	vst v11;
	v11 =	vadd.s32 v4, v10  }
0xa7: {  	[tilespmem:$0xA40] =	vst v11;
	v11 =	vadd.s32 v5, v10  }
0xa8: {  	v12 =	vbroadcast v9, $0x1;
	[tilespmem:$0xA50] =	vst v11;
	v11 =	vadd.s32 v6, v10  }
0xa9: {  	v10 =	vadd.s32 v7, v10;
	[tilespmem:$0xA60] =	vst v11  }
0xaa: {  	[tilespmem:$0xA70] =	vst v10;
	v10 =	vadd.s32 v0, v12  }
0xab: {  	[tilespmem:$0xA80] =	vst v10;
	v10 =	vadd.s32 v1, v12  }
0xac: {  	[tilespmem:$0xA90] =	vst v10;
	v10 =	vadd.s32 v2, v12  }
0xad: {  	[tilespmem:$0xAA0] =	vst v10;
	v10 =	vadd.s32 v3, v12  }
0xae: {  	[tilespmem:$0xAB0] =	vst v10;
	v10 =	vadd.s32 v4, v12  }
0xaf: {  	[tilespmem:$0xAC0] =	vst v10;
	v10 =	vadd.s32 v5, v12  }
0xb0: {  	v11 =	vbroadcast v9, $0x2;
	[tilespmem:$0xAD0] =	vst v10;
	v10 =	vadd.s32 v6, v12  }
0xb1: {  	[tilespmem:$0xAE0] =	vst v10;
	v10 =	vadd.s32 v7, v12  }
0xb2: {  	[tilespmem:$0xAF0] =	vst v10;
	v10 =	vadd.s32 v0, v11  }
0xb3: {  	[tilespmem:$0xB00] =	vst v10;
	v10 =	vadd.s32 v1, v11  }
0xb4: {  	[tilespmem:$0xB10] =	vst v10;
	v10 =	vadd.s32 v2, v11  }
0xb5: {  	[tilespmem:$0xB20] =	vst v10;
	v10 =	vadd.s32 v3, v11  }
0xb6: {  	[tilespmem:$0xB30] =	vst v10;
	v10 =	vadd.s32 v4, v11  }
0xb7: {  	[tilespmem:$0xB40] =	vst v10;
	v10 =	vadd.s32 v5, v11  }
0xb8: {  	v62 =	vbroadcast v9, $0x3;
	[tilespmem:$0xB50] =	vst v10;
	v10 =	vadd.s32 v6, v11  }
0xb9: {  	[tilespmem:$0xB60] =	vst v10;
	v10 =	vadd.s32 v7, v11  }
0xba: {  	[tilespmem:$0xB70] =	vst v10;
	v10 =	vadd.s32 v0, v62  }
0xbb: {  	[tilespmem:$0xB80] =	vst v10;
	v10 =	vadd.s32 v1, v62  }
0xbc: {  	[tilespmem:$0xB90] =	vst v10;
	v10 =	vadd.s32 v2, v62  }
0xbd: {  	[tilespmem:$0xBA0] =	vst v10;
	v10 =	vadd.s32 v3, v62  }
0xbe: {  	[tilespmem:$0xBB0] =	vst v10;
	v10 =	vadd.s32 v4, v62  }
0xbf: {  	[tilespmem:$0xBC0] =	vst v10;
	v10 =	vadd.s32 v5, v62  }
0xc0: {  	v11 =	vbroadcast v9, $0x4;
	[tilespmem:$0xBD0] =	vst v10;
	v10 =	vadd.s32 v6, v62  }
0xc1: {  	[tilespmem:$0xBE0] =	vst v10;
	v10 =	vadd.s32 v7, v62  }
0xc2: {  	[tilespmem:$0xBF0] =	vst v10;
	v10 =	vadd.s32 v0, v11  }
0xc3: {  	[tilespmem:$0xC00] =	vst v10;
	v10 =	vadd.s32 v1, v11  }
0xc4: {  	[tilespmem:$0xC10] =	vst v10;
	v10 =	vadd.s32 v2, v11  }
0xc5: {  	[tilespmem:$0xC20] =	vst v10;
	v10 =	vadd.s32 v3, v11  }
0xc6: {  	[tilespmem:$0xC30] =	vst v10;
	v10 =	vadd.s32 v4, v11  }
0xc7: {  	[tilespmem:$0xC40] =	vst v10;
	v10 =	vadd.s32 v5, v11  }
0xc8: {  	v63 =	vbroadcast v9, $0x5;
	[tilespmem:$0xC50] =	vst v10;
	v10 =	vadd.s32 v6, v11  }
0xc9: {  	[tilespmem:$0xC60] =	vst v10;
	v10 =	vadd.s32 v7, v11  }
0xca: {  	[tilespmem:$0xC70] =	vst v10;
	v10 =	vadd.s32 v0, v63  }
0xcb: {  	[tilespmem:$0xC80] =	vst v10;
	v10 =	vadd.s32 v1, v63  }
0xcc: {  	[tilespmem:$0xC90] =	vst v10;
	v10 =	vadd.s32 v2, v63  }
0xcd: {  	[tilespmem:$0xCA0] =	vst v10;
	v10 =	vadd.s32 v3, v63  }
0xce: {  	[tilespmem:$0xCB0] =	vst v10;
	v10 =	vadd.s32 v4, v63  }
0xcf: {  	[tilespmem:$0xCC0] =	vst v10;
	v10 =	vadd.s32 v5, v63  }
0xd0: {  	v11 =	vbroadcast v9, $0x6;
	[tilespmem:$0xCD0] =	vst v10;
	v10 =	vadd.s32 v6, v63  }
0xd1: {  	[tilespmem:$0xCE0] =	vst v10;
	v10 =	vadd.s32 v7, v63  }
0xd2: {  	[tilespmem:$0xCF0] =	vst v10;
	v10 =	vadd.s32 v0, v11  }
0xd3: {  	[tilespmem:$0xD00] =	vst v10;
	v10 =	vadd.s32 v1, v11  }
0xd4: {  	[tilespmem:$0xD10] =	vst v10;
	v10 =	vadd.s32 v2, v11  }
0xd5: {  	[tilespmem:$0xD20] =	vst v10;
	v10 =	vadd.s32 v3, v11  }
0xd6: {  	[tilespmem:$0xD30] =	vst v10;
	v10 =	vadd.s32 v4, v11  }
0xd7: {  	[tilespmem:$0xD40] =	vst v10;
	v10 =	vadd.s32 v5, v11  }
0xd8: {  	v9 =	vbroadcast v9, $0x7;
	[tilespmem:$0xD50] =	vst v10;
	v10 =	vadd.s32 v6, v11  }
0xd9: {  	[tilespmem:$0xD60] =	vst v10;
	v10 =	vadd.s32 v7, v11  }
0xda: {  	[tilespmem:$0xD70] =	vst v10;
	v10 =	vadd.s32 v0, v9  }
0xdb: {  	[tilespmem:$0xD80] =	vst v10;
	v10 =	vadd.s32 v1, v9  }
0xdc: {  	[tilespmem:$0xD90] =	vst v10;
	v10 =	vadd.s32 v2, v9  }
0xdd: {  	[tilespmem:$0xDA0] =	vst v10;
	v10 =	vadd.s32 v3, v9  }
0xde: {  	[tilespmem:$0xDB0] =	vst v10;
	v10 =	vadd.s32 v4, v9  }
0xdf: {  	[tilespmem:$0xDC0] =	vst v10;
	v10 =	vadd.s32 v5, v9  }
0xe0: {  	[tilespmem:$0xDD0] =	vst v10;
	v10 =	vadd.s32 v6, v9  }
0xe1: {  	v9 =	vadd.s32 v7, v9;
	[tilespmem:$0xDE0] =	vst v10  }
0xe2: {  	s11 =	simm.s32 $0xA00;
	s1 =	simm.s32 $0x9200;
	[tilespmem:$0xDF0] =	vst v9  }
0xe3: {  	[tilespmem:s1], [sflag:$0x3] =	stream.indirect.gather [hbm4b:s2+s12], $0x10, s11, s12, $0xb8;
	[tilespmem:$0x19A00] =	vst v63  }
0xe4: {  	_ =	swait.ge [sflag:s19], $0x4000  }
0xe5: {  	p0 =	seq.s32 s31, $0x0;
	[sflag:s19] =	ssyncset.done $0x0  }
0xe6: {  	s0 =	simm.s32 @!p0 $0x5;
	[sflag:s19] =	ssyncadd.s32 $0xFFFFC000  }
0xe7: {  	_ =	swait.ge @!p0 [sflag:s0], $0x4000  }
0xe8: {  	s17 =	sshll.u32 s31, $0x1;
	s30 =	simm.s32 $0x1280;
	[sflag:s0] =	ssyncset.done @!p0 $0x0  }
0xe9: {  	s1 =	smin.u32 s17, $0x1D;
	[sflag:s0] =	ssyncadd.s32 @!p0 $0xFFFFC000;
	s0 =	simm.s32 $0x0  }
.LBB2_4:
0xea: {  	s3 =	sshll.u32 s0, $0x4  }
0xeb: {  	v9 =	vmov s3  }
0xec: {  	v9 =	vmul.u32 $0x88, v9;
	_ =	sdelay $0x1  }
0xed: {  	v9 =	vbroadcast v9, $0x0;
	_ =	sdelay $0x1  }
0xee: {  	v12 =	vimm.s32 $0x0;
	v10 =	vadd.s32 v8, v9  }
0xef: {  	v9 =	vadd.s32 v10, v12  }
0xf0: {  	v11 =	vld [tilespmem:s30+$0x70];
	v13 =	vadd.s32 $0xF, v9  }
0xf1: {  	v15 =	vld [tilespmem:s30+$0xFFFFFF90];
	v14 =	vor.u32 $0x1, v9  }
0xf2: {  	v17 =	vld [tilespmem:s30+$0xFFFFFFA0];
	v16 =	vor.u32 $0x2, v9  }
0xf3: {  	v19 =	vld [tilespmem:s30+$0xFFFFFFB0];
	v18 =	vor.u32 $0x3, v9  }
0xf4: {  	v21 =	vld [tilespmem:s30+$0xFFFFFFC0];
	v20 =	vor.u32 $0x4, v9  }
0xf5: {  	v23 =	vld [tilespmem:s30+$0xFFFFFFD0];
	v22 =	vor.u32 $0x5, v9;
	[tilespmem:v13+s20+$0x0] =	vst.idx.msk $0xffff, v11  }
0xf6: {  	[tilespmem:v14+s20+$0x0] =	vst.idx.msk $0xffff, v15;
	v14 =	vor.u32 $0x7, v9;
	v15 =	vld [tilespmem:s30+$0xFFFFFFF0]  }
0xf7: {  	v11 =	vor.u32 $0x6, v9;
	v13 =	vld [tilespmem:s30+$0xFFFFFFE0];
	[tilespmem:v16+s20+$0x0] =	vst.idx.msk $0xffff, v17  }
0xf8: {  	v24 =	vadd.s32 $0x8, v9;
	[tilespmem:v18+s20+$0x0] =	vst.idx.msk $0xffff, v19;
	v18 =	vld [tilespmem:s30+$0x0]  }
0xf9: {  	v25 =	vld [tilespmem:s30+$0x10];
	v19 =	vadd.s32 $0x9, v9;
	[tilespmem:v20+s20+$0x0] =	vst.idx.msk $0xffff, v21  }
0xfa: {  	[tilespmem:v22+s20+$0x0] =	vst.idx.msk $0xffff, v23;
	v21 =	vld [tilespmem:s30+$0x20];
	v16 =	vadd.s32 $0xA, v9  }
0xfb: {  	v20 =	vld [tilespmem:s30+$0x30];
	[tilespmem:v14+s20+$0x0] =	vst.idx.msk $0xffff, v15;
	v15 =	vadd.s32 $0xB, v9  }
0xfc: {  	v17 =	vld [tilespmem:s30+$0x40];
	[tilespmem:v11+s20+$0x0] =	vst.idx.msk $0xffff, v13;
	v14 =	vadd.s32 $0xC, v9  }
0xfd: {  	[tilespmem:v24+s20+$0x0] =	vst.idx.msk $0xffff, v18;
	v18 =	vld [tilespmem:s30+$0x50];
	v13 =	vadd.s32 $0xD, v9  }
0xfe: {  	s11 =	simm.s32 $0x0;
	s10 =	smov.u32 s30;
	v12 =	vadd.s32 $0x10, v12;
	v11 =	vadd.s32 $0xE, v9;
	[tilespmem:v19+s20+$0x0] =	vst.idx.msk $0xffff, v25;
	v19 =	vld [tilespmem:s30+$0x60]  }
.LBB2_5:
0xff: {  	v22 =	vadd.s32 v10, v12;
	s11 =	sadd.s32 $0x10, s11;
	v23 =	vld [tilespmem:s10+$0xFFFFFF80];
	[tilespmem:v16+s20+$0x0] =	vst.idx.msk $0xffff, v21;
	s10 =	sadd.s32 $0x100, s10  }
0x100: {  	v21 =	vor.u32 $0x1, v22;
	v24 =	vor.u32 $0x2, v22;
	v25 =	vld [tilespmem:s10+$0x70];
	v26 =	vadd.s32 $0xF, v22;
	p1 =	slt.u32 s11, $0x70;
	[tilespmem:v15+s20+$0x0] =	vst.idx.msk $0xffff, v20  }
0x101: {  	v27 =	vor.u32 $0x3, v22;
	v28 =	vor.u32 $0x4, v22;
	v29 =	vor.u32 $0x5, v22;
	v20 =	vld [tilespmem:s10+$0xFFFFFF90];
	[tilespmem:v14+s20+$0x0] =	vst.idx.msk $0xffff, v17  }
0x102: {  	v30 =	vor.u32 $0x6, v22;
	v31 =	vor.u32 $0x7, v22;
	v32 =	vadd.s32 $0x8, v22;
	v17 =	vld [tilespmem:s10+$0xFFFFFFA0];
	[tilespmem:v13+s20+$0x0] =	vst.idx.msk $0xffff, v18  }
0x103: {  	v33 =	vadd.s32 $0x9, v22;
	v16 =	vadd.s32 $0xA, v22;
	v15 =	vadd.s32 $0xB, v22;
	v18 =	vld [tilespmem:s10+$0xFFFFFFB0];
	[tilespmem:v11+s20+$0x0] =	vst.idx.msk $0xffff, v19  }
0x104: {  	v14 =	vadd.s32 $0xC, v22;
	v13 =	vadd.s32 $0xD, v22;
	v11 =	vadd.s32 $0xE, v22;
	v19 =	vld [tilespmem:s10+$0xFFFFFFC0];
	[tilespmem:v9+s20+$0x0] =	vst.idx.msk $0xffff, v23;
	v9 =	vmovc v22  }
0x105: {  	v22 =	vld [tilespmem:s10+$0xFFFFFFD0];
	[tilespmem:v26+s20+$0x0] =	vst.idx.msk $0xffff, v25  }
0x106: {  	[tilespmem:v21+s20+$0x0] =	vst.idx.msk $0xffff, v20;
	v20 =	vld [tilespmem:s10+$0xFFFFFFE0]  }
0x107: {  	[tilespmem:v24+s20+$0x0] =	vst.idx.msk $0xffff, v17;
	v17 =	vld [tilespmem:s10+$0xFFFFFFF0]  }
0x108: {  	[tilespmem:v27+s20+$0x0] =	vst.idx.msk $0xffff, v18;
	v18 =	vld [tilespmem:s10+$0x0]  }
0x109: {  	[tilespmem:v28+s20+$0x0] =	vst.idx.msk $0xffff, v19;
	v19 =	vld [tilespmem:s10+$0x10]  }
.Ltmp0:
0x10a: {  	[tilespmem:v29+s20+$0x0] =	vst.idx.msk $0xffff, v22;
	v21 =	vld [tilespmem:s10+$0x20];
	(pc) =	sbr.rel @p1 .LBB2_5-.Ltmp0, $4  }
0x10b: {  	[tilespmem:v30+s20+$0x0] =	vst.idx.msk $0xffff, v20;
	v20 =	vld [tilespmem:s10+$0x30]  }
0x10c: {  	[tilespmem:v31+s20+$0x0] =	vst.idx.msk $0xffff, v17;
	v17 =	vld [tilespmem:s10+$0x40]  }
0x10d: {  	[tilespmem:v32+s20+$0x0] =	vst.idx.msk $0xffff, v18;
	v18 =	vld [tilespmem:s10+$0x50]  }
0x10e: {  	v12 =	vadd.s32 $0x10, v12;
	[tilespmem:v33+s20+$0x0] =	vst.idx.msk $0xffff, v19;
	v19 =	vld [tilespmem:s10+$0x60]  }
0x10f: {  	_ =	sdelay $0x2  }
0x110: {  	s0 =	sadd.s32 $0x1, s0  }
0x111: {  	v10 =	vld [tilespmem:s10+$0xFFFFFF80];
	[tilespmem:v16+s20+$0x0] =	vst.idx.msk $0xffff, v21;
	p1 =	sne.s32 s0, $0x8  }
.Ltmp1:
0x112: {  	[tilespmem:v15+s20+$0x0] =	vst.idx.msk $0xffff, v20;
	(pc) =	sbr.rel @p1 .LBB2_4-.Ltmp1, $4  }
0x113: {  	[tilespmem:v14+s20+$0x0] =	vst.idx.msk $0xffff, v17  }
0x114: {  	[tilespmem:v13+s20+$0x0] =	vst.idx.msk $0xffff, v18  }
0x115: {  	[tilespmem:v11+s20+$0x0] =	vst.idx.msk $0xffff, v19  }
0x116: {  	s30 =	sadd.s32 $0x800, s30;
	[tilespmem:v9+s20+$0x0] =	vst.idx.msk $0xffff, v10  }
0x117: {  	s0 =	sshll.u32 s31, $0xD  }
0x118: {  	s0 =	sadd.s32 s6, s0  }
0x119: {  	s11 =	simm.s32 $0x11200;
	s10 =	sadd.s32 s18, s0  }
0x11a: {  	s30 =	simm.s32 $0x10;
	s3 =	simm.s32 $0x11288;
	s17 =	sadd.s32 $0x0, s10  }
.LBB2_8:
0x11b: {  	[hbm4b:s17+s4] =	stream.linear.scatter [tilespmem:s11], [sflag:$0x5], $0x80, $0x38;
	[tilespmem:$0x19A00] =	vst v63  }
0x11c: {  	s17 =	smov.u32 s30;
	s11 =	smov.u32 s3;
	p1 =	sne.s32 s30, $0x7F0  }
.Ltmp2:
0x11d: {  	s30 =	sadd.s32 $0x10, s30;
	(pc) =	sbr.rel @p1 .LBB2_8-.Ltmp2, $2  }
0x11e: {  	_ =	sdelay $0x2  }
0x11f: {  	s3 =	sadd.s32 $0x88, s3;
	s17 =	sadd.s32 s17, s10  }
0x120: {  	[hbm4b:s17+s4] =	stream.linear.scatter [tilespmem:s11], [sflag:$0x5], $0x80, $0x38;
	[tilespmem:$0x19A00] =	vst v63  }
0x121: {  	v9 =	vld [tilespmem:s5+$0x10];
	_ =	sdelay $0x4  }
0x122: {  	v10 =	vbroadcast v9, $0x8;
	_ =	sdelay $0x1  }
0x123: {  	v11 =	vadd.s32 v0, v10  }
0x124: {  	[tilespmem:$0xE00] =	vst v11;
	v11 =	vadd.s32 v1, v10  }
0x125: {  	[tilespmem:$0xE10] =	vst v11;
	v11 =	vadd.s32 v2, v10  }
0x126: {  	[tilespmem:$0xE20] =	vst v11;
	v11 =	vadd.s32 v3, v10  }
0x127: {  	[tilespmem:$0xE30] =	vst v11;
	v11 =	vadd.s32 v4, v10  }
0x128: {  	[tilespmem:$0xE40] =	vst v11;
	v11 =	vadd.s32 v5, v10  }
0x129: {  	v12 =	vbroadcast v9, $0x9;
	[tilespmem:$0xE50] =	vst v11;
	v11 =	vadd.s32 v6, v10  }
0x12a: {  	v10 =	vadd.s32 v7, v10;
	[tilespmem:$0xE60] =	vst v11  }
0x12b: {  	[tilespmem:$0xE70] =	vst v10;
	v10 =	vadd.s32 v0, v12  }
0x12c: {  	[tilespmem:$0xE80] =	vst v10;
	v10 =	vadd.s32 v1, v12  }
0x12d: {  	[tilespmem:$0xE90] =	vst v10;
	v10 =	vadd.s32 v2, v12  }
0x12e: {  	[tilespmem:$0xEA0] =	vst v10;
	v10 =	vadd.s32 v3, v12  }
0x12f: {  	[tilespmem:$0xEB0] =	vst v10;
	v10 =	vadd.s32 v4, v12  }
0x130: {  	[tilespmem:$0xEC0] =	vst v10;
	v10 =	vadd.s32 v5, v12  }
0x131: {  	v11 =	vbroadcast v9, $0xA;
	[tilespmem:$0xED0] =	vst v10;
	v10 =	vadd.s32 v6, v12  }
0x132: {  	[tilespmem:$0xEE0] =	vst v10;
	v10 =	vadd.s32 v7, v12  }
0x133: {  	[tilespmem:$0xEF0] =	vst v10;
	v10 =	vadd.s32 v0, v11  }
0x134: {  	[tilespmem:$0xF00] =	vst v10;
	v10 =	vadd.s32 v1, v11  }
0x135: {  	[tilespmem:$0xF10] =	vst v10;
	v10 =	vadd.s32 v2, v11  }
0x136: {  	[tilespmem:$0xF20] =	vst v10;
	v10 =	vadd.s32 v3, v11  }
0x137: {  	[tilespmem:$0xF30] =	vst v10;
	v10 =	vadd.s32 v4, v11  }
0x138: {  	[tilespmem:$0xF40] =	vst v10;
	v10 =	vadd.s32 v5, v11  }
0x139: {  	v62 =	vbroadcast v9, $0xB;
	[tilespmem:$0xF50] =	vst v10;
	v10 =	vadd.s32 v6, v11  }
0x13a: {  	[tilespmem:$0xF60] =	vst v10;
	v10 =	vadd.s32 v7, v11  }
0x13b: {  	[tilespmem:$0xF70] =	vst v10;
	v10 =	vadd.s32 v0, v62  }
0x13c: {  	[tilespmem:$0xF80] =	vst v10;
	v10 =	vadd.s32 v1, v62  }
0x13d: {  	[tilespmem:$0xF90] =	vst v10;
	v10 =	vadd.s32 v2, v62  }
0x13e: {  	[tilespmem:$0xFA0] =	vst v10;
	v10 =	vadd.s32 v3, v62  }
0x13f: {  	[tilespmem:$0xFB0] =	vst v10;
	v10 =	vadd.s32 v4, v62  }
0x140: {  	[tilespmem:$0xFC0] =	vst v10;
	v10 =	vadd.s32 v5, v62  }
0x141: {  	v11 =	vbroadcast v9, $0xC;
	[tilespmem:$0xFD0] =	vst v10;
	v10 =	vadd.s32 v6, v62  }
0x142: {  	[tilespmem:$0xFE0] =	vst v10;
	v10 =	vadd.s32 v7, v62  }
0x143: {  	[tilespmem:$0xFF0] =	vst v10;
	v10 =	vadd.s32 v0, v11  }
0x144: {  	[tilespmem:$0x1000] =	vst v10;
	v10 =	vadd.s32 v1, v11  }
0x145: {  	[tilespmem:$0x1010] =	vst v10;
	v10 =	vadd.s32 v2, v11  }
0x146: {  	[tilespmem:$0x1020] =	vst v10;
	v10 =	vadd.s32 v3, v11  }
0x147: {  	[tilespmem:$0x1030] =	vst v10;
	v10 =	vadd.s32 v4, v11  }
0x148: {  	[tilespmem:$0x1040] =	vst v10;
	v10 =	vadd.s32 v5, v11  }
0x149: {  	v63 =	vbroadcast v9, $0xD;
	[tilespmem:$0x1050] =	vst v10;
	v10 =	vadd.s32 v6, v11  }
0x14a: {  	[tilespmem:$0x1060] =	vst v10;
	v10 =	vadd.s32 v7, v11  }
0x14b: {  	[tilespmem:$0x1070] =	vst v10;
	v10 =	vadd.s32 v0, v63  }
0x14c: {  	[tilespmem:$0x1080] =	vst v10;
	v10 =	vadd.s32 v1, v63  }
0x14d: {  	[tilespmem:$0x1090] =	vst v10;
	v10 =	vadd.s32 v2, v63  }
0x14e: {  	[tilespmem:$0x10A0] =	vst v10;
	v10 =	vadd.s32 v3, v63  }
0x14f: {  	[tilespmem:$0x10B0] =	vst v10;
	v10 =	vadd.s32 v4, v63  }
0x150: {  	[tilespmem:$0x10C0] =	vst v10;
	v10 =	vadd.s32 v5, v63  }
0x151: {  	v11 =	vbroadcast v9, $0xE;
	[tilespmem:$0x10D0] =	vst v10;
	v10 =	vadd.s32 v6, v63  }
0x152: {  	[tilespmem:$0x10E0] =	vst v10;
	v10 =	vadd.s32 v7, v63  }
0x153: {  	[tilespmem:$0x10F0] =	vst v10;
	v10 =	vadd.s32 v0, v11  }
0x154: {  	[tilespmem:$0x1100] =	vst v10;
	v10 =	vadd.s32 v1, v11  }
0x155: {  	[tilespmem:$0x1110] =	vst v10;
	v10 =	vadd.s32 v2, v11  }
0x156: {  	[tilespmem:$0x1120] =	vst v10;
	v10 =	vadd.s32 v3, v11  }
0x157: {  	[tilespmem:$0x1130] =	vst v10;
	v10 =	vadd.s32 v4, v11  }
0x158: {  	[tilespmem:$0x1140] =	vst v10;
	v10 =	vadd.s32 v5, v11  }
0x159: {  	v9 =	vbroadcast v9, $0xF;
	[tilespmem:$0x1150] =	vst v10;
	v10 =	vadd.s32 v6, v11  }
0x15a: {  	[tilespmem:$0x1160] =	vst v10;
	v10 =	vadd.s32 v7, v11  }
0x15b: {  	[tilespmem:$0x1170] =	vst v10;
	v10 =	vadd.s32 v0, v9  }
0x15c: {  	[tilespmem:$0x1180] =	vst v10;
	v10 =	vadd.s32 v1, v9  }
0x15d: {  	[tilespmem:$0x1190] =	vst v10;
	v10 =	vadd.s32 v2, v9  }
0x15e: {  	[tilespmem:$0x11A0] =	vst v10;
	v10 =	vadd.s32 v3, v9  }
0x15f: {  	[tilespmem:$0x11B0] =	vst v10;
	v10 =	vadd.s32 v4, v9  }
0x160: {  	[tilespmem:$0x11C0] =	vst v10;
	v10 =	vadd.s32 v5, v9  }
0x161: {  	[tilespmem:$0x11D0] =	vst v10;
	v10 =	vadd.s32 v6, v9  }
0x162: {  	v9 =	vadd.s32 v7, v9;
	[tilespmem:$0x11E0] =	vst v10  }
0x163: {  	[tilespmem:$0x11F0] =	vst v9  }
0x164: {  	[tilespmem:s22], [sflag:$0x4] =	stream.indirect.gather [hbm4b:s2+s12], $0x10, s21, s12, $0xb8;
	[tilespmem:$0x19A00] =	vst v63  }
0x165: {  	_ =	swait.ge [sflag:s23], $0x4000  }
0x166: {  	[sflag:s23] =	ssyncset.done $0x0  }
0x167: {  	s3 =	simm.s32 @!p0 $0x6;
	[sflag:s23] =	ssyncadd.s32 $0xFFFFC000  }
0x168: {  	_ =	swait.ge @!p0 [sflag:s3], $0x4000  }
0x169: {  	[sflag:s3] =	ssyncset.done @!p0 $0x0  }
0x16a: {  	s10 =	simm.s32 $0x5280;
	s5 =	simm.s32 $0x0;
	[sflag:s3] =	ssyncadd.s32 @!p0 $0xFFFFC000  }
.LBB2_10:
0x16b: {  	s3 =	sshll.u32 s5, $0x4  }
0x16c: {  	v9 =	vmov s3  }
0x16d: {  	v9 =	vmul.u32 $0x88, v9;
	_ =	sdelay $0x1  }
0x16e: {  	v9 =	vbroadcast v9, $0x0;
	_ =	sdelay $0x1  }
0x16f: {  	v12 =	vimm.s32 $0x0;
	v10 =	vadd.s32 v8, v9  }
0x170: {  	v9 =	vadd.s32 v10, v12  }
0x171: {  	v11 =	vld [tilespmem:s10+$0x70];
	v13 =	vadd.s32 $0xF, v9  }
0x172: {  	v15 =	vld [tilespmem:s10+$0xFFFFFF90];
	v14 =	vor.u32 $0x1, v9  }
0x173: {  	v17 =	vld [tilespmem:s10+$0xFFFFFFA0];
	v16 =	vor.u32 $0x2, v9  }
0x174: {  	v19 =	vld [tilespmem:s10+$0xFFFFFFB0];
	v18 =	vor.u32 $0x3, v9  }
0x175: {  	v21 =	vld [tilespmem:s10+$0xFFFFFFC0];
	v20 =	vor.u32 $0x4, v9  }
0x176: {  	v23 =	vld [tilespmem:s10+$0xFFFFFFD0];
	v22 =	vor.u32 $0x5, v9;
	[tilespmem:v13+s24+$0x0] =	vst.idx.msk $0xffff, v11  }
0x177: {  	[tilespmem:v14+s24+$0x0] =	vst.idx.msk $0xffff, v15;
	v14 =	vor.u32 $0x7, v9;
	v15 =	vld [tilespmem:s10+$0xFFFFFFF0]  }
0x178: {  	v11 =	vor.u32 $0x6, v9;
	v13 =	vld [tilespmem:s10+$0xFFFFFFE0];
	[tilespmem:v16+s24+$0x0] =	vst.idx.msk $0xffff, v17  }
0x179: {  	v24 =	vadd.s32 $0x8, v9;
	[tilespmem:v18+s24+$0x0] =	vst.idx.msk $0xffff, v19;
	v18 =	vld [tilespmem:s10+$0x0]  }
0x17a: {  	v25 =	vld [tilespmem:s10+$0x10];
	v19 =	vadd.s32 $0x9, v9;
	[tilespmem:v20+s24+$0x0] =	vst.idx.msk $0xffff, v21  }
0x17b: {  	[tilespmem:v22+s24+$0x0] =	vst.idx.msk $0xffff, v23;
	v21 =	vld [tilespmem:s10+$0x20];
	v16 =	vadd.s32 $0xA, v9  }
0x17c: {  	v20 =	vld [tilespmem:s10+$0x30];
	[tilespmem:v14+s24+$0x0] =	vst.idx.msk $0xffff, v15;
	v15 =	vadd.s32 $0xB, v9  }
0x17d: {  	v17 =	vld [tilespmem:s10+$0x40];
	[tilespmem:v11+s24+$0x0] =	vst.idx.msk $0xffff, v13;
	v14 =	vadd.s32 $0xC, v9  }
0x17e: {  	[tilespmem:v24+s24+$0x0] =	vst.idx.msk $0xffff, v18;
	v18 =	vld [tilespmem:s10+$0x50];
	v13 =	vadd.s32 $0xD, v9  }
0x17f: {  	s11 =	simm.s32 $0x0;
	s30 =	smov.u32 s10;
	v12 =	vadd.s32 $0x10, v12;
	v11 =	vadd.s32 $0xE, v9;
	[tilespmem:v19+s24+$0x0] =	vst.idx.msk $0xffff, v25;
	v19 =	vld [tilespmem:s10+$0x60]  }
.LBB2_11:
0x180: {  	v22 =	vadd.s32 v10, v12;
	s11 =	sadd.s32 $0x10, s11;
	v23 =	vld [tilespmem:s30+$0xFFFFFF80];
	[tilespmem:v16+s24+$0x0] =	vst.idx.msk $0xffff, v21;
	s30 =	sadd.s32 $0x100, s30  }
0x181: {  	v21 =	vor.u32 $0x1, v22;
	v24 =	vor.u32 $0x2, v22;
	v25 =	vld [tilespmem:s30+$0x70];
	v26 =	vadd.s32 $0xF, v22;
	p0 =	slt.u32 s11, $0x70;
	[tilespmem:v15+s24+$0x0] =	vst.idx.msk $0xffff, v20  }
0x182: {  	v27 =	vor.u32 $0x3, v22;
	v28 =	vor.u32 $0x4, v22;
	v29 =	vor.u32 $0x5, v22;
	v20 =	vld [tilespmem:s30+$0xFFFFFF90];
	[tilespmem:v14+s24+$0x0] =	vst.idx.msk $0xffff, v17  }
0x183: {  	v30 =	vor.u32 $0x6, v22;
	v31 =	vor.u32 $0x7, v22;
	v32 =	vadd.s32 $0x8, v22;
	v17 =	vld [tilespmem:s30+$0xFFFFFFA0];
	[tilespmem:v13+s24+$0x0] =	vst.idx.msk $0xffff, v18  }
0x184: {  	v33 =	vadd.s32 $0x9, v22;
	v16 =	vadd.s32 $0xA, v22;
	v15 =	vadd.s32 $0xB, v22;
	v18 =	vld [tilespmem:s30+$0xFFFFFFB0];
	[tilespmem:v11+s24+$0x0] =	vst.idx.msk $0xffff, v19  }
0x185: {  	v14 =	vadd.s32 $0xC, v22;
	v13 =	vadd.s32 $0xD, v22;
	v11 =	vadd.s32 $0xE, v22;
	v19 =	vld [tilespmem:s30+$0xFFFFFFC0];
	[tilespmem:v9+s24+$0x0] =	vst.idx.msk $0xffff, v23;
	v9 =	vmovc v22  }
0x186: {  	v22 =	vld [tilespmem:s30+$0xFFFFFFD0];
	[tilespmem:v26+s24+$0x0] =	vst.idx.msk $0xffff, v25  }
0x187: {  	[tilespmem:v21+s24+$0x0] =	vst.idx.msk $0xffff, v20;
	v20 =	vld [tilespmem:s30+$0xFFFFFFE0]  }
0x188: {  	[tilespmem:v24+s24+$0x0] =	vst.idx.msk $0xffff, v17;
	v17 =	vld [tilespmem:s30+$0xFFFFFFF0]  }
0x189: {  	[tilespmem:v27+s24+$0x0] =	vst.idx.msk $0xffff, v18;
	v18 =	vld [tilespmem:s30+$0x0]  }
0x18a: {  	[tilespmem:v28+s24+$0x0] =	vst.idx.msk $0xffff, v19;
	v19 =	vld [tilespmem:s30+$0x10]  }
.Ltmp3:
0x18b: {  	[tilespmem:v29+s24+$0x0] =	vst.idx.msk $0xffff, v22;
	v21 =	vld [tilespmem:s30+$0x20];
	(pc) =	sbr.rel @p0 .LBB2_11-.Ltmp3, $4  }
0x18c: {  	[tilespmem:v30+s24+$0x0] =	vst.idx.msk $0xffff, v20;
	v20 =	vld [tilespmem:s30+$0x30]  }
0x18d: {  	[tilespmem:v31+s24+$0x0] =	vst.idx.msk $0xffff, v17;
	v17 =	vld [tilespmem:s30+$0x40]  }
0x18e: {  	[tilespmem:v32+s24+$0x0] =	vst.idx.msk $0xffff, v18;
	v18 =	vld [tilespmem:s30+$0x50]  }
0x18f: {  	v12 =	vadd.s32 $0x10, v12;
	[tilespmem:v33+s24+$0x0] =	vst.idx.msk $0xffff, v19;
	v19 =	vld [tilespmem:s30+$0x60]  }
0x190: {  	_ =	sdelay $0x2  }
0x191: {  	s5 =	sadd.s32 $0x1, s5  }
0x192: {  	v10 =	vld [tilespmem:s30+$0xFFFFFF80];
	[tilespmem:v16+s24+$0x0] =	vst.idx.msk $0xffff, v21;
	p0 =	sne.s32 s5, $0x8  }
.Ltmp4:
0x193: {  	[tilespmem:v15+s24+$0x0] =	vst.idx.msk $0xffff, v20;
	(pc) =	sbr.rel @p0 .LBB2_10-.Ltmp4, $4  }
0x194: {  	[tilespmem:v14+s24+$0x0] =	vst.idx.msk $0xffff, v17  }
0x195: {  	[tilespmem:v13+s24+$0x0] =	vst.idx.msk $0xffff, v18  }
0x196: {  	[tilespmem:v11+s24+$0x0] =	vst.idx.msk $0xffff, v19  }
0x197: {  	s10 =	sadd.s32 $0x800, s10;
	[tilespmem:v9+s24+$0x0] =	vst.idx.msk $0xffff, v10  }
0x198: {  	s5 =	sadd.s32 s0, s7;
	s10 =	simm.s32 $0x15600  }
0x199: {  	s11 =	simm.s32 $0x10;
	s3 =	simm.s32 $0x15688;
	s17 =	sadd.s32 $0x0, s5  }
.LBB2_14:
0x19a: {  	[hbm4b:s17+s4] =	stream.linear.scatter [tilespmem:s10], [sflag:$0x6], $0x80, $0x38;
	[tilespmem:$0x19A00] =	vst v63  }
0x19b: {  	s17 =	smov.u32 s11;
	s10 =	smov.u32 s3;
	p0 =	sne.s32 s11, $0x7F0  }
.Ltmp5:
0x19c: {  	s11 =	sadd.s32 $0x10, s11;
	(pc) =	sbr.rel @p0 .LBB2_14-.Ltmp5, $2  }
0x19d: {  	_ =	sdelay $0x2  }
0x19e: {  	s3 =	sadd.s32 $0x88, s3;
	s17 =	sadd.s32 s17, s5  }
0x19f: {  	[hbm4b:s17+s4] =	stream.linear.scatter [tilespmem:s10], [sflag:$0x6], $0x80, $0x38;
	[tilespmem:$0x19A00] =	vst v63  }
0x1a0: {  	s1 =	sshll.u32 s1, $0x4  }
0x1a1: {  	v9 =	vld [tilespmem:s1+$0x20];
	_ =	sdelay $0x4  }
0x1a2: {  	v10 =	vbroadcast v9, $0x0;
	_ =	sdelay $0x1  }
0x1a3: {  	v11 =	vadd.s32 v0, v10  }
0x1a4: {  	[tilespmem:$0x200] =	vst v11;
	v11 =	vadd.s32 v1, v10  }
0x1a5: {  	[tilespmem:$0x210] =	vst v11;
	v11 =	vadd.s32 v2, v10  }
0x1a6: {  	[tilespmem:$0x220] =	vst v11;
	v11 =	vadd.s32 v3, v10  }
0x1a7: {  	[tilespmem:$0x230] =	vst v11;
	v11 =	vadd.s32 v4, v10  }
0x1a8: {  	[tilespmem:$0x240] =	vst v11;
	v11 =	vadd.s32 v5, v10  }
0x1a9: {  	v12 =	vbroadcast v9, $0x1;
	[tilespmem:$0x250] =	vst v11;
	v11 =	vadd.s32 v6, v10  }
0x1aa: {  	v10 =	vadd.s32 v7, v10;
	[tilespmem:$0x260] =	vst v11  }
0x1ab: {  	[tilespmem:$0x270] =	vst v10;
	v10 =	vadd.s32 v0, v12  }
0x1ac: {  	[tilespmem:$0x280] =	vst v10;
	v10 =	vadd.s32 v1, v12  }
0x1ad: {  	[tilespmem:$0x290] =	vst v10;
	v10 =	vadd.s32 v2, v12  }
0x1ae: {  	[tilespmem:$0x2A0] =	vst v10;
	v10 =	vadd.s32 v3, v12  }
0x1af: {  	[tilespmem:$0x2B0] =	vst v10;
	v10 =	vadd.s32 v4, v12  }
0x1b0: {  	[tilespmem:$0x2C0] =	vst v10;
	v10 =	vadd.s32 v5, v12  }
0x1b1: {  	v11 =	vbroadcast v9, $0x2;
	[tilespmem:$0x2D0] =	vst v10;
	v10 =	vadd.s32 v6, v12  }
0x1b2: {  	[tilespmem:$0x2E0] =	vst v10;
	v10 =	vadd.s32 v7, v12  }
0x1b3: {  	[tilespmem:$0x2F0] =	vst v10;
	v10 =	vadd.s32 v0, v11  }
0x1b4: {  	[tilespmem:$0x300] =	vst v10;
	v10 =	vadd.s32 v1, v11  }
0x1b5: {  	[tilespmem:$0x310] =	vst v10;
	v10 =	vadd.s32 v2, v11  }
0x1b6: {  	[tilespmem:$0x320] =	vst v10;
	v10 =	vadd.s32 v3, v11  }
0x1b7: {  	[tilespmem:$0x330] =	vst v10;
	v10 =	vadd.s32 v4, v11  }
0x1b8: {  	[tilespmem:$0x340] =	vst v10;
	v10 =	vadd.s32 v5, v11  }
0x1b9: {  	v62 =	vbroadcast v9, $0x3;
	[tilespmem:$0x350] =	vst v10;
	v10 =	vadd.s32 v6, v11  }
0x1ba: {  	[tilespmem:$0x360] =	vst v10;
	v10 =	vadd.s32 v7, v11  }
0x1bb: {  	[tilespmem:$0x370] =	vst v10;
	v10 =	vadd.s32 v0, v62  }
0x1bc: {  	[tilespmem:$0x380] =	vst v10;
	v10 =	vadd.s32 v1, v62  }
0x1bd: {  	[tilespmem:$0x390] =	vst v10;
	v10 =	vadd.s32 v2, v62  }
0x1be: {  	[tilespmem:$0x3A0] =	vst v10;
	v10 =	vadd.s32 v3, v62  }
0x1bf: {  	[tilespmem:$0x3B0] =	vst v10;
	v10 =	vadd.s32 v4, v62  }
0x1c0: {  	[tilespmem:$0x3C0] =	vst v10;
	v10 =	vadd.s32 v5, v62  }
0x1c1: {  	v11 =	vbroadcast v9, $0x4;
	[tilespmem:$0x3D0] =	vst v10;
	v10 =	vadd.s32 v6, v62  }
0x1c2: {  	[tilespmem:$0x3E0] =	vst v10;
	v10 =	vadd.s32 v7, v62  }
0x1c3: {  	[tilespmem:$0x3F0] =	vst v10;
	v10 =	vadd.s32 v0, v11  }
0x1c4: {  	[tilespmem:$0x400] =	vst v10;
	v10 =	vadd.s32 v1, v11  }
0x1c5: {  	[tilespmem:$0x410] =	vst v10;
	v10 =	vadd.s32 v2, v11  }
0x1c6: {  	[tilespmem:$0x420] =	vst v10;
	v10 =	vadd.s32 v3, v11  }
0x1c7: {  	[tilespmem:$0x430] =	vst v10;
	v10 =	vadd.s32 v4, v11  }
0x1c8: {  	[tilespmem:$0x440] =	vst v10;
	v10 =	vadd.s32 v5, v11  }
0x1c9: {  	v63 =	vbroadcast v9, $0x5;
	[tilespmem:$0x450] =	vst v10;
	v10 =	vadd.s32 v6, v11  }
0x1ca: {  	[tilespmem:$0x460] =	vst v10;
	v10 =	vadd.s32 v7, v11  }
0x1cb: {  	[tilespmem:$0x470] =	vst v10;
	v10 =	vadd.s32 v0, v63  }
0x1cc: {  	[tilespmem:$0x480] =	vst v10;
	v10 =	vadd.s32 v1, v63  }
0x1cd: {  	[tilespmem:$0x490] =	vst v10;
	v10 =	vadd.s32 v2, v63  }
0x1ce: {  	[tilespmem:$0x4A0] =	vst v10;
	v10 =	vadd.s32 v3, v63  }
0x1cf: {  	[tilespmem:$0x4B0] =	vst v10;
	v10 =	vadd.s32 v4, v63  }
0x1d0: {  	[tilespmem:$0x4C0] =	vst v10;
	v10 =	vadd.s32 v5, v63  }
0x1d1: {  	v11 =	vbroadcast v9, $0x6;
	[tilespmem:$0x4D0] =	vst v10;
	v10 =	vadd.s32 v6, v63  }
0x1d2: {  	[tilespmem:$0x4E0] =	vst v10;
	v10 =	vadd.s32 v7, v63  }
0x1d3: {  	[tilespmem:$0x4F0] =	vst v10;
	v10 =	vadd.s32 v0, v11  }
0x1d4: {  	[tilespmem:$0x500] =	vst v10;
	v10 =	vadd.s32 v1, v11  }
0x1d5: {  	[tilespmem:$0x510] =	vst v10;
	v10 =	vadd.s32 v2, v11  }
0x1d6: {  	[tilespmem:$0x520] =	vst v10;
	v10 =	vadd.s32 v3, v11  }
0x1d7: {  	[tilespmem:$0x530] =	vst v10;
	v10 =	vadd.s32 v4, v11  }
0x1d8: {  	[tilespmem:$0x540] =	vst v10;
	v10 =	vadd.s32 v5, v11  }
0x1d9: {  	v9 =	vbroadcast v9, $0x7;
	[tilespmem:$0x550] =	vst v10;
	v10 =	vadd.s32 v6, v11  }
0x1da: {  	[tilespmem:$0x560] =	vst v10;
	v10 =	vadd.s32 v7, v11  }
0x1db: {  	[tilespmem:$0x570] =	vst v10;
	v10 =	vadd.s32 v0, v9  }
0x1dc: {  	[tilespmem:$0x580] =	vst v10;
	v10 =	vadd.s32 v1, v9  }
0x1dd: {  	[tilespmem:$0x590] =	vst v10;
	v10 =	vadd.s32 v2, v9  }
0x1de: {  	[tilespmem:$0x5A0] =	vst v10;
	v10 =	vadd.s32 v3, v9  }
0x1df: {  	[tilespmem:$0x5B0] =	vst v10;
	v10 =	vadd.s32 v4, v9  }
0x1e0: {  	[tilespmem:$0x5C0] =	vst v10;
	v10 =	vadd.s32 v5, v9  }
0x1e1: {  	[tilespmem:$0x5D0] =	vst v10;
	v10 =	vadd.s32 v6, v9  }
0x1e2: {  	v9 =	vadd.s32 v7, v9;
	[tilespmem:$0x5E0] =	vst v10  }
0x1e3: {  	[tilespmem:$0x5F0] =	vst v9  }
0x1e4: {  	[tilespmem:s14], [sflag:$0x1] =	stream.indirect.gather [hbm4b:s2+s12], $0x10, s13, s12, $0xb8;
	[tilespmem:$0x19A00] =	vst v63  }
0x1e5: {  	_ =	swait.ge [sflag:s25], $0x4000  }
0x1e6: {  	[sflag:s25] =	ssyncset.done $0x0  }
0x1e7: {  	[sflag:s25] =	ssyncadd.s32 $0xFFFFC000  }
0x1e8: {  	_ =	swait.ge [sflag:s26], $0x4000  }
0x1e9: {  	[sflag:s26] =	ssyncset.done $0x0  }
0x1ea: {  	s5 =	simm.s32 $0x0;
	s10 =	simm.s32 $0x9280;
	[sflag:s26] =	ssyncadd.s32 $0xFFFFC000  }
.LBB2_16:
0x1eb: {  	s3 =	sshll.u32 s5, $0x4  }
0x1ec: {  	v9 =	vmov s3  }
0x1ed: {  	v9 =	vmul.u32 $0x88, v9;
	_ =	sdelay $0x1  }
0x1ee: {  	v9 =	vbroadcast v9, $0x0;
	_ =	sdelay $0x1  }
0x1ef: {  	v12 =	vimm.s32 $0x0;
	v10 =	vadd.s32 v8, v9  }
0x1f0: {  	v9 =	vadd.s32 v10, v12  }
0x1f1: {  	v11 =	vld [tilespmem:s10+$0x70];
	v13 =	vadd.s32 $0xF, v9  }
0x1f2: {  	v15 =	vld [tilespmem:s10+$0xFFFFFF90];
	v14 =	vor.u32 $0x1, v9  }
0x1f3: {  	v17 =	vld [tilespmem:s10+$0xFFFFFFA0];
	v16 =	vor.u32 $0x2, v9  }
0x1f4: {  	v19 =	vld [tilespmem:s10+$0xFFFFFFB0];
	v18 =	vor.u32 $0x3, v9  }
0x1f5: {  	v21 =	vld [tilespmem:s10+$0xFFFFFFC0];
	v20 =	vor.u32 $0x4, v9  }
0x1f6: {  	v23 =	vld [tilespmem:s10+$0xFFFFFFD0];
	v22 =	vor.u32 $0x5, v9;
	[tilespmem:v13+s20+$0x0] =	vst.idx.msk $0xffff, v11  }
0x1f7: {  	[tilespmem:v14+s20+$0x0] =	vst.idx.msk $0xffff, v15;
	v14 =	vor.u32 $0x7, v9;
	v15 =	vld [tilespmem:s10+$0xFFFFFFF0]  }
0x1f8: {  	v11 =	vor.u32 $0x6, v9;
	v13 =	vld [tilespmem:s10+$0xFFFFFFE0];
	[tilespmem:v16+s20+$0x0] =	vst.idx.msk $0xffff, v17  }
0x1f9: {  	v24 =	vadd.s32 $0x8, v9;
	[tilespmem:v18+s20+$0x0] =	vst.idx.msk $0xffff, v19;
	v18 =	vld [tilespmem:s10+$0x0]  }
0x1fa: {  	v25 =	vld [tilespmem:s10+$0x10];
	v19 =	vadd.s32 $0x9, v9;
	[tilespmem:v20+s20+$0x0] =	vst.idx.msk $0xffff, v21  }
0x1fb: {  	[tilespmem:v22+s20+$0x0] =	vst.idx.msk $0xffff, v23;
	v21 =	vld [tilespmem:s10+$0x20];
	v16 =	vadd.s32 $0xA, v9  }
0x1fc: {  	v20 =	vld [tilespmem:s10+$0x30];
	[tilespmem:v14+s20+$0x0] =	vst.idx.msk $0xffff, v15;
	v15 =	vadd.s32 $0xB, v9  }
0x1fd: {  	v17 =	vld [tilespmem:s10+$0x40];
	[tilespmem:v11+s20+$0x0] =	vst.idx.msk $0xffff, v13;
	v14 =	vadd.s32 $0xC, v9  }
0x1fe: {  	[tilespmem:v24+s20+$0x0] =	vst.idx.msk $0xffff, v18;
	v18 =	vld [tilespmem:s10+$0x50];
	v13 =	vadd.s32 $0xD, v9  }
0x1ff: {  	s11 =	simm.s32 $0x0;
	s30 =	smov.u32 s10;
	v12 =	vadd.s32 $0x10, v12;
	v11 =	vadd.s32 $0xE, v9;
	[tilespmem:v19+s20+$0x0] =	vst.idx.msk $0xffff, v25;
	v19 =	vld [tilespmem:s10+$0x60]  }
.LBB2_17:
0x200: {  	v22 =	vadd.s32 v10, v12;
	s11 =	sadd.s32 $0x10, s11;
	v23 =	vld [tilespmem:s30+$0xFFFFFF80];
	[tilespmem:v16+s20+$0x0] =	vst.idx.msk $0xffff, v21;
	s30 =	sadd.s32 $0x100, s30  }
0x201: {  	v21 =	vor.u32 $0x1, v22;
	v24 =	vor.u32 $0x2, v22;
	v25 =	vld [tilespmem:s30+$0x70];
	v26 =	vadd.s32 $0xF, v22;
	p0 =	slt.u32 s11, $0x70;
	[tilespmem:v15+s20+$0x0] =	vst.idx.msk $0xffff, v20  }
0x202: {  	v27 =	vor.u32 $0x3, v22;
	v28 =	vor.u32 $0x4, v22;
	v29 =	vor.u32 $0x5, v22;
	v20 =	vld [tilespmem:s30+$0xFFFFFF90];
	[tilespmem:v14+s20+$0x0] =	vst.idx.msk $0xffff, v17  }
0x203: {  	v30 =	vor.u32 $0x6, v22;
	v31 =	vor.u32 $0x7, v22;
	v32 =	vadd.s32 $0x8, v22;
	v17 =	vld [tilespmem:s30+$0xFFFFFFA0];
	[tilespmem:v13+s20+$0x0] =	vst.idx.msk $0xffff, v18  }
0x204: {  	v33 =	vadd.s32 $0x9, v22;
	v16 =	vadd.s32 $0xA, v22;
	v15 =	vadd.s32 $0xB, v22;
	v18 =	vld [tilespmem:s30+$0xFFFFFFB0];
	[tilespmem:v11+s20+$0x0] =	vst.idx.msk $0xffff, v19  }
0x205: {  	v14 =	vadd.s32 $0xC, v22;
	v13 =	vadd.s32 $0xD, v22;
	v11 =	vadd.s32 $0xE, v22;
	v19 =	vld [tilespmem:s30+$0xFFFFFFC0];
	[tilespmem:v9+s20+$0x0] =	vst.idx.msk $0xffff, v23;
	v9 =	vmovc v22  }
0x206: {  	v22 =	vld [tilespmem:s30+$0xFFFFFFD0];
	[tilespmem:v26+s20+$0x0] =	vst.idx.msk $0xffff, v25  }
0x207: {  	[tilespmem:v21+s20+$0x0] =	vst.idx.msk $0xffff, v20;
	v20 =	vld [tilespmem:s30+$0xFFFFFFE0]  }
0x208: {  	[tilespmem:v24+s20+$0x0] =	vst.idx.msk $0xffff, v17;
	v17 =	vld [tilespmem:s30+$0xFFFFFFF0]  }
0x209: {  	[tilespmem:v27+s20+$0x0] =	vst.idx.msk $0xffff, v18;
	v18 =	vld [tilespmem:s30+$0x0]  }
0x20a: {  	[tilespmem:v28+s20+$0x0] =	vst.idx.msk $0xffff, v19;
	v19 =	vld [tilespmem:s30+$0x10]  }
.Ltmp6:
0x20b: {  	[tilespmem:v29+s20+$0x0] =	vst.idx.msk $0xffff, v22;
	v21 =	vld [tilespmem:s30+$0x20];
	(pc) =	sbr.rel @p0 .LBB2_17-.Ltmp6, $4  }
0x20c: {  	[tilespmem:v30+s20+$0x0] =	vst.idx.msk $0xffff, v20;
	v20 =	vld [tilespmem:s30+$0x30]  }
0x20d: {  	[tilespmem:v31+s20+$0x0] =	vst.idx.msk $0xffff, v17;
	v17 =	vld [tilespmem:s30+$0x40]  }
0x20e: {  	[tilespmem:v32+s20+$0x0] =	vst.idx.msk $0xffff, v18;
	v18 =	vld [tilespmem:s30+$0x50]  }
0x20f: {  	v12 =	vadd.s32 $0x10, v12;
	[tilespmem:v33+s20+$0x0] =	vst.idx.msk $0xffff, v19;
	v19 =	vld [tilespmem:s30+$0x60]  }
0x210: {  	_ =	sdelay $0x2  }
0x211: {  	s5 =	sadd.s32 $0x1, s5  }
0x212: {  	v10 =	vld [tilespmem:s30+$0xFFFFFF80];
	[tilespmem:v16+s20+$0x0] =	vst.idx.msk $0xffff, v21;
	p0 =	sne.s32 s5, $0x8  }
.Ltmp7:
0x213: {  	[tilespmem:v15+s20+$0x0] =	vst.idx.msk $0xffff, v20;
	(pc) =	sbr.rel @p0 .LBB2_16-.Ltmp7, $4  }
0x214: {  	[tilespmem:v14+s20+$0x0] =	vst.idx.msk $0xffff, v17  }
0x215: {  	[tilespmem:v13+s20+$0x0] =	vst.idx.msk $0xffff, v18  }
0x216: {  	[tilespmem:v11+s20+$0x0] =	vst.idx.msk $0xffff, v19  }
0x217: {  	s10 =	sadd.s32 $0x800, s10;
	[tilespmem:v9+s20+$0x0] =	vst.idx.msk $0xffff, v10  }
0x218: {  	s5 =	sadd.s32 s0, s8;
	s10 =	simm.s32 $0x11200  }
0x219: {  	s11 =	simm.s32 $0x10;
	s3 =	simm.s32 $0x11288;
	s17 =	sadd.s32 $0x0, s5  }
.LBB2_20:
0x21a: {  	[hbm4b:s17+s4] =	stream.linear.scatter [tilespmem:s10], [sflag:$0x5], $0x80, $0x38;
	[tilespmem:$0x19A00] =	vst v63  }
0x21b: {  	s17 =	smov.u32 s11;
	s10 =	smov.u32 s3;
	p0 =	sne.s32 s11, $0x7F0  }
.Ltmp8:
0x21c: {  	s11 =	sadd.s32 $0x10, s11;
	(pc) =	sbr.rel @p0 .LBB2_20-.Ltmp8, $2  }
0x21d: {  	_ =	sdelay $0x2  }
0x21e: {  	s3 =	sadd.s32 $0x88, s3;
	s17 =	sadd.s32 s17, s5  }
0x21f: {  	[hbm4b:s17+s4] =	stream.linear.scatter [tilespmem:s10], [sflag:$0x5], $0x80, $0x38;
	[tilespmem:$0x19A00] =	vst v63  }
0x220: {  	v9 =	vld [tilespmem:s1+$0x20];
	_ =	sdelay $0x4  }
0x221: {  	v10 =	vbroadcast v9, $0x8;
	_ =	sdelay $0x1  }
0x222: {  	v11 =	vadd.s32 v0, v10  }
0x223: {  	[tilespmem:$0x600] =	vst v11;
	v11 =	vadd.s32 v1, v10  }
0x224: {  	[tilespmem:$0x610] =	vst v11;
	v11 =	vadd.s32 v2, v10  }
0x225: {  	[tilespmem:$0x620] =	vst v11;
	v11 =	vadd.s32 v3, v10  }
0x226: {  	[tilespmem:$0x630] =	vst v11;
	v11 =	vadd.s32 v4, v10  }
0x227: {  	[tilespmem:$0x640] =	vst v11;
	v11 =	vadd.s32 v5, v10  }
0x228: {  	v12 =	vbroadcast v9, $0x9;
	[tilespmem:$0x650] =	vst v11;
	v11 =	vadd.s32 v6, v10  }
0x229: {  	v10 =	vadd.s32 v7, v10;
	[tilespmem:$0x660] =	vst v11  }
0x22a: {  	[tilespmem:$0x670] =	vst v10;
	v10 =	vadd.s32 v0, v12  }
0x22b: {  	[tilespmem:$0x680] =	vst v10;
	v10 =	vadd.s32 v1, v12  }
0x22c: {  	[tilespmem:$0x690] =	vst v10;
	v10 =	vadd.s32 v2, v12  }
0x22d: {  	[tilespmem:$0x6A0] =	vst v10;
	v10 =	vadd.s32 v3, v12  }
0x22e: {  	[tilespmem:$0x6B0] =	vst v10;
	v10 =	vadd.s32 v4, v12  }
0x22f: {  	[tilespmem:$0x6C0] =	vst v10;
	v10 =	vadd.s32 v5, v12  }
0x230: {  	v11 =	vbroadcast v9, $0xA;
	[tilespmem:$0x6D0] =	vst v10;
	v10 =	vadd.s32 v6, v12  }
0x231: {  	[tilespmem:$0x6E0] =	vst v10;
	v10 =	vadd.s32 v7, v12  }
0x232: {  	[tilespmem:$0x6F0] =	vst v10;
	v10 =	vadd.s32 v0, v11  }
0x233: {  	[tilespmem:$0x700] =	vst v10;
	v10 =	vadd.s32 v1, v11  }
0x234: {  	[tilespmem:$0x710] =	vst v10;
	v10 =	vadd.s32 v2, v11  }
0x235: {  	[tilespmem:$0x720] =	vst v10;
	v10 =	vadd.s32 v3, v11  }
0x236: {  	[tilespmem:$0x730] =	vst v10;
	v10 =	vadd.s32 v4, v11  }
0x237: {  	[tilespmem:$0x740] =	vst v10;
	v10 =	vadd.s32 v5, v11  }
0x238: {  	v62 =	vbroadcast v9, $0xB;
	[tilespmem:$0x750] =	vst v10;
	v10 =	vadd.s32 v6, v11  }
0x239: {  	[tilespmem:$0x760] =	vst v10;
	v10 =	vadd.s32 v7, v11  }
0x23a: {  	[tilespmem:$0x770] =	vst v10;
	v10 =	vadd.s32 v0, v62  }
0x23b: {  	[tilespmem:$0x780] =	vst v10;
	v10 =	vadd.s32 v1, v62  }
0x23c: {  	[tilespmem:$0x790] =	vst v10;
	v10 =	vadd.s32 v2, v62  }
0x23d: {  	[tilespmem:$0x7A0] =	vst v10;
	v10 =	vadd.s32 v3, v62  }
0x23e: {  	[tilespmem:$0x7B0] =	vst v10;
	v10 =	vadd.s32 v4, v62  }
0x23f: {  	[tilespmem:$0x7C0] =	vst v10;
	v10 =	vadd.s32 v5, v62  }
0x240: {  	v11 =	vbroadcast v9, $0xC;
	[tilespmem:$0x7D0] =	vst v10;
	v10 =	vadd.s32 v6, v62  }
0x241: {  	[tilespmem:$0x7E0] =	vst v10;
	v10 =	vadd.s32 v7, v62  }
0x242: {  	[tilespmem:$0x7F0] =	vst v10;
	v10 =	vadd.s32 v0, v11  }
0x243: {  	[tilespmem:$0x800] =	vst v10;
	v10 =	vadd.s32 v1, v11  }
0x244: {  	[tilespmem:$0x810] =	vst v10;
	v10 =	vadd.s32 v2, v11  }
0x245: {  	[tilespmem:$0x820] =	vst v10;
	v10 =	vadd.s32 v3, v11  }
0x246: {  	[tilespmem:$0x830] =	vst v10;
	v10 =	vadd.s32 v4, v11  }
0x247: {  	[tilespmem:$0x840] =	vst v10;
	v10 =	vadd.s32 v5, v11  }
0x248: {  	v63 =	vbroadcast v9, $0xD;
	[tilespmem:$0x850] =	vst v10;
	v10 =	vadd.s32 v6, v11  }
0x249: {  	[tilespmem:$0x860] =	vst v10;
	v10 =	vadd.s32 v7, v11  }
0x24a: {  	[tilespmem:$0x870] =	vst v10;
	v10 =	vadd.s32 v0, v63  }
0x24b: {  	[tilespmem:$0x880] =	vst v10;
	v10 =	vadd.s32 v1, v63  }
0x24c: {  	[tilespmem:$0x890] =	vst v10;
	v10 =	vadd.s32 v2, v63  }
0x24d: {  	[tilespmem:$0x8A0] =	vst v10;
	v10 =	vadd.s32 v3, v63  }
0x24e: {  	[tilespmem:$0x8B0] =	vst v10;
	v10 =	vadd.s32 v4, v63  }
0x24f: {  	[tilespmem:$0x8C0] =	vst v10;
	v10 =	vadd.s32 v5, v63  }
0x250: {  	v11 =	vbroadcast v9, $0xE;
	[tilespmem:$0x8D0] =	vst v10;
	v10 =	vadd.s32 v6, v63  }
0x251: {  	[tilespmem:$0x8E0] =	vst v10;
	v10 =	vadd.s32 v7, v63  }
0x252: {  	[tilespmem:$0x8F0] =	vst v10;
	v10 =	vadd.s32 v0, v11  }
0x253: {  	[tilespmem:$0x900] =	vst v10;
	v10 =	vadd.s32 v1, v11  }
0x254: {  	[tilespmem:$0x910] =	vst v10;
	v10 =	vadd.s32 v2, v11  }
0x255: {  	[tilespmem:$0x920] =	vst v10;
	v10 =	vadd.s32 v3, v11  }
0x256: {  	[tilespmem:$0x930] =	vst v10;
	v10 =	vadd.s32 v4, v11  }
0x257: {  	[tilespmem:$0x940] =	vst v10;
	v10 =	vadd.s32 v5, v11  }
0x258: {  	v9 =	vbroadcast v9, $0xF;
	[tilespmem:$0x950] =	vst v10;
	v10 =	vadd.s32 v6, v11  }
0x259: {  	[tilespmem:$0x960] =	vst v10;
	v10 =	vadd.s32 v7, v11  }
0x25a: {  	[tilespmem:$0x970] =	vst v10;
	v10 =	vadd.s32 v0, v9  }
0x25b: {  	[tilespmem:$0x980] =	vst v10;
	v10 =	vadd.s32 v1, v9  }
0x25c: {  	[tilespmem:$0x990] =	vst v10;
	v10 =	vadd.s32 v2, v9  }
0x25d: {  	[tilespmem:$0x9A0] =	vst v10;
	v10 =	vadd.s32 v3, v9  }
0x25e: {  	[tilespmem:$0x9B0] =	vst v10;
	v10 =	vadd.s32 v4, v9  }
0x25f: {  	[tilespmem:$0x9C0] =	vst v10;
	v10 =	vadd.s32 v5, v9  }
0x260: {  	[tilespmem:$0x9D0] =	vst v10;
	v10 =	vadd.s32 v6, v9  }
0x261: {  	v9 =	vadd.s32 v7, v9;
	[tilespmem:$0x9E0] =	vst v10  }
0x262: {  	[tilespmem:$0x9F0] =	vst v9  }
0x263: {  	[tilespmem:s16], [sflag:$0x2] =	stream.indirect.gather [hbm4b:s2+s12], $0x10, s15, s12, $0xb8;
	[tilespmem:$0x19A00] =	vst v63  }
0x264: {  	_ =	swait.ge [sflag:s28], $0x4000  }
0x265: {  	[sflag:s28] =	ssyncset.done $0x0  }
0x266: {  	[sflag:s28] =	ssyncadd.s32 $0xFFFFC000  }
0x267: {  	_ =	swait.ge [sflag:s29], $0x4000  }
0x268: {  	[sflag:s29] =	ssyncset.done $0x0  }
0x269: {  	s5 =	simm.s32 $0xD280;
	s1 =	simm.s32 $0x0;
	[sflag:s29] =	ssyncadd.s32 $0xFFFFC000  }
.LBB2_22:
0x26a: {  	s3 =	sshll.u32 s1, $0x4  }
0x26b: {  	v9 =	vmov s3  }
0x26c: {  	v9 =	vmul.u32 $0x88, v9;
	_ =	sdelay $0x1  }
0x26d: {  	v9 =	vbroadcast v9, $0x0;
	_ =	sdelay $0x1  }
0x26e: {  	v12 =	vimm.s32 $0x0;
	v10 =	vadd.s32 v8, v9  }
0x26f: {  	v9 =	vadd.s32 v10, v12  }
0x270: {  	v11 =	vld [tilespmem:s5+$0x70];
	v13 =	vadd.s32 $0xF, v9  }
0x271: {  	v15 =	vld [tilespmem:s5+$0xFFFFFF90];
	v14 =	vor.u32 $0x1, v9  }
0x272: {  	v17 =	vld [tilespmem:s5+$0xFFFFFFA0];
	v16 =	vor.u32 $0x2, v9  }
0x273: {  	v19 =	vld [tilespmem:s5+$0xFFFFFFB0];
	v18 =	vor.u32 $0x3, v9  }
0x274: {  	v21 =	vld [tilespmem:s5+$0xFFFFFFC0];
	v20 =	vor.u32 $0x4, v9  }
0x275: {  	v23 =	vld [tilespmem:s5+$0xFFFFFFD0];
	v22 =	vor.u32 $0x5, v9;
	[tilespmem:v13+s24+$0x0] =	vst.idx.msk $0xffff, v11  }
0x276: {  	[tilespmem:v14+s24+$0x0] =	vst.idx.msk $0xffff, v15;
	v14 =	vor.u32 $0x7, v9;
	v15 =	vld [tilespmem:s5+$0xFFFFFFF0]  }
0x277: {  	v11 =	vor.u32 $0x6, v9;
	v13 =	vld [tilespmem:s5+$0xFFFFFFE0];
	[tilespmem:v16+s24+$0x0] =	vst.idx.msk $0xffff, v17  }
0x278: {  	v24 =	vadd.s32 $0x8, v9;
	[tilespmem:v18+s24+$0x0] =	vst.idx.msk $0xffff, v19;
	v18 =	vld [tilespmem:s5+$0x0]  }
0x279: {  	v25 =	vld [tilespmem:s5+$0x10];
	v19 =	vadd.s32 $0x9, v9;
	[tilespmem:v20+s24+$0x0] =	vst.idx.msk $0xffff, v21  }
0x27a: {  	[tilespmem:v22+s24+$0x0] =	vst.idx.msk $0xffff, v23;
	v21 =	vld [tilespmem:s5+$0x20];
	v16 =	vadd.s32 $0xA, v9  }
0x27b: {  	v20 =	vld [tilespmem:s5+$0x30];
	[tilespmem:v14+s24+$0x0] =	vst.idx.msk $0xffff, v15;
	v15 =	vadd.s32 $0xB, v9  }
0x27c: {  	v17 =	vld [tilespmem:s5+$0x40];
	[tilespmem:v11+s24+$0x0] =	vst.idx.msk $0xffff, v13;
	v14 =	vadd.s32 $0xC, v9  }
0x27d: {  	[tilespmem:v24+s24+$0x0] =	vst.idx.msk $0xffff, v18;
	v18 =	vld [tilespmem:s5+$0x50];
	v13 =	vadd.s32 $0xD, v9  }
0x27e: {  	s10 =	simm.s32 $0x0;
	s11 =	smov.u32 s5;
	v12 =	vadd.s32 $0x10, v12;
	v11 =	vadd.s32 $0xE, v9;
	[tilespmem:v19+s24+$0x0] =	vst.idx.msk $0xffff, v25;
	v19 =	vld [tilespmem:s5+$0x60]  }
.LBB2_23:
0x27f: {  	v22 =	vadd.s32 v10, v12;
	s10 =	sadd.s32 $0x10, s10;
	v23 =	vld [tilespmem:s11+$0xFFFFFF80];
	[tilespmem:v16+s24+$0x0] =	vst.idx.msk $0xffff, v21;
	s11 =	sadd.s32 $0x100, s11  }
0x280: {  	v21 =	vor.u32 $0x1, v22;
	v24 =	vor.u32 $0x2, v22;
	v25 =	vld [tilespmem:s11+$0x70];
	v26 =	vadd.s32 $0xF, v22;
	p0 =	slt.u32 s10, $0x70;
	[tilespmem:v15+s24+$0x0] =	vst.idx.msk $0xffff, v20  }
0x281: {  	v27 =	vor.u32 $0x3, v22;
	v28 =	vor.u32 $0x4, v22;
	v29 =	vor.u32 $0x5, v22;
	v20 =	vld [tilespmem:s11+$0xFFFFFF90];
	[tilespmem:v14+s24+$0x0] =	vst.idx.msk $0xffff, v17  }
0x282: {  	v30 =	vor.u32 $0x6, v22;
	v31 =	vor.u32 $0x7, v22;
	v32 =	vadd.s32 $0x8, v22;
	v17 =	vld [tilespmem:s11+$0xFFFFFFA0];
	[tilespmem:v13+s24+$0x0] =	vst.idx.msk $0xffff, v18  }
0x283: {  	v33 =	vadd.s32 $0x9, v22;
	v16 =	vadd.s32 $0xA, v22;
	v15 =	vadd.s32 $0xB, v22;
	v18 =	vld [tilespmem:s11+$0xFFFFFFB0];
	[tilespmem:v11+s24+$0x0] =	vst.idx.msk $0xffff, v19  }
0x284: {  	v14 =	vadd.s32 $0xC, v22;
	v13 =	vadd.s32 $0xD, v22;
	v11 =	vadd.s32 $0xE, v22;
	v19 =	vld [tilespmem:s11+$0xFFFFFFC0];
	[tilespmem:v9+s24+$0x0] =	vst.idx.msk $0xffff, v23;
	v9 =	vmovc v22  }
0x285: {  	v22 =	vld [tilespmem:s11+$0xFFFFFFD0];
	[tilespmem:v26+s24+$0x0] =	vst.idx.msk $0xffff, v25  }
0x286: {  	[tilespmem:v21+s24+$0x0] =	vst.idx.msk $0xffff, v20;
	v20 =	vld [tilespmem:s11+$0xFFFFFFE0]  }
0x287: {  	[tilespmem:v24+s24+$0x0] =	vst.idx.msk $0xffff, v17;
	v17 =	vld [tilespmem:s11+$0xFFFFFFF0]  }
0x288: {  	[tilespmem:v27+s24+$0x0] =	vst.idx.msk $0xffff, v18;
	v18 =	vld [tilespmem:s11+$0x0]  }
0x289: {  	[tilespmem:v28+s24+$0x0] =	vst.idx.msk $0xffff, v19;
	v19 =	vld [tilespmem:s11+$0x10]  }
.Ltmp9:
0x28a: {  	[tilespmem:v29+s24+$0x0] =	vst.idx.msk $0xffff, v22;
	v21 =	vld [tilespmem:s11+$0x20];
	(pc) =	sbr.rel @p0 .LBB2_23-.Ltmp9, $4  }
0x28b: {  	[tilespmem:v30+s24+$0x0] =	vst.idx.msk $0xffff, v20;
	v20 =	vld [tilespmem:s11+$0x30]  }
0x28c: {  	[tilespmem:v31+s24+$0x0] =	vst.idx.msk $0xffff, v17;
	v17 =	vld [tilespmem:s11+$0x40]  }
0x28d: {  	[tilespmem:v32+s24+$0x0] =	vst.idx.msk $0xffff, v18;
	v18 =	vld [tilespmem:s11+$0x50]  }
0x28e: {  	v12 =	vadd.s32 $0x10, v12;
	[tilespmem:v33+s24+$0x0] =	vst.idx.msk $0xffff, v19;
	v19 =	vld [tilespmem:s11+$0x60]  }
0x28f: {  	_ =	sdelay $0x2  }
0x290: {  	s1 =	sadd.s32 $0x1, s1  }
0x291: {  	v10 =	vld [tilespmem:s11+$0xFFFFFF80];
	[tilespmem:v16+s24+$0x0] =	vst.idx.msk $0xffff, v21;
	p0 =	sne.s32 s1, $0x8  }
.Ltmp10:
0x292: {  	[tilespmem:v15+s24+$0x0] =	vst.idx.msk $0xffff, v20;
	(pc) =	sbr.rel @p0 .LBB2_22-.Ltmp10, $4  }
0x293: {  	[tilespmem:v14+s24+$0x0] =	vst.idx.msk $0xffff, v17  }
0x294: {  	[tilespmem:v13+s24+$0x0] =	vst.idx.msk $0xffff, v18  }
0x295: {  	[tilespmem:v11+s24+$0x0] =	vst.idx.msk $0xffff, v19  }
0x296: {  	s5 =	sadd.s32 $0x800, s5;
	[tilespmem:v9+s24+$0x0] =	vst.idx.msk $0xffff, v10  }
0x297: {  	s0 =	sadd.s32 s0, s9;
	s1 =	simm.s32 $0x15600  }
0x298: {  	s5 =	simm.s32 $0x10;
	s3 =	simm.s32 $0x15688;
	s10 =	sadd.s32 $0x0, s0  }
.LBB2_26:
0x299: {  	[hbm4b:s10+s4] =	stream.linear.scatter [tilespmem:s1], [sflag:$0x6], $0x80, $0x38;
	[tilespmem:$0x19A00] =	vst v63  }
0x29a: {  	s10 =	smov.u32 s5;
	s1 =	smov.u32 s3;
	p0 =	seq.s32 s5, $0x7F0  }
.Ltmp11:
0x29b: {  	s5 =	sadd.s32 $0x10, s5;
	(pc) =	sbr.rel @!p0 .LBB2_26-.Ltmp11, $2  }
0x29c: {  	_ =	sdelay $0x2  }
0x29d: {  	s3 =	sadd.s32 $0x88, s3;
	s10 =	sadd.s32 s10, s0  }
0x29e: {  	[hbm4b:s10+s4] =	stream.linear.scatter [tilespmem:s1], [sflag:$0x6], $0x80, $0x38;
	[tilespmem:$0x19A00] =	vst v63  }
0x29f: {  	s31 =	sadd.s32 $0x1, s31  }
0x2a0: {  	p0 =	seq.s32 s31, $0x10  }
.Ltmp12:
0x2a1: {  	_ = 	snop;
	(pc) =	sbr.rel @!p0 .LBB2_3-.Ltmp12, $1  }
0x2a2: {  	_ =	sdelay $0x3  }
0x2a3: {  	_ =	swait.ge [sflag:s19], $0x4000  }
0x2a4: {  	[sflag:s19] =	ssyncset.done $0x0  }
0x2a5: {  	[sflag:s19] =	ssyncadd.s32 $0xFFFFC000  }
0x2a6: {  	_ =	swait.ge [sflag:s23], $0x4000  }
0x2a7: {  	[sflag:s23] =	ssyncset.done $0x0  }
0x2a8: {  	[sflag:s23] =	ssyncadd.s32 $0xFFFFC000  }
0x2a9: {  	_ =	swait.ge [sflag:s26], $0x4000  }
0x2aa: {  	[sflag:s26] =	ssyncset.done $0x0  }
0x2ab: {  	[sflag:s26] =	ssyncadd.s32 $0xFFFFC000  }
0x2ac: {  	_ =	swait.ge [sflag:s29], $0x4000  }
0x2ad: {  	s1 =	rddreg [dreg:$0x6]  }
0x2ae: {  	s0 =	rddreg [dreg:$0x5];
	s1 =	sadd.s32 $0x1, s1  }
0x2af: {  	p0 =	sne.s32 s1, s0  }
.Ltmp13:
0x2b0: {  	_ = 	snop;
	(pc) =	sbr.rel @p0 .LBB2_1-.Ltmp13, $3  }
0x2b1: {  	_ =	sdelay $0x1  }
0x2b2: {  	[sflag:s29] =	ssyncset.done $0x0  }
0x2b3: {  	[sflag:s29] =	ssyncadd.s32 $0xFFFFC000  }
0x2b4: {  	_ =	sfence.sel $0x180000  }
0x2b5: {  	[bflag:$0x0] =	sbarrier.arrive $0xFFFF  }
0x2b6: {  	_ =	strace $0x90000047  }
0x2b7: {  	s0 =	stileid.u32;
	[bflag:$0x2] =	sbarrier.arrive $0xFFFF  }
0x2b8: {  	p0 =	sne.s32 s0, $0x0;
	s0 =	rddreg [dreg:$0x3]  }
0x2b9: {  	s0 =	sadd.s32 @!p0 $0x100000, s0  }
0x2ba: {  	[sflag:s0] =	ssyncadd.tile.s32 @!p0 $0x1;
	_ =	shalt  }
.Lfunc_end2:
_tile_overlayer_lowered:
.L_overlay_start_2:
0x2bb: {  	(tag) =	ssettag $0x2  }
0x2bc: {  	s0 =	rddreg [dreg:$0x0];
	s2 =	stileid.u32  }
0x2bd: {  	s1 =	rddreg [dreg:$0x1];
	p0 =	sne.s32 s2, $0x0  }
0x2be: {  	s3 =	rddreg [dreg:$0x2];
	[bflag:$0x3] =	sbarrier.arrive $0xFFFF;
	s2 =	simm.s32 @!p0 $0x1C07  }
0x2bf: {  	[timem:s3], [sflag:s2] =	dma.local @!p0 [hbm:s0], s1  }
0x2c0: {  	s0 =	simm.s32 @!p0 $0x7  }
0x2c1: {  	_ =	swait.ge @!p0 [sflag:s0], s1  }
0x2c2: {  	s1 =	ssub.s32 @!p0 $0x0, s1;
	[sflag:s0] =	ssyncset.done @!p0 $0x0  }
0x2c3: {  	[sflag:s0] =	ssyncadd.s32 @!p0 s1  }
0x2c4: {  	[bflag:$0x3] =	sbarrier.arrive $0xFFFF  }
0x2c5: {  	_ =	shalt  }

</sc_bundles>
